<compile_context>
chip_gen: v7x
topology: tpu7x:2x2x1
jax: 0.10.2.dev20260603
libtpu: 0.0.44.dev20260713+nightly
codegen_flags: <defaults>
</compile_context>

<pallas_src>
import jax
import jax.numpy as jnp
import numpy as np
from jax import lax
from jax.experimental import pallas as pl
from jax.experimental.pallas import tpu as pltpu
from jax.experimental.pallas import tpu_sc as plsc

VOCAB = 100000
DIM = 64
B = 4096
L = 200

_info = plsc.get_sparse_core_info()
NC, NS = _info.num_cores, _info.num_subcores
NW = NC * NS
SEQ_W = B // NW
PBLK = 2
SQRT = 128
NQ_U = SEQ_W // SQRT
N_UNITS = (L // PBLK) * NQ_U
ROWS_U = PBLK * SQRT
GPU_ = ROWS_U // 128
SQP = SQRT + 1


def _pos_encoding_np():
    positions = np.arange(L)[:, np.newaxis].astype(np.float64)
    dims = np.arange(DIM)[np.newaxis, :].astype(np.float64)
    angles = positions / np.power(10000.0, 2 * (dims // 2) / DIM)
    angles[:, 0::2] = np.sin(angles[:, 0::2])
    angles[:, 1::2] = np.cos(angles[:, 1::2])
    return angles.astype(np.float32)


_POS_NP = _pos_encoding_np()


def _bias_body(pos_ref, beat_ref, bar_ref, out_ref):
    beat = jnp.tile(beat_ref[...], (L // 4, 1))
    bar = jnp.tile(bar_ref[...], (L // 16 + 1, 1))[:L]
    out_ref[...] = pos_ref[...] + beat + bar


def _sc_body(xu_hbm, tok_hbm, bias_hbm, out_hbm,
             idx_v, bias_v, g0, g1, p0b, p1b,
             sg00, sg01, sg10, sg11, ss0, ss1):
    cid = lax.axis_index("c")
    sid = lax.axis_index("s")
    wid = sid * NC + cid
    lane0 = wid * SEQ_W

    gs = (g0, g1)
    ps = (p0b, p1b)
    sgs = ((sg00, sg01), (sg10, sg11))
    sss = (ss0, ss1)

    pltpu.sync_copy(xu_hbm.at[wid], idx_v)
    pltpu.sync_copy(bias_hbm, bias_v)

    pd_vecs = [[lax.iota(jnp.int32, 16) + (p * DIM + 16 * dd)
                for dd in range(DIM // 16)] for p in range(PBLK)]

    def unit_pos(u):
        return lax.div(u, NQ_U) * PBLK, lax.rem(u, NQ_U) * SQRT

    def fire_gather(u, b, k):
        pltpu.async_copy(
            tok_hbm.at[idx_v.at[u, k]],
            gs[b].at[pl.ds(k * 128, 128)],
            sgs[b][k])

    def drain_gather(b, k):
        pltpu.make_async_copy(
            tok_hbm.at[idx_v.at[0, k]],
            gs[b].at[pl.ds(k * 128, 128)], sgs[b][k]).wait()

    def fire_store(u, b, p):
        pp0, _ = unit_pos(u)
        for dt in range(DIM // 8):
            pltpu.async_copy(
                ps[b].at[pl.ds(p * DIM + dt * 8, 8), pl.ds(0, SQRT)],
                out_hbm.at[pp0 + p, dt, wid],
                sss[b])

    def drain_stores(b):
        for p in range(PBLK):
            for dt in range(DIM // 8):
                pltpu.make_async_copy(
                    ps[b].at[pl.ds(p * DIM + dt * 8, 8), pl.ds(0, SQRT)],
                    out_hbm.at[p, dt, wid],
                    sss[b]).wait()

    def transpose_p(u, b, p):
        pp0, _ = unit_pos(u)
        gb, pb = gs[b], ps[b]
        brow = [bias_v[pp0 + p, pl.ds(16 * dd, 16)]
                for dd in range(DIM // 16)]
        def srow(s, carry):
            sv0, sv1 = carry
            r = p * SQRT + 2 * s
            for h, sv in ((0, sv0), (1, sv1)):
                vals = [gb[r + h, pl.ds(16 * dd, 16)] + brow[dd]
                        for dd in range(DIM // 16)]
                for dd in range(DIM // 16):
                    plsc.store_scatter(pb, [pd_vecs[p][dd], sv], vals[dd])
            return (sv0 + 2, sv1 + 2)

        lax.fori_loop(0, SQRT // 2, srow,
                      (jnp.zeros((16,), jnp.int32),
                       jnp.full((16,), 1, jnp.int32)), unroll=2)

    for b in range(2):
        for k in range(GPU_):
            fire_gather(b, b, k)

    def body(tt, _):
        for b in range(2):
            u = 2 * tt + b
            drain_gather(b, 0)

            @pl.when(tt >= 1)
            def _ds():
                drain_stores(b)

            transpose_p(u, b, 0)
            fire_store(u, b, 0)

            @pl.when(u + 2 < N_UNITS)
            def _fg0():
                fire_gather(u + 2, b, 0)

            drain_gather(b, 1)
            transpose_p(u, b, 1)
            fire_store(u, b, 1)

            @pl.when(u + 2 < N_UNITS)
            def _fg1():
                fire_gather(u + 2, b, 1)

        return _

    lax.fori_loop(0, N_UNITS // 2, body, 0, unroll=False)
    drain_stores(0)
    drain_stores(1)


@jax.jit
def _run(xu, token_table, beat_table, bar_table):
    pos = jnp.asarray(_POS_NP)
    bias = pl.pallas_call(
        _bias_body,
        out_shape=jax.ShapeDtypeStruct((L, DIM), jnp.float32),
    )(pos, beat_table, bar_table)

    mesh = plsc.VectorSubcoreMesh(core_axis_name="c", subcore_axis_name="s")
    f = pl.kernel(
        _sc_body,
        out_type=jax.ShapeDtypeStruct((L, DIM // 8, NW, 8, SQRT), jnp.float32),
        mesh=mesh,
        scratch_types=[
            pltpu.VMEM((N_UNITS, GPU_, 128), jnp.int32),
            pltpu.VMEM((L, DIM), jnp.float32),
            pltpu.VMEM((ROWS_U, DIM), jnp.float32),
            pltpu.VMEM((ROWS_U, DIM), jnp.float32),
            pltpu.VMEM((PBLK * DIM, SQP), jnp.float32),
            pltpu.VMEM((PBLK * DIM, SQP), jnp.float32),
            pltpu.SemaphoreType.DMA,
            pltpu.SemaphoreType.DMA,
            pltpu.SemaphoreType.DMA,
            pltpu.SemaphoreType.DMA,
            pltpu.SemaphoreType.DMA,
            pltpu.SemaphoreType.DMA,
        ],
        compiler_params=pltpu.CompilerParams(use_tc_tiling_on_sc=False,
                                             needs_layout_passes=False),
        name="rhythm_embed_sc",
    )
    out5 = f(xu, token_table, bias)
    return jnp.transpose(out5, (2, 4, 0, 1, 3)).reshape(B, L, DIM)


def kernel(x, token_table, beat_table, bar_table):
    xi = x.astype(jnp.int32)
    xu = (xi.reshape(NW, SQRT, L // PBLK, PBLK)
          .transpose(0, 2, 3, 1)
          .reshape(NW, N_UNITS, GPU_, 128))
    return _run(xu, token_table, beat_table, bar_table)

# --- scband reference (transcript-rebuilt; emitter-appended) ---
"""Pipeline reference for scband-rhythm-aware-embedding-34316788695291 (READ-ONLY COPY).

The authoritative reference and input builder live on the scoring server;
editing this copy changes nothing except your own understanding.
"""

import jax, jax.numpy as jnp
import numpy as np

VOCAB = 100000
DIM = 64
MAX_LEN = 200
B = 4096
L = 200


def make_pos_encoding(max_length, d):
    positions = np.arange(max_length)[:, np.newaxis].astype(np.float64)
    dims = np.arange(d)[np.newaxis, :].astype(np.float64)
    angles = positions / np.power(10000.0, 2 * (dims // 2) / d)
    angles[:, 0::2] = np.sin(angles[:, 0::2])
    angles[:, 1::2] = np.cos(angles[:, 1::2])
    pos_encoding = angles[np.newaxis, ...]
    return jnp.asarray(pos_encoding, dtype=jnp.float32)


def setup_inputs(seed: int = 0) -> dict:
    key = jax.random.key(seed)
    k1, k2, k3, k4 = jax.random.split(key, 4)
    x = jax.random.randint(k1, (B, L), 0, VOCAB, dtype=jnp.int64)
    token_table = jax.random.normal(k2, (VOCAB, DIM), dtype=jnp.float32) * 0.05
    beat_table = jax.random.normal(k3, (4, DIM), dtype=jnp.float32) * 0.05
    bar_table = jax.random.normal(k4, (16, DIM), dtype=jnp.float32) * 0.05
    return {"x": x, "token_table": token_table, "beat_table": beat_table, "bar_table": bar_table}


def reference(x, token_table, beat_table, bar_table):
    seq_length = x.shape[1]
    # token embedding lookup (mask_zero only affects mask metadata, not values)
    token_emb = jnp.take(token_table, x, axis=0)
    # sinusoidal positional encoding
    pos_enc = make_pos_encoding(MAX_LEN, DIM)
    pos_emb = token_emb + pos_enc[:, :seq_length, :]
    # rhythm positions
    positions = jnp.arange(seq_length)
    beat_positions = jnp.mod(positions, 4)
    bar_positions = jnp.mod(positions, 16)
    rhythm_emb = jnp.take(beat_table, beat_positions, axis=0) + jnp.take(bar_table, bar_positions, axis=0)
    return pos_emb + rhythm_emb[jnp.newaxis, :, :]

if __name__ == "__main__":
    import jax
    _d = setup_inputs()
    print(jax.jit(kernel)(*tuple(_d.values())))

</pallas_src>

<mosaic_0001>
#map = affine_map<(d0, d1) -> (0, 0, 0, 0)>
#map1 = affine_map<(d0, d1) -> (0, 0)>
#map2 = affine_map<(d0, d1) -> (0, 0, 0, 0, 0)>
module attributes {stable_mosaic.version = 14 : i64} {
  func.func @rhythm_embed_sc(%arg0: i32, %arg1: i32, %arg2: memref<32x100x2x128xi32, #tpu.memory_space<hbm>>, %arg3: memref<100000x64xf32, #tpu.memory_space<hbm>>, %arg4: memref<200x64xf32, #tpu.memory_space<hbm>>, %arg5: memref<200x8x32x8x128xf32, #tpu.memory_space<hbm>>, %arg6: memref<100x2x128xi32, #tpu.memory_space<vmem>>, %arg7: memref<200x64xf32, #tpu.memory_space<vmem>>, %arg8: memref<256x64xf32, #tpu.memory_space<vmem>>, %arg9: memref<256x64xf32, #tpu.memory_space<vmem>>, %arg10: memref<128x129xf32, #tpu.memory_space<vmem>>, %arg11: memref<128x129xf32, #tpu.memory_space<vmem>>, %arg12: memref<!tpu.dma_semaphore, #tpu.memory_space<semaphore_mem>>, %arg13: memref<!tpu.dma_semaphore, #tpu.memory_space<semaphore_mem>>, %arg14: memref<!tpu.dma_semaphore, #tpu.memory_space<semaphore_mem>>, %arg15: memref<!tpu.dma_semaphore, #tpu.memory_space<semaphore_mem>>, %arg16: memref<!tpu.dma_semaphore, #tpu.memory_space<semaphore_mem>>, %arg17: memref<!tpu.dma_semaphore, #tpu.memory_space<semaphore_mem>>) attributes {dimension_semantics = [#tpu.dimension_semantics<core_parallel>, #tpu.dimension_semantics<subcore_parallel>], iteration_bounds = array<i64: 2, 16>, scalar_prefetch = 0 : i64, scratch_operands = 12 : i64, tpu.core_type = #tpu.core_type<sc_vector_subcore>, window_params = [{transform_indices = #map}, {transform_indices = #map1}, {transform_indices = #map1}, {transform_indices = #map2}]} {
    %mul3A = arith.constant 2 : i32
    %mul3A_0 = arith.muli %arg1, %mul3A : i32
    %add3A = arith.addi %mul3A_0, %arg0 : i32
    %mul3A_1 = arith.constant 128 : i32
    %mul3A_2 = arith.muli %add3A, %mul3A_1 : i32
    "tpu.region"() ({
      %run_scoped3A = tpu.sem_alloc : memref<!tpu.dma_semaphore, #tpu.memory_space<semaphore_mem>>
      %dma_start3A_593 = arith.constant 0 : i32
      %dma_start3A_594 = arith.constant 0 : i32
      %dma_start3A_595 = arith.constant 0 : i32
      %dma_start3A_596 = tpu.memref_slice %arg2[%add3A, %dma_start3A_593, %dma_start3A_594, %dma_start3A_595] : memref<32x100x2x128xi32, #tpu.memory_space<hbm>> -> memref<1x100x2x128xi32, #tpu.memory_space<hbm>>
      %dma_start3A_597 = tpu.memref_squeeze %dma_start3A_596 : memref<1x100x2x128xi32, #tpu.memory_space<hbm>> -> memref<100x2x128xi32, #tpu.memory_space<hbm>>
      %dma_start3A_598 = arith.constant 0 : i32
      %dma_start3A_599 = arith.constant 0 : i32
      %dma_start3A_600 = arith.constant 0 : i32
      %dma_start3A_601 = tpu.memref_slice %arg2[%add3A, %dma_start3A_598, %dma_start3A_599, %dma_start3A_600] : memref<32x100x2x128xi32, #tpu.memory_space<hbm>> -> memref<1x100x2x128xi32, #tpu.memory_space<hbm>>
      %dma_start3A_602 = tpu.memref_squeeze %dma_start3A_601 : memref<1x100x2x128xi32, #tpu.memory_space<hbm>> -> memref<100x2x128xi32, #tpu.memory_space<hbm>>
      tpu.enqueue_dma source(%dma_start3A_602 : memref<100x2x128xi32, #tpu.memory_space<hbm>>) target(%arg6 : memref<100x2x128xi32, #tpu.memory_space<vmem>>) target_semaphore(%run_scoped3A : memref<!tpu.dma_semaphore, #tpu.memory_space<semaphore_mem>>)
      %dma_wait3A_603 = arith.constant 0 : i32
      %dma_wait3A_604 = arith.constant 0 : i32
      %dma_wait3A_605 = arith.constant 0 : i32
      %dma_wait3A_606 = tpu.memref_slice %arg2[%add3A, %dma_wait3A_603, %dma_wait3A_604, %dma_wait3A_605] : memref<32x100x2x128xi32, #tpu.memory_space<hbm>> -> memref<1x100x2x128xi32, #tpu.memory_space<hbm>>
      %dma_wait3A_607 = tpu.memref_squeeze %dma_wait3A_606 : memref<1x100x2x128xi32, #tpu.memory_space<hbm>> -> memref<100x2x128xi32, #tpu.memory_space<hbm>>
      %dma_wait3A_608 = arith.constant 0 : i32
      %dma_wait3A_609 = arith.constant 0 : i32
      %dma_wait3A_610 = arith.constant 0 : i32
      %dma_wait3A_611 = tpu.memref_slice %arg2[%add3A, %dma_wait3A_608, %dma_wait3A_609, %dma_wait3A_610] : memref<32x100x2x128xi32, #tpu.memory_space<hbm>> -> memref<1x100x2x128xi32, #tpu.memory_space<hbm>>
      %dma_wait3A_612 = tpu.memref_squeeze %dma_wait3A_611 : memref<1x100x2x128xi32, #tpu.memory_space<hbm>> -> memref<100x2x128xi32, #tpu.memory_space<hbm>>
      tpu.wait_dma2 semaphore(%run_scoped3A : memref<!tpu.dma_semaphore, #tpu.memory_space<semaphore_mem>>) src(%dma_wait3A_612 : memref<100x2x128xi32, #tpu.memory_space<hbm>>) dst(%arg6 : memref<100x2x128xi32, #tpu.memory_space<vmem>>)
      tpu.yield
    }) : () -> ()
    "tpu.region"() ({
      %run_scoped3A = tpu.sem_alloc : memref<!tpu.dma_semaphore, #tpu.memory_space<semaphore_mem>>
      tpu.enqueue_dma source(%arg4 : memref<200x64xf32, #tpu.memory_space<hbm>>) target(%arg7 : memref<200x64xf32, #tpu.memory_space<vmem>>) target_semaphore(%run_scoped3A : memref<!tpu.dma_semaphore, #tpu.memory_space<semaphore_mem>>)
      tpu.wait_dma2 semaphore(%run_scoped3A : memref<!tpu.dma_semaphore, #tpu.memory_space<semaphore_mem>>) src(%arg4 : memref<200x64xf32, #tpu.memory_space<hbm>>) dst(%arg7 : memref<200x64xf32, #tpu.memory_space<vmem>>)
      tpu.yield
    }) : () -> ()
    %iota3A = tpu.iota {dimensions = array<i32: 0>} : vector<16xi32>
    %add3A_3 = arith.constant 0 : i32
    %add3A_4 = vector.broadcast %add3A_3 : i32 to vector<16xi32>
    %add3A_5 = arith.addi %iota3A, %add3A_4 : vector<16xi32>
    %iota3A_6 = tpu.iota {dimensions = array<i32: 0>} : vector<16xi32>
    %add3A_7 = arith.constant 16 : i32
    %add3A_8 = vector.broadcast %add3A_7 : i32 to vector<16xi32>
    %add3A_9 = arith.addi %iota3A_6, %add3A_8 : vector<16xi32>
    %iota3A_10 = tpu.iota {dimensions = array<i32: 0>} : vector<16xi32>
    %add3A_11 = arith.constant 32 : i32
    %add3A_12 = vector.broadcast %add3A_11 : i32 to vector<16xi32>
    %add3A_13 = arith.addi %iota3A_10, %add3A_12 : vector<16xi32>
    %iota3A_14 = tpu.iota {dimensions = array<i32: 0>} : vector<16xi32>
    %add3A_15 = arith.constant 48 : i32
    %add3A_16 = vector.broadcast %add3A_15 : i32 to vector<16xi32>
    %add3A_17 = arith.addi %iota3A_14, %add3A_16 : vector<16xi32>
    %iota3A_18 = tpu.iota {dimensions = array<i32: 0>} : vector<16xi32>
    %add3A_19 = arith.constant 64 : i32
    %add3A_20 = vector.broadcast %add3A_19 : i32 to vector<16xi32>
    %add3A_21 = arith.addi %iota3A_18, %add3A_20 : vector<16xi32>
    %iota3A_22 = tpu.iota {dimensions = array<i32: 0>} : vector<16xi32>
    %add3A_23 = arith.constant 80 : i32
    %add3A_24 = vector.broadcast %add3A_23 : i32 to vector<16xi32>
    %add3A_25 = arith.addi %iota3A_22, %add3A_24 : vector<16xi32>
    %iota3A_26 = tpu.iota {dimensions = array<i32: 0>} : vector<16xi32>
    %add3A_27 = arith.constant 96 : i32
    %add3A_28 = vector.broadcast %add3A_27 : i32 to vector<16xi32>
    %add3A_29 = arith.addi %iota3A_26, %add3A_28 : vector<16xi32>
    %iota3A_30 = tpu.iota {dimensions = array<i32: 0>} : vector<16xi32>
    %add3A_31 = arith.constant 112 : i32
    %add3A_32 = vector.broadcast %add3A_31 : i32 to vector<16xi32>
    %add3A_33 = arith.addi %iota3A_30, %add3A_32 : vector<16xi32>
    %dma_start3A = arith.constant 0 : i32
    %dma_start3A_34 = arith.constant 0 : i32
    %dma_start3A_35 = arith.constant 0 : i32
    %dma_start3A_36 = arith.constant 0 : i32
    %dma_start3A_37 = tpu.memref_slice %arg8[%dma_start3A_35, %dma_start3A_36] : memref<256x64xf32, #tpu.memory_space<vmem>> -> memref<128x64xf32, #tpu.memory_space<vmem>>
    %dma_start3A_38 = arith.constant 0 : i32
    %dma_start3A_39 = tpu.memref_slice %arg6[%dma_start3A, %dma_start3A_34, %dma_start3A_38] : memref<100x2x128xi32, #tpu.memory_space<vmem>> -> memref<1x1x128xi32, #tpu.memory_space<vmem>>
    %dma_start3A_40 = tpu.memref_squeeze %dma_start3A_39 : memref<1x1x128xi32, #tpu.memory_space<vmem>> -> memref<128xi32, #tpu.memory_space<vmem>>
    %dma_start3A_41 = arith.constant 0 : i32
    %dma_start3A_42 = arith.constant 0 : i32
    %dma_start3A_43 = tpu.memref_slice %arg3[%dma_start3A_41, %dma_start3A_42] : memref<100000x64xf32, #tpu.memory_space<hbm>> -> memref<100000x64xf32, #tpu.memory_space<hbm>>
    tpu.enqueue_indirect_dma source(%dma_start3A_43 : memref<100000x64xf32, #tpu.memory_space<hbm>>) target(%dma_start3A_37 : memref<128x64xf32, #tpu.memory_space<vmem>>) offsets(%dma_start3A_40 : memref<128xi32, #tpu.memory_space<vmem>>) semaphore(%arg12 : memref<!tpu.dma_semaphore, #tpu.memory_space<semaphore_mem>>)
    %dma_start3A_44 = arith.constant 0 : i32
    %dma_start3A_45 = arith.constant 1 : i32
    %dma_start3A_46 = arith.constant 128 : i32
    %dma_start3A_47 = arith.constant 0 : i32
    %dma_start3A_48 = tpu.memref_slice %arg8[%dma_start3A_46, %dma_start3A_47] : memref<256x64xf32, #tpu.memory_space<vmem>> -> memref<128x64xf32, #tpu.memory_space<vmem>>
    %dma_start3A_49 = arith.constant 0 : i32
    %dma_start3A_50 = tpu.memref_slice %arg6[%dma_start3A_44, %dma_start3A_45, %dma_start3A_49] : memref<100x2x128xi32, #tpu.memory_space<vmem>> -> memref<1x1x128xi32, #tpu.memory_space<vmem>>
    %dma_start3A_51 = tpu.memref_squeeze %dma_start3A_50 : memref<1x1x128xi32, #tpu.memory_space<vmem>> -> memref<128xi32, #tpu.memory_space<vmem>>
    %dma_start3A_52 = arith.constant 0 : i32
    %dma_start3A_53 = arith.constant 0 : i32
    %dma_start3A_54 = tpu.memref_slice %arg3[%dma_start3A_52, %dma_start3A_53] : memref<100000x64xf32, #tpu.memory_space<hbm>> -> memref<100000x64xf32, #tpu.memory_space<hbm>>
    tpu.enqueue_indirect_dma source(%dma_start3A_54 : memref<100000x64xf32, #tpu.memory_space<hbm>>) target(%dma_start3A_48 : memref<128x64xf32, #tpu.memory_space<vmem>>) offsets(%dma_start3A_51 : memref<128xi32, #tpu.memory_space<vmem>>) semaphore(%arg13 : memref<!tpu.dma_semaphore, #tpu.memory_space<semaphore_mem>>)
    %dma_start3A_55 = arith.constant 1 : i32
    %dma_start3A_56 = arith.constant 0 : i32
    %dma_start3A_57 = arith.constant 0 : i32
    %dma_start3A_58 = arith.constant 0 : i32
    %dma_start3A_59 = tpu.memref_slice %arg9[%dma_start3A_57, %dma_start3A_58] : memref<256x64xf32, #tpu.memory_space<vmem>> -> memref<128x64xf32, #tpu.memory_space<vmem>>
    %dma_start3A_60 = arith.constant 0 : i32
    %dma_start3A_61 = tpu.memref_slice %arg6[%dma_start3A_55, %dma_start3A_56, %dma_start3A_60] : memref<100x2x128xi32, #tpu.memory_space<vmem>> -> memref<1x1x128xi32, #tpu.memory_space<vmem>>
    %dma_start3A_62 = tpu.memref_squeeze %dma_start3A_61 : memref<1x1x128xi32, #tpu.memory_space<vmem>> -> memref<128xi32, #tpu.memory_space<vmem>>
    %dma_start3A_63 = arith.constant 0 : i32
    %dma_start3A_64 = arith.constant 0 : i32
    %dma_start3A_65 = tpu.memref_slice %arg3[%dma_start3A_63, %dma_start3A_64] : memref<100000x64xf32, #tpu.memory_space<hbm>> -> memref<100000x64xf32, #tpu.memory_space<hbm>>
    tpu.enqueue_indirect_dma source(%dma_start3A_65 : memref<100000x64xf32, #tpu.memory_space<hbm>>) target(%dma_start3A_59 : memref<128x64xf32, #tpu.memory_space<vmem>>) offsets(%dma_start3A_62 : memref<128xi32, #tpu.memory_space<vmem>>) semaphore(%arg14 : memref<!tpu.dma_semaphore, #tpu.memory_space<semaphore_mem>>)
    %dma_start3A_66 = arith.constant 1 : i32
    %dma_start3A_67 = arith.constant 1 : i32
    %dma_start3A_68 = arith.constant 128 : i32
    %dma_start3A_69 = arith.constant 0 : i32
    %dma_start3A_70 = tpu.memref_slice %arg9[%dma_start3A_68, %dma_start3A_69] : memref<256x64xf32, #tpu.memory_space<vmem>> -> memref<128x64xf32, #tpu.memory_space<vmem>>
    %dma_start3A_71 = arith.constant 0 : i32
    %dma_start3A_72 = tpu.memref_slice %arg6[%dma_start3A_66, %dma_start3A_67, %dma_start3A_71] : memref<100x2x128xi32, #tpu.memory_space<vmem>> -> memref<1x1x128xi32, #tpu.memory_space<vmem>>
    %dma_start3A_73 = tpu.memref_squeeze %dma_start3A_72 : memref<1x1x128xi32, #tpu.memory_space<vmem>> -> memref<128xi32, #tpu.memory_space<vmem>>
    %dma_start3A_74 = arith.constant 0 : i32
    %dma_start3A_75 = arith.constant 0 : i32
    %dma_start3A_76 = tpu.memref_slice %arg3[%dma_start3A_74, %dma_start3A_75] : memref<100000x64xf32, #tpu.memory_space<hbm>> -> memref<100000x64xf32, #tpu.memory_space<hbm>>
    tpu.enqueue_indirect_dma source(%dma_start3A_76 : memref<100000x64xf32, #tpu.memory_space<hbm>>) target(%dma_start3A_70 : memref<128x64xf32, #tpu.memory_space<vmem>>) offsets(%dma_start3A_73 : memref<128xi32, #tpu.memory_space<vmem>>) semaphore(%arg15 : memref<!tpu.dma_semaphore, #tpu.memory_space<semaphore_mem>>)
    %scan3A = arith.constant 0 : i32
    %scan3A_77 = arith.constant 0 : i32
    %scan3A_78 = arith.constant 50 : i32
    %scan3A_79 = arith.addi %scan3A_77, %scan3A_78 : i32
    %scan3A_80 = arith.constant 1 : i32
    scf.for %scan3A_593 = %scan3A_77 to %scan3A_79 step %scan3A_80  : i32 {
      %mul3A_594 = arith.constant 2 : i32
      %mul3A_595 = arith.muli %mul3A_594, %scan3A_593 : i32
      %add3A_596 = arith.constant 0 : i32
      %add3A_597 = arith.addi %mul3A_595, %add3A_596 : i32
      %dma_wait3A_598 = arith.constant 0 : i32
      %dma_wait3A_599 = arith.constant 0 : i32
      %dma_wait3A_600 = arith.constant 0 : i32
      %dma_wait3A_601 = arith.constant 0 : i32
      %dma_wait3A_602 = tpu.memref_slice %arg8[%dma_wait3A_600, %dma_wait3A_601] : memref<256x64xf32, #tpu.memory_space<vmem>> -> memref<128x64xf32, #tpu.memory_space<vmem>>
      %dma_wait3A_603 = arith.constant 0 : i32
      %dma_wait3A_604 = tpu.memref_slice %arg6[%dma_wait3A_598, %dma_wait3A_599, %dma_wait3A_603] : memref<100x2x128xi32, #tpu.memory_space<vmem>> -> memref<1x1x128xi32, #tpu.memory_space<vmem>>
      %dma_wait3A_605 = tpu.memref_squeeze %dma_wait3A_604 : memref<1x1x128xi32, #tpu.memory_space<vmem>> -> memref<128xi32, #tpu.memory_space<vmem>>
      %dma_wait3A_606 = arith.constant 0 : i32
      %dma_wait3A_607 = arith.constant 0 : i32
      %dma_wait3A_608 = tpu.memref_slice %arg3[%dma_wait3A_606, %dma_wait3A_607] : memref<100000x64xf32, #tpu.memory_space<hbm>> -> memref<100000x64xf32, #tpu.memory_space<hbm>>
      tpu.wait_indirect_dma semaphore(%arg12 : memref<!tpu.dma_semaphore, #tpu.memory_space<semaphore_mem>>) src(%dma_wait3A_608 : memref<100000x64xf32, #tpu.memory_space<hbm>>) dst(%dma_wait3A_602 : memref<128x64xf32, #tpu.memory_space<vmem>>)
      %ge3A = arith.constant 1 : i32
      %ge3A_609 = arith.cmpi sge, %scan3A_593, %ge3A : i32
      %convert_element_type3A = arith.extui %ge3A_609 : i1 to i32
      %cond3A = arith.constant 0 : i32
      %cond3A_610 = arith.cmpi ne, %convert_element_type3A, %cond3A : i32
      scf.if %cond3A_610 {
        %dma_wait3A_1404 = arith.constant 0 : i32
        %dma_wait3A_1405 = arith.constant 0 : i32
        %dma_wait3A_1406 = arith.constant 0 : i32
        %dma_wait3A_1407 = arith.constant 0 : i32
        %dma_wait3A_1408 = tpu.memref_slice %arg10[%dma_wait3A_1406, %dma_wait3A_1407] : memref<128x129xf32, #tpu.memory_space<vmem>> -> memref<8x128xf32, #tpu.memory_space<vmem>>
        %dma_wait3A_1409 = arith.constant 0 : i32
        %dma_wait3A_1410 = arith.constant 0 : i32
        %dma_wait3A_1411 = tpu.memref_slice %arg5[%dma_wait3A_1404, %dma_wait3A_1405, %add3A, %dma_wait3A_1409, %dma_wait3A_1410] : memref<200x8x32x8x128xf32, #tpu.memory_space<hbm>> -> memref<1x1x1x8x128xf32, #tpu.memory_space<hbm>>
        %dma_wait3A_1412 = tpu.memref_squeeze %dma_wait3A_1411 : memref<1x1x1x8x128xf32, #tpu.memory_space<hbm>> -> memref<8x128xf32, #tpu.memory_space<hbm>>
        %dma_wait3A_1413 = arith.constant 0 : i32
        %dma_wait3A_1414 = arith.constant 0 : i32
        %dma_wait3A_1415 = tpu.memref_slice %arg5[%dma_wait3A_1404, %dma_wait3A_1405, %add3A, %dma_wait3A_1413, %dma_wait3A_1414] : memref<200x8x32x8x128xf32, #tpu.memory_space<hbm>> -> memref<1x1x1x8x128xf32, #tpu.memory_space<hbm>>
        %dma_wait3A_1416 = tpu.memref_squeeze %dma_wait3A_1415 : memref<1x1x1x8x128xf32, #tpu.memory_space<hbm>> -> memref<8x128xf32, #tpu.memory_space<hbm>>
        %dma_wait3A_1417 = arith.constant 0 : i32
        %dma_wait3A_1418 = arith.constant 0 : i32
        %dma_wait3A_1419 = tpu.memref_slice %arg10[%dma_wait3A_1417, %dma_wait3A_1418] : memref<128x129xf32, #tpu.memory_space<vmem>> -> memref<8x128xf32, #tpu.memory_space<vmem>>
        tpu.wait_dma2 semaphore(%arg16 : memref<!tpu.dma_semaphore, #tpu.memory_space<semaphore_mem>>) src(%dma_wait3A_1419 : memref<8x128xf32, #tpu.memory_space<vmem>>) dst(%dma_wait3A_1416 : memref<8x128xf32, #tpu.memory_space<hbm>>)
        %dma_wait3A_1420 = arith.constant 0 : i32
        %dma_wait3A_1421 = arith.constant 1 : i32
        %dma_wait3A_1422 = arith.constant 8 : i32
        %dma_wait3A_1423 = arith.constant 0 : i32
        %dma_wait3A_1424 = tpu.memref_slice %arg10[%dma_wait3A_1422, %dma_wait3A_1423] : memref<128x129xf32, #tpu.memory_space<vmem>> -> memref<8x128xf32, #tpu.memory_space<vmem>>
        %dma_wait3A_1425 = arith.constant 0 : i32
        %dma_wait3A_1426 = arith.constant 0 : i32
        %dma_wait3A_1427 = tpu.memref_slice %arg5[%dma_wait3A_1420, %dma_wait3A_1421, %add3A, %dma_wait3A_1425, %dma_wait3A_1426] : memref<200x8x32x8x128xf32, #tpu.memory_space<hbm>> -> memref<1x1x1x8x128xf32, #tpu.memory_space<hbm>>
        %dma_wait3A_1428 = tpu.memref_squeeze %dma_wait3A_1427 : memref<1x1x1x8x128xf32, #tpu.memory_space<hbm>> -> memref<8x128xf32, #tpu.memory_space<hbm>>
        %dma_wait3A_1429 = arith.constant 0 : i32
        %dma_wait3A_1430 = arith.constant 0 : i32
        %dma_wait3A_1431 = tpu.memref_slice %arg5[%dma_wait3A_1420, %dma_wait3A_1421, %add3A, %dma_wait3A_1429, %dma_wait3A_1430] : memref<200x8x32x8x128xf32, #tpu.memory_space<hbm>> -> memref<1x1x1x8x128xf32, #tpu.memory_space<hbm>>
        %dma_wait3A_1432 = tpu.memref_squeeze %dma_wait3A_1431 : memref<1x1x1x8x128xf32, #tpu.memory_space<hbm>> -> memref<8x128xf32, #tpu.memory_space<hbm>>
        %dma_wait3A_1433 = arith.constant 8 : i32
        %dma_wait3A_1434 = arith.constant 0 : i32
        %dma_wait3A_1435 = tpu.memref_slice %arg10[%dma_wait3A_1433, %dma_wait3A_1434] : memref<128x129xf32, #tpu.memory_space<vmem>> -> memref<8x128xf32, #tpu.memory_space<vmem>>
        tpu.wait_dma2 semaphore(%arg16 : memref<!tpu.dma_semaphore, #tpu.memory_space<semaphore_mem>>) src(%dma_wait3A_1435 : memref<8x128xf32, #tpu.memory_space<vmem>>) dst(%dma_wait3A_1432 : memref<8x128xf32, #tpu.memory_space<hbm>>)
        %dma_wait3A_1436 = arith.constant 0 : i32
        %dma_wait3A_1437 = arith.constant 2 : i32
        %dma_wait3A_1438 = arith.constant 16 : i32
        %dma_wait3A_1439 = arith.constant 0 : i32
        %dma_wait3A_1440 = tpu.memref_slice %arg10[%dma_wait3A_1438, %dma_wait3A_1439] : memref<128x129xf32, #tpu.memory_space<vmem>> -> memref<8x128xf32, #tpu.memory_space<vmem>>
        %dma_wait3A_1441 = arith.constant 0 : i32
        %dma_wait3A_1442 = arith.constant 0 : i32
        %dma_wait3A_1443 = tpu.memref_slice %arg5[%dma_wait3A_1436, %dma_wait3A_1437, %add3A, %dma_wait3A_1441, %dma_wait3A_1442] : memref<200x8x32x8x128xf32, #tpu.memory_space<hbm>> -> memref<1x1x1x8x128xf32, #tpu.memory_space<hbm>>
        %dma_wait3A_1444 = tpu.memref_squeeze %dma_wait3A_1443 : memref<1x1x1x8x128xf32, #tpu.memory_space<hbm>> -> memref<8x128xf32, #tpu.memory_space<hbm>>
        %dma_wait3A_1445 = arith.constant 0 : i32
        %dma_wait3A_1446 = arith.constant 0 : i32
        %dma_wait3A_1447 = tpu.memref_slice %arg5[%dma_wait3A_1436, %dma_wait3A_1437, %add3A, %dma_wait3A_1445, %dma_wait3A_1446] : memref<200x8x32x8x128xf32, #tpu.memory_space<hbm>> -> memref<1x1x1x8x128xf32, #tpu.memory_space<hbm>>
        %dma_wait3A_1448 = tpu.memref_squeeze %dma_wait3A_1447 : memref<1x1x1x8x128xf32, #tpu.memory_space<hbm>> -> memref<8x128xf32, #tpu.memory_space<hbm>>
        %dma_wait3A_1449 = arith.constant 16 : i32
        %dma_wait3A_1450 = arith.constant 0 : i32
        %dma_wait3A_1451 = tpu.memref_slice %arg10[%dma_wait3A_1449, %dma_wait3A_1450] : memref<128x129xf32, #tpu.memory_space<vmem>> -> memref<8x128xf32, #tpu.memory_space<vmem>>
        tpu.wait_dma2 semaphore(%arg16 : memref<!tpu.dma_semaphore, #tpu.memory_space<semaphore_mem>>) src(%dma_wait3A_1451 : memref<8x128xf32, #tpu.memory_space<vmem>>) dst(%dma_wait3A_1448 : memref<8x128xf32, #tpu.memory_space<hbm>>)
        %dma_wait3A_1452 = arith.constant 0 : i32
        %dma_wait3A_1453 = arith.constant 3 : i32
        %dma_wait3A_1454 = arith.constant 24 : i32
        %dma_wait3A_1455 = arith.constant 0 : i32
        %dma_wait3A_1456 = tpu.memref_slice %arg10[%dma_wait3A_1454, %dma_wait3A_1455] : memref<128x129xf32, #tpu.memory_space<vmem>> -> memref<8x128xf32, #tpu.memory_space<vmem>>
        %dma_wait3A_1457 = arith.constant 0 : i32
        %dma_wait3A_1458 = arith.constant 0 : i32
        %dma_wait3A_1459 = tpu.memref_slice %arg5[%dma_wait3A_1452, %dma_wait3A_1453, %add3A, %dma_wait3A_1457, %dma_wait3A_1458] : memref<200x8x32x8x128xf32, #tpu.memory_space<hbm>> -> memref<1x1x1x8x128xf32, #tpu.memory_space<hbm>>
        %dma_wait3A_1460 = tpu.memref_squeeze %dma_wait3A_1459 : memref<1x1x1x8x128xf32, #tpu.memory_space<hbm>> -> memref<8x128xf32, #tpu.memory_space<hbm>>
        %dma_wait3A_1461 = arith.constant 0 : i32
        %dma_wait3A_1462 = arith.constant 0 : i32
        %dma_wait3A_1463 = tpu.memref_slice %arg5[%dma_wait3A_1452, %dma_wait3A_1453, %add3A, %dma_wait3A_1461, %dma_wait3A_1462] : memref<200x8x32x8x128xf32, #tpu.memory_space<hbm>> -> memref<1x1x1x8x128xf32, #tpu.memory_space<hbm>>
        %dma_wait3A_1464 = tpu.memref_squeeze %dma_wait3A_1463 : memref<1x1x1x8x128xf32, #tpu.memory_space<hbm>> -> memref<8x128xf32, #tpu.memory_space<hbm>>
        %dma_wait3A_1465 = arith.constant 24 : i32
        %dma_wait3A_1466 = arith.constant 0 : i32
        %dma_wait3A_1467 = tpu.memref_slice %arg10[%dma_wait3A_1465, %dma_wait3A_1466] : memref<128x129xf32, #tpu.memory_space<vmem>> -> memref<8x128xf32, #tpu.memory_space<vmem>>
        tpu.wait_dma2 semaphore(%arg16 : memref<!tpu.dma_semaphore, #tpu.memory_space<semaphore_mem>>) src(%dma_wait3A_1467 : memref<8x128xf32, #tpu.memory_space<vmem>>) dst(%dma_wait3A_1464 : memref<8x128xf32, #tpu.memory_space<hbm>>)
        %dma_wait3A_1468 = arith.constant 0 : i32
        %dma_wait3A_1469 = arith.constant 4 : i32
        %dma_wait3A_1470 = arith.constant 32 : i32
        %dma_wait3A_1471 = arith.constant 0 : i32
        %dma_wait3A_1472 = tpu.memref_slice %arg10[%dma_wait3A_1470, %dma_wait3A_1471] : memref<128x129xf32, #tpu.memory_space<vmem>> -> memref<8x128xf32, #tpu.memory_space<vmem>>
        %dma_wait3A_1473 = arith.constant 0 : i32
        %dma_wait3A_1474 = arith.constant 0 : i32
        %dma_wait3A_1475 = tpu.memref_slice %arg5[%dma_wait3A_1468, %dma_wait3A_1469, %add3A, %dma_wait3A_1473, %dma_wait3A_1474] : memref<200x8x32x8x128xf32, #tpu.memory_space<hbm>> -> memref<1x1x1x8x128xf32, #tpu.memory_space<hbm>>
        %dma_wait3A_1476 = tpu.memref_squeeze %dma_wait3A_1475 : memref<1x1x1x8x128xf32, #tpu.memory_space<hbm>> -> memref<8x128xf32, #tpu.memory_space<hbm>>
        %dma_wait3A_1477 = arith.constant 0 : i32
        %dma_wait3A_1478 = arith.constant 0 : i32
        %dma_wait3A_1479 = tpu.memref_slice %arg5[%dma_wait3A_1468, %dma_wait3A_1469, %add3A, %dma_wait3A_1477, %dma_wait3A_1478] : memref<200x8x32x8x128xf32, #tpu.memory_space<hbm>> -> memref<1x1x1x8x128xf32, #tpu.memory_space<hbm>>
        %dma_wait3A_1480 = tpu.memref_squeeze %dma_wait3A_1479 : memref<1x1x1x8x128xf32, #tpu.memory_space<hbm>> -> memref<8x128xf32, #tpu.memory_space<hbm>>
        %dma_wait3A_1481 = arith.constant 32 : i32
        %dma_wait3A_1482 = arith.constant 0 : i32
        %dma_wait3A_1483 = tpu.memref_slice %arg10[%dma_wait3A_1481, %dma_wait3A_1482] : memref<128x129xf32, #tpu.memory_space<vmem>> -> memref<8x128xf32, #tpu.memory_space<vmem>>
        tpu.wait_dma2 semaphore(%arg16 : memref<!tpu.dma_semaphore, #tpu.memory_space<semaphore_mem>>) src(%dma_wait3A_1483 : memref<8x128xf32, #tpu.memory_space<vmem>>) dst(%dma_wait3A_1480 : memref<8x128xf32, #tpu.memory_space<hbm>>)
        %dma_wait3A_1484 = arith.constant 0 : i32
        %dma_wait3A_1485 = arith.constant 5 : i32
        %dma_wait3A_1486 = arith.constant 40 : i32
        %dma_wait3A_1487 = arith.constant 0 : i32
        %dma_wait3A_1488 = tpu.memref_slice %arg10[%dma_wait3A_1486, %dma_wait3A_1487] : memref<128x129xf32, #tpu.memory_space<vmem>> -> memref<8x128xf32, #tpu.memory_space<vmem>>
        %dma_wait3A_1489 = arith.constant 0 : i32
        %dma_wait3A_1490 = arith.constant 0 : i32
        %dma_wait3A_1491 = tpu.memref_slice %arg5[%dma_wait3A_1484, %dma_wait3A_1485, %add3A, %dma_wait3A_1489, %dma_wait3A_1490] : memref<200x8x32x8x128xf32, #tpu.memory_space<hbm>> -> memref<1x1x1x8x128xf32, #tpu.memory_space<hbm>>
        %dma_wait3A_1492 = tpu.memref_squeeze %dma_wait3A_1491 : memref<1x1x1x8x128xf32, #tpu.memory_space<hbm>> -> memref<8x128xf32, #tpu.memory_space<hbm>>
        %dma_wait3A_1493 = arith.constant 0 : i32
        %dma_wait3A_1494 = arith.constant 0 : i32
        %dma_wait3A_1495 = tpu.memref_slice %arg5[%dma_wait3A_1484, %dma_wait3A_1485, %add3A, %dma_wait3A_1493, %dma_wait3A_1494] : memref<200x8x32x8x128xf32, #tpu.memory_space<hbm>> -> memref<1x1x1x8x128xf32, #tpu.memory_space<hbm>>
        %dma_wait3A_1496 = tpu.memref_squeeze %dma_wait3A_1495 : memref<1x1x1x8x128xf32, #tpu.memory_space<hbm>> -> memref<8x128xf32, #tpu.memory_space<hbm>>
        %dma_wait3A_1497 = arith.constant 40 : i32
        %dma_wait3A_1498 = arith.constant 0 : i32
        %dma_wait3A_1499 = tpu.memref_slice %arg10[%dma_wait3A_1497, %dma_wait3A_1498] : memref<128x129xf32, #tpu.memory_space<vmem>> -> memref<8x128xf32, #tpu.memory_space<vmem>>
        tpu.wait_dma2 semaphore(%arg16 : memref<!tpu.dma_semaphore, #tpu.memory_space<semaphore_mem>>) src(%dma_wait3A_1499 : memref<8x128xf32, #tpu.memory_space<vmem>>) dst(%dma_wait3A_1496 : memref<8x128xf32, #tpu.memory_space<hbm>>)
        %dma_wait3A_1500 = arith.constant 0 : i32
        %dma_wait3A_1501 = arith.constant 6 : i32
        %dma_wait3A_1502 = arith.constant 48 : i32
        %dma_wait3A_1503 = arith.constant 0 : i32
        %dma_wait3A_1504 = tpu.memref_slice %arg10[%dma_wait3A_1502, %dma_wait3A_1503] : memref<128x129xf32, #tpu.memory_space<vmem>> -> memref<8x128xf32, #tpu.memory_space<vmem>>
        %dma_wait3A_1505 = arith.constant 0 : i32
        %dma_wait3A_1506 = arith.constant 0 : i32
        %dma_wait3A_1507 = tpu.memref_slice %arg5[%dma_wait3A_1500, %dma_wait3A_1501, %add3A, %dma_wait3A_1505, %dma_wait3A_1506] : memref<200x8x32x8x128xf32, #tpu.memory_space<hbm>> -> memref<1x1x1x8x128xf32, #tpu.memory_space<hbm>>
        %dma_wait3A_1508 = tpu.memref_squeeze %dma_wait3A_1507 : memref<1x1x1x8x128xf32, #tpu.memory_space<hbm>> -> memref<8x128xf32, #tpu.memory_space<hbm>>
        %dma_wait3A_1509 = arith.constant 0 : i32
        %dma_wait3A_1510 = arith.constant 0 : i32
        %dma_wait3A_1511 = tpu.memref_slice %arg5[%dma_wait3A_1500, %dma_wait3A_1501, %add3A, %dma_wait3A_1509, %dma_wait3A_1510] : memref<200x8x32x8x128xf32, #tpu.memory_space<hbm>> -> memref<1x1x1x8x128xf32, #tpu.memory_space<hbm>>
        %dma_wait3A_1512 = tpu.memref_squeeze %dma_wait3A_1511 : memref<1x1x1x8x128xf32, #tpu.memory_space<hbm>> -> memref<8x128xf32, #tpu.memory_space<hbm>>
        %dma_wait3A_1513 = arith.constant 48 : i32
        %dma_wait3A_1514 = arith.constant 0 : i32
        %dma_wait3A_1515 = tpu.memref_slice %arg10[%dma_wait3A_1513, %dma_wait3A_1514] : memref<128x129xf32, #tpu.memory_space<vmem>> -> memref<8x128xf32, #tpu.memory_space<vmem>>
        tpu.wait_dma2 semaphore(%arg16 : memref<!tpu.dma_semaphore, #tpu.memory_space<semaphore_mem>>) src(%dma_wait3A_1515 : memref<8x128xf32, #tpu.memory_space<vmem>>) dst(%dma_wait3A_1512 : memref<8x128xf32, #tpu.memory_space<hbm>>)
        %dma_wait3A_1516 = arith.constant 0 : i32
        %dma_wait3A_1517 = arith.constant 7 : i32
        %dma_wait3A_1518 = arith.constant 56 : i32
        %dma_wait3A_1519 = arith.constant 0 : i32
        %dma_wait3A_1520 = tpu.memref_slice %arg10[%dma_wait3A_1518, %dma_wait3A_1519] : memref<128x129xf32, #tpu.memory_space<vmem>> -> memref<8x128xf32, #tpu.memory_space<vmem>>
        %dma_wait3A_1521 = arith.constant 0 : i32
        %dma_wait3A_1522 = arith.constant 0 : i32
        %dma_wait3A_1523 = tpu.memref_slice %arg5[%dma_wait3A_1516, %dma_wait3A_1517, %add3A, %dma_wait3A_1521, %dma_wait3A_1522] : memref<200x8x32x8x128xf32, #tpu.memory_space<hbm>> -> memref<1x1x1x8x128xf32, #tpu.memory_space<hbm>>
        %dma_wait3A_1524 = tpu.memref_squeeze %dma_wait3A_1523 : memref<1x1x1x8x128xf32, #tpu.memory_space<hbm>> -> memref<8x128xf32, #tpu.memory_space<hbm>>
        %dma_wait3A_1525 = arith.constant 0 : i32
        %dma_wait3A_1526 = arith.constant 0 : i32
        %dma_wait3A_1527 = tpu.memref_slice %arg5[%dma_wait3A_1516, %dma_wait3A_1517, %add3A, %dma_wait3A_1525, %dma_wait3A_1526] : memref<200x8x32x8x128xf32, #tpu.memory_space<hbm>> -> memref<1x1x1x8x128xf32, #tpu.memory_space<hbm>>
        %dma_wait3A_1528 = tpu.memref_squeeze %dma_wait3A_1527 : memref<1x1x1x8x128xf32, #tpu.memory_space<hbm>> -> memref<8x128xf32, #tpu.memory_space<hbm>>
        %dma_wait3A_1529 = arith.constant 56 : i32
        %dma_wait3A_1530 = arith.constant 0 : i32
        %dma_wait3A_1531 = tpu.memref_slice %arg10[%dma_wait3A_1529, %dma_wait3A_1530] : memref<128x129xf32, #tpu.memory_space<vmem>> -> memref<8x128xf32, #tpu.memory_space<vmem>>
        tpu.wait_dma2 semaphore(%arg16 : memref<!tpu.dma_semaphore, #tpu.memory_space<semaphore_mem>>) src(%dma_wait3A_1531 : memref<8x128xf32, #tpu.memory_space<vmem>>) dst(%dma_wait3A_1528 : memref<8x128xf32, #tpu.memory_space<hbm>>)
        %dma_wait3A_1532 = arith.constant 1 : i32
        %dma_wait3A_1533 = arith.constant 0 : i32
        %dma_wait3A_1534 = arith.constant 64 : i32
        %dma_wait3A_1535 = arith.constant 0 : i32
        %dma_wait3A_1536 = tpu.memref_slice %arg10[%dma_wait3A_1534, %dma_wait3A_1535] : memref<128x129xf32, #tpu.memory_space<vmem>> -> memref<8x128xf32, #tpu.memory_space<vmem>>
        %dma_wait3A_1537 = arith.constant 0 : i32
        %dma_wait3A_1538 = arith.constant 0 : i32
        %dma_wait3A_1539 = tpu.memref_slice %arg5[%dma_wait3A_1532, %dma_wait3A_1533, %add3A, %dma_wait3A_1537, %dma_wait3A_1538] : memref<200x8x32x8x128xf32, #tpu.memory_space<hbm>> -> memref<1x1x1x8x128xf32, #tpu.memory_space<hbm>>
        %dma_wait3A_1540 = tpu.memref_squeeze %dma_wait3A_1539 : memref<1x1x1x8x128xf32, #tpu.memory_space<hbm>> -> memref<8x128xf32, #tpu.memory_space<hbm>>
        %dma_wait3A_1541 = arith.constant 0 : i32
        %dma_wait3A_1542 = arith.constant 0 : i32
        %dma_wait3A_1543 = tpu.memref_slice %arg5[%dma_wait3A_1532, %dma_wait3A_1533, %add3A, %dma_wait3A_1541, %dma_wait3A_1542] : memref<200x8x32x8x128xf32, #tpu.memory_space<hbm>> -> memref<1x1x1x8x128xf32, #tpu.memory_space<hbm>>
        %dma_wait3A_1544 = tpu.memref_squeeze %dma_wait3A_1543 : memref<1x1x1x8x128xf32, #tpu.memory_space<hbm>> -> memref<8x128xf32, #tpu.memory_space<hbm>>
        %dma_wait3A_1545 = arith.constant 64 : i32
        %dma_wait3A_1546 = arith.constant 0 : i32
        %dma_wait3A_1547 = tpu.memref_slice %arg10[%dma_wait3A_1545, %dma_wait3A_1546] : memref<128x129xf32, #tpu.memory_space<vmem>> -> memref<8x128xf32, #tpu.memory_space<vmem>>
        tpu.wait_dma2 semaphore(%arg16 : memref<!tpu.dma_semaphore, #tpu.memory_space<semaphore_mem>>) src(%dma_wait3A_1547 : memref<8x128xf32, #tpu.memory_space<vmem>>) dst(%dma_wait3A_1544 : memref<8x128xf32, #tpu.memory_space<hbm>>)
        %dma_wait3A_1548 = arith.constant 1 : i32
        %dma_wait3A_1549 = arith.constant 1 : i32
        %dma_wait3A_1550 = arith.constant 72 : i32
        %dma_wait3A_1551 = arith.constant 0 : i32
        %dma_wait3A_1552 = tpu.memref_slice %arg10[%dma_wait3A_1550, %dma_wait3A_1551] : memref<128x129xf32, #tpu.memory_space<vmem>> -> memref<8x128xf32, #tpu.memory_space<vmem>>
        %dma_wait3A_1553 = arith.constant 0 : i32
        %dma_wait3A_1554 = arith.constant 0 : i32
        %dma_wait3A_1555 = tpu.memref_slice %arg5[%dma_wait3A_1548, %dma_wait3A_1549, %add3A, %dma_wait3A_1553, %dma_wait3A_1554] : memref<200x8x32x8x128xf32, #tpu.memory_space<hbm>> -> memref<1x1x1x8x128xf32, #tpu.memory_space<hbm>>
        %dma_wait3A_1556 = tpu.memref_squeeze %dma_wait3A_1555 : memref<1x1x1x8x128xf32, #tpu.memory_space<hbm>> -> memref<8x128xf32, #tpu.memory_space<hbm>>
        %dma_wait3A_1557 = arith.constant 0 : i32
        %dma_wait3A_1558 = arith.constant 0 : i32
        %dma_wait3A_1559 = tpu.memref_slice %arg5[%dma_wait3A_1548, %dma_wait3A_1549, %add3A, %dma_wait3A_1557, %dma_wait3A_1558] : memref<200x8x32x8x128xf32, #tpu.memory_space<hbm>> -> memref<1x1x1x8x128xf32, #tpu.memory_space<hbm>>
        %dma_wait3A_1560 = tpu.memref_squeeze %dma_wait3A_1559 : memref<1x1x1x8x128xf32, #tpu.memory_space<hbm>> -> memref<8x128xf32, #tpu.memory_space<hbm>>
        %dma_wait3A_1561 = arith.constant 72 : i32
        %dma_wait3A_1562 = arith.constant 0 : i32
        %dma_wait3A_1563 = tpu.memref_slice %arg10[%dma_wait3A_1561, %dma_wait3A_1562] : memref<128x129xf32, #tpu.memory_space<vmem>> -> memref<8x128xf32, #tpu.memory_space<vmem>>
        tpu.wait_dma2 semaphore(%arg16 : memref<!tpu.dma_semaphore, #tpu.memory_space<semaphore_mem>>) src(%dma_wait3A_1563 : memref<8x128xf32, #tpu.memory_space<vmem>>) dst(%dma_wait3A_1560 : memref<8x128xf32, #tpu.memory_space<hbm>>)
        %dma_wait3A_1564 = arith.constant 1 : i32
        %dma_wait3A_1565 = arith.constant 2 : i32
        %dma_wait3A_1566 = arith.constant 80 : i32
        %dma_wait3A_1567 = arith.constant 0 : i32
        %dma_wait3A_1568 = tpu.memref_slice %arg10[%dma_wait3A_1566, %dma_wait3A_1567] : memref<128x129xf32, #tpu.memory_space<vmem>> -> memref<8x128xf32, #tpu.memory_space<vmem>>
        %dma_wait3A_1569 = arith.constant 0 : i32
        %dma_wait3A_1570 = arith.constant 0 : i32
        %dma_wait3A_1571 = tpu.memref_slice %arg5[%dma_wait3A_1564, %dma_wait3A_1565, %add3A, %dma_wait3A_1569, %dma_wait3A_1570] : memref<200x8x32x8x128xf32, #tpu.memory_space<hbm>> -> memref<1x1x1x8x128xf32, #tpu.memory_space<hbm>>
        %dma_wait3A_1572 = tpu.memref_squeeze %dma_wait3A_1571 : memref<1x1x1x8x128xf32, #tpu.memory_space<hbm>> -> memref<8x128xf32, #tpu.memory_space<hbm>>
        %dma_wait3A_1573 = arith.constant 0 : i32
        %dma_wait3A_1574 = arith.constant 0 : i32
        %dma_wait3A_1575 = tpu.memref_slice %arg5[%dma_wait3A_1564, %dma_wait3A_1565, %add3A, %dma_wait3A_1573, %dma_wait3A_1574] : memref<200x8x32x8x128xf32, #tpu.memory_space<hbm>> -> memref<1x1x1x8x128xf32, #tpu.memory_space<hbm>>
        %dma_wait3A_1576 = tpu.memref_squeeze %dma_wait3A_1575 : memref<1x1x1x8x128xf32, #tpu.memory_space<hbm>> -> memref<8x128xf32, #tpu.memory_space<hbm>>
        %dma_wait3A_1577 = arith.constant 80 : i32
        %dma_wait3A_1578 = arith.constant 0 : i32
        %dma_wait3A_1579 = tpu.memref_slice %arg10[%dma_wait3A_1577, %dma_wait3A_1578] : memref<128x129xf32, #tpu.memory_space<vmem>> -> memref<8x128xf32, #tpu.memory_space<vmem>>
        tpu.wait_dma2 semaphore(%arg16 : memref<!tpu.dma_semaphore, #tpu.memory_space<semaphore_mem>>) src(%dma_wait3A_1579 : memref<8x128xf32, #tpu.memory_space<vmem>>) dst(%dma_wait3A_1576 : memref<8x128xf32, #tpu.memory_space<hbm>>)
        %dma_wait3A_1580 = arith.constant 1 : i32
        %dma_wait3A_1581 = arith.constant 3 : i32
        %dma_wait3A_1582 = arith.constant 88 : i32
        %dma_wait3A_1583 = arith.constant 0 : i32
        %dma_wait3A_1584 = tpu.memref_slice %arg10[%dma_wait3A_1582, %dma_wait3A_1583] : memref<128x129xf32, #tpu.memory_space<vmem>> -> memref<8x128xf32, #tpu.memory_space<vmem>>
        %dma_wait3A_1585 = arith.constant 0 : i32
        %dma_wait3A_1586 = arith.constant 0 : i32
        %dma_wait3A_1587 = tpu.memref_slice %arg5[%dma_wait3A_1580, %dma_wait3A_1581, %add3A, %dma_wait3A_1585, %dma_wait3A_1586] : memref<200x8x32x8x128xf32, #tpu.memory_space<hbm>> -> memref<1x1x1x8x128xf32, #tpu.memory_space<hbm>>
        %dma_wait3A_1588 = tpu.memref_squeeze %dma_wait3A_1587 : memref<1x1x1x8x128xf32, #tpu.memory_space<hbm>> -> memref<8x128xf32, #tpu.memory_space<hbm>>
        %dma_wait3A_1589 = arith.constant 0 : i32
        %dma_wait3A_1590 = arith.constant 0 : i32
        %dma_wait3A_1591 = tpu.memref_slice %arg5[%dma_wait3A_1580, %dma_wait3A_1581, %add3A, %dma_wait3A_1589, %dma_wait3A_1590] : memref<200x8x32x8x128xf32, #tpu.memory_space<hbm>> -> memref<1x1x1x8x128xf32, #tpu.memory_space<hbm>>
        %dma_wait3A_1592 = tpu.memref_squeeze %dma_wait3A_1591 : memref<1x1x1x8x128xf32, #tpu.memory_space<hbm>> -> memref<8x128xf32, #tpu.memory_space<hbm>>
        %dma_wait3A_1593 = arith.constant 88 : i32
        %dma_wait3A_1594 = arith.constant 0 : i32
        %dma_wait3A_1595 = tpu.memref_slice %arg10[%dma_wait3A_1593, %dma_wait3A_1594] : memref<128x129xf32, #tpu.memory_space<vmem>> -> memref<8x128xf32, #tpu.memory_space<vmem>>
        tpu.wait_dma2 semaphore(%arg16 : memref<!tpu.dma_semaphore, #tpu.memory_space<semaphore_mem>>) src(%dma_wait3A_1595 : memref<8x128xf32, #tpu.memory_space<vmem>>) dst(%dma_wait3A_1592 : memref<8x128xf32, #tpu.memory_space<hbm>>)
        %dma_wait3A_1596 = arith.constant 1 : i32
        %dma_wait3A_1597 = arith.constant 4 : i32
        %dma_wait3A_1598 = arith.constant 96 : i32
        %dma_wait3A_1599 = arith.constant 0 : i32
        %dma_wait3A_1600 = tpu.memref_slice %arg10[%dma_wait3A_1598, %dma_wait3A_1599] : memref<128x129xf32, #tpu.memory_space<vmem>> -> memref<8x128xf32, #tpu.memory_space<vmem>>
        %dma_wait3A_1601 = arith.constant 0 : i32
        %dma_wait3A_1602 = arith.constant 0 : i32
        %dma_wait3A_1603 = tpu.memref_slice %arg5[%dma_wait3A_1596, %dma_wait3A_1597, %add3A, %dma_wait3A_1601, %dma_wait3A_1602] : memref<200x8x32x8x128xf32, #tpu.memory_space<hbm>> -> memref<1x1x1x8x128xf32, #tpu.memory_space<hbm>>
        %dma_wait3A_1604 = tpu.memref_squeeze %dma_wait3A_1603 : memref<1x1x1x8x128xf32, #tpu.memory_space<hbm>> -> memref<8x128xf32, #tpu.memory_space<hbm>>
        %dma_wait3A_1605 = arith.constant 0 : i32
        %dma_wait3A_1606 = arith.constant 0 : i32
        %dma_wait3A_1607 = tpu.memref_slice %arg5[%dma_wait3A_1596, %dma_wait3A_1597, %add3A, %dma_wait3A_1605, %dma_wait3A_1606] : memref<200x8x32x8x128xf32, #tpu.memory_space<hbm>> -> memref<1x1x1x8x128xf32, #tpu.memory_space<hbm>>
        %dma_wait3A_1608 = tpu.memref_squeeze %dma_wait3A_1607 : memref<1x1x1x8x128xf32, #tpu.memory_space<hbm>> -> memref<8x128xf32, #tpu.memory_space<hbm>>
        %dma_wait3A_1609 = arith.constant 96 : i32
        %dma_wait3A_1610 = arith.constant 0 : i32
        %dma_wait3A_1611 = tpu.memref_slice %arg10[%dma_wait3A_1609, %dma_wait3A_1610] : memref<128x129xf32, #tpu.memory_space<vmem>> -> memref<8x128xf32, #tpu.memory_space<vmem>>
        tpu.wait_dma2 semaphore(%arg16 : memref<!tpu.dma_semaphore, #tpu.memory_space<semaphore_mem>>) src(%dma_wait3A_1611 : memref<8x128xf32, #tpu.memory_space<vmem>>) dst(%dma_wait3A_1608 : memref<8x128xf32, #tpu.memory_space<hbm>>)
        %dma_wait3A_1612 = arith.constant 1 : i32
        %dma_wait3A_1613 = arith.constant 5 : i32
        %dma_wait3A_1614 = arith.constant 104 : i32
        %dma_wait3A_1615 = arith.constant 0 : i32
        %dma_wait3A_1616 = tpu.memref_slice %arg10[%dma_wait3A_1614, %dma_wait3A_1615] : memref<128x129xf32, #tpu.memory_space<vmem>> -> memref<8x128xf32, #tpu.memory_space<vmem>>
        %dma_wait3A_1617 = arith.constant 0 : i32
        %dma_wait3A_1618 = arith.constant 0 : i32
        %dma_wait3A_1619 = tpu.memref_slice %arg5[%dma_wait3A_1612, %dma_wait3A_1613, %add3A, %dma_wait3A_1617, %dma_wait3A_1618] : memref<200x8x32x8x128xf32, #tpu.memory_space<hbm>> -> memref<1x1x1x8x128xf32, #tpu.memory_space<hbm>>
        %dma_wait3A_1620 = tpu.memref_squeeze %dma_wait3A_1619 : memref<1x1x1x8x128xf32, #tpu.memory_space<hbm>> -> memref<8x128xf32, #tpu.memory_space<hbm>>
        %dma_wait3A_1621 = arith.constant 0 : i32
        %dma_wait3A_1622 = arith.constant 0 : i32
        %dma_wait3A_1623 = tpu.memref_slice %arg5[%dma_wait3A_1612, %dma_wait3A_1613, %add3A, %dma_wait3A_1621, %dma_wait3A_1622] : memref<200x8x32x8x128xf32, #tpu.memory_space<hbm>> -> memref<1x1x1x8x128xf32, #tpu.memory_space<hbm>>
        %dma_wait3A_1624 = tpu.memref_squeeze %dma_wait3A_1623 : memref<1x1x1x8x128xf32, #tpu.memory_space<hbm>> -> memref<8x128xf32, #tpu.memory_space<hbm>>
        %dma_wait3A_1625 = arith.constant 104 : i32
        %dma_wait3A_1626 = arith.constant 0 : i32
        %dma_wait3A_1627 = tpu.memref_slice %arg10[%dma_wait3A_1625, %dma_wait3A_1626] : memref<128x129xf32, #tpu.memory_space<vmem>> -> memref<8x128xf32, #tpu.memory_space<vmem>>
        tpu.wait_dma2 semaphore(%arg16 : memref<!tpu.dma_semaphore, #tpu.memory_space<semaphore_mem>>) src(%dma_wait3A_1627 : memref<8x128xf32, #tpu.memory_space<vmem>>) dst(%dma_wait3A_1624 : memref<8x128xf32, #tpu.memory_space<hbm>>)
        %dma_wait3A_1628 = arith.constant 1 : i32
        %dma_wait3A_1629 = arith.constant 6 : i32
        %dma_wait3A_1630 = arith.constant 112 : i32
        %dma_wait3A_1631 = arith.constant 0 : i32
        %dma_wait3A_1632 = tpu.memref_slice %arg10[%dma_wait3A_1630, %dma_wait3A_1631] : memref<128x129xf32, #tpu.memory_space<vmem>> -> memref<8x128xf32, #tpu.memory_space<vmem>>
        %dma_wait3A_1633 = arith.constant 0 : i32
        %dma_wait3A_1634 = arith.constant 0 : i32
        %dma_wait3A_1635 = tpu.memref_slice %arg5[%dma_wait3A_1628, %dma_wait3A_1629, %add3A, %dma_wait3A_1633, %dma_wait3A_1634] : memref<200x8x32x8x128xf32, #tpu.memory_space<hbm>> -> memref<1x1x1x8x128xf32, #tpu.memory_space<hbm>>
        %dma_wait3A_1636 = tpu.memref_squeeze %dma_wait3A_1635 : memref<1x1x1x8x128xf32, #tpu.memory_space<hbm>> -> memref<8x128xf32, #tpu.memory_space<hbm>>
        %dma_wait3A_1637 = arith.constant 0 : i32
        %dma_wait3A_1638 = arith.constant 0 : i32
        %dma_wait3A_1639 = tpu.memref_slice %arg5[%dma_wait3A_1628, %dma_wait3A_1629, %add3A, %dma_wait3A_1637, %dma_wait3A_1638] : memref<200x8x32x8x128xf32, #tpu.memory_space<hbm>> -> memref<1x1x1x8x128xf32, #tpu.memory_space<hbm>>
        %dma_wait3A_1640 = tpu.memref_squeeze %dma_wait3A_1639 : memref<1x1x1x8x128xf32, #tpu.memory_space<hbm>> -> memref<8x128xf32, #tpu.memory_space<hbm>>
        %dma_wait3A_1641 = arith.constant 112 : i32
        %dma_wait3A_1642 = arith.constant 0 : i32
        %dma_wait3A_1643 = tpu.memref_slice %arg10[%dma_wait3A_1641, %dma_wait3A_1642] : memref<128x129xf32, #tpu.memory_space<vmem>> -> memref<8x128xf32, #tpu.memory_space<vmem>>
        tpu.wait_dma2 semaphore(%arg16 : memref<!tpu.dma_semaphore, #tpu.memory_space<semaphore_mem>>) src(%dma_wait3A_1643 : memref<8x128xf32, #tpu.memory_space<vmem>>) dst(%dma_wait3A_1640 : memref<8x128xf32, #tpu.memory_space<hbm>>)
        %dma_wait3A_1644 = arith.constant 1 : i32
        %dma_wait3A_1645 = arith.constant 7 : i32
        %dma_wait3A_1646 = arith.constant 120 : i32
        %dma_wait3A_1647 = arith.constant 0 : i32
        %dma_wait3A_1648 = tpu.memref_slice %arg10[%dma_wait3A_1646, %dma_wait3A_1647] : memref<128x129xf32, #tpu.memory_space<vmem>> -> memref<8x128xf32, #tpu.memory_space<vmem>>
        %dma_wait3A_1649 = arith.constant 0 : i32
        %dma_wait3A_1650 = arith.constant 0 : i32
        %dma_wait3A_1651 = tpu.memref_slice %arg5[%dma_wait3A_1644, %dma_wait3A_1645, %add3A, %dma_wait3A_1649, %dma_wait3A_1650] : memref<200x8x32x8x128xf32, #tpu.memory_space<hbm>> -> memref<1x1x1x8x128xf32, #tpu.memory_space<hbm>>
        %dma_wait3A_1652 = tpu.memref_squeeze %dma_wait3A_1651 : memref<1x1x1x8x128xf32, #tpu.memory_space<hbm>> -> memref<8x128xf32, #tpu.memory_space<hbm>>
        %dma_wait3A_1653 = arith.constant 0 : i32
        %dma_wait3A_1654 = arith.constant 0 : i32
        %dma_wait3A_1655 = tpu.memref_slice %arg5[%dma_wait3A_1644, %dma_wait3A_1645, %add3A, %dma_wait3A_1653, %dma_wait3A_1654] : memref<200x8x32x8x128xf32, #tpu.memory_space<hbm>> -> memref<1x1x1x8x128xf32, #tpu.memory_space<hbm>>
        %dma_wait3A_1656 = tpu.memref_squeeze %dma_wait3A_1655 : memref<1x1x1x8x128xf32, #tpu.memory_space<hbm>> -> memref<8x128xf32, #tpu.memory_space<hbm>>
        %dma_wait3A_1657 = arith.constant 120 : i32
        %dma_wait3A_1658 = arith.constant 0 : i32
        %dma_wait3A_1659 = tpu.memref_slice %arg10[%dma_wait3A_1657, %dma_wait3A_1658] : memref<128x129xf32, #tpu.memory_space<vmem>> -> memref<8x128xf32, #tpu.memory_space<vmem>>
        tpu.wait_dma2 semaphore(%arg16 : memref<!tpu.dma_semaphore, #tpu.memory_space<semaphore_mem>>) src(%dma_wait3A_1659 : memref<8x128xf32, #tpu.memory_space<vmem>>) dst(%dma_wait3A_1656 : memref<8x128xf32, #tpu.memory_space<hbm>>)
      } else {
      }
      %div3A = arith.constant 1 : i32
      %div3A_611 = arith.divsi %add3A_597, %div3A : i32
      %mul3A_612 = arith.constant 2 : i32
      %mul3A_613 = arith.muli %div3A_611, %mul3A_612 : i32
      %rem3A = arith.constant 1 : i32
      %rem3A_614 = arith.remsi %add3A_597, %rem3A : i32
      %mul3A_615 = arith.constant 128 : i32
      %mul3A_616 = arith.muli %rem3A_614, %mul3A_615 : i32
      %add3A_617 = arith.constant 0 : i32
      %add3A_618 = arith.addi %mul3A_613, %add3A_617 : i32
      %get3A = arith.index_cast %add3A_618 : i32 to index
      %get3A_619 = arith.constant 0 : index
      %get3A_620 = tpu.vector_load %arg7[%get3A, %get3A_619] {strides = array<i32>} : memref<200x64xf32, #tpu.memory_space<vmem>>, vector<16xf32>,
      %add3A_621 = arith.constant 0 : i32
      %add3A_622 = arith.addi %mul3A_613, %add3A_621 : i32
      %get3A_623 = arith.index_cast %add3A_622 : i32 to index
      %get3A_624 = arith.constant 16 : index
      %get3A_625 = tpu.vector_load %arg7[%get3A_623, %get3A_624] {strides = array<i32>} : memref<200x64xf32, #tpu.memory_space<vmem>>, vector<16xf32>,
      %add3A_626 = arith.constant 0 : i32
      %add3A_627 = arith.addi %mul3A_613, %add3A_626 : i32
      %get3A_628 = arith.index_cast %add3A_627 : i32 to index
      %get3A_629 = arith.constant 32 : index
      %get3A_630 = tpu.vector_load %arg7[%get3A_628, %get3A_629] {strides = array<i32>} : memref<200x64xf32, #tpu.memory_space<vmem>>, vector<16xf32>,
      %add3A_631 = arith.constant 0 : i32
      %add3A_632 = arith.addi %mul3A_613, %add3A_631 : i32
      %get3A_633 = arith.index_cast %add3A_632 : i32 to index
      %get3A_634 = arith.constant 48 : index
      %get3A_635 = tpu.vector_load %arg7[%get3A_633, %get3A_634] {strides = array<i32>} : memref<200x64xf32, #tpu.memory_space<vmem>>, vector<16xf32>,
      %broadcast_in_dim3A = arith.constant 0 : i32
      %broadcast_in_dim3A_636 = vector.broadcast %broadcast_in_dim3A : i32 to vector<16xi32>
      %broadcast_in_dim3A_637 = arith.constant 1 : i32
      %broadcast_in_dim3A_638 = vector.broadcast %broadcast_in_dim3A_637 : i32 to vector<16xi32>
      %scan3A_639 = arith.constant 0 : i32
      %scan3A_640 = arith.constant 64 : i32
      %scan3A_641 = arith.addi %scan3A_639, %scan3A_640 : i32
      %scan3A_642 = arith.constant 2 : i32
      %scan3A_643:2 = scf.for %scan3A_1404 = %scan3A_639 to %scan3A_641 step %scan3A_642 iter_args(%scan3A_1405 = %broadcast_in_dim3A_636, %scan3A_1406 = %broadcast_in_dim3A_638) -> (vector<16xi32>, vector<16xi32>)  : i32 {
        %mul3A_1407 = arith.constant 2 : i32
        %mul3A_1408 = arith.muli %mul3A_1407, %scan3A_1404 : i32
        %add3A_1409 = arith.constant 0 : i32
        %add3A_1410 = arith.addi %add3A_1409, %mul3A_1408 : i32
        %add3A_1411 = arith.constant 0 : i32
        %add3A_1412 = arith.addi %add3A_1410, %add3A_1411 : i32
        %get3A_1413 = arith.index_cast %add3A_1412 : i32 to index
        %get3A_1414 = arith.constant 0 : index
        %get3A_1415 = tpu.vector_load %arg8[%get3A_1413, %get3A_1414] {strides = array<i32>} : memref<256x64xf32, #tpu.memory_space<vmem>>, vector<16xf32>,
        %add3A_1416 = arith.addf %get3A_1415, %get3A_620 : vector<16xf32>
        %add3A_1417 = arith.constant 0 : i32
        %add3A_1418 = arith.addi %add3A_1410, %add3A_1417 : i32
        %get3A_1419 = arith.index_cast %add3A_1418 : i32 to index
        %get3A_1420 = arith.constant 16 : index
        %get3A_1421 = tpu.vector_load %arg8[%get3A_1419, %get3A_1420] {strides = array<i32>} : memref<256x64xf32, #tpu.memory_space<vmem>>, vector<16xf32>,
        %add3A_1422 = arith.addf %get3A_1421, %get3A_625 : vector<16xf32>
        %add3A_1423 = arith.constant 0 : i32
        %add3A_1424 = arith.addi %add3A_1410, %add3A_1423 : i32
        %get3A_1425 = arith.index_cast %add3A_1424 : i32 to index
        %get3A_1426 = arith.constant 32 : index
        %get3A_1427 = tpu.vector_load %arg8[%get3A_1425, %get3A_1426] {strides = array<i32>} : memref<256x64xf32, #tpu.memory_space<vmem>>, vector<16xf32>,
        %add3A_1428 = arith.addf %get3A_1427, %get3A_630 : vector<16xf32>
        %add3A_1429 = arith.constant 0 : i32
        %add3A_1430 = arith.addi %add3A_1410, %add3A_1429 : i32
        %get3A_1431 = arith.index_cast %add3A_1430 : i32 to index
        %get3A_1432 = arith.constant 48 : index
        %get3A_1433 = tpu.vector_load %arg8[%get3A_1431, %get3A_1432] {strides = array<i32>} : memref<256x64xf32, #tpu.memory_space<vmem>>, vector<16xf32>,
        %add3A_1434 = arith.addf %get3A_1433, %get3A_635 : vector<16xf32>
        tpu.vector_store_idx %arg10[%add3A_5, %scan3A_1405], %add3A_1416 : memref<128x129xf32, #tpu.memory_space<vmem>>[vector<16xi32>, vector<16xi32>], vector<16xf32>,
        tpu.vector_store_idx %arg10[%add3A_9, %scan3A_1405], %add3A_1422 : memref<128x129xf32, #tpu.memory_space<vmem>>[vector<16xi32>, vector<16xi32>], vector<16xf32>,
        tpu.vector_store_idx %arg10[%add3A_13, %scan3A_1405], %add3A_1428 : memref<128x129xf32, #tpu.memory_space<vmem>>[vector<16xi32>, vector<16xi32>], vector<16xf32>,
        tpu.vector_store_idx %arg10[%add3A_17, %scan3A_1405], %add3A_1434 : memref<128x129xf32, #tpu.memory_space<vmem>>[vector<16xi32>, vector<16xi32>], vector<16xf32>,
        %add3A_1435 = arith.constant 1 : i32
        %add3A_1436 = arith.addi %add3A_1410, %add3A_1435 : i32
        %get3A_1437 = arith.index_cast %add3A_1436 : i32 to index
        %get3A_1438 = arith.constant 0 : index
        %get3A_1439 = tpu.vector_load %arg8[%get3A_1437, %get3A_1438] {strides = array<i32>} : memref<256x64xf32, #tpu.memory_space<vmem>>, vector<16xf32>,
        %add3A_1440 = arith.addf %get3A_1439, %get3A_620 : vector<16xf32>
        %add3A_1441 = arith.constant 1 : i32
        %add3A_1442 = arith.addi %add3A_1410, %add3A_1441 : i32
        %get3A_1443 = arith.index_cast %add3A_1442 : i32 to index
        %get3A_1444 = arith.constant 16 : index
        %get3A_1445 = tpu.vector_load %arg8[%get3A_1443, %get3A_1444] {strides = array<i32>} : memref<256x64xf32, #tpu.memory_space<vmem>>, vector<16xf32>,
        %add3A_1446 = arith.addf %get3A_1445, %get3A_625 : vector<16xf32>
        %add3A_1447 = arith.constant 1 : i32
        %add3A_1448 = arith.addi %add3A_1410, %add3A_1447 : i32
        %get3A_1449 = arith.index_cast %add3A_1448 : i32 to index
        %get3A_1450 = arith.constant 32 : index
        %get3A_1451 = tpu.vector_load %arg8[%get3A_1449, %get3A_1450] {strides = array<i32>} : memref<256x64xf32, #tpu.memory_space<vmem>>, vector<16xf32>,
        %add3A_1452 = arith.addf %get3A_1451, %get3A_630 : vector<16xf32>
        %add3A_1453 = arith.constant 1 : i32
        %add3A_1454 = arith.addi %add3A_1410, %add3A_1453 : i32
        %get3A_1455 = arith.index_cast %add3A_1454 : i32 to index
        %get3A_1456 = arith.constant 48 : index
        %get3A_1457 = tpu.vector_load %arg8[%get3A_1455, %get3A_1456] {strides = array<i32>} : memref<256x64xf32, #tpu.memory_space<vmem>>, vector<16xf32>,
        %add3A_1458 = arith.addf %get3A_1457, %get3A_635 : vector<16xf32>
        tpu.vector_store_idx %arg10[%add3A_5, %scan3A_1406], %add3A_1440 : memref<128x129xf32, #tpu.memory_space<vmem>>[vector<16xi32>, vector<16xi32>], vector<16xf32>,
        tpu.vector_store_idx %arg10[%add3A_9, %scan3A_1406], %add3A_1446 : memref<128x129xf32, #tpu.memory_space<vmem>>[vector<16xi32>, vector<16xi32>], vector<16xf32>,
        tpu.vector_store_idx %arg10[%add3A_13, %scan3A_1406], %add3A_1452 : memref<128x129xf32, #tpu.memory_space<vmem>>[vector<16xi32>, vector<16xi32>], vector<16xf32>,
        tpu.vector_store_idx %arg10[%add3A_17, %scan3A_1406], %add3A_1458 : memref<128x129xf32, #tpu.memory_space<vmem>>[vector<16xi32>, vector<16xi32>], vector<16xf32>,
        %add3A_1459 = arith.constant 2 : i32
        %add3A_1460 = vector.broadcast %add3A_1459 : i32 to vector<16xi32>
        %add3A_1461 = arith.addi %scan3A_1405, %add3A_1460 : vector<16xi32>
        %add3A_1462 = arith.constant 2 : i32
        %add3A_1463 = vector.broadcast %add3A_1462 : i32 to vector<16xi32>
        %add3A_1464 = arith.addi %scan3A_1406, %add3A_1463 : vector<16xi32>
        %scan3A_1465 = arith.constant 1 : i32
        %scan3A_1466 = arith.addi %scan3A_1404, %scan3A_1465 : i32
        %mul3A_1467 = arith.constant 2 : i32
        %mul3A_1468 = arith.muli %mul3A_1467, %scan3A_1466 : i32
        %add3A_1469 = arith.constant 0 : i32
        %add3A_1470 = arith.addi %add3A_1469, %mul3A_1468 : i32
        %add3A_1471 = arith.constant 0 : i32
        %add3A_1472 = arith.addi %add3A_1470, %add3A_1471 : i32
        %get3A_1473 = arith.index_cast %add3A_1472 : i32 to index
        %get3A_1474 = arith.constant 0 : index
        %get3A_1475 = tpu.vector_load %arg8[%get3A_1473, %get3A_1474] {strides = array<i32>} : memref<256x64xf32, #tpu.memory_space<vmem>>, vector<16xf32>,
        %add3A_1476 = arith.addf %get3A_1475, %get3A_620 : vector<16xf32>
        %add3A_1477 = arith.constant 0 : i32
        %add3A_1478 = arith.addi %add3A_1470, %add3A_1477 : i32
        %get3A_1479 = arith.index_cast %add3A_1478 : i32 to index
        %get3A_1480 = arith.constant 16 : index
        %get3A_1481 = tpu.vector_load %arg8[%get3A_1479, %get3A_1480] {strides = array<i32>} : memref<256x64xf32, #tpu.memory_space<vmem>>, vector<16xf32>,
        %add3A_1482 = arith.addf %get3A_1481, %get3A_625 : vector<16xf32>
        %add3A_1483 = arith.constant 0 : i32
        %add3A_1484 = arith.addi %add3A_1470, %add3A_1483 : i32
        %get3A_1485 = arith.index_cast %add3A_1484 : i32 to index
        %get3A_1486 = arith.constant 32 : index
        %get3A_1487 = tpu.vector_load %arg8[%get3A_1485, %get3A_1486] {strides = array<i32>} : memref<256x64xf32, #tpu.memory_space<vmem>>, vector<16xf32>,
        %add3A_1488 = arith.addf %get3A_1487, %get3A_630 : vector<16xf32>
        %add3A_1489 = arith.constant 0 : i32
        %add3A_1490 = arith.addi %add3A_1470, %add3A_1489 : i32
        %get3A_1491 = arith.index_cast %add3A_1490 : i32 to index
        %get3A_1492 = arith.constant 48 : index
        %get3A_1493 = tpu.vector_load %arg8[%get3A_1491, %get3A_1492] {strides = array<i32>} : memref<256x64xf32, #tpu.memory_space<vmem>>, vector<16xf32>,
        %add3A_1494 = arith.addf %get3A_1493, %get3A_635 : vector<16xf32>
        tpu.vector_store_idx %arg10[%add3A_5, %add3A_1461], %add3A_1476 : memref<128x129xf32, #tpu.memory_space<vmem>>[vector<16xi32>, vector<16xi32>], vector<16xf32>,
        tpu.vector_store_idx %arg10[%add3A_9, %add3A_1461], %add3A_1482 : memref<128x129xf32, #tpu.memory_space<vmem>>[vector<16xi32>, vector<16xi32>], vector<16xf32>,
        tpu.vector_store_idx %arg10[%add3A_13, %add3A_1461], %add3A_1488 : memref<128x129xf32, #tpu.memory_space<vmem>>[vector<16xi32>, vector<16xi32>], vector<16xf32>,
        tpu.vector_store_idx %arg10[%add3A_17, %add3A_1461], %add3A_1494 : memref<128x129xf32, #tpu.memory_space<vmem>>[vector<16xi32>, vector<16xi32>], vector<16xf32>,
        %add3A_1495 = arith.constant 1 : i32
        %add3A_1496 = arith.addi %add3A_1470, %add3A_1495 : i32
        %get3A_1497 = arith.index_cast %add3A_1496 : i32 to index
        %get3A_1498 = arith.constant 0 : index
        %get3A_1499 = tpu.vector_load %arg8[%get3A_1497, %get3A_1498] {strides = array<i32>} : memref<256x64xf32, #tpu.memory_space<vmem>>, vector<16xf32>,
        %add3A_1500 = arith.addf %get3A_1499, %get3A_620 : vector<16xf32>
        %add3A_1501 = arith.constant 1 : i32
        %add3A_1502 = arith.addi %add3A_1470, %add3A_1501 : i32
        %get3A_1503 = arith.index_cast %add3A_1502 : i32 to index
        %get3A_1504 = arith.constant 16 : index
        %get3A_1505 = tpu.vector_load %arg8[%get3A_1503, %get3A_1504] {strides = array<i32>} : memref<256x64xf32, #tpu.memory_space<vmem>>, vector<16xf32>,
        %add3A_1506 = arith.addf %get3A_1505, %get3A_625 : vector<16xf32>
        %add3A_1507 = arith.constant 1 : i32
        %add3A_1508 = arith.addi %add3A_1470, %add3A_1507 : i32
        %get3A_1509 = arith.index_cast %add3A_1508 : i32 to index
        %get3A_1510 = arith.constant 32 : index
        %get3A_1511 = tpu.vector_load %arg8[%get3A_1509, %get3A_1510] {strides = array<i32>} : memref<256x64xf32, #tpu.memory_space<vmem>>, vector<16xf32>,
        %add3A_1512 = arith.addf %get3A_1511, %get3A_630 : vector<16xf32>
        %add3A_1513 = arith.constant 1 : i32
        %add3A_1514 = arith.addi %add3A_1470, %add3A_1513 : i32
        %get3A_1515 = arith.index_cast %add3A_1514 : i32 to index
        %get3A_1516 = arith.constant 48 : index
        %get3A_1517 = tpu.vector_load %arg8[%get3A_1515, %get3A_1516] {strides = array<i32>} : memref<256x64xf32, #tpu.memory_space<vmem>>, vector<16xf32>,
        %add3A_1518 = arith.addf %get3A_1517, %get3A_635 : vector<16xf32>
        tpu.vector_store_idx %arg10[%add3A_5, %add3A_1464], %add3A_1500 : memref<128x129xf32, #tpu.memory_space<vmem>>[vector<16xi32>, vector<16xi32>], vector<16xf32>,
        tpu.vector_store_idx %arg10[%add3A_9, %add3A_1464], %add3A_1506 : memref<128x129xf32, #tpu.memory_space<vmem>>[vector<16xi32>, vector<16xi32>], vector<16xf32>,
        tpu.vector_store_idx %arg10[%add3A_13, %add3A_1464], %add3A_1512 : memref<128x129xf32, #tpu.memory_space<vmem>>[vector<16xi32>, vector<16xi32>], vector<16xf32>,
        tpu.vector_store_idx %arg10[%add3A_17, %add3A_1464], %add3A_1518 : memref<128x129xf32, #tpu.memory_space<vmem>>[vector<16xi32>, vector<16xi32>], vector<16xf32>,
        %add3A_1519 = arith.constant 2 : i32
        %add3A_1520 = vector.broadcast %add3A_1519 : i32 to vector<16xi32>
        %add3A_1521 = arith.addi %add3A_1461, %add3A_1520 : vector<16xi32>
        %add3A_1522 = arith.constant 2 : i32
        %add3A_1523 = vector.broadcast %add3A_1522 : i32 to vector<16xi32>
        %add3A_1524 = arith.addi %add3A_1464, %add3A_1523 : vector<16xi32>
        scf.yield %add3A_1521, %add3A_1524 : vector<16xi32>, vector<16xi32>
      }
      %scan3A_644 = arith.constant 64 : i32
      %div3A_645 = arith.constant 1 : i32
      %div3A_646 = arith.divsi %add3A_597, %div3A_645 : i32
      %mul3A_647 = arith.constant 2 : i32
      %mul3A_648 = arith.muli %div3A_646, %mul3A_647 : i32
      %rem3A_649 = arith.constant 1 : i32
      %rem3A_650 = arith.remsi %add3A_597, %rem3A_649 : i32
      %mul3A_651 = arith.constant 128 : i32
      %mul3A_652 = arith.muli %rem3A_650, %mul3A_651 : i32
      %add3A_653 = arith.constant 0 : i32
      %add3A_654 = arith.addi %mul3A_648, %add3A_653 : i32
      %dma_start3A_655 = arith.constant 0 : i32
      %dma_start3A_656 = arith.constant 0 : i32
      %dma_start3A_657 = arith.constant 0 : i32
      %dma_start3A_658 = tpu.memref_slice %arg10[%dma_start3A_656, %dma_start3A_657] : memref<128x129xf32, #tpu.memory_space<vmem>> -> memref<8x128xf32, #tpu.memory_space<vmem>>
      %dma_start3A_659 = arith.constant 0 : i32
      %dma_start3A_660 = arith.constant 0 : i32
      %dma_start3A_661 = tpu.memref_slice %arg5[%add3A_654, %dma_start3A_655, %add3A, %dma_start3A_659, %dma_start3A_660] : memref<200x8x32x8x128xf32, #tpu.memory_space<hbm>> -> memref<1x1x1x8x128xf32, #tpu.memory_space<hbm>>
      %dma_start3A_662 = tpu.memref_squeeze %dma_start3A_661 : memref<1x1x1x8x128xf32, #tpu.memory_space<hbm>> -> memref<8x128xf32, #tpu.memory_space<hbm>>
      %dma_start3A_663 = arith.constant 0 : i32
      %dma_start3A_664 = arith.constant 0 : i32
      %dma_start3A_665 = tpu.memref_slice %arg5[%add3A_654, %dma_start3A_655, %add3A, %dma_start3A_663, %dma_start3A_664] : memref<200x8x32x8x128xf32, #tpu.memory_space<hbm>> -> memref<1x1x1x8x128xf32, #tpu.memory_space<hbm>>
      %dma_start3A_666 = tpu.memref_squeeze %dma_start3A_665 : memref<1x1x1x8x128xf32, #tpu.memory_space<hbm>> -> memref<8x128xf32, #tpu.memory_space<hbm>>
      %dma_start3A_667 = arith.constant 0 : i32
      %dma_start3A_668 = arith.constant 0 : i32
      %dma_start3A_669 = tpu.memref_slice %arg10[%dma_start3A_667, %dma_start3A_668] : memref<128x129xf32, #tpu.memory_space<vmem>> -> memref<8x128xf32, #tpu.memory_space<vmem>>
      tpu.enqueue_dma source(%dma_start3A_669 : memref<8x128xf32, #tpu.memory_space<vmem>>) target(%dma_start3A_666 : memref<8x128xf32, #tpu.memory_space<hbm>>) target_semaphore(%arg16 : memref<!tpu.dma_semaphore, #tpu.memory_space<semaphore_mem>>)
      %add3A_670 = arith.constant 0 : i32
      %add3A_671 = arith.addi %mul3A_648, %add3A_670 : i32
      %dma_start3A_672 = arith.constant 1 : i32
      %dma_start3A_673 = arith.constant 8 : i32
      %dma_start3A_674 = arith.constant 0 : i32
      %dma_start3A_675 = tpu.memref_slice %arg10[%dma_start3A_673, %dma_start3A_674] : memref<128x129xf32, #tpu.memory_space<vmem>> -> memref<8x128xf32, #tpu.memory_space<vmem>>
      %dma_start3A_676 = arith.constant 0 : i32
      %dma_start3A_677 = arith.constant 0 : i32
      %dma_start3A_678 = tpu.memref_slice %arg5[%add3A_671, %dma_start3A_672, %add3A, %dma_start3A_676, %dma_start3A_677] : memref<200x8x32x8x128xf32, #tpu.memory_space<hbm>> -> memref<1x1x1x8x128xf32, #tpu.memory_space<hbm>>
      %dma_start3A_679 = tpu.memref_squeeze %dma_start3A_678 : memref<1x1x1x8x128xf32, #tpu.memory_space<hbm>> -> memref<8x128xf32, #tpu.memory_space<hbm>>
      %dma_start3A_680 = arith.constant 0 : i32
      %dma_start3A_681 = arith.constant 0 : i32
      %dma_start3A_682 = tpu.memref_slice %arg5[%add3A_671, %dma_start3A_672, %add3A, %dma_start3A_680, %dma_start3A_681] : memref<200x8x32x8x128xf32, #tpu.memory_space<hbm>> -> memref<1x1x1x8x128xf32, #tpu.memory_space<hbm>>
      %dma_start3A_683 = tpu.memref_squeeze %dma_start3A_682 : memref<1x1x1x8x128xf32, #tpu.memory_space<hbm>> -> memref<8x128xf32, #tpu.memory_space<hbm>>
      %dma_start3A_684 = arith.constant 8 : i32
      %dma_start3A_685 = arith.constant 0 : i32
      %dma_start3A_686 = tpu.memref_slice %arg10[%dma_start3A_684, %dma_start3A_685] : memref<128x129xf32, #tpu.memory_space<vmem>> -> memref<8x128xf32, #tpu.memory_space<vmem>>
      tpu.enqueue_dma source(%dma_start3A_686 : memref<8x128xf32, #tpu.memory_space<vmem>>) target(%dma_start3A_683 : memref<8x128xf32, #tpu.memory_space<hbm>>) target_semaphore(%arg16 : memref<!tpu.dma_semaphore, #tpu.memory_space<semaphore_mem>>)
      %add3A_687 = arith.constant 0 : i32
      %add3A_688 = arith.addi %mul3A_648, %add3A_687 : i32
      %dma_start3A_689 = arith.constant 2 : i32
      %dma_start3A_690 = arith.constant 16 : i32
      %dma_start3A_691 = arith.constant 0 : i32
      %dma_start3A_692 = tpu.memref_slice %arg10[%dma_start3A_690, %dma_start3A_691] : memref<128x129xf32, #tpu.memory_space<vmem>> -> memref<8x128xf32, #tpu.memory_space<vmem>>
      %dma_start3A_693 = arith.constant 0 : i32
      %dma_start3A_694 = arith.constant 0 : i32
      %dma_start3A_695 = tpu.memref_slice %arg5[%add3A_688, %dma_start3A_689, %add3A, %dma_start3A_693, %dma_start3A_694] : memref<200x8x32x8x128xf32, #tpu.memory_space<hbm>> -> memref<1x1x1x8x128xf32, #tpu.memory_space<hbm>>
      %dma_start3A_696 = tpu.memref_squeeze %dma_start3A_695 : memref<1x1x1x8x128xf32, #tpu.memory_space<hbm>> -> memref<8x128xf32, #tpu.memory_space<hbm>>
      %dma_start3A_697 = arith.constant 0 : i32
      %dma_start3A_698 = arith.constant 0 : i32
      %dma_start3A_699 = tpu.memref_slice %arg5[%add3A_688, %dma_start3A_689, %add3A, %dma_start3A_697, %dma_start3A_698] : memref<200x8x32x8x128xf32, #tpu.memory_space<hbm>> -> memref<1x1x1x8x128xf32, #tpu.memory_space<hbm>>
      %dma_start3A_700 = tpu.memref_squeeze %dma_start3A_699 : memref<1x1x1x8x128xf32, #tpu.memory_space<hbm>> -> memref<8x128xf32, #tpu.memory_space<hbm>>
      %dma_start3A_701 = arith.constant 16 : i32
      %dma_start3A_702 = arith.constant 0 : i32
      %dma_start3A_703 = tpu.memref_slice %arg10[%dma_start3A_701, %dma_start3A_702] : memref<128x129xf32, #tpu.memory_space<vmem>> -> memref<8x128xf32, #tpu.memory_space<vmem>>
      tpu.enqueue_dma source(%dma_start3A_703 : memref<8x128xf32, #tpu.memory_space<vmem>>) target(%dma_start3A_700 : memref<8x128xf32, #tpu.memory_space<hbm>>) target_semaphore(%arg16 : memref<!tpu.dma_semaphore, #tpu.memory_space<semaphore_mem>>)
      %add3A_704 = arith.constant 0 : i32
      %add3A_705 = arith.addi %mul3A_648, %add3A_704 : i32
      %dma_start3A_706 = arith.constant 3 : i32
      %dma_start3A_707 = arith.constant 24 : i32
      %dma_start3A_708 = arith.constant 0 : i32
      %dma_start3A_709 = tpu.memref_slice %arg10[%dma_start3A_707, %dma_start3A_708] : memref<128x129xf32, #tpu.memory_space<vmem>> -> memref<8x128xf32, #tpu.memory_space<vmem>>
      %dma_start3A_710 = arith.constant 0 : i32
      %dma_start3A_711 = arith.constant 0 : i32
      %dma_start3A_712 = tpu.memref_slice %arg5[%add3A_705, %dma_start3A_706, %add3A, %dma_start3A_710, %dma_start3A_711] : memref<200x8x32x8x128xf32, #tpu.memory_space<hbm>> -> memref<1x1x1x8x128xf32, #tpu.memory_space<hbm>>
      %dma_start3A_713 = tpu.memref_squeeze %dma_start3A_712 : memref<1x1x1x8x128xf32, #tpu.memory_space<hbm>> -> memref<8x128xf32, #tpu.memory_space<hbm>>
      %dma_start3A_714 = arith.constant 0 : i32
      %dma_start3A_715 = arith.constant 0 : i32
      %dma_start3A_716 = tpu.memref_slice %arg5[%add3A_705, %dma_start3A_706, %add3A, %dma_start3A_714, %dma_start3A_715] : memref<200x8x32x8x128xf32, #tpu.memory_space<hbm>> -> memref<1x1x1x8x128xf32, #tpu.memory_space<hbm>>
      %dma_start3A_717 = tpu.memref_squeeze %dma_start3A_716 : memref<1x1x1x8x128xf32, #tpu.memory_space<hbm>> -> memref<8x128xf32, #tpu.memory_space<hbm>>
      %dma_start3A_718 = arith.constant 24 : i32
      %dma_start3A_719 = arith.constant 0 : i32
      %dma_start3A_720 = tpu.memref_slice %arg10[%dma_start3A_718, %dma_start3A_719] : memref<128x129xf32, #tpu.memory_space<vmem>> -> memref<8x128xf32, #tpu.memory_space<vmem>>
      tpu.enqueue_dma source(%dma_start3A_720 : memref<8x128xf32, #tpu.memory_space<vmem>>) target(%dma_start3A_717 : memref<8x128xf32, #tpu.memory_space<hbm>>) target_semaphore(%arg16 : memref<!tpu.dma_semaphore, #tpu.memory_space<semaphore_mem>>)
      %add3A_721 = arith.constant 0 : i32
      %add3A_722 = arith.addi %mul3A_648, %add3A_721 : i32
      %dma_start3A_723 = arith.constant 4 : i32
      %dma_start3A_724 = arith.constant 32 : i32
      %dma_start3A_725 = arith.constant 0 : i32
      %dma_start3A_726 = tpu.memref_slice %arg10[%dma_start3A_724, %dma_start3A_725] : memref<128x129xf32, #tpu.memory_space<vmem>> -> memref<8x128xf32, #tpu.memory_space<vmem>>
      %dma_start3A_727 = arith.constant 0 : i32
      %dma_start3A_728 = arith.constant 0 : i32
      %dma_start3A_729 = tpu.memref_slice %arg5[%add3A_722, %dma_start3A_723, %add3A, %dma_start3A_727, %dma_start3A_728] : memref<200x8x32x8x128xf32, #tpu.memory_space<hbm>> -> memref<1x1x1x8x128xf32, #tpu.memory_space<hbm>>
      %dma_start3A_730 = tpu.memref_squeeze %dma_start3A_729 : memref<1x1x1x8x128xf32, #tpu.memory_space<hbm>> -> memref<8x128xf32, #tpu.memory_space<hbm>>
      %dma_start3A_731 = arith.constant 0 : i32
      %dma_start3A_732 = arith.constant 0 : i32
      %dma_start3A_733 = tpu.memref_slice %arg5[%add3A_722, %dma_start3A_723, %add3A, %dma_start3A_731, %dma_start3A_732] : memref<200x8x32x8x128xf32, #tpu.memory_space<hbm>> -> memref<1x1x1x8x128xf32, #tpu.memory_space<hbm>>
      %dma_start3A_734 = tpu.memref_squeeze %dma_start3A_733 : memref<1x1x1x8x128xf32, #tpu.memory_space<hbm>> -> memref<8x128xf32, #tpu.memory_space<hbm>>
      %dma_start3A_735 = arith.constant 32 : i32
      %dma_start3A_736 = arith.constant 0 : i32
      %dma_start3A_737 = tpu.memref_slice %arg10[%dma_start3A_735, %dma_start3A_736] : memref<128x129xf32, #tpu.memory_space<vmem>> -> memref<8x128xf32, #tpu.memory_space<vmem>>
      tpu.enqueue_dma source(%dma_start3A_737 : memref<8x128xf32, #tpu.memory_space<vmem>>) target(%dma_start3A_734 : memref<8x128xf32, #tpu.memory_space<hbm>>) target_semaphore(%arg16 : memref<!tpu.dma_semaphore, #tpu.memory_space<semaphore_mem>>)
      %add3A_738 = arith.constant 0 : i32
      %add3A_739 = arith.addi %mul3A_648, %add3A_738 : i32
      %dma_start3A_740 = arith.constant 5 : i32
      %dma_start3A_741 = arith.constant 40 : i32
      %dma_start3A_742 = arith.constant 0 : i32
      %dma_start3A_743 = tpu.memref_slice %arg10[%dma_start3A_741, %dma_start3A_742] : memref<128x129xf32, #tpu.memory_space<vmem>> -> memref<8x128xf32, #tpu.memory_space<vmem>>
      %dma_start3A_744 = arith.constant 0 : i32
      %dma_start3A_745 = arith.constant 0 : i32
      %dma_start3A_746 = tpu.memref_slice %arg5[%add3A_739, %dma_start3A_740, %add3A, %dma_start3A_744, %dma_start3A_745] : memref<200x8x32x8x128xf32, #tpu.memory_space<hbm>> -> memref<1x1x1x8x128xf32, #tpu.memory_space<hbm>>
      %dma_start3A_747 = tpu.memref_squeeze %dma_start3A_746 : memref<1x1x1x8x128xf32, #tpu.memory_space<hbm>> -> memref<8x128xf32, #tpu.memory_space<hbm>>
      %dma_start3A_748 = arith.constant 0 : i32
      %dma_start3A_749 = arith.constant 0 : i32
      %dma_start3A_750 = tpu.memref_slice %arg5[%add3A_739, %dma_start3A_740, %add3A, %dma_start3A_748, %dma_start3A_749] : memref<200x8x32x8x128xf32, #tpu.memory_space<hbm>> -> memref<1x1x1x8x128xf32, #tpu.memory_space<hbm>>
      %dma_start3A_751 = tpu.memref_squeeze %dma_start3A_750 : memref<1x1x1x8x128xf32, #tpu.memory_space<hbm>> -> memref<8x128xf32, #tpu.memory_space<hbm>>
      %dma_start3A_752 = arith.constant 40 : i32
      %dma_start3A_753 = arith.constant 0 : i32
      %dma_start3A_754 = tpu.memref_slice %arg10[%dma_start3A_752, %dma_start3A_753] : memref<128x129xf32, #tpu.memory_space<vmem>> -> memref<8x128xf32, #tpu.memory_space<vmem>>
      tpu.enqueue_dma source(%dma_start3A_754 : memref<8x128xf32, #tpu.memory_space<vmem>>) target(%dma_start3A_751 : memref<8x128xf32, #tpu.memory_space<hbm>>) target_semaphore(%arg16 : memref<!tpu.dma_semaphore, #tpu.memory_space<semaphore_mem>>)
      %add3A_755 = arith.constant 0 : i32
      %add3A_756 = arith.addi %mul3A_648, %add3A_755 : i32
      %dma_start3A_757 = arith.constant 6 : i32
      %dma_start3A_758 = arith.constant 48 : i32
      %dma_start3A_759 = arith.constant 0 : i32
      %dma_start3A_760 = tpu.memref_slice %arg10[%dma_start3A_758, %dma_start3A_759] : memref<128x129xf32, #tpu.memory_space<vmem>> -> memref<8x128xf32, #tpu.memory_space<vmem>>
      %dma_start3A_761 = arith.constant 0 : i32
      %dma_start3A_762 = arith.constant 0 : i32
      %dma_start3A_763 = tpu.memref_slice %arg5[%add3A_756, %dma_start3A_757, %add3A, %dma_start3A_761, %dma_start3A_762] : memref<200x8x32x8x128xf32, #tpu.memory_space<hbm>> -> memref<1x1x1x8x128xf32, #tpu.memory_space<hbm>>
      %dma_start3A_764 = tpu.memref_squeeze %dma_start3A_763 : memref<1x1x1x8x128xf32, #tpu.memory_space<hbm>> -> memref<8x128xf32, #tpu.memory_space<hbm>>
      %dma_start3A_765 = arith.constant 0 : i32
      %dma_start3A_766 = arith.constant 0 : i32
      %dma_start3A_767 = tpu.memref_slice %arg5[%add3A_756, %dma_start3A_757, %add3A, %dma_start3A_765, %dma_start3A_766] : memref<200x8x32x8x128xf32, #tpu.memory_space<hbm>> -> memref<1x1x1x8x128xf32, #tpu.memory_space<hbm>>
      %dma_start3A_768 = tpu.memref_squeeze %dma_start3A_767 : memref<1x1x1x8x128xf32, #tpu.memory_space<hbm>> -> memref<8x128xf32, #tpu.memory_space<hbm>>
      %dma_start3A_769 = arith.constant 48 : i32
      %dma_start3A_770 = arith.constant 0 : i32
      %dma_start3A_771 = tpu.memref_slice %arg10[%dma_start3A_769, %dma_start3A_770] : memref<128x129xf32, #tpu.memory_space<vmem>> -> memref<8x128xf32, #tpu.memory_space<vmem>>
      tpu.enqueue_dma source(%dma_start3A_771 : memref<8x128xf32, #tpu.memory_space<vmem>>) target(%dma_start3A_768 : memref<8x128xf32, #tpu.memory_space<hbm>>) target_semaphore(%arg16 : memref<!tpu.dma_semaphore, #tpu.memory_space<semaphore_mem>>)
      %add3A_772 = arith.constant 0 : i32
      %add3A_773 = arith.addi %mul3A_648, %add3A_772 : i32
      %dma_start3A_774 = arith.constant 7 : i32
      %dma_start3A_775 = arith.constant 56 : i32
      %dma_start3A_776 = arith.constant 0 : i32
      %dma_start3A_777 = tpu.memref_slice %arg10[%dma_start3A_775, %dma_start3A_776] : memref<128x129xf32, #tpu.memory_space<vmem>> -> memref<8x128xf32, #tpu.memory_space<vmem>>
      %dma_start3A_778 = arith.constant 0 : i32
      %dma_start3A_779 = arith.constant 0 : i32
      %dma_start3A_780 = tpu.memref_slice %arg5[%add3A_773, %dma_start3A_774, %add3A, %dma_start3A_778, %dma_start3A_779] : memref<200x8x32x8x128xf32, #tpu.memory_space<hbm>> -> memref<1x1x1x8x128xf32, #tpu.memory_space<hbm>>
      %dma_start3A_781 = tpu.memref_squeeze %dma_start3A_780 : memref<1x1x1x8x128xf32, #tpu.memory_space<hbm>> -> memref<8x128xf32, #tpu.memory_space<hbm>>
      %dma_start3A_782 = arith.constant 0 : i32
      %dma_start3A_783 = arith.constant 0 : i32
      %dma_start3A_784 = tpu.memref_slice %arg5[%add3A_773, %dma_start3A_774, %add3A, %dma_start3A_782, %dma_start3A_783] : memref<200x8x32x8x128xf32, #tpu.memory_space<hbm>> -> memref<1x1x1x8x128xf32, #tpu.memory_space<hbm>>
      %dma_start3A_785 = tpu.memref_squeeze %dma_start3A_784 : memref<1x1x1x8x128xf32, #tpu.memory_space<hbm>> -> memref<8x128xf32, #tpu.memory_space<hbm>>
      %dma_start3A_786 = arith.constant 56 : i32
      %dma_start3A_787 = arith.constant 0 : i32
      %dma_start3A_788 = tpu.memref_slice %arg10[%dma_start3A_786, %dma_start3A_787] : memref<128x129xf32, #tpu.memory_space<vmem>> -> memref<8x128xf32, #tpu.memory_space<vmem>>
      tpu.enqueue_dma source(%dma_start3A_788 : memref<8x128xf32, #tpu.memory_space<vmem>>) target(%dma_start3A_785 : memref<8x128xf32, #tpu.memory_space<hbm>>) target_semaphore(%arg16 : memref<!tpu.dma_semaphore, #tpu.memory_space<semaphore_mem>>)
      %add3A_789 = arith.constant 2 : i32
      %add3A_790 = arith.addi %add3A_597, %add3A_789 : i32
      %lt3A = arith.constant 100 : i32
      %lt3A_791 = arith.cmpi slt, %add3A_790, %lt3A : i32
      %convert_element_type3A_792 = arith.extui %lt3A_791 : i1 to i32
      %cond3A_793 = arith.constant 0 : i32
      %cond3A_794 = arith.cmpi ne, %convert_element_type3A_792, %cond3A_793 : i32
      scf.if %cond3A_794 {
        %add3A_1404 = arith.constant 2 : i32
        %add3A_1405 = arith.addi %add3A_597, %add3A_1404 : i32
        %dma_start3A_1406 = arith.constant 0 : i32
        %dma_start3A_1407 = arith.constant 0 : i32
        %dma_start3A_1408 = arith.constant 0 : i32
        %dma_start3A_1409 = tpu.memref_slice %arg8[%dma_start3A_1407, %dma_start3A_1408] : memref<256x64xf32, #tpu.memory_space<vmem>> -> memref<128x64xf32, #tpu.memory_space<vmem>>
        %dma_start3A_1410 = arith.constant 0 : i32
        %dma_start3A_1411 = tpu.memref_slice %arg6[%add3A_1405, %dma_start3A_1406, %dma_start3A_1410] : memref<100x2x128xi32, #tpu.memory_space<vmem>> -> memref<1x1x128xi32, #tpu.memory_space<vmem>>
        %dma_start3A_1412 = tpu.memref_squeeze %dma_start3A_1411 : memref<1x1x128xi32, #tpu.memory_space<vmem>> -> memref<128xi32, #tpu.memory_space<vmem>>
        %dma_start3A_1413 = arith.constant 0 : i32
        %dma_start3A_1414 = arith.constant 0 : i32
        %dma_start3A_1415 = tpu.memref_slice %arg3[%dma_start3A_1413, %dma_start3A_1414] : memref<100000x64xf32, #tpu.memory_space<hbm>> -> memref<100000x64xf32, #tpu.memory_space<hbm>>
        tpu.enqueue_indirect_dma source(%dma_start3A_1415 : memref<100000x64xf32, #tpu.memory_space<hbm>>) target(%dma_start3A_1409 : memref<128x64xf32, #tpu.memory_space<vmem>>) offsets(%dma_start3A_1412 : memref<128xi32, #tpu.memory_space<vmem>>) semaphore(%arg12 : memref<!tpu.dma_semaphore, #tpu.memory_space<semaphore_mem>>)
      } else {
      }
      %dma_wait3A_795 = arith.constant 0 : i32
      %dma_wait3A_796 = arith.constant 1 : i32
      %dma_wait3A_797 = arith.constant 128 : i32
      %dma_wait3A_798 = arith.constant 0 : i32
      %dma_wait3A_799 = tpu.memref_slice %arg8[%dma_wait3A_797, %dma_wait3A_798] : memref<256x64xf32, #tpu.memory_space<vmem>> -> memref<128x64xf32, #tpu.memory_space<vmem>>
      %dma_wait3A_800 = arith.constant 0 : i32
      %dma_wait3A_801 = tpu.memref_slice %arg6[%dma_wait3A_795, %dma_wait3A_796, %dma_wait3A_800] : memref<100x2x128xi32, #tpu.memory_space<vmem>> -> memref<1x1x128xi32, #tpu.memory_space<vmem>>
      %dma_wait3A_802 = tpu.memref_squeeze %dma_wait3A_801 : memref<1x1x128xi32, #tpu.memory_space<vmem>> -> memref<128xi32, #tpu.memory_space<vmem>>
      %dma_wait3A_803 = arith.constant 0 : i32
      %dma_wait3A_804 = arith.constant 0 : i32
      %dma_wait3A_805 = tpu.memref_slice %arg3[%dma_wait3A_803, %dma_wait3A_804] : memref<100000x64xf32, #tpu.memory_space<hbm>> -> memref<100000x64xf32, #tpu.memory_space<hbm>>
      tpu.wait_indirect_dma semaphore(%arg13 : memref<!tpu.dma_semaphore, #tpu.memory_space<semaphore_mem>>) src(%dma_wait3A_805 : memref<100000x64xf32, #tpu.memory_space<hbm>>) dst(%dma_wait3A_799 : memref<128x64xf32, #tpu.memory_space<vmem>>)
      %div3A_806 = arith.constant 1 : i32
      %div3A_807 = arith.divsi %add3A_597, %div3A_806 : i32
      %mul3A_808 = arith.constant 2 : i32
      %mul3A_809 = arith.muli %div3A_807, %mul3A_808 : i32
      %rem3A_810 = arith.constant 1 : i32
      %rem3A_811 = arith.remsi %add3A_597, %rem3A_810 : i32
      %mul3A_812 = arith.constant 128 : i32
      %mul3A_813 = arith.muli %rem3A_811, %mul3A_812 : i32
      %add3A_814 = arith.constant 1 : i32
      %add3A_815 = arith.addi %mul3A_809, %add3A_814 : i32
      %get3A_816 = arith.index_cast %add3A_815 : i32 to index
      %get3A_817 = arith.constant 0 : index
      %get3A_818 = tpu.vector_load %arg7[%get3A_816, %get3A_817] {strides = array<i32>} : memref<200x64xf32, #tpu.memory_space<vmem>>, vector<16xf32>,
      %add3A_819 = arith.constant 1 : i32
      %add3A_820 = arith.addi %mul3A_809, %add3A_819 : i32
      %get3A_821 = arith.index_cast %add3A_820 : i32 to index
      %get3A_822 = arith.constant 16 : index
      %get3A_823 = tpu.vector_load %arg7[%get3A_821, %get3A_822] {strides = array<i32>} : memref<200x64xf32, #tpu.memory_space<vmem>>, vector<16xf32>,
      %add3A_824 = arith.constant 1 : i32
      %add3A_825 = arith.addi %mul3A_809, %add3A_824 : i32
      %get3A_826 = arith.index_cast %add3A_825 : i32 to index
      %get3A_827 = arith.constant 32 : index
      %get3A_828 = tpu.vector_load %arg7[%get3A_826, %get3A_827] {strides = array<i32>} : memref<200x64xf32, #tpu.memory_space<vmem>>, vector<16xf32>,
      %add3A_829 = arith.constant 1 : i32
      %add3A_830 = arith.addi %mul3A_809, %add3A_829 : i32
      %get3A_831 = arith.index_cast %add3A_830 : i32 to index
      %get3A_832 = arith.constant 48 : index
      %get3A_833 = tpu.vector_load %arg7[%get3A_831, %get3A_832] {strides = array<i32>} : memref<200x64xf32, #tpu.memory_space<vmem>>, vector<16xf32>,
      %broadcast_in_dim3A_834 = arith.constant 0 : i32
      %broadcast_in_dim3A_835 = vector.broadcast %broadcast_in_dim3A_834 : i32 to vector<16xi32>
      %broadcast_in_dim3A_836 = arith.constant 1 : i32
      %broadcast_in_dim3A_837 = vector.broadcast %broadcast_in_dim3A_836 : i32 to vector<16xi32>
      %scan3A_838 = arith.constant 0 : i32
      %scan3A_839 = arith.constant 64 : i32
      %scan3A_840 = arith.addi %scan3A_838, %scan3A_839 : i32
      %scan3A_841 = arith.constant 2 : i32
      %scan3A_842:2 = scf.for %scan3A_1404 = %scan3A_838 to %scan3A_840 step %scan3A_841 iter_args(%scan3A_1405 = %broadcast_in_dim3A_835, %scan3A_1406 = %broadcast_in_dim3A_837) -> (vector<16xi32>, vector<16xi32>)  : i32 {
        %mul3A_1407 = arith.constant 2 : i32
        %mul3A_1408 = arith.muli %mul3A_1407, %scan3A_1404 : i32
        %add3A_1409 = arith.constant 128 : i32
        %add3A_1410 = arith.addi %add3A_1409, %mul3A_1408 : i32
        %add3A_1411 = arith.constant 0 : i32
        %add3A_1412 = arith.addi %add3A_1410, %add3A_1411 : i32
        %get3A_1413 = arith.index_cast %add3A_1412 : i32 to index
        %get3A_1414 = arith.constant 0 : index
        %get3A_1415 = tpu.vector_load %arg8[%get3A_1413, %get3A_1414] {strides = array<i32>} : memref<256x64xf32, #tpu.memory_space<vmem>>, vector<16xf32>,
        %add3A_1416 = arith.addf %get3A_1415, %get3A_818 : vector<16xf32>
        %add3A_1417 = arith.constant 0 : i32
        %add3A_1418 = arith.addi %add3A_1410, %add3A_1417 : i32
        %get3A_1419 = arith.index_cast %add3A_1418 : i32 to index
        %get3A_1420 = arith.constant 16 : index
        %get3A_1421 = tpu.vector_load %arg8[%get3A_1419, %get3A_1420] {strides = array<i32>} : memref<256x64xf32, #tpu.memory_space<vmem>>, vector<16xf32>,
        %add3A_1422 = arith.addf %get3A_1421, %get3A_823 : vector<16xf32>
        %add3A_1423 = arith.constant 0 : i32
        %add3A_1424 = arith.addi %add3A_1410, %add3A_1423 : i32
        %get3A_1425 = arith.index_cast %add3A_1424 : i32 to index
        %get3A_1426 = arith.constant 32 : index
        %get3A_1427 = tpu.vector_load %arg8[%get3A_1425, %get3A_1426] {strides = array<i32>} : memref<256x64xf32, #tpu.memory_space<vmem>>, vector<16xf32>,
        %add3A_1428 = arith.addf %get3A_1427, %get3A_828 : vector<16xf32>
        %add3A_1429 = arith.constant 0 : i32
        %add3A_1430 = arith.addi %add3A_1410, %add3A_1429 : i32
        %get3A_1431 = arith.index_cast %add3A_1430 : i32 to index
        %get3A_1432 = arith.constant 48 : index
        %get3A_1433 = tpu.vector_load %arg8[%get3A_1431, %get3A_1432] {strides = array<i32>} : memref<256x64xf32, #tpu.memory_space<vmem>>, vector<16xf32>,
        %add3A_1434 = arith.addf %get3A_1433, %get3A_833 : vector<16xf32>
        tpu.vector_store_idx %arg10[%add3A_21, %scan3A_1405], %add3A_1416 : memref<128x129xf32, #tpu.memory_space<vmem>>[vector<16xi32>, vector<16xi32>], vector<16xf32>,
        tpu.vector_store_idx %arg10[%add3A_25, %scan3A_1405], %add3A_1422 : memref<128x129xf32, #tpu.memory_space<vmem>>[vector<16xi32>, vector<16xi32>], vector<16xf32>,
        tpu.vector_store_idx %arg10[%add3A_29, %scan3A_1405], %add3A_1428 : memref<128x129xf32, #tpu.memory_space<vmem>>[vector<16xi32>, vector<16xi32>], vector<16xf32>,
        tpu.vector_store_idx %arg10[%add3A_33, %scan3A_1405], %add3A_1434 : memref<128x129xf32, #tpu.memory_space<vmem>>[vector<16xi32>, vector<16xi32>], vector<16xf32>,
        %add3A_1435 = arith.constant 1 : i32
        %add3A_1436 = arith.addi %add3A_1410, %add3A_1435 : i32
        %get3A_1437 = arith.index_cast %add3A_1436 : i32 to index
        %get3A_1438 = arith.constant 0 : index
        %get3A_1439 = tpu.vector_load %arg8[%get3A_1437, %get3A_1438] {strides = array<i32>} : memref<256x64xf32, #tpu.memory_space<vmem>>, vector<16xf32>,
        %add3A_1440 = arith.addf %get3A_1439, %get3A_818 : vector<16xf32>
        %add3A_1441 = arith.constant 1 : i32
        %add3A_1442 = arith.addi %add3A_1410, %add3A_1441 : i32
        %get3A_1443 = arith.index_cast %add3A_1442 : i32 to index
        %get3A_1444 = arith.constant 16 : index
        %get3A_1445 = tpu.vector_load %arg8[%get3A_1443, %get3A_1444] {strides = array<i32>} : memref<256x64xf32, #tpu.memory_space<vmem>>, vector<16xf32>,
        %add3A_1446 = arith.addf %get3A_1445, %get3A_823 : vector<16xf32>
        %add3A_1447 = arith.constant 1 : i32
        %add3A_1448 = arith.addi %add3A_1410, %add3A_1447 : i32
        %get3A_1449 = arith.index_cast %add3A_1448 : i32 to index
        %get3A_1450 = arith.constant 32 : index
        %get3A_1451 = tpu.vector_load %arg8[%get3A_1449, %get3A_1450] {strides = array<i32>} : memref<256x64xf32, #tpu.memory_space<vmem>>, vector<16xf32>,
        %add3A_1452 = arith.addf %get3A_1451, %get3A_828 : vector<16xf32>
        %add3A_1453 = arith.constant 1 : i32
        %add3A_1454 = arith.addi %add3A_1410, %add3A_1453 : i32
        %get3A_1455 = arith.index_cast %add3A_1454 : i32 to index
        %get3A_1456 = arith.constant 48 : index
        %get3A_1457 = tpu.vector_load %arg8[%get3A_1455, %get3A_1456] {strides = array<i32>} : memref<256x64xf32, #tpu.memory_space<vmem>>, vector<16xf32>,
        %add3A_1458 = arith.addf %get3A_1457, %get3A_833 : vector<16xf32>
        tpu.vector_store_idx %arg10[%add3A_21, %scan3A_1406], %add3A_1440 : memref<128x129xf32, #tpu.memory_space<vmem>>[vector<16xi32>, vector<16xi32>], vector<16xf32>,
        tpu.vector_store_idx %arg10[%add3A_25, %scan3A_1406], %add3A_1446 : memref<128x129xf32, #tpu.memory_space<vmem>>[vector<16xi32>, vector<16xi32>], vector<16xf32>,
        tpu.vector_store_idx %arg10[%add3A_29, %scan3A_1406], %add3A_1452 : memref<128x129xf32, #tpu.memory_space<vmem>>[vector<16xi32>, vector<16xi32>], vector<16xf32>,
        tpu.vector_store_idx %arg10[%add3A_33, %scan3A_1406], %add3A_1458 : memref<128x129xf32, #tpu.memory_space<vmem>>[vector<16xi32>, vector<16xi32>], vector<16xf32>,
        %add3A_1459 = arith.constant 2 : i32
        %add3A_1460 = vector.broadcast %add3A_1459 : i32 to vector<16xi32>
        %add3A_1461 = arith.addi %scan3A_1405, %add3A_1460 : vector<16xi32>
        %add3A_1462 = arith.constant 2 : i32
        %add3A_1463 = vector.broadcast %add3A_1462 : i32 to vector<16xi32>
        %add3A_1464 = arith.addi %scan3A_1406, %add3A_1463 : vector<16xi32>
        %scan3A_1465 = arith.constant 1 : i32
        %scan3A_1466 = arith.addi %scan3A_1404, %scan3A_1465 : i32
        %mul3A_1467 = arith.constant 2 : i32
        %mul3A_1468 = arith.muli %mul3A_1467, %scan3A_1466 : i32
        %add3A_1469 = arith.constant 128 : i32
        %add3A_1470 = arith.addi %add3A_1469, %mul3A_1468 : i32
        %add3A_1471 = arith.constant 0 : i32
        %add3A_1472 = arith.addi %add3A_1470, %add3A_1471 : i32
        %get3A_1473 = arith.index_cast %add3A_1472 : i32 to index
        %get3A_1474 = arith.constant 0 : index
        %get3A_1475 = tpu.vector_load %arg8[%get3A_1473, %get3A_1474] {strides = array<i32>} : memref<256x64xf32, #tpu.memory_space<vmem>>, vector<16xf32>,
        %add3A_1476 = arith.addf %get3A_1475, %get3A_818 : vector<16xf32>
        %add3A_1477 = arith.constant 0 : i32
        %add3A_1478 = arith.addi %add3A_1470, %add3A_1477 : i32
        %get3A_1479 = arith.index_cast %add3A_1478 : i32 to index
        %get3A_1480 = arith.constant 16 : index
        %get3A_1481 = tpu.vector_load %arg8[%get3A_1479, %get3A_1480] {strides = array<i32>} : memref<256x64xf32, #tpu.memory_space<vmem>>, vector<16xf32>,
        %add3A_1482 = arith.addf %get3A_1481, %get3A_823 : vector<16xf32>
        %add3A_1483 = arith.constant 0 : i32
        %add3A_1484 = arith.addi %add3A_1470, %add3A_1483 : i32
        %get3A_1485 = arith.index_cast %add3A_1484 : i32 to index
        %get3A_1486 = arith.constant 32 : index
        %get3A_1487 = tpu.vector_load %arg8[%get3A_1485, %get3A_1486] {strides = array<i32>} : memref<256x64xf32, #tpu.memory_space<vmem>>, vector<16xf32>,
        %add3A_1488 = arith.addf %get3A_1487, %get3A_828 : vector<16xf32>
        %add3A_1489 = arith.constant 0 : i32
        %add3A_1490 = arith.addi %add3A_1470, %add3A_1489 : i32
        %get3A_1491 = arith.index_cast %add3A_1490 : i32 to index
        %get3A_1492 = arith.constant 48 : index
        %get3A_1493 = tpu.vector_load %arg8[%get3A_1491, %get3A_1492] {strides = array<i32>} : memref<256x64xf32, #tpu.memory_space<vmem>>, vector<16xf32>,
        %add3A_1494 = arith.addf %get3A_1493, %get3A_833 : vector<16xf32>
        tpu.vector_store_idx %arg10[%add3A_21, %add3A_1461], %add3A_1476 : memref<128x129xf32, #tpu.memory_space<vmem>>[vector<16xi32>, vector<16xi32>], vector<16xf32>,
        tpu.vector_store_idx %arg10[%add3A_25, %add3A_1461], %add3A_1482 : memref<128x129xf32, #tpu.memory_space<vmem>>[vector<16xi32>, vector<16xi32>], vector<16xf32>,
        tpu.vector_store_idx %arg10[%add3A_29, %add3A_1461], %add3A_1488 : memref<128x129xf32, #tpu.memory_space<vmem>>[vector<16xi32>, vector<16xi32>], vector<16xf32>,
        tpu.vector_store_idx %arg10[%add3A_33, %add3A_1461], %add3A_1494 : memref<128x129xf32, #tpu.memory_space<vmem>>[vector<16xi32>, vector<16xi32>], vector<16xf32>,
        %add3A_1495 = arith.constant 1 : i32
        %add3A_1496 = arith.addi %add3A_1470, %add3A_1495 : i32
        %get3A_1497 = arith.index_cast %add3A_1496 : i32 to index
        %get3A_1498 = arith.constant 0 : index
        %get3A_1499 = tpu.vector_load %arg8[%get3A_1497, %get3A_1498] {strides = array<i32>} : memref<256x64xf32, #tpu.memory_space<vmem>>, vector<16xf32>,
        %add3A_1500 = arith.addf %get3A_1499, %get3A_818 : vector<16xf32>
        %add3A_1501 = arith.constant 1 : i32
        %add3A_1502 = arith.addi %add3A_1470, %add3A_1501 : i32
        %get3A_1503 = arith.index_cast %add3A_1502 : i32 to index
        %get3A_1504 = arith.constant 16 : index
        %get3A_1505 = tpu.vector_load %arg8[%get3A_1503, %get3A_1504] {strides = array<i32>} : memref<256x64xf32, #tpu.memory_space<vmem>>, vector<16xf32>,
        %add3A_1506 = arith.addf %get3A_1505, %get3A_823 : vector<16xf32>
        %add3A_1507 = arith.constant 1 : i32
        %add3A_1508 = arith.addi %add3A_1470, %add3A_1507 : i32
        %get3A_1509 = arith.index_cast %add3A_1508 : i32 to index
        %get3A_1510 = arith.constant 32 : index
        %get3A_1511 = tpu.vector_load %arg8[%get3A_1509, %get3A_1510] {strides = array<i32>} : memref<256x64xf32, #tpu.memory_space<vmem>>, vector<16xf32>,
        %add3A_1512 = arith.addf %get3A_1511, %get3A_828 : vector<16xf32>
        %add3A_1513 = arith.constant 1 : i32
        %add3A_1514 = arith.addi %add3A_1470, %add3A_1513 : i32
        %get3A_1515 = arith.index_cast %add3A_1514 : i32 to index
        %get3A_1516 = arith.constant 48 : index
        %get3A_1517 = tpu.vector_load %arg8[%get3A_1515, %get3A_1516] {strides = array<i32>} : memref<256x64xf32, #tpu.memory_space<vmem>>, vector<16xf32>,
        %add3A_1518 = arith.addf %get3A_1517, %get3A_833 : vector<16xf32>
        tpu.vector_store_idx %arg10[%add3A_21, %add3A_1464], %add3A_1500 : memref<128x129xf32, #tpu.memory_space<vmem>>[vector<16xi32>, vector<16xi32>], vector<16xf32>,
        tpu.vector_store_idx %arg10[%add3A_25, %add3A_1464], %add3A_1506 : memref<128x129xf32, #tpu.memory_space<vmem>>[vector<16xi32>, vector<16xi32>], vector<16xf32>,
        tpu.vector_store_idx %arg10[%add3A_29, %add3A_1464], %add3A_1512 : memref<128x129xf32, #tpu.memory_space<vmem>>[vector<16xi32>, vector<16xi32>], vector<16xf32>,
        tpu.vector_store_idx %arg10[%add3A_33, %add3A_1464], %add3A_1518 : memref<128x129xf32, #tpu.memory_space<vmem>>[vector<16xi32>, vector<16xi32>], vector<16xf32>,
        %add3A_1519 = arith.constant 2 : i32
        %add3A_1520 = vector.broadcast %add3A_1519 : i32 to vector<16xi32>
        %add3A_1521 = arith.addi %add3A_1461, %add3A_1520 : vector<16xi32>
        %add3A_1522 = arith.constant 2 : i32
        %add3A_1523 = vector.broadcast %add3A_1522 : i32 to vector<16xi32>
        %add3A_1524 = arith.addi %add3A_1464, %add3A_1523 : vector<16xi32>
        scf.yield %add3A_1521, %add3A_1524 : vector<16xi32>, vector<16xi32>
      }
      %scan3A_843 = arith.constant 64 : i32
      %div3A_844 = arith.constant 1 : i32
      %div3A_845 = arith.divsi %add3A_597, %div3A_844 : i32
      %mul3A_846 = arith.constant 2 : i32
      %mul3A_847 = arith.muli %div3A_845, %mul3A_846 : i32
      %rem3A_848 = arith.constant 1 : i32
      %rem3A_849 = arith.remsi %add3A_597, %rem3A_848 : i32
      %mul3A_850 = arith.constant 128 : i32
      %mul3A_851 = arith.muli %rem3A_849, %mul3A_850 : i32
      %add3A_852 = arith.constant 1 : i32
      %add3A_853 = arith.addi %mul3A_847, %add3A_852 : i32
      %dma_start3A_854 = arith.constant 0 : i32
      %dma_start3A_855 = arith.constant 64 : i32
      %dma_start3A_856 = arith.constant 0 : i32
      %dma_start3A_857 = tpu.memref_slice %arg10[%dma_start3A_855, %dma_start3A_856] : memref<128x129xf32, #tpu.memory_space<vmem>> -> memref<8x128xf32, #tpu.memory_space<vmem>>
      %dma_start3A_858 = arith.constant 0 : i32
      %dma_start3A_859 = arith.constant 0 : i32
      %dma_start3A_860 = tpu.memref_slice %arg5[%add3A_853, %dma_start3A_854, %add3A, %dma_start3A_858, %dma_start3A_859] : memref<200x8x32x8x128xf32, #tpu.memory_space<hbm>> -> memref<1x1x1x8x128xf32, #tpu.memory_space<hbm>>
      %dma_start3A_861 = tpu.memref_squeeze %dma_start3A_860 : memref<1x1x1x8x128xf32, #tpu.memory_space<hbm>> -> memref<8x128xf32, #tpu.memory_space<hbm>>
      %dma_start3A_862 = arith.constant 0 : i32
      %dma_start3A_863 = arith.constant 0 : i32
      %dma_start3A_864 = tpu.memref_slice %arg5[%add3A_853, %dma_start3A_854, %add3A, %dma_start3A_862, %dma_start3A_863] : memref<200x8x32x8x128xf32, #tpu.memory_space<hbm>> -> memref<1x1x1x8x128xf32, #tpu.memory_space<hbm>>
      %dma_start3A_865 = tpu.memref_squeeze %dma_start3A_864 : memref<1x1x1x8x128xf32, #tpu.memory_space<hbm>> -> memref<8x128xf32, #tpu.memory_space<hbm>>
      %dma_start3A_866 = arith.constant 64 : i32
      %dma_start3A_867 = arith.constant 0 : i32
      %dma_start3A_868 = tpu.memref_slice %arg10[%dma_start3A_866, %dma_start3A_867] : memref<128x129xf32, #tpu.memory_space<vmem>> -> memref<8x128xf32, #tpu.memory_space<vmem>>
      tpu.enqueue_dma source(%dma_start3A_868 : memref<8x128xf32, #tpu.memory_space<vmem>>) target(%dma_start3A_865 : memref<8x128xf32, #tpu.memory_space<hbm>>) target_semaphore(%arg16 : memref<!tpu.dma_semaphore, #tpu.memory_space<semaphore_mem>>)
      %add3A_869 = arith.constant 1 : i32
      %add3A_870 = arith.addi %mul3A_847, %add3A_869 : i32
      %dma_start3A_871 = arith.constant 1 : i32
      %dma_start3A_872 = arith.constant 72 : i32
      %dma_start3A_873 = arith.constant 0 : i32
      %dma_start3A_874 = tpu.memref_slice %arg10[%dma_start3A_872, %dma_start3A_873] : memref<128x129xf32, #tpu.memory_space<vmem>> -> memref<8x128xf32, #tpu.memory_space<vmem>>
      %dma_start3A_875 = arith.constant 0 : i32
      %dma_start3A_876 = arith.constant 0 : i32
      %dma_start3A_877 = tpu.memref_slice %arg5[%add3A_870, %dma_start3A_871, %add3A, %dma_start3A_875, %dma_start3A_876] : memref<200x8x32x8x128xf32, #tpu.memory_space<hbm>> -> memref<1x1x1x8x128xf32, #tpu.memory_space<hbm>>
      %dma_start3A_878 = tpu.memref_squeeze %dma_start3A_877 : memref<1x1x1x8x128xf32, #tpu.memory_space<hbm>> -> memref<8x128xf32, #tpu.memory_space<hbm>>
      %dma_start3A_879 = arith.constant 0 : i32
      %dma_start3A_880 = arith.constant 0 : i32
      %dma_start3A_881 = tpu.memref_slice %arg5[%add3A_870, %dma_start3A_871, %add3A, %dma_start3A_879, %dma_start3A_880] : memref<200x8x32x8x128xf32, #tpu.memory_space<hbm>> -> memref<1x1x1x8x128xf32, #tpu.memory_space<hbm>>
      %dma_start3A_882 = tpu.memref_squeeze %dma_start3A_881 : memref<1x1x1x8x128xf32, #tpu.memory_space<hbm>> -> memref<8x128xf32, #tpu.memory_space<hbm>>
      %dma_start3A_883 = arith.constant 72 : i32
      %dma_start3A_884 = arith.constant 0 : i32
      %dma_start3A_885 = tpu.memref_slice %arg10[%dma_start3A_883, %dma_start3A_884] : memref<128x129xf32, #tpu.memory_space<vmem>> -> memref<8x128xf32, #tpu.memory_space<vmem>>
      tpu.enqueue_dma source(%dma_start3A_885 : memref<8x128xf32, #tpu.memory_space<vmem>>) target(%dma_start3A_882 : memref<8x128xf32, #tpu.memory_space<hbm>>) target_semaphore(%arg16 : memref<!tpu.dma_semaphore, #tpu.memory_space<semaphore_mem>>)
      %add3A_886 = arith.constant 1 : i32
      %add3A_887 = arith.addi %mul3A_847, %add3A_886 : i32
      %dma_start3A_888 = arith.constant 2 : i32
      %dma_start3A_889 = arith.constant 80 : i32
      %dma_start3A_890 = arith.constant 0 : i32
      %dma_start3A_891 = tpu.memref_slice %arg10[%dma_start3A_889, %dma_start3A_890] : memref<128x129xf32, #tpu.memory_space<vmem>> -> memref<8x128xf32, #tpu.memory_space<vmem>>
      %dma_start3A_892 = arith.constant 0 : i32
      %dma_start3A_893 = arith.constant 0 : i32
      %dma_start3A_894 = tpu.memref_slice %arg5[%add3A_887, %dma_start3A_888, %add3A, %dma_start3A_892, %dma_start3A_893] : memref<200x8x32x8x128xf32, #tpu.memory_space<hbm>> -> memref<1x1x1x8x128xf32, #tpu.memory_space<hbm>>
      %dma_start3A_895 = tpu.memref_squeeze %dma_start3A_894 : memref<1x1x1x8x128xf32, #tpu.memory_space<hbm>> -> memref<8x128xf32, #tpu.memory_space<hbm>>
      %dma_start3A_896 = arith.constant 0 : i32
      %dma_start3A_897 = arith.constant 0 : i32
      %dma_start3A_898 = tpu.memref_slice %arg5[%add3A_887, %dma_start3A_888, %add3A, %dma_start3A_896, %dma_start3A_897] : memref<200x8x32x8x128xf32, #tpu.memory_space<hbm>> -> memref<1x1x1x8x128xf32, #tpu.memory_space<hbm>>
      %dma_start3A_899 = tpu.memref_squeeze %dma_start3A_898 : memref<1x1x1x8x128xf32, #tpu.memory_space<hbm>> -> memref<8x128xf32, #tpu.memory_space<hbm>>
      %dma_start3A_900 = arith.constant 80 : i32
      %dma_start3A_901 = arith.constant 0 : i32
      %dma_start3A_902 = tpu.memref_slice %arg10[%dma_start3A_900, %dma_start3A_901] : memref<128x129xf32, #tpu.memory_space<vmem>> -> memref<8x128xf32, #tpu.memory_space<vmem>>
      tpu.enqueue_dma source(%dma_start3A_902 : memref<8x128xf32, #tpu.memory_space<vmem>>) target(%dma_start3A_899 : memref<8x128xf32, #tpu.memory_space<hbm>>) target_semaphore(%arg16 : memref<!tpu.dma_semaphore, #tpu.memory_space<semaphore_mem>>)
      %add3A_903 = arith.constant 1 : i32
      %add3A_904 = arith.addi %mul3A_847, %add3A_903 : i32
      %dma_start3A_905 = arith.constant 3 : i32
      %dma_start3A_906 = arith.constant 88 : i32
      %dma_start3A_907 = arith.constant 0 : i32
      %dma_start3A_908 = tpu.memref_slice %arg10[%dma_start3A_906, %dma_start3A_907] : memref<128x129xf32, #tpu.memory_space<vmem>> -> memref<8x128xf32, #tpu.memory_space<vmem>>
      %dma_start3A_909 = arith.constant 0 : i32
      %dma_start3A_910 = arith.constant 0 : i32
      %dma_start3A_911 = tpu.memref_slice %arg5[%add3A_904, %dma_start3A_905, %add3A, %dma_start3A_909, %dma_start3A_910] : memref<200x8x32x8x128xf32, #tpu.memory_space<hbm>> -> memref<1x1x1x8x128xf32, #tpu.memory_space<hbm>>
      %dma_start3A_912 = tpu.memref_squeeze %dma_start3A_911 : memref<1x1x1x8x128xf32, #tpu.memory_space<hbm>> -> memref<8x128xf32, #tpu.memory_space<hbm>>
      %dma_start3A_913 = arith.constant 0 : i32
      %dma_start3A_914 = arith.constant 0 : i32
      %dma_start3A_915 = tpu.memref_slice %arg5[%add3A_904, %dma_start3A_905, %add3A, %dma_start3A_913, %dma_start3A_914] : memref<200x8x32x8x128xf32, #tpu.memory_space<hbm>> -> memref<1x1x1x8x128xf32, #tpu.memory_space<hbm>>
      %dma_start3A_916 = tpu.memref_squeeze %dma_start3A_915 : memref<1x1x1x8x128xf32, #tpu.memory_space<hbm>> -> memref<8x128xf32, #tpu.memory_space<hbm>>
      %dma_start3A_917 = arith.constant 88 : i32
      %dma_start3A_918 = arith.constant 0 : i32
      %dma_start3A_919 = tpu.memref_slice %arg10[%dma_start3A_917, %dma_start3A_918] : memref<128x129xf32, #tpu.memory_space<vmem>> -> memref<8x128xf32, #tpu.memory_space<vmem>>
      tpu.enqueue_dma source(%dma_start3A_919 : memref<8x128xf32, #tpu.memory_space<vmem>>) target(%dma_start3A_916 : memref<8x128xf32, #tpu.memory_space<hbm>>) target_semaphore(%arg16 : memref<!tpu.dma_semaphore, #tpu.memory_space<semaphore_mem>>)
      %add3A_920 = arith.constant 1 : i32
      %add3A_921 = arith.addi %mul3A_847, %add3A_920 : i32
      %dma_start3A_922 = arith.constant 4 : i32
      %dma_start3A_923 = arith.constant 96 : i32
      %dma_start3A_924 = arith.constant 0 : i32
      %dma_start3A_925 = tpu.memref_slice %arg10[%dma_start3A_923, %dma_start3A_924] : memref<128x129xf32, #tpu.memory_space<vmem>> -> memref<8x128xf32, #tpu.memory_space<vmem>>
      %dma_start3A_926 = arith.constant 0 : i32
      %dma_start3A_927 = arith.constant 0 : i32
      %dma_start3A_928 = tpu.memref_slice %arg5[%add3A_921, %dma_start3A_922, %add3A, %dma_start3A_926, %dma_start3A_927] : memref<200x8x32x8x128xf32, #tpu.memory_space<hbm>> -> memref<1x1x1x8x128xf32, #tpu.memory_space<hbm>>
      %dma_start3A_929 = tpu.memref_squeeze %dma_start3A_928 : memref<1x1x1x8x128xf32, #tpu.memory_space<hbm>> -> memref<8x128xf32, #tpu.memory_space<hbm>>
      %dma_start3A_930 = arith.constant 0 : i32
      %dma_start3A_931 = arith.constant 0 : i32
      %dma_start3A_932 = tpu.memref_slice %arg5[%add3A_921, %dma_start3A_922, %add3A, %dma_start3A_930, %dma_start3A_931] : memref<200x8x32x8x128xf32, #tpu.memory_space<hbm>> -> memref<1x1x1x8x128xf32, #tpu.memory_space<hbm>>
      %dma_start3A_933 = tpu.memref_squeeze %dma_start3A_932 : memref<1x1x1x8x128xf32, #tpu.memory_space<hbm>> -> memref<8x128xf32, #tpu.memory_space<hbm>>
      %dma_start3A_934 = arith.constant 96 : i32
      %dma_start3A_935 = arith.constant 0 : i32
      %dma_start3A_936 = tpu.memref_slice %arg10[%dma_start3A_934, %dma_start3A_935] : memref<128x129xf32, #tpu.memory_space<vmem>> -> memref<8x128xf32, #tpu.memory_space<vmem>>
      tpu.enqueue_dma source(%dma_start3A_936 : memref<8x128xf32, #tpu.memory_space<vmem>>) target(%dma_start3A_933 : memref<8x128xf32, #tpu.memory_space<hbm>>) target_semaphore(%arg16 : memref<!tpu.dma_semaphore, #tpu.memory_space<semaphore_mem>>)
      %add3A_937 = arith.constant 1 : i32
      %add3A_938 = arith.addi %mul3A_847, %add3A_937 : i32
      %dma_start3A_939 = arith.constant 5 : i32
      %dma_start3A_940 = arith.constant 104 : i32
      %dma_start3A_941 = arith.constant 0 : i32
      %dma_start3A_942 = tpu.memref_slice %arg10[%dma_start3A_940, %dma_start3A_941] : memref<128x129xf32, #tpu.memory_space<vmem>> -> memref<8x128xf32, #tpu.memory_space<vmem>>
      %dma_start3A_943 = arith.constant 0 : i32
      %dma_start3A_944 = arith.constant 0 : i32
      %dma_start3A_945 = tpu.memref_slice %arg5[%add3A_938, %dma_start3A_939, %add3A, %dma_start3A_943, %dma_start3A_944] : memref<200x8x32x8x128xf32, #tpu.memory_space<hbm>> -> memref<1x1x1x8x128xf32, #tpu.memory_space<hbm>>
      %dma_start3A_946 = tpu.memref_squeeze %dma_start3A_945 : memref<1x1x1x8x128xf32, #tpu.memory_space<hbm>> -> memref<8x128xf32, #tpu.memory_space<hbm>>
      %dma_start3A_947 = arith.constant 0 : i32
      %dma_start3A_948 = arith.constant 0 : i32
      %dma_start3A_949 = tpu.memref_slice %arg5[%add3A_938, %dma_start3A_939, %add3A, %dma_start3A_947, %dma_start3A_948] : memref<200x8x32x8x128xf32, #tpu.memory_space<hbm>> -> memref<1x1x1x8x128xf32, #tpu.memory_space<hbm>>
      %dma_start3A_950 = tpu.memref_squeeze %dma_start3A_949 : memref<1x1x1x8x128xf32, #tpu.memory_space<hbm>> -> memref<8x128xf32, #tpu.memory_space<hbm>>
      %dma_start3A_951 = arith.constant 104 : i32
      %dma_start3A_952 = arith.constant 0 : i32
      %dma_start3A_953 = tpu.memref_slice %arg10[%dma_start3A_951, %dma_start3A_952] : memref<128x129xf32, #tpu.memory_space<vmem>> -> memref<8x128xf32, #tpu.memory_space<vmem>>
      tpu.enqueue_dma source(%dma_start3A_953 : memref<8x128xf32, #tpu.memory_space<vmem>>) target(%dma_start3A_950 : memref<8x128xf32, #tpu.memory_space<hbm>>) target_semaphore(%arg16 : memref<!tpu.dma_semaphore, #tpu.memory_space<semaphore_mem>>)
      %add3A_954 = arith.constant 1 : i32
      %add3A_955 = arith.addi %mul3A_847, %add3A_954 : i32
      %dma_start3A_956 = arith.constant 6 : i32
      %dma_start3A_957 = arith.constant 112 : i32
      %dma_start3A_958 = arith.constant 0 : i32
      %dma_start3A_959 = tpu.memref_slice %arg10[%dma_start3A_957, %dma_start3A_958] : memref<128x129xf32, #tpu.memory_space<vmem>> -> memref<8x128xf32, #tpu.memory_space<vmem>>
      %dma_start3A_960 = arith.constant 0 : i32
      %dma_start3A_961 = arith.constant 0 : i32
      %dma_start3A_962 = tpu.memref_slice %arg5[%add3A_955, %dma_start3A_956, %add3A, %dma_start3A_960, %dma_start3A_961] : memref<200x8x32x8x128xf32, #tpu.memory_space<hbm>> -> memref<1x1x1x8x128xf32, #tpu.memory_space<hbm>>
      %dma_start3A_963 = tpu.memref_squeeze %dma_start3A_962 : memref<1x1x1x8x128xf32, #tpu.memory_space<hbm>> -> memref<8x128xf32, #tpu.memory_space<hbm>>
      %dma_start3A_964 = arith.constant 0 : i32
      %dma_start3A_965 = arith.constant 0 : i32
      %dma_start3A_966 = tpu.memref_slice %arg5[%add3A_955, %dma_start3A_956, %add3A, %dma_start3A_964, %dma_start3A_965] : memref<200x8x32x8x128xf32, #tpu.memory_space<hbm>> -> memref<1x1x1x8x128xf32, #tpu.memory_space<hbm>>
      %dma_start3A_967 = tpu.memref_squeeze %dma_start3A_966 : memref<1x1x1x8x128xf32, #tpu.memory_space<hbm>> -> memref<8x128xf32, #tpu.memory_space<hbm>>
      %dma_start3A_968 = arith.constant 112 : i32
      %dma_start3A_969 = arith.constant 0 : i32
      %dma_start3A_970 = tpu.memref_slice %arg10[%dma_start3A_968, %dma_start3A_969] : memref<128x129xf32, #tpu.memory_space<vmem>> -> memref<8x128xf32, #tpu.memory_space<vmem>>
      tpu.enqueue_dma source(%dma_start3A_970 : memref<8x128xf32, #tpu.memory_space<vmem>>) target(%dma_start3A_967 : memref<8x128xf32, #tpu.memory_space<hbm>>) target_semaphore(%arg16 : memref<!tpu.dma_semaphore, #tpu.memory_space<semaphore_mem>>)
      %add3A_971 = arith.constant 1 : i32
      %add3A_972 = arith.addi %mul3A_847, %add3A_971 : i32
      %dma_start3A_973 = arith.constant 7 : i32
      %dma_start3A_974 = arith.constant 120 : i32
      %dma_start3A_975 = arith.constant 0 : i32
      %dma_start3A_976 = tpu.memref_slice %arg10[%dma_start3A_974, %dma_start3A_975] : memref<128x129xf32, #tpu.memory_space<vmem>> -> memref<8x128xf32, #tpu.memory_space<vmem>>
      %dma_start3A_977 = arith.constant 0 : i32
      %dma_start3A_978 = arith.constant 0 : i32
      %dma_start3A_979 = tpu.memref_slice %arg5[%add3A_972, %dma_start3A_973, %add3A, %dma_start3A_977, %dma_start3A_978] : memref<200x8x32x8x128xf32, #tpu.memory_space<hbm>> -> memref<1x1x1x8x128xf32, #tpu.memory_space<hbm>>
      %dma_start3A_980 = tpu.memref_squeeze %dma_start3A_979 : memref<1x1x1x8x128xf32, #tpu.memory_space<hbm>> -> memref<8x128xf32, #tpu.memory_space<hbm>>
      %dma_start3A_981 = arith.constant 0 : i32
      %dma_start3A_982 = arith.constant 0 : i32
      %dma_start3A_983 = tpu.memref_slice %arg5[%add3A_972, %dma_start3A_973, %add3A, %dma_start3A_981, %dma_start3A_982] : memref<200x8x32x8x128xf32, #tpu.memory_space<hbm>> -> memref<1x1x1x8x128xf32, #tpu.memory_space<hbm>>
      %dma_start3A_984 = tpu.memref_squeeze %dma_start3A_983 : memref<1x1x1x8x128xf32, #tpu.memory_space<hbm>> -> memref<8x128xf32, #tpu.memory_space<hbm>>
      %dma_start3A_985 = arith.constant 120 : i32
      %dma_start3A_986 = arith.constant 0 : i32
      %dma_start3A_987 = tpu.memref_slice %arg10[%dma_start3A_985, %dma_start3A_986] : memref<128x129xf32, #tpu.memory_space<vmem>> -> memref<8x128xf32, #tpu.memory_space<vmem>>
      tpu.enqueue_dma source(%dma_start3A_987 : memref<8x128xf32, #tpu.memory_space<vmem>>) target(%dma_start3A_984 : memref<8x128xf32, #tpu.memory_space<hbm>>) target_semaphore(%arg16 : memref<!tpu.dma_semaphore, #tpu.memory_space<semaphore_mem>>)
      %add3A_988 = arith.constant 2 : i32
      %add3A_989 = arith.addi %add3A_597, %add3A_988 : i32
      %lt3A_990 = arith.constant 100 : i32
      %lt3A_991 = arith.cmpi slt, %add3A_989, %lt3A_990 : i32
      %convert_element_type3A_992 = arith.extui %lt3A_991 : i1 to i32
      %cond3A_993 = arith.constant 0 : i32
      %cond3A_994 = arith.cmpi ne, %convert_element_type3A_992, %cond3A_993 : i32
      scf.if %cond3A_994 {
        %add3A_1404 = arith.constant 2 : i32
        %add3A_1405 = arith.addi %add3A_597, %add3A_1404 : i32
        %dma_start3A_1406 = arith.constant 1 : i32
        %dma_start3A_1407 = arith.constant 128 : i32
        %dma_start3A_1408 = arith.constant 0 : i32
        %dma_start3A_1409 = tpu.memref_slice %arg8[%dma_start3A_1407, %dma_start3A_1408] : memref<256x64xf32, #tpu.memory_space<vmem>> -> memref<128x64xf32, #tpu.memory_space<vmem>>
        %dma_start3A_1410 = arith.constant 0 : i32
        %dma_start3A_1411 = tpu.memref_slice %arg6[%add3A_1405, %dma_start3A_1406, %dma_start3A_1410] : memref<100x2x128xi32, #tpu.memory_space<vmem>> -> memref<1x1x128xi32, #tpu.memory_space<vmem>>
        %dma_start3A_1412 = tpu.memref_squeeze %dma_start3A_1411 : memref<1x1x128xi32, #tpu.memory_space<vmem>> -> memref<128xi32, #tpu.memory_space<vmem>>
        %dma_start3A_1413 = arith.constant 0 : i32
        %dma_start3A_1414 = arith.constant 0 : i32
        %dma_start3A_1415 = tpu.memref_slice %arg3[%dma_start3A_1413, %dma_start3A_1414] : memref<100000x64xf32, #tpu.memory_space<hbm>> -> memref<100000x64xf32, #tpu.memory_space<hbm>>
        tpu.enqueue_indirect_dma source(%dma_start3A_1415 : memref<100000x64xf32, #tpu.memory_space<hbm>>) target(%dma_start3A_1409 : memref<128x64xf32, #tpu.memory_space<vmem>>) offsets(%dma_start3A_1412 : memref<128xi32, #tpu.memory_space<vmem>>) semaphore(%arg13 : memref<!tpu.dma_semaphore, #tpu.memory_space<semaphore_mem>>)
      } else {
      }
      %mul3A_995 = arith.constant 2 : i32
      %mul3A_996 = arith.muli %mul3A_995, %scan3A_593 : i32
      %add3A_997 = arith.constant 1 : i32
      %add3A_998 = arith.addi %mul3A_996, %add3A_997 : i32
      %dma_wait3A_999 = arith.constant 0 : i32
      %dma_wait3A_1000 = arith.constant 0 : i32
      %dma_wait3A_1001 = arith.constant 0 : i32
      %dma_wait3A_1002 = arith.constant 0 : i32
      %dma_wait3A_1003 = tpu.memref_slice %arg9[%dma_wait3A_1001, %dma_wait3A_1002] : memref<256x64xf32, #tpu.memory_space<vmem>> -> memref<128x64xf32, #tpu.memory_space<vmem>>
      %dma_wait3A_1004 = arith.constant 0 : i32
      %dma_wait3A_1005 = tpu.memref_slice %arg6[%dma_wait3A_999, %dma_wait3A_1000, %dma_wait3A_1004] : memref<100x2x128xi32, #tpu.memory_space<vmem>> -> memref<1x1x128xi32, #tpu.memory_space<vmem>>
      %dma_wait3A_1006 = tpu.memref_squeeze %dma_wait3A_1005 : memref<1x1x128xi32, #tpu.memory_space<vmem>> -> memref<128xi32, #tpu.memory_space<vmem>>
      %dma_wait3A_1007 = arith.constant 0 : i32
      %dma_wait3A_1008 = arith.constant 0 : i32
      %dma_wait3A_1009 = tpu.memref_slice %arg3[%dma_wait3A_1007, %dma_wait3A_1008] : memref<100000x64xf32, #tpu.memory_space<hbm>> -> memref<100000x64xf32, #tpu.memory_space<hbm>>
      tpu.wait_indirect_dma semaphore(%arg14 : memref<!tpu.dma_semaphore, #tpu.memory_space<semaphore_mem>>) src(%dma_wait3A_1009 : memref<100000x64xf32, #tpu.memory_space<hbm>>) dst(%dma_wait3A_1003 : memref<128x64xf32, #tpu.memory_space<vmem>>)
      %ge3A_1010 = arith.constant 1 : i32
      %ge3A_1011 = arith.cmpi sge, %scan3A_593, %ge3A_1010 : i32
      %convert_element_type3A_1012 = arith.extui %ge3A_1011 : i1 to i32
      %cond3A_1013 = arith.constant 0 : i32
      %cond3A_1014 = arith.cmpi ne, %convert_element_type3A_1012, %cond3A_1013 : i32
      scf.if %cond3A_1014 {
        %dma_wait3A_1404 = arith.constant 0 : i32
        %dma_wait3A_1405 = arith.constant 0 : i32
        %dma_wait3A_1406 = arith.constant 0 : i32
        %dma_wait3A_1407 = arith.constant 0 : i32
        %dma_wait3A_1408 = tpu.memref_slice %arg11[%dma_wait3A_1406, %dma_wait3A_1407] : memref<128x129xf32, #tpu.memory_space<vmem>> -> memref<8x128xf32, #tpu.memory_space<vmem>>
        %dma_wait3A_1409 = arith.constant 0 : i32
        %dma_wait3A_1410 = arith.constant 0 : i32
        %dma_wait3A_1411 = tpu.memref_slice %arg5[%dma_wait3A_1404, %dma_wait3A_1405, %add3A, %dma_wait3A_1409, %dma_wait3A_1410] : memref<200x8x32x8x128xf32, #tpu.memory_space<hbm>> -> memref<1x1x1x8x128xf32, #tpu.memory_space<hbm>>
        %dma_wait3A_1412 = tpu.memref_squeeze %dma_wait3A_1411 : memref<1x1x1x8x128xf32, #tpu.memory_space<hbm>> -> memref<8x128xf32, #tpu.memory_space<hbm>>
        %dma_wait3A_1413 = arith.constant 0 : i32
        %dma_wait3A_1414 = arith.constant 0 : i32
        %dma_wait3A_1415 = tpu.memref_slice %arg5[%dma_wait3A_1404, %dma_wait3A_1405, %add3A, %dma_wait3A_1413, %dma_wait3A_1414] : memref<200x8x32x8x128xf32, #tpu.memory_space<hbm>> -> memref<1x1x1x8x128xf32, #tpu.memory_space<hbm>>
        %dma_wait3A_1416 = tpu.memref_squeeze %dma_wait3A_1415 : memref<1x1x1x8x128xf32, #tpu.memory_space<hbm>> -> memref<8x128xf32, #tpu.memory_space<hbm>>
        %dma_wait3A_1417 = arith.constant 0 : i32
        %dma_wait3A_1418 = arith.constant 0 : i32
        %dma_wait3A_1419 = tpu.memref_slice %arg11[%dma_wait3A_1417, %dma_wait3A_1418] : memref<128x129xf32, #tpu.memory_space<vmem>> -> memref<8x128xf32, #tpu.memory_space<vmem>>
        tpu.wait_dma2 semaphore(%arg17 : memref<!tpu.dma_semaphore, #tpu.memory_space<semaphore_mem>>) src(%dma_wait3A_1419 : memref<8x128xf32, #tpu.memory_space<vmem>>) dst(%dma_wait3A_1416 : memref<8x128xf32, #tpu.memory_space<hbm>>)
        %dma_wait3A_1420 = arith.constant 0 : i32
        %dma_wait3A_1421 = arith.constant 1 : i32
        %dma_wait3A_1422 = arith.constant 8 : i32
        %dma_wait3A_1423 = arith.constant 0 : i32
        %dma_wait3A_1424 = tpu.memref_slice %arg11[%dma_wait3A_1422, %dma_wait3A_1423] : memref<128x129xf32, #tpu.memory_space<vmem>> -> memref<8x128xf32, #tpu.memory_space<vmem>>
        %dma_wait3A_1425 = arith.constant 0 : i32
        %dma_wait3A_1426 = arith.constant 0 : i32
        %dma_wait3A_1427 = tpu.memref_slice %arg5[%dma_wait3A_1420, %dma_wait3A_1421, %add3A, %dma_wait3A_1425, %dma_wait3A_1426] : memref<200x8x32x8x128xf32, #tpu.memory_space<hbm>> -> memref<1x1x1x8x128xf32, #tpu.memory_space<hbm>>
        %dma_wait3A_1428 = tpu.memref_squeeze %dma_wait3A_1427 : memref<1x1x1x8x128xf32, #tpu.memory_space<hbm>> -> memref<8x128xf32, #tpu.memory_space<hbm>>
        %dma_wait3A_1429 = arith.constant 0 : i32
        %dma_wait3A_1430 = arith.constant 0 : i32
        %dma_wait3A_1431 = tpu.memref_slice %arg5[%dma_wait3A_1420, %dma_wait3A_1421, %add3A, %dma_wait3A_1429, %dma_wait3A_1430] : memref<200x8x32x8x128xf32, #tpu.memory_space<hbm>> -> memref<1x1x1x8x128xf32, #tpu.memory_space<hbm>>
        %dma_wait3A_1432 = tpu.memref_squeeze %dma_wait3A_1431 : memref<1x1x1x8x128xf32, #tpu.memory_space<hbm>> -> memref<8x128xf32, #tpu.memory_space<hbm>>
        %dma_wait3A_1433 = arith.constant 8 : i32
        %dma_wait3A_1434 = arith.constant 0 : i32
        %dma_wait3A_1435 = tpu.memref_slice %arg11[%dma_wait3A_1433, %dma_wait3A_1434] : memref<128x129xf32, #tpu.memory_space<vmem>> -> memref<8x128xf32, #tpu.memory_space<vmem>>
        tpu.wait_dma2 semaphore(%arg17 : memref<!tpu.dma_semaphore, #tpu.memory_space<semaphore_mem>>) src(%dma_wait3A_1435 : memref<8x128xf32, #tpu.memory_space<vmem>>) dst(%dma_wait3A_1432 : memref<8x128xf32, #tpu.memory_space<hbm>>)
        %dma_wait3A_1436 = arith.constant 0 : i32
        %dma_wait3A_1437 = arith.constant 2 : i32
        %dma_wait3A_1438 = arith.constant 16 : i32
        %dma_wait3A_1439 = arith.constant 0 : i32
        %dma_wait3A_1440 = tpu.memref_slice %arg11[%dma_wait3A_1438, %dma_wait3A_1439] : memref<128x129xf32, #tpu.memory_space<vmem>> -> memref<8x128xf32, #tpu.memory_space<vmem>>
        %dma_wait3A_1441 = arith.constant 0 : i32
        %dma_wait3A_1442 = arith.constant 0 : i32
        %dma_wait3A_1443 = tpu.memref_slice %arg5[%dma_wait3A_1436, %dma_wait3A_1437, %add3A, %dma_wait3A_1441, %dma_wait3A_1442] : memref<200x8x32x8x128xf32, #tpu.memory_space<hbm>> -> memref<1x1x1x8x128xf32, #tpu.memory_space<hbm>>
        %dma_wait3A_1444 = tpu.memref_squeeze %dma_wait3A_1443 : memref<1x1x1x8x128xf32, #tpu.memory_space<hbm>> -> memref<8x128xf32, #tpu.memory_space<hbm>>
        %dma_wait3A_1445 = arith.constant 0 : i32
        %dma_wait3A_1446 = arith.constant 0 : i32
        %dma_wait3A_1447 = tpu.memref_slice %arg5[%dma_wait3A_1436, %dma_wait3A_1437, %add3A, %dma_wait3A_1445, %dma_wait3A_1446] : memref<200x8x32x8x128xf32, #tpu.memory_space<hbm>> -> memref<1x1x1x8x128xf32, #tpu.memory_space<hbm>>
        %dma_wait3A_1448 = tpu.memref_squeeze %dma_wait3A_1447 : memref<1x1x1x8x128xf32, #tpu.memory_space<hbm>> -> memref<8x128xf32, #tpu.memory_space<hbm>>
        %dma_wait3A_1449 = arith.constant 16 : i32
        %dma_wait3A_1450 = arith.constant 0 : i32
        %dma_wait3A_1451 = tpu.memref_slice %arg11[%dma_wait3A_1449, %dma_wait3A_1450] : memref<128x129xf32, #tpu.memory_space<vmem>> -> memref<8x128xf32, #tpu.memory_space<vmem>>
        tpu.wait_dma2 semaphore(%arg17 : memref<!tpu.dma_semaphore, #tpu.memory_space<semaphore_mem>>) src(%dma_wait3A_1451 : memref<8x128xf32, #tpu.memory_space<vmem>>) dst(%dma_wait3A_1448 : memref<8x128xf32, #tpu.memory_space<hbm>>)
        %dma_wait3A_1452 = arith.constant 0 : i32
        %dma_wait3A_1453 = arith.constant 3 : i32
        %dma_wait3A_1454 = arith.constant 24 : i32
        %dma_wait3A_1455 = arith.constant 0 : i32
        %dma_wait3A_1456 = tpu.memref_slice %arg11[%dma_wait3A_1454, %dma_wait3A_1455] : memref<128x129xf32, #tpu.memory_space<vmem>> -> memref<8x128xf32, #tpu.memory_space<vmem>>
        %dma_wait3A_1457 = arith.constant 0 : i32
        %dma_wait3A_1458 = arith.constant 0 : i32
        %dma_wait3A_1459 = tpu.memref_slice %arg5[%dma_wait3A_1452, %dma_wait3A_1453, %add3A, %dma_wait3A_1457, %dma_wait3A_1458] : memref<200x8x32x8x128xf32, #tpu.memory_space<hbm>> -> memref<1x1x1x8x128xf32, #tpu.memory_space<hbm>>
        %dma_wait3A_1460 = tpu.memref_squeeze %dma_wait3A_1459 : memref<1x1x1x8x128xf32, #tpu.memory_space<hbm>> -> memref<8x128xf32, #tpu.memory_space<hbm>>
        %dma_wait3A_1461 = arith.constant 0 : i32
        %dma_wait3A_1462 = arith.constant 0 : i32
        %dma_wait3A_1463 = tpu.memref_slice %arg5[%dma_wait3A_1452, %dma_wait3A_1453, %add3A, %dma_wait3A_1461, %dma_wait3A_1462] : memref<200x8x32x8x128xf32, #tpu.memory_space<hbm>> -> memref<1x1x1x8x128xf32, #tpu.memory_space<hbm>>
        %dma_wait3A_1464 = tpu.memref_squeeze %dma_wait3A_1463 : memref<1x1x1x8x128xf32, #tpu.memory_space<hbm>> -> memref<8x128xf32, #tpu.memory_space<hbm>>
        %dma_wait3A_1465 = arith.constant 24 : i32
        %dma_wait3A_1466 = arith.constant 0 : i32
        %dma_wait3A_1467 = tpu.memref_slice %arg11[%dma_wait3A_1465, %dma_wait3A_1466] : memref<128x129xf32, #tpu.memory_space<vmem>> -> memref<8x128xf32, #tpu.memory_space<vmem>>
        tpu.wait_dma2 semaphore(%arg17 : memref<!tpu.dma_semaphore, #tpu.memory_space<semaphore_mem>>) src(%dma_wait3A_1467 : memref<8x128xf32, #tpu.memory_space<vmem>>) dst(%dma_wait3A_1464 : memref<8x128xf32, #tpu.memory_space<hbm>>)
        %dma_wait3A_1468 = arith.constant 0 : i32
        %dma_wait3A_1469 = arith.constant 4 : i32
        %dma_wait3A_1470 = arith.constant 32 : i32
        %dma_wait3A_1471 = arith.constant 0 : i32
        %dma_wait3A_1472 = tpu.memref_slice %arg11[%dma_wait3A_1470, %dma_wait3A_1471] : memref<128x129xf32, #tpu.memory_space<vmem>> -> memref<8x128xf32, #tpu.memory_space<vmem>>
        %dma_wait3A_1473 = arith.constant 0 : i32
        %dma_wait3A_1474 = arith.constant 0 : i32
        %dma_wait3A_1475 = tpu.memref_slice %arg5[%dma_wait3A_1468, %dma_wait3A_1469, %add3A, %dma_wait3A_1473, %dma_wait3A_1474] : memref<200x8x32x8x128xf32, #tpu.memory_space<hbm>> -> memref<1x1x1x8x128xf32, #tpu.memory_space<hbm>>
        %dma_wait3A_1476 = tpu.memref_squeeze %dma_wait3A_1475 : memref<1x1x1x8x128xf32, #tpu.memory_space<hbm>> -> memref<8x128xf32, #tpu.memory_space<hbm>>
        %dma_wait3A_1477 = arith.constant 0 : i32
        %dma_wait3A_1478 = arith.constant 0 : i32
        %dma_wait3A_1479 = tpu.memref_slice %arg5[%dma_wait3A_1468, %dma_wait3A_1469, %add3A, %dma_wait3A_1477, %dma_wait3A_1478] : memref<200x8x32x8x128xf32, #tpu.memory_space<hbm>> -> memref<1x1x1x8x128xf32, #tpu.memory_space<hbm>>
        %dma_wait3A_1480 = tpu.memref_squeeze %dma_wait3A_1479 : memref<1x1x1x8x128xf32, #tpu.memory_space<hbm>> -> memref<8x128xf32, #tpu.memory_space<hbm>>
        %dma_wait3A_1481 = arith.constant 32 : i32
        %dma_wait3A_1482 = arith.constant 0 : i32
        %dma_wait3A_1483 = tpu.memref_slice %arg11[%dma_wait3A_1481, %dma_wait3A_1482] : memref<128x129xf32, #tpu.memory_space<vmem>> -> memref<8x128xf32, #tpu.memory_space<vmem>>
        tpu.wait_dma2 semaphore(%arg17 : memref<!tpu.dma_semaphore, #tpu.memory_space<semaphore_mem>>) src(%dma_wait3A_1483 : memref<8x128xf32, #tpu.memory_space<vmem>>) dst(%dma_wait3A_1480 : memref<8x128xf32, #tpu.memory_space<hbm>>)
        %dma_wait3A_1484 = arith.constant 0 : i32
        %dma_wait3A_1485 = arith.constant 5 : i32
        %dma_wait3A_1486 = arith.constant 40 : i32
        %dma_wait3A_1487 = arith.constant 0 : i32
        %dma_wait3A_1488 = tpu.memref_slice %arg11[%dma_wait3A_1486, %dma_wait3A_1487] : memref<128x129xf32, #tpu.memory_space<vmem>> -> memref<8x128xf32, #tpu.memory_space<vmem>>
        %dma_wait3A_1489 = arith.constant 0 : i32
        %dma_wait3A_1490 = arith.constant 0 : i32
        %dma_wait3A_1491 = tpu.memref_slice %arg5[%dma_wait3A_1484, %dma_wait3A_1485, %add3A, %dma_wait3A_1489, %dma_wait3A_1490] : memref<200x8x32x8x128xf32, #tpu.memory_space<hbm>> -> memref<1x1x1x8x128xf32, #tpu.memory_space<hbm>>
        %dma_wait3A_1492 = tpu.memref_squeeze %dma_wait3A_1491 : memref<1x1x1x8x128xf32, #tpu.memory_space<hbm>> -> memref<8x128xf32, #tpu.memory_space<hbm>>
        %dma_wait3A_1493 = arith.constant 0 : i32
        %dma_wait3A_1494 = arith.constant 0 : i32
        %dma_wait3A_1495 = tpu.memref_slice %arg5[%dma_wait3A_1484, %dma_wait3A_1485, %add3A, %dma_wait3A_1493, %dma_wait3A_1494] : memref<200x8x32x8x128xf32, #tpu.memory_space<hbm>> -> memref<1x1x1x8x128xf32, #tpu.memory_space<hbm>>
        %dma_wait3A_1496 = tpu.memref_squeeze %dma_wait3A_1495 : memref<1x1x1x8x128xf32, #tpu.memory_space<hbm>> -> memref<8x128xf32, #tpu.memory_space<hbm>>
        %dma_wait3A_1497 = arith.constant 40 : i32
        %dma_wait3A_1498 = arith.constant 0 : i32
        %dma_wait3A_1499 = tpu.memref_slice %arg11[%dma_wait3A_1497, %dma_wait3A_1498] : memref<128x129xf32, #tpu.memory_space<vmem>> -> memref<8x128xf32, #tpu.memory_space<vmem>>
        tpu.wait_dma2 semaphore(%arg17 : memref<!tpu.dma_semaphore, #tpu.memory_space<semaphore_mem>>) src(%dma_wait3A_1499 : memref<8x128xf32, #tpu.memory_space<vmem>>) dst(%dma_wait3A_1496 : memref<8x128xf32, #tpu.memory_space<hbm>>)
        %dma_wait3A_1500 = arith.constant 0 : i32
        %dma_wait3A_1501 = arith.constant 6 : i32
        %dma_wait3A_1502 = arith.constant 48 : i32
        %dma_wait3A_1503 = arith.constant 0 : i32
        %dma_wait3A_1504 = tpu.memref_slice %arg11[%dma_wait3A_1502, %dma_wait3A_1503] : memref<128x129xf32, #tpu.memory_space<vmem>> -> memref<8x128xf32, #tpu.memory_space<vmem>>
        %dma_wait3A_1505 = arith.constant 0 : i32
        %dma_wait3A_1506 = arith.constant 0 : i32
        %dma_wait3A_1507 = tpu.memref_slice %arg5[%dma_wait3A_1500, %dma_wait3A_1501, %add3A, %dma_wait3A_1505, %dma_wait3A_1506] : memref<200x8x32x8x128xf32, #tpu.memory_space<hbm>> -> memref<1x1x1x8x128xf32, #tpu.memory_space<hbm>>
        %dma_wait3A_1508 = tpu.memref_squeeze %dma_wait3A_1507 : memref<1x1x1x8x128xf32, #tpu.memory_space<hbm>> -> memref<8x128xf32, #tpu.memory_space<hbm>>
        %dma_wait3A_1509 = arith.constant 0 : i32
        %dma_wait3A_1510 = arith.constant 0 : i32
        %dma_wait3A_1511 = tpu.memref_slice %arg5[%dma_wait3A_1500, %dma_wait3A_1501, %add3A, %dma_wait3A_1509, %dma_wait3A_1510] : memref<200x8x32x8x128xf32, #tpu.memory_space<hbm>> -> memref<1x1x1x8x128xf32, #tpu.memory_space<hbm>>
        %dma_wait3A_1512 = tpu.memref_squeeze %dma_wait3A_1511 : memref<1x1x1x8x128xf32, #tpu.memory_space<hbm>> -> memref<8x128xf32, #tpu.memory_space<hbm>>
        %dma_wait3A_1513 = arith.constant 48 : i32
        %dma_wait3A_1514 = arith.constant 0 : i32
        %dma_wait3A_1515 = tpu.memref_slice %arg11[%dma_wait3A_1513, %dma_wait3A_1514] : memref<128x129xf32, #tpu.memory_space<vmem>> -> memref<8x128xf32, #tpu.memory_space<vmem>>
        tpu.wait_dma2 semaphore(%arg17 : memref<!tpu.dma_semaphore, #tpu.memory_space<semaphore_mem>>) src(%dma_wait3A_1515 : memref<8x128xf32, #tpu.memory_space<vmem>>) dst(%dma_wait3A_1512 : memref<8x128xf32, #tpu.memory_space<hbm>>)
        %dma_wait3A_1516 = arith.constant 0 : i32
        %dma_wait3A_1517 = arith.constant 7 : i32
        %dma_wait3A_1518 = arith.constant 56 : i32
        %dma_wait3A_1519 = arith.constant 0 : i32
        %dma_wait3A_1520 = tpu.memref_slice %arg11[%dma_wait3A_1518, %dma_wait3A_1519] : memref<128x129xf32, #tpu.memory_space<vmem>> -> memref<8x128xf32, #tpu.memory_space<vmem>>
        %dma_wait3A_1521 = arith.constant 0 : i32
        %dma_wait3A_1522 = arith.constant 0 : i32
        %dma_wait3A_1523 = tpu.memref_slice %arg5[%dma_wait3A_1516, %dma_wait3A_1517, %add3A, %dma_wait3A_1521, %dma_wait3A_1522] : memref<200x8x32x8x128xf32, #tpu.memory_space<hbm>> -> memref<1x1x1x8x128xf32, #tpu.memory_space<hbm>>
        %dma_wait3A_1524 = tpu.memref_squeeze %dma_wait3A_1523 : memref<1x1x1x8x128xf32, #tpu.memory_space<hbm>> -> memref<8x128xf32, #tpu.memory_space<hbm>>
        %dma_wait3A_1525 = arith.constant 0 : i32
        %dma_wait3A_1526 = arith.constant 0 : i32
        %dma_wait3A_1527 = tpu.memref_slice %arg5[%dma_wait3A_1516, %dma_wait3A_1517, %add3A, %dma_wait3A_1525, %dma_wait3A_1526] : memref<200x8x32x8x128xf32, #tpu.memory_space<hbm>> -> memref<1x1x1x8x128xf32, #tpu.memory_space<hbm>>
        %dma_wait3A_1528 = tpu.memref_squeeze %dma_wait3A_1527 : memref<1x1x1x8x128xf32, #tpu.memory_space<hbm>> -> memref<8x128xf32, #tpu.memory_space<hbm>>
        %dma_wait3A_1529 = arith.constant 56 : i32
        %dma_wait3A_1530 = arith.constant 0 : i32
        %dma_wait3A_1531 = tpu.memref_slice %arg11[%dma_wait3A_1529, %dma_wait3A_1530] : memref<128x129xf32, #tpu.memory_space<vmem>> -> memref<8x128xf32, #tpu.memory_space<vmem>>
        tpu.wait_dma2 semaphore(%arg17 : memref<!tpu.dma_semaphore, #tpu.memory_space<semaphore_mem>>) src(%dma_wait3A_1531 : memref<8x128xf32, #tpu.memory_space<vmem>>) dst(%dma_wait3A_1528 : memref<8x128xf32, #tpu.memory_space<hbm>>)
        %dma_wait3A_1532 = arith.constant 1 : i32
        %dma_wait3A_1533 = arith.constant 0 : i32
        %dma_wait3A_1534 = arith.constant 64 : i32
        %dma_wait3A_1535 = arith.constant 0 : i32
        %dma_wait3A_1536 = tpu.memref_slice %arg11[%dma_wait3A_1534, %dma_wait3A_1535] : memref<128x129xf32, #tpu.memory_space<vmem>> -> memref<8x128xf32, #tpu.memory_space<vmem>>
        %dma_wait3A_1537 = arith.constant 0 : i32
        %dma_wait3A_1538 = arith.constant 0 : i32
        %dma_wait3A_1539 = tpu.memref_slice %arg5[%dma_wait3A_1532, %dma_wait3A_1533, %add3A, %dma_wait3A_1537, %dma_wait3A_1538] : memref<200x8x32x8x128xf32, #tpu.memory_space<hbm>> -> memref<1x1x1x8x128xf32, #tpu.memory_space<hbm>>
        %dma_wait3A_1540 = tpu.memref_squeeze %dma_wait3A_1539 : memref<1x1x1x8x128xf32, #tpu.memory_space<hbm>> -> memref<8x128xf32, #tpu.memory_space<hbm>>
        %dma_wait3A_1541 = arith.constant 0 : i32
        %dma_wait3A_1542 = arith.constant 0 : i32
        %dma_wait3A_1543 = tpu.memref_slice %arg5[%dma_wait3A_1532, %dma_wait3A_1533, %add3A, %dma_wait3A_1541, %dma_wait3A_1542] : memref<200x8x32x8x128xf32, #tpu.memory_space<hbm>> -> memref<1x1x1x8x128xf32, #tpu.memory_space<hbm>>
        %dma_wait3A_1544 = tpu.memref_squeeze %dma_wait3A_1543 : memref<1x1x1x8x128xf32, #tpu.memory_space<hbm>> -> memref<8x128xf32, #tpu.memory_space<hbm>>
        %dma_wait3A_1545 = arith.constant 64 : i32
        %dma_wait3A_1546 = arith.constant 0 : i32
        %dma_wait3A_1547 = tpu.memref_slice %arg11[%dma_wait3A_1545, %dma_wait3A_1546] : memref<128x129xf32, #tpu.memory_space<vmem>> -> memref<8x128xf32, #tpu.memory_space<vmem>>
        tpu.wait_dma2 semaphore(%arg17 : memref<!tpu.dma_semaphore, #tpu.memory_space<semaphore_mem>>) src(%dma_wait3A_1547 : memref<8x128xf32, #tpu.memory_space<vmem>>) dst(%dma_wait3A_1544 : memref<8x128xf32, #tpu.memory_space<hbm>>)
        %dma_wait3A_1548 = arith.constant 1 : i32
        %dma_wait3A_1549 = arith.constant 1 : i32
        %dma_wait3A_1550 = arith.constant 72 : i32
        %dma_wait3A_1551 = arith.constant 0 : i32
        %dma_wait3A_1552 = tpu.memref_slice %arg11[%dma_wait3A_1550, %dma_wait3A_1551] : memref<128x129xf32, #tpu.memory_space<vmem>> -> memref<8x128xf32, #tpu.memory_space<vmem>>
        %dma_wait3A_1553 = arith.constant 0 : i32
        %dma_wait3A_1554 = arith.constant 0 : i32
        %dma_wait3A_1555 = tpu.memref_slice %arg5[%dma_wait3A_1548, %dma_wait3A_1549, %add3A, %dma_wait3A_1553, %dma_wait3A_1554] : memref<200x8x32x8x128xf32, #tpu.memory_space<hbm>> -> memref<1x1x1x8x128xf32, #tpu.memory_space<hbm>>
        %dma_wait3A_1556 = tpu.memref_squeeze %dma_wait3A_1555 : memref<1x1x1x8x128xf32, #tpu.memory_space<hbm>> -> memref<8x128xf32, #tpu.memory_space<hbm>>
        %dma_wait3A_1557 = arith.constant 0 : i32
        %dma_wait3A_1558 = arith.constant 0 : i32
        %dma_wait3A_1559 = tpu.memref_slice %arg5[%dma_wait3A_1548, %dma_wait3A_1549, %add3A, %dma_wait3A_1557, %dma_wait3A_1558] : memref<200x8x32x8x128xf32, #tpu.memory_space<hbm>> -> memref<1x1x1x8x128xf32, #tpu.memory_space<hbm>>
        %dma_wait3A_1560 = tpu.memref_squeeze %dma_wait3A_1559 : memref<1x1x1x8x128xf32, #tpu.memory_space<hbm>> -> memref<8x128xf32, #tpu.memory_space<hbm>>
        %dma_wait3A_1561 = arith.constant 72 : i32
        %dma_wait3A_1562 = arith.constant 0 : i32
        %dma_wait3A_1563 = tpu.memref_slice %arg11[%dma_wait3A_1561, %dma_wait3A_1562] : memref<128x129xf32, #tpu.memory_space<vmem>> -> memref<8x128xf32, #tpu.memory_space<vmem>>
        tpu.wait_dma2 semaphore(%arg17 : memref<!tpu.dma_semaphore, #tpu.memory_space<semaphore_mem>>) src(%dma_wait3A_1563 : memref<8x128xf32, #tpu.memory_space<vmem>>) dst(%dma_wait3A_1560 : memref<8x128xf32, #tpu.memory_space<hbm>>)
        %dma_wait3A_1564 = arith.constant 1 : i32
        %dma_wait3A_1565 = arith.constant 2 : i32
        %dma_wait3A_1566 = arith.constant 80 : i32
        %dma_wait3A_1567 = arith.constant 0 : i32
        %dma_wait3A_1568 = tpu.memref_slice %arg11[%dma_wait3A_1566, %dma_wait3A_1567] : memref<128x129xf32, #tpu.memory_space<vmem>> -> memref<8x128xf32, #tpu.memory_space<vmem>>
        %dma_wait3A_1569 = arith.constant 0 : i32
        %dma_wait3A_1570 = arith.constant 0 : i32
        %dma_wait3A_1571 = tpu.memref_slice %arg5[%dma_wait3A_1564, %dma_wait3A_1565, %add3A, %dma_wait3A_1569, %dma_wait3A_1570] : memref<200x8x32x8x128xf32, #tpu.memory_space<hbm>> -> memref<1x1x1x8x128xf32, #tpu.memory_space<hbm>>
        %dma_wait3A_1572 = tpu.memref_squeeze %dma_wait3A_1571 : memref<1x1x1x8x128xf32, #tpu.memory_space<hbm>> -> memref<8x128xf32, #tpu.memory_space<hbm>>
        %dma_wait3A_1573 = arith.constant 0 : i32
        %dma_wait3A_1574 = arith.constant 0 : i32
        %dma_wait3A_1575 = tpu.memref_slice %arg5[%dma_wait3A_1564, %dma_wait3A_1565, %add3A, %dma_wait3A_1573, %dma_wait3A_1574] : memref<200x8x32x8x128xf32, #tpu.memory_space<hbm>> -> memref<1x1x1x8x128xf32, #tpu.memory_space<hbm>>
        %dma_wait3A_1576 = tpu.memref_squeeze %dma_wait3A_1575 : memref<1x1x1x8x128xf32, #tpu.memory_space<hbm>> -> memref<8x128xf32, #tpu.memory_space<hbm>>
        %dma_wait3A_1577 = arith.constant 80 : i32
        %dma_wait3A_1578 = arith.constant 0 : i32
        %dma_wait3A_1579 = tpu.memref_slice %arg11[%dma_wait3A_1577, %dma_wait3A_1578] : memref<128x129xf32, #tpu.memory_space<vmem>> -> memref<8x128xf32, #tpu.memory_space<vmem>>
        tpu.wait_dma2 semaphore(%arg17 : memref<!tpu.dma_semaphore, #tpu.memory_space<semaphore_mem>>) src(%dma_wait3A_1579 : memref<8x128xf32, #tpu.memory_space<vmem>>) dst(%dma_wait3A_1576 : memref<8x128xf32, #tpu.memory_space<hbm>>)
        %dma_wait3A_1580 = arith.constant 1 : i32
        %dma_wait3A_1581 = arith.constant 3 : i32
        %dma_wait3A_1582 = arith.constant 88 : i32
        %dma_wait3A_1583 = arith.constant 0 : i32
        %dma_wait3A_1584 = tpu.memref_slice %arg11[%dma_wait3A_1582, %dma_wait3A_1583] : memref<128x129xf32, #tpu.memory_space<vmem>> -> memref<8x128xf32, #tpu.memory_space<vmem>>
        %dma_wait3A_1585 = arith.constant 0 : i32
        %dma_wait3A_1586 = arith.constant 0 : i32
        %dma_wait3A_1587 = tpu.memref_slice %arg5[%dma_wait3A_1580, %dma_wait3A_1581, %add3A, %dma_wait3A_1585, %dma_wait3A_1586] : memref<200x8x32x8x128xf32, #tpu.memory_space<hbm>> -> memref<1x1x1x8x128xf32, #tpu.memory_space<hbm>>
        %dma_wait3A_1588 = tpu.memref_squeeze %dma_wait3A_1587 : memref<1x1x1x8x128xf32, #tpu.memory_space<hbm>> -> memref<8x128xf32, #tpu.memory_space<hbm>>
        %dma_wait3A_1589 = arith.constant 0 : i32
        %dma_wait3A_1590 = arith.constant 0 : i32
        %dma_wait3A_1591 = tpu.memref_slice %arg5[%dma_wait3A_1580, %dma_wait3A_1581, %add3A, %dma_wait3A_1589, %dma_wait3A_1590] : memref<200x8x32x8x128xf32, #tpu.memory_space<hbm>> -> memref<1x1x1x8x128xf32, #tpu.memory_space<hbm>>
        %dma_wait3A_1592 = tpu.memref_squeeze %dma_wait3A_1591 : memref<1x1x1x8x128xf32, #tpu.memory_space<hbm>> -> memref<8x128xf32, #tpu.memory_space<hbm>>
        %dma_wait3A_1593 = arith.constant 88 : i32
        %dma_wait3A_1594 = arith.constant 0 : i32
        %dma_wait3A_1595 = tpu.memref_slice %arg11[%dma_wait3A_1593, %dma_wait3A_1594] : memref<128x129xf32, #tpu.memory_space<vmem>> -> memref<8x128xf32, #tpu.memory_space<vmem>>
        tpu.wait_dma2 semaphore(%arg17 : memref<!tpu.dma_semaphore, #tpu.memory_space<semaphore_mem>>) src(%dma_wait3A_1595 : memref<8x128xf32, #tpu.memory_space<vmem>>) dst(%dma_wait3A_1592 : memref<8x128xf32, #tpu.memory_space<hbm>>)
        %dma_wait3A_1596 = arith.constant 1 : i32
        %dma_wait3A_1597 = arith.constant 4 : i32
        %dma_wait3A_1598 = arith.constant 96 : i32
        %dma_wait3A_1599 = arith.constant 0 : i32
        %dma_wait3A_1600 = tpu.memref_slice %arg11[%dma_wait3A_1598, %dma_wait3A_1599] : memref<128x129xf32, #tpu.memory_space<vmem>> -> memref<8x128xf32, #tpu.memory_space<vmem>>
        %dma_wait3A_1601 = arith.constant 0 : i32
        %dma_wait3A_1602 = arith.constant 0 : i32
        %dma_wait3A_1603 = tpu.memref_slice %arg5[%dma_wait3A_1596, %dma_wait3A_1597, %add3A, %dma_wait3A_1601, %dma_wait3A_1602] : memref<200x8x32x8x128xf32, #tpu.memory_space<hbm>> -> memref<1x1x1x8x128xf32, #tpu.memory_space<hbm>>
        %dma_wait3A_1604 = tpu.memref_squeeze %dma_wait3A_1603 : memref<1x1x1x8x128xf32, #tpu.memory_space<hbm>> -> memref<8x128xf32, #tpu.memory_space<hbm>>
        %dma_wait3A_1605 = arith.constant 0 : i32
        %dma_wait3A_1606 = arith.constant 0 : i32
        %dma_wait3A_1607 = tpu.memref_slice %arg5[%dma_wait3A_1596, %dma_wait3A_1597, %add3A, %dma_wait3A_1605, %dma_wait3A_1606] : memref<200x8x32x8x128xf32, #tpu.memory_space<hbm>> -> memref<1x1x1x8x128xf32, #tpu.memory_space<hbm>>
        %dma_wait3A_1608 = tpu.memref_squeeze %dma_wait3A_1607 : memref<1x1x1x8x128xf32, #tpu.memory_space<hbm>> -> memref<8x128xf32, #tpu.memory_space<hbm>>
        %dma_wait3A_1609 = arith.constant 96 : i32
        %dma_wait3A_1610 = arith.constant 0 : i32
        %dma_wait3A_1611 = tpu.memref_slice %arg11[%dma_wait3A_1609, %dma_wait3A_1610] : memref<128x129xf32, #tpu.memory_space<vmem>> -> memref<8x128xf32, #tpu.memory_space<vmem>>
        tpu.wait_dma2 semaphore(%arg17 : memref<!tpu.dma_semaphore, #tpu.memory_space<semaphore_mem>>) src(%dma_wait3A_1611 : memref<8x128xf32, #tpu.memory_space<vmem>>) dst(%dma_wait3A_1608 : memref<8x128xf32, #tpu.memory_space<hbm>>)
        %dma_wait3A_1612 = arith.constant 1 : i32
        %dma_wait3A_1613 = arith.constant 5 : i32
        %dma_wait3A_1614 = arith.constant 104 : i32
        %dma_wait3A_1615 = arith.constant 0 : i32
        %dma_wait3A_1616 = tpu.memref_slice %arg11[%dma_wait3A_1614, %dma_wait3A_1615] : memref<128x129xf32, #tpu.memory_space<vmem>> -> memref<8x128xf32, #tpu.memory_space<vmem>>
        %dma_wait3A_1617 = arith.constant 0 : i32
        %dma_wait3A_1618 = arith.constant 0 : i32
        %dma_wait3A_1619 = tpu.memref_slice %arg5[%dma_wait3A_1612, %dma_wait3A_1613, %add3A, %dma_wait3A_1617, %dma_wait3A_1618] : memref<200x8x32x8x128xf32, #tpu.memory_space<hbm>> -> memref<1x1x1x8x128xf32, #tpu.memory_space<hbm>>
        %dma_wait3A_1620 = tpu.memref_squeeze %dma_wait3A_1619 : memref<1x1x1x8x128xf32, #tpu.memory_space<hbm>> -> memref<8x128xf32, #tpu.memory_space<hbm>>
        %dma_wait3A_1621 = arith.constant 0 : i32
        %dma_wait3A_1622 = arith.constant 0 : i32
        %dma_wait3A_1623 = tpu.memref_slice %arg5[%dma_wait3A_1612, %dma_wait3A_1613, %add3A, %dma_wait3A_1621, %dma_wait3A_1622] : memref<200x8x32x8x128xf32, #tpu.memory_space<hbm>> -> memref<1x1x1x8x128xf32, #tpu.memory_space<hbm>>
        %dma_wait3A_1624 = tpu.memref_squeeze %dma_wait3A_1623 : memref<1x1x1x8x128xf32, #tpu.memory_space<hbm>> -> memref<8x128xf32, #tpu.memory_space<hbm>>
        %dma_wait3A_1625 = arith.constant 104 : i32
        %dma_wait3A_1626 = arith.constant 0 : i32
        %dma_wait3A_1627 = tpu.memref_slice %arg11[%dma_wait3A_1625, %dma_wait3A_1626] : memref<128x129xf32, #tpu.memory_space<vmem>> -> memref<8x128xf32, #tpu.memory_space<vmem>>
        tpu.wait_dma2 semaphore(%arg17 : memref<!tpu.dma_semaphore, #tpu.memory_space<semaphore_mem>>) src(%dma_wait3A_1627 : memref<8x128xf32, #tpu.memory_space<vmem>>) dst(%dma_wait3A_1624 : memref<8x128xf32, #tpu.memory_space<hbm>>)
        %dma_wait3A_1628 = arith.constant 1 : i32
        %dma_wait3A_1629 = arith.constant 6 : i32
        %dma_wait3A_1630 = arith.constant 112 : i32
        %dma_wait3A_1631 = arith.constant 0 : i32
        %dma_wait3A_1632 = tpu.memref_slice %arg11[%dma_wait3A_1630, %dma_wait3A_1631] : memref<128x129xf32, #tpu.memory_space<vmem>> -> memref<8x128xf32, #tpu.memory_space<vmem>>
        %dma_wait3A_1633 = arith.constant 0 : i32
        %dma_wait3A_1634 = arith.constant 0 : i32
        %dma_wait3A_1635 = tpu.memref_slice %arg5[%dma_wait3A_1628, %dma_wait3A_1629, %add3A, %dma_wait3A_1633, %dma_wait3A_1634] : memref<200x8x32x8x128xf32, #tpu.memory_space<hbm>> -> memref<1x1x1x8x128xf32, #tpu.memory_space<hbm>>
        %dma_wait3A_1636 = tpu.memref_squeeze %dma_wait3A_1635 : memref<1x1x1x8x128xf32, #tpu.memory_space<hbm>> -> memref<8x128xf32, #tpu.memory_space<hbm>>
        %dma_wait3A_1637 = arith.constant 0 : i32
        %dma_wait3A_1638 = arith.constant 0 : i32
        %dma_wait3A_1639 = tpu.memref_slice %arg5[%dma_wait3A_1628, %dma_wait3A_1629, %add3A, %dma_wait3A_1637, %dma_wait3A_1638] : memref<200x8x32x8x128xf32, #tpu.memory_space<hbm>> -> memref<1x1x1x8x128xf32, #tpu.memory_space<hbm>>
        %dma_wait3A_1640 = tpu.memref_squeeze %dma_wait3A_1639 : memref<1x1x1x8x128xf32, #tpu.memory_space<hbm>> -> memref<8x128xf32, #tpu.memory_space<hbm>>
        %dma_wait3A_1641 = arith.constant 112 : i32
        %dma_wait3A_1642 = arith.constant 0 : i32
        %dma_wait3A_1643 = tpu.memref_slice %arg11[%dma_wait3A_1641, %dma_wait3A_1642] : memref<128x129xf32, #tpu.memory_space<vmem>> -> memref<8x128xf32, #tpu.memory_space<vmem>>
        tpu.wait_dma2 semaphore(%arg17 : memref<!tpu.dma_semaphore, #tpu.memory_space<semaphore_mem>>) src(%dma_wait3A_1643 : memref<8x128xf32, #tpu.memory_space<vmem>>) dst(%dma_wait3A_1640 : memref<8x128xf32, #tpu.memory_space<hbm>>)
        %dma_wait3A_1644 = arith.constant 1 : i32
        %dma_wait3A_1645 = arith.constant 7 : i32
        %dma_wait3A_1646 = arith.constant 120 : i32
        %dma_wait3A_1647 = arith.constant 0 : i32
        %dma_wait3A_1648 = tpu.memref_slice %arg11[%dma_wait3A_1646, %dma_wait3A_1647] : memref<128x129xf32, #tpu.memory_space<vmem>> -> memref<8x128xf32, #tpu.memory_space<vmem>>
        %dma_wait3A_1649 = arith.constant 0 : i32
        %dma_wait3A_1650 = arith.constant 0 : i32
        %dma_wait3A_1651 = tpu.memref_slice %arg5[%dma_wait3A_1644, %dma_wait3A_1645, %add3A, %dma_wait3A_1649, %dma_wait3A_1650] : memref<200x8x32x8x128xf32, #tpu.memory_space<hbm>> -> memref<1x1x1x8x128xf32, #tpu.memory_space<hbm>>
        %dma_wait3A_1652 = tpu.memref_squeeze %dma_wait3A_1651 : memref<1x1x1x8x128xf32, #tpu.memory_space<hbm>> -> memref<8x128xf32, #tpu.memory_space<hbm>>
        %dma_wait3A_1653 = arith.constant 0 : i32
        %dma_wait3A_1654 = arith.constant 0 : i32
        %dma_wait3A_1655 = tpu.memref_slice %arg5[%dma_wait3A_1644, %dma_wait3A_1645, %add3A, %dma_wait3A_1653, %dma_wait3A_1654] : memref<200x8x32x8x128xf32, #tpu.memory_space<hbm>> -> memref<1x1x1x8x128xf32, #tpu.memory_space<hbm>>
        %dma_wait3A_1656 = tpu.memref_squeeze %dma_wait3A_1655 : memref<1x1x1x8x128xf32, #tpu.memory_space<hbm>> -> memref<8x128xf32, #tpu.memory_space<hbm>>
        %dma_wait3A_1657 = arith.constant 120 : i32
        %dma_wait3A_1658 = arith.constant 0 : i32
        %dma_wait3A_1659 = tpu.memref_slice %arg11[%dma_wait3A_1657, %dma_wait3A_1658] : memref<128x129xf32, #tpu.memory_space<vmem>> -> memref<8x128xf32, #tpu.memory_space<vmem>>
        tpu.wait_dma2 semaphore(%arg17 : memref<!tpu.dma_semaphore, #tpu.memory_space<semaphore_mem>>) src(%dma_wait3A_1659 : memref<8x128xf32, #tpu.memory_space<vmem>>) dst(%dma_wait3A_1656 : memref<8x128xf32, #tpu.memory_space<hbm>>)
      } else {
      }
      %div3A_1015 = arith.constant 1 : i32
      %div3A_1016 = arith.divsi %add3A_998, %div3A_1015 : i32
      %mul3A_1017 = arith.constant 2 : i32
      %mul3A_1018 = arith.muli %div3A_1016, %mul3A_1017 : i32
      %rem3A_1019 = arith.constant 1 : i32
      %rem3A_1020 = arith.remsi %add3A_998, %rem3A_1019 : i32
      %mul3A_1021 = arith.constant 128 : i32
      %mul3A_1022 = arith.muli %rem3A_1020, %mul3A_1021 : i32
      %add3A_1023 = arith.constant 0 : i32
      %add3A_1024 = arith.addi %mul3A_1018, %add3A_1023 : i32
      %get3A_1025 = arith.index_cast %add3A_1024 : i32 to index
      %get3A_1026 = arith.constant 0 : index
      %get3A_1027 = tpu.vector_load %arg7[%get3A_1025, %get3A_1026] {strides = array<i32>} : memref<200x64xf32, #tpu.memory_space<vmem>>, vector<16xf32>,
      %add3A_1028 = arith.constant 0 : i32
      %add3A_1029 = arith.addi %mul3A_1018, %add3A_1028 : i32
      %get3A_1030 = arith.index_cast %add3A_1029 : i32 to index
      %get3A_1031 = arith.constant 16 : index
      %get3A_1032 = tpu.vector_load %arg7[%get3A_1030, %get3A_1031] {strides = array<i32>} : memref<200x64xf32, #tpu.memory_space<vmem>>, vector<16xf32>,
      %add3A_1033 = arith.constant 0 : i32
      %add3A_1034 = arith.addi %mul3A_1018, %add3A_1033 : i32
      %get3A_1035 = arith.index_cast %add3A_1034 : i32 to index
      %get3A_1036 = arith.constant 32 : index
      %get3A_1037 = tpu.vector_load %arg7[%get3A_1035, %get3A_1036] {strides = array<i32>} : memref<200x64xf32, #tpu.memory_space<vmem>>, vector<16xf32>,
      %add3A_1038 = arith.constant 0 : i32
      %add3A_1039 = arith.addi %mul3A_1018, %add3A_1038 : i32
      %get3A_1040 = arith.index_cast %add3A_1039 : i32 to index
      %get3A_1041 = arith.constant 48 : index
      %get3A_1042 = tpu.vector_load %arg7[%get3A_1040, %get3A_1041] {strides = array<i32>} : memref<200x64xf32, #tpu.memory_space<vmem>>, vector<16xf32>,
      %broadcast_in_dim3A_1043 = arith.constant 0 : i32
      %broadcast_in_dim3A_1044 = vector.broadcast %broadcast_in_dim3A_1043 : i32 to vector<16xi32>
      %broadcast_in_dim3A_1045 = arith.constant 1 : i32
      %broadcast_in_dim3A_1046 = vector.broadcast %broadcast_in_dim3A_1045 : i32 to vector<16xi32>
      %scan3A_1047 = arith.constant 0 : i32
      %scan3A_1048 = arith.constant 64 : i32
      %scan3A_1049 = arith.addi %scan3A_1047, %scan3A_1048 : i32
      %scan3A_1050 = arith.constant 2 : i32
      %scan3A_1051:2 = scf.for %scan3A_1404 = %scan3A_1047 to %scan3A_1049 step %scan3A_1050 iter_args(%scan3A_1405 = %broadcast_in_dim3A_1044, %scan3A_1406 = %broadcast_in_dim3A_1046) -> (vector<16xi32>, vector<16xi32>)  : i32 {
        %mul3A_1407 = arith.constant 2 : i32
        %mul3A_1408 = arith.muli %mul3A_1407, %scan3A_1404 : i32
        %add3A_1409 = arith.constant 0 : i32
        %add3A_1410 = arith.addi %add3A_1409, %mul3A_1408 : i32
        %add3A_1411 = arith.constant 0 : i32
        %add3A_1412 = arith.addi %add3A_1410, %add3A_1411 : i32
        %get3A_1413 = arith.index_cast %add3A_1412 : i32 to index
        %get3A_1414 = arith.constant 0 : index
        %get3A_1415 = tpu.vector_load %arg9[%get3A_1413, %get3A_1414] {strides = array<i32>} : memref<256x64xf32, #tpu.memory_space<vmem>>, vector<16xf32>,
        %add3A_1416 = arith.addf %get3A_1415, %get3A_1027 : vector<16xf32>
        %add3A_1417 = arith.constant 0 : i32
        %add3A_1418 = arith.addi %add3A_1410, %add3A_1417 : i32
        %get3A_1419 = arith.index_cast %add3A_1418 : i32 to index
        %get3A_1420 = arith.constant 16 : index
        %get3A_1421 = tpu.vector_load %arg9[%get3A_1419, %get3A_1420] {strides = array<i32>} : memref<256x64xf32, #tpu.memory_space<vmem>>, vector<16xf32>,
        %add3A_1422 = arith.addf %get3A_1421, %get3A_1032 : vector<16xf32>
        %add3A_1423 = arith.constant 0 : i32
        %add3A_1424 = arith.addi %add3A_1410, %add3A_1423 : i32
        %get3A_1425 = arith.index_cast %add3A_1424 : i32 to index
        %get3A_1426 = arith.constant 32 : index
        %get3A_1427 = tpu.vector_load %arg9[%get3A_1425, %get3A_1426] {strides = array<i32>} : memref<256x64xf32, #tpu.memory_space<vmem>>, vector<16xf32>,
        %add3A_1428 = arith.addf %get3A_1427, %get3A_1037 : vector<16xf32>
        %add3A_1429 = arith.constant 0 : i32
        %add3A_1430 = arith.addi %add3A_1410, %add3A_1429 : i32
        %get3A_1431 = arith.index_cast %add3A_1430 : i32 to index
        %get3A_1432 = arith.constant 48 : index
        %get3A_1433 = tpu.vector_load %arg9[%get3A_1431, %get3A_1432] {strides = array<i32>} : memref<256x64xf32, #tpu.memory_space<vmem>>, vector<16xf32>,
        %add3A_1434 = arith.addf %get3A_1433, %get3A_1042 : vector<16xf32>
        tpu.vector_store_idx %arg11[%add3A_5, %scan3A_1405], %add3A_1416 : memref<128x129xf32, #tpu.memory_space<vmem>>[vector<16xi32>, vector<16xi32>], vector<16xf32>,
        tpu.vector_store_idx %arg11[%add3A_9, %scan3A_1405], %add3A_1422 : memref<128x129xf32, #tpu.memory_space<vmem>>[vector<16xi32>, vector<16xi32>], vector<16xf32>,
        tpu.vector_store_idx %arg11[%add3A_13, %scan3A_1405], %add3A_1428 : memref<128x129xf32, #tpu.memory_space<vmem>>[vector<16xi32>, vector<16xi32>], vector<16xf32>,
        tpu.vector_store_idx %arg11[%add3A_17, %scan3A_1405], %add3A_1434 : memref<128x129xf32, #tpu.memory_space<vmem>>[vector<16xi32>, vector<16xi32>], vector<16xf32>,
        %add3A_1435 = arith.constant 1 : i32
        %add3A_1436 = arith.addi %add3A_1410, %add3A_1435 : i32
        %get3A_1437 = arith.index_cast %add3A_1436 : i32 to index
        %get3A_1438 = arith.constant 0 : index
        %get3A_1439 = tpu.vector_load %arg9[%get3A_1437, %get3A_1438] {strides = array<i32>} : memref<256x64xf32, #tpu.memory_space<vmem>>, vector<16xf32>,
        %add3A_1440 = arith.addf %get3A_1439, %get3A_1027 : vector<16xf32>
        %add3A_1441 = arith.constant 1 : i32
        %add3A_1442 = arith.addi %add3A_1410, %add3A_1441 : i32
        %get3A_1443 = arith.index_cast %add3A_1442 : i32 to index
        %get3A_1444 = arith.constant 16 : index
        %get3A_1445 = tpu.vector_load %arg9[%get3A_1443, %get3A_1444] {strides = array<i32>} : memref<256x64xf32, #tpu.memory_space<vmem>>, vector<16xf32>,
        %add3A_1446 = arith.addf %get3A_1445, %get3A_1032 : vector<16xf32>
        %add3A_1447 = arith.constant 1 : i32
        %add3A_1448 = arith.addi %add3A_1410, %add3A_1447 : i32
        %get3A_1449 = arith.index_cast %add3A_1448 : i32 to index
        %get3A_1450 = arith.constant 32 : index
        %get3A_1451 = tpu.vector_load %arg9[%get3A_1449, %get3A_1450] {strides = array<i32>} : memref<256x64xf32, #tpu.memory_space<vmem>>, vector<16xf32>,
        %add3A_1452 = arith.addf %get3A_1451, %get3A_1037 : vector<16xf32>
        %add3A_1453 = arith.constant 1 : i32
        %add3A_1454 = arith.addi %add3A_1410, %add3A_1453 : i32
        %get3A_1455 = arith.index_cast %add3A_1454 : i32 to index
        %get3A_1456 = arith.constant 48 : index
        %get3A_1457 = tpu.vector_load %arg9[%get3A_1455, %get3A_1456] {strides = array<i32>} : memref<256x64xf32, #tpu.memory_space<vmem>>, vector<16xf32>,
        %add3A_1458 = arith.addf %get3A_1457, %get3A_1042 : vector<16xf32>
        tpu.vector_store_idx %arg11[%add3A_5, %scan3A_1406], %add3A_1440 : memref<128x129xf32, #tpu.memory_space<vmem>>[vector<16xi32>, vector<16xi32>], vector<16xf32>,
        tpu.vector_store_idx %arg11[%add3A_9, %scan3A_1406], %add3A_1446 : memref<128x129xf32, #tpu.memory_space<vmem>>[vector<16xi32>, vector<16xi32>], vector<16xf32>,
        tpu.vector_store_idx %arg11[%add3A_13, %scan3A_1406], %add3A_1452 : memref<128x129xf32, #tpu.memory_space<vmem>>[vector<16xi32>, vector<16xi32>], vector<16xf32>,
        tpu.vector_store_idx %arg11[%add3A_17, %scan3A_1406], %add3A_1458 : memref<128x129xf32, #tpu.memory_space<vmem>>[vector<16xi32>, vector<16xi32>], vector<16xf32>,
        %add3A_1459 = arith.constant 2 : i32
        %add3A_1460 = vector.broadcast %add3A_1459 : i32 to vector<16xi32>
        %add3A_1461 = arith.addi %scan3A_1405, %add3A_1460 : vector<16xi32>
        %add3A_1462 = arith.constant 2 : i32
        %add3A_1463 = vector.broadcast %add3A_1462 : i32 to vector<16xi32>
        %add3A_1464 = arith.addi %scan3A_1406, %add3A_1463 : vector<16xi32>
        %scan3A_1465 = arith.constant 1 : i32
        %scan3A_1466 = arith.addi %scan3A_1404, %scan3A_1465 : i32
        %mul3A_1467 = arith.constant 2 : i32
        %mul3A_1468 = arith.muli %mul3A_1467, %scan3A_1466 : i32
        %add3A_1469 = arith.constant 0 : i32
        %add3A_1470 = arith.addi %add3A_1469, %mul3A_1468 : i32
        %add3A_1471 = arith.constant 0 : i32
        %add3A_1472 = arith.addi %add3A_1470, %add3A_1471 : i32
        %get3A_1473 = arith.index_cast %add3A_1472 : i32 to index
        %get3A_1474 = arith.constant 0 : index
        %get3A_1475 = tpu.vector_load %arg9[%get3A_1473, %get3A_1474] {strides = array<i32>} : memref<256x64xf32, #tpu.memory_space<vmem>>, vector<16xf32>,
        %add3A_1476 = arith.addf %get3A_1475, %get3A_1027 : vector<16xf32>
        %add3A_1477 = arith.constant 0 : i32
        %add3A_1478 = arith.addi %add3A_1470, %add3A_1477 : i32
        %get3A_1479 = arith.index_cast %add3A_1478 : i32 to index
        %get3A_1480 = arith.constant 16 : index
        %get3A_1481 = tpu.vector_load %arg9[%get3A_1479, %get3A_1480] {strides = array<i32>} : memref<256x64xf32, #tpu.memory_space<vmem>>, vector<16xf32>,
        %add3A_1482 = arith.addf %get3A_1481, %get3A_1032 : vector<16xf32>
        %add3A_1483 = arith.constant 0 : i32
        %add3A_1484 = arith.addi %add3A_1470, %add3A_1483 : i32
        %get3A_1485 = arith.index_cast %add3A_1484 : i32 to index
        %get3A_1486 = arith.constant 32 : index
        %get3A_1487 = tpu.vector_load %arg9[%get3A_1485, %get3A_1486] {strides = array<i32>} : memref<256x64xf32, #tpu.memory_space<vmem>>, vector<16xf32>,
        %add3A_1488 = arith.addf %get3A_1487, %get3A_1037 : vector<16xf32>
        %add3A_1489 = arith.constant 0 : i32
        %add3A_1490 = arith.addi %add3A_1470, %add3A_1489 : i32
        %get3A_1491 = arith.index_cast %add3A_1490 : i32 to index
        %get3A_1492 = arith.constant 48 : index
        %get3A_1493 = tpu.vector_load %arg9[%get3A_1491, %get3A_1492] {strides = array<i32>} : memref<256x64xf32, #tpu.memory_space<vmem>>, vector<16xf32>,
        %add3A_1494 = arith.addf %get3A_1493, %get3A_1042 : vector<16xf32>
        tpu.vector_store_idx %arg11[%add3A_5, %add3A_1461], %add3A_1476 : memref<128x129xf32, #tpu.memory_space<vmem>>[vector<16xi32>, vector<16xi32>], vector<16xf32>,
        tpu.vector_store_idx %arg11[%add3A_9, %add3A_1461], %add3A_1482 : memref<128x129xf32, #tpu.memory_space<vmem>>[vector<16xi32>, vector<16xi32>], vector<16xf32>,
        tpu.vector_store_idx %arg11[%add3A_13, %add3A_1461], %add3A_1488 : memref<128x129xf32, #tpu.memory_space<vmem>>[vector<16xi32>, vector<16xi32>], vector<16xf32>,
        tpu.vector_store_idx %arg11[%add3A_17, %add3A_1461], %add3A_1494 : memref<128x129xf32, #tpu.memory_space<vmem>>[vector<16xi32>, vector<16xi32>], vector<16xf32>,
        %add3A_1495 = arith.constant 1 : i32
        %add3A_1496 = arith.addi %add3A_1470, %add3A_1495 : i32
        %get3A_1497 = arith.index_cast %add3A_1496 : i32 to index
        %get3A_1498 = arith.constant 0 : index
        %get3A_1499 = tpu.vector_load %arg9[%get3A_1497, %get3A_1498] {strides = array<i32>} : memref<256x64xf32, #tpu.memory_space<vmem>>, vector<16xf32>,
        %add3A_1500 = arith.addf %get3A_1499, %get3A_1027 : vector<16xf32>
        %add3A_1501 = arith.constant 1 : i32
        %add3A_1502 = arith.addi %add3A_1470, %add3A_1501 : i32
        %get3A_1503 = arith.index_cast %add3A_1502 : i32 to index
        %get3A_1504 = arith.constant 16 : index
        %get3A_1505 = tpu.vector_load %arg9[%get3A_1503, %get3A_1504] {strides = array<i32>} : memref<256x64xf32, #tpu.memory_space<vmem>>, vector<16xf32>,
        %add3A_1506 = arith.addf %get3A_1505, %get3A_1032 : vector<16xf32>
        %add3A_1507 = arith.constant 1 : i32
        %add3A_1508 = arith.addi %add3A_1470, %add3A_1507 : i32
        %get3A_1509 = arith.index_cast %add3A_1508 : i32 to index
        %get3A_1510 = arith.constant 32 : index
        %get3A_1511 = tpu.vector_load %arg9[%get3A_1509, %get3A_1510] {strides = array<i32>} : memref<256x64xf32, #tpu.memory_space<vmem>>, vector<16xf32>,
        %add3A_1512 = arith.addf %get3A_1511, %get3A_1037 : vector<16xf32>
        %add3A_1513 = arith.constant 1 : i32
        %add3A_1514 = arith.addi %add3A_1470, %add3A_1513 : i32
        %get3A_1515 = arith.index_cast %add3A_1514 : i32 to index
        %get3A_1516 = arith.constant 48 : index
        %get3A_1517 = tpu.vector_load %arg9[%get3A_1515, %get3A_1516] {strides = array<i32>} : memref<256x64xf32, #tpu.memory_space<vmem>>, vector<16xf32>,
        %add3A_1518 = arith.addf %get3A_1517, %get3A_1042 : vector<16xf32>
        tpu.vector_store_idx %arg11[%add3A_5, %add3A_1464], %add3A_1500 : memref<128x129xf32, #tpu.memory_space<vmem>>[vector<16xi32>, vector<16xi32>], vector<16xf32>,
        tpu.vector_store_idx %arg11[%add3A_9, %add3A_1464], %add3A_1506 : memref<128x129xf32, #tpu.memory_space<vmem>>[vector<16xi32>, vector<16xi32>], vector<16xf32>,
        tpu.vector_store_idx %arg11[%add3A_13, %add3A_1464], %add3A_1512 : memref<128x129xf32, #tpu.memory_space<vmem>>[vector<16xi32>, vector<16xi32>], vector<16xf32>,
        tpu.vector_store_idx %arg11[%add3A_17, %add3A_1464], %add3A_1518 : memref<128x129xf32, #tpu.memory_space<vmem>>[vector<16xi32>, vector<16xi32>], vector<16xf32>,
        %add3A_1519 = arith.constant 2 : i32
        %add3A_1520 = vector.broadcast %add3A_1519 : i32 to vector<16xi32>
        %add3A_1521 = arith.addi %add3A_1461, %add3A_1520 : vector<16xi32>
        %add3A_1522 = arith.constant 2 : i32
        %add3A_1523 = vector.broadcast %add3A_1522 : i32 to vector<16xi32>
        %add3A_1524 = arith.addi %add3A_1464, %add3A_1523 : vector<16xi32>
        scf.yield %add3A_1521, %add3A_1524 : vector<16xi32>, vector<16xi32>
      }
      %scan3A_1052 = arith.constant 64 : i32
      %div3A_1053 = arith.constant 1 : i32
      %div3A_1054 = arith.divsi %add3A_998, %div3A_1053 : i32
      %mul3A_1055 = arith.constant 2 : i32
      %mul3A_1056 = arith.muli %div3A_1054, %mul3A_1055 : i32
      %rem3A_1057 = arith.constant 1 : i32
      %rem3A_1058 = arith.remsi %add3A_998, %rem3A_1057 : i32
      %mul3A_1059 = arith.constant 128 : i32
      %mul3A_1060 = arith.muli %rem3A_1058, %mul3A_1059 : i32
      %add3A_1061 = arith.constant 0 : i32
      %add3A_1062 = arith.addi %mul3A_1056, %add3A_1061 : i32
      %dma_start3A_1063 = arith.constant 0 : i32
      %dma_start3A_1064 = arith.constant 0 : i32
      %dma_start3A_1065 = arith.constant 0 : i32
      %dma_start3A_1066 = tpu.memref_slice %arg11[%dma_start3A_1064, %dma_start3A_1065] : memref<128x129xf32, #tpu.memory_space<vmem>> -> memref<8x128xf32, #tpu.memory_space<vmem>>
      %dma_start3A_1067 = arith.constant 0 : i32
      %dma_start3A_1068 = arith.constant 0 : i32
      %dma_start3A_1069 = tpu.memref_slice %arg5[%add3A_1062, %dma_start3A_1063, %add3A, %dma_start3A_1067, %dma_start3A_1068] : memref<200x8x32x8x128xf32, #tpu.memory_space<hbm>> -> memref<1x1x1x8x128xf32, #tpu.memory_space<hbm>>
      %dma_start3A_1070 = tpu.memref_squeeze %dma_start3A_1069 : memref<1x1x1x8x128xf32, #tpu.memory_space<hbm>> -> memref<8x128xf32, #tpu.memory_space<hbm>>
      %dma_start3A_1071 = arith.constant 0 : i32
      %dma_start3A_1072 = arith.constant 0 : i32
      %dma_start3A_1073 = tpu.memref_slice %arg5[%add3A_1062, %dma_start3A_1063, %add3A, %dma_start3A_1071, %dma_start3A_1072] : memref<200x8x32x8x128xf32, #tpu.memory_space<hbm>> -> memref<1x1x1x8x128xf32, #tpu.memory_space<hbm>>
      %dma_start3A_1074 = tpu.memref_squeeze %dma_start3A_1073 : memref<1x1x1x8x128xf32, #tpu.memory_space<hbm>> -> memref<8x128xf32, #tpu.memory_space<hbm>>
      %dma_start3A_1075 = arith.constant 0 : i32
      %dma_start3A_1076 = arith.constant 0 : i32
      %dma_start3A_1077 = tpu.memref_slice %arg11[%dma_start3A_1075, %dma_start3A_1076] : memref<128x129xf32, #tpu.memory_space<vmem>> -> memref<8x128xf32, #tpu.memory_space<vmem>>
      tpu.enqueue_dma source(%dma_start3A_1077 : memref<8x128xf32, #tpu.memory_space<vmem>>) target(%dma_start3A_1074 : memref<8x128xf32, #tpu.memory_space<hbm>>) target_semaphore(%arg17 : memref<!tpu.dma_semaphore, #tpu.memory_space<semaphore_mem>>)
      %add3A_1078 = arith.constant 0 : i32
      %add3A_1079 = arith.addi %mul3A_1056, %add3A_1078 : i32
      %dma_start3A_1080 = arith.constant 1 : i32
      %dma_start3A_1081 = arith.constant 8 : i32
      %dma_start3A_1082 = arith.constant 0 : i32
      %dma_start3A_1083 = tpu.memref_slice %arg11[%dma_start3A_1081, %dma_start3A_1082] : memref<128x129xf32, #tpu.memory_space<vmem>> -> memref<8x128xf32, #tpu.memory_space<vmem>>
      %dma_start3A_1084 = arith.constant 0 : i32
      %dma_start3A_1085 = arith.constant 0 : i32
      %dma_start3A_1086 = tpu.memref_slice %arg5[%add3A_1079, %dma_start3A_1080, %add3A, %dma_start3A_1084, %dma_start3A_1085] : memref<200x8x32x8x128xf32, #tpu.memory_space<hbm>> -> memref<1x1x1x8x128xf32, #tpu.memory_space<hbm>>
      %dma_start3A_1087 = tpu.memref_squeeze %dma_start3A_1086 : memref<1x1x1x8x128xf32, #tpu.memory_space<hbm>> -> memref<8x128xf32, #tpu.memory_space<hbm>>
      %dma_start3A_1088 = arith.constant 0 : i32
      %dma_start3A_1089 = arith.constant 0 : i32
      %dma_start3A_1090 = tpu.memref_slice %arg5[%add3A_1079, %dma_start3A_1080, %add3A, %dma_start3A_1088, %dma_start3A_1089] : memref<200x8x32x8x128xf32, #tpu.memory_space<hbm>> -> memref<1x1x1x8x128xf32, #tpu.memory_space<hbm>>
      %dma_start3A_1091 = tpu.memref_squeeze %dma_start3A_1090 : memref<1x1x1x8x128xf32, #tpu.memory_space<hbm>> -> memref<8x128xf32, #tpu.memory_space<hbm>>
      %dma_start3A_1092 = arith.constant 8 : i32
      %dma_start3A_1093 = arith.constant 0 : i32
      %dma_start3A_1094 = tpu.memref_slice %arg11[%dma_start3A_1092, %dma_start3A_1093] : memref<128x129xf32, #tpu.memory_space<vmem>> -> memref<8x128xf32, #tpu.memory_space<vmem>>
      tpu.enqueue_dma source(%dma_start3A_1094 : memref<8x128xf32, #tpu.memory_space<vmem>>) target(%dma_start3A_1091 : memref<8x128xf32, #tpu.memory_space<hbm>>) target_semaphore(%arg17 : memref<!tpu.dma_semaphore, #tpu.memory_space<semaphore_mem>>)
      %add3A_1095 = arith.constant 0 : i32
      %add3A_1096 = arith.addi %mul3A_1056, %add3A_1095 : i32
      %dma_start3A_1097 = arith.constant 2 : i32
      %dma_start3A_1098 = arith.constant 16 : i32
      %dma_start3A_1099 = arith.constant 0 : i32
      %dma_start3A_1100 = tpu.memref_slice %arg11[%dma_start3A_1098, %dma_start3A_1099] : memref<128x129xf32, #tpu.memory_space<vmem>> -> memref<8x128xf32, #tpu.memory_space<vmem>>
      %dma_start3A_1101 = arith.constant 0 : i32
      %dma_start3A_1102 = arith.constant 0 : i32
      %dma_start3A_1103 = tpu.memref_slice %arg5[%add3A_1096, %dma_start3A_1097, %add3A, %dma_start3A_1101, %dma_start3A_1102] : memref<200x8x32x8x128xf32, #tpu.memory_space<hbm>> -> memref<1x1x1x8x128xf32, #tpu.memory_space<hbm>>
      %dma_start3A_1104 = tpu.memref_squeeze %dma_start3A_1103 : memref<1x1x1x8x128xf32, #tpu.memory_space<hbm>> -> memref<8x128xf32, #tpu.memory_space<hbm>>
      %dma_start3A_1105 = arith.constant 0 : i32
      %dma_start3A_1106 = arith.constant 0 : i32
      %dma_start3A_1107 = tpu.memref_slice %arg5[%add3A_1096, %dma_start3A_1097, %add3A, %dma_start3A_1105, %dma_start3A_1106] : memref<200x8x32x8x128xf32, #tpu.memory_space<hbm>> -> memref<1x1x1x8x128xf32, #tpu.memory_space<hbm>>
      %dma_start3A_1108 = tpu.memref_squeeze %dma_start3A_1107 : memref<1x1x1x8x128xf32, #tpu.memory_space<hbm>> -> memref<8x128xf32, #tpu.memory_space<hbm>>
      %dma_start3A_1109 = arith.constant 16 : i32
      %dma_start3A_1110 = arith.constant 0 : i32
      %dma_start3A_1111 = tpu.memref_slice %arg11[%dma_start3A_1109, %dma_start3A_1110] : memref<128x129xf32, #tpu.memory_space<vmem>> -> memref<8x128xf32, #tpu.memory_space<vmem>>
      tpu.enqueue_dma source(%dma_start3A_1111 : memref<8x128xf32, #tpu.memory_space<vmem>>) target(%dma_start3A_1108 : memref<8x128xf32, #tpu.memory_space<hbm>>) target_semaphore(%arg17 : memref<!tpu.dma_semaphore, #tpu.memory_space<semaphore_mem>>)
      %add3A_1112 = arith.constant 0 : i32
      %add3A_1113 = arith.addi %mul3A_1056, %add3A_1112 : i32
      %dma_start3A_1114 = arith.constant 3 : i32
      %dma_start3A_1115 = arith.constant 24 : i32
      %dma_start3A_1116 = arith.constant 0 : i32
      %dma_start3A_1117 = tpu.memref_slice %arg11[%dma_start3A_1115, %dma_start3A_1116] : memref<128x129xf32, #tpu.memory_space<vmem>> -> memref<8x128xf32, #tpu.memory_space<vmem>>
      %dma_start3A_1118 = arith.constant 0 : i32
      %dma_start3A_1119 = arith.constant 0 : i32
      %dma_start3A_1120 = tpu.memref_slice %arg5[%add3A_1113, %dma_start3A_1114, %add3A, %dma_start3A_1118, %dma_start3A_1119] : memref<200x8x32x8x128xf32, #tpu.memory_space<hbm>> -> memref<1x1x1x8x128xf32, #tpu.memory_space<hbm>>
      %dma_start3A_1121 = tpu.memref_squeeze %dma_start3A_1120 : memref<1x1x1x8x128xf32, #tpu.memory_space<hbm>> -> memref<8x128xf32, #tpu.memory_space<hbm>>
      %dma_start3A_1122 = arith.constant 0 : i32
      %dma_start3A_1123 = arith.constant 0 : i32
      %dma_start3A_1124 = tpu.memref_slice %arg5[%add3A_1113, %dma_start3A_1114, %add3A, %dma_start3A_1122, %dma_start3A_1123] : memref<200x8x32x8x128xf32, #tpu.memory_space<hbm>> -> memref<1x1x1x8x128xf32, #tpu.memory_space<hbm>>
      %dma_start3A_1125 = tpu.memref_squeeze %dma_start3A_1124 : memref<1x1x1x8x128xf32, #tpu.memory_space<hbm>> -> memref<8x128xf32, #tpu.memory_space<hbm>>
      %dma_start3A_1126 = arith.constant 24 : i32
      %dma_start3A_1127 = arith.constant 0 : i32
      %dma_start3A_1128 = tpu.memref_slice %arg11[%dma_start3A_1126, %dma_start3A_1127] : memref<128x129xf32, #tpu.memory_space<vmem>> -> memref<8x128xf32, #tpu.memory_space<vmem>>
      tpu.enqueue_dma source(%dma_start3A_1128 : memref<8x128xf32, #tpu.memory_space<vmem>>) target(%dma_start3A_1125 : memref<8x128xf32, #tpu.memory_space<hbm>>) target_semaphore(%arg17 : memref<!tpu.dma_semaphore, #tpu.memory_space<semaphore_mem>>)
      %add3A_1129 = arith.constant 0 : i32
      %add3A_1130 = arith.addi %mul3A_1056, %add3A_1129 : i32
      %dma_start3A_1131 = arith.constant 4 : i32
      %dma_start3A_1132 = arith.constant 32 : i32
      %dma_start3A_1133 = arith.constant 0 : i32
      %dma_start3A_1134 = tpu.memref_slice %arg11[%dma_start3A_1132, %dma_start3A_1133] : memref<128x129xf32, #tpu.memory_space<vmem>> -> memref<8x128xf32, #tpu.memory_space<vmem>>
      %dma_start3A_1135 = arith.constant 0 : i32
      %dma_start3A_1136 = arith.constant 0 : i32
      %dma_start3A_1137 = tpu.memref_slice %arg5[%add3A_1130, %dma_start3A_1131, %add3A, %dma_start3A_1135, %dma_start3A_1136] : memref<200x8x32x8x128xf32, #tpu.memory_space<hbm>> -> memref<1x1x1x8x128xf32, #tpu.memory_space<hbm>>
      %dma_start3A_1138 = tpu.memref_squeeze %dma_start3A_1137 : memref<1x1x1x8x128xf32, #tpu.memory_space<hbm>> -> memref<8x128xf32, #tpu.memory_space<hbm>>
      %dma_start3A_1139 = arith.constant 0 : i32
      %dma_start3A_1140 = arith.constant 0 : i32
      %dma_start3A_1141 = tpu.memref_slice %arg5[%add3A_1130, %dma_start3A_1131, %add3A, %dma_start3A_1139, %dma_start3A_1140] : memref<200x8x32x8x128xf32, #tpu.memory_space<hbm>> -> memref<1x1x1x8x128xf32, #tpu.memory_space<hbm>>
      %dma_start3A_1142 = tpu.memref_squeeze %dma_start3A_1141 : memref<1x1x1x8x128xf32, #tpu.memory_space<hbm>> -> memref<8x128xf32, #tpu.memory_space<hbm>>
      %dma_start3A_1143 = arith.constant 32 : i32
      %dma_start3A_1144 = arith.constant 0 : i32
      %dma_start3A_1145 = tpu.memref_slice %arg11[%dma_start3A_1143, %dma_start3A_1144] : memref<128x129xf32, #tpu.memory_space<vmem>> -> memref<8x128xf32, #tpu.memory_space<vmem>>
      tpu.enqueue_dma source(%dma_start3A_1145 : memref<8x128xf32, #tpu.memory_space<vmem>>) target(%dma_start3A_1142 : memref<8x128xf32, #tpu.memory_space<hbm>>) target_semaphore(%arg17 : memref<!tpu.dma_semaphore, #tpu.memory_space<semaphore_mem>>)
      %add3A_1146 = arith.constant 0 : i32
      %add3A_1147 = arith.addi %mul3A_1056, %add3A_1146 : i32
      %dma_start3A_1148 = arith.constant 5 : i32
      %dma_start3A_1149 = arith.constant 40 : i32
      %dma_start3A_1150 = arith.constant 0 : i32
      %dma_start3A_1151 = tpu.memref_slice %arg11[%dma_start3A_1149, %dma_start3A_1150] : memref<128x129xf32, #tpu.memory_space<vmem>> -> memref<8x128xf32, #tpu.memory_space<vmem>>
      %dma_start3A_1152 = arith.constant 0 : i32
      %dma_start3A_1153 = arith.constant 0 : i32
      %dma_start3A_1154 = tpu.memref_slice %arg5[%add3A_1147, %dma_start3A_1148, %add3A, %dma_start3A_1152, %dma_start3A_1153] : memref<200x8x32x8x128xf32, #tpu.memory_space<hbm>> -> memref<1x1x1x8x128xf32, #tpu.memory_space<hbm>>
      %dma_start3A_1155 = tpu.memref_squeeze %dma_start3A_1154 : memref<1x1x1x8x128xf32, #tpu.memory_space<hbm>> -> memref<8x128xf32, #tpu.memory_space<hbm>>
      %dma_start3A_1156 = arith.constant 0 : i32
      %dma_start3A_1157 = arith.constant 0 : i32
      %dma_start3A_1158 = tpu.memref_slice %arg5[%add3A_1147, %dma_start3A_1148, %add3A, %dma_start3A_1156, %dma_start3A_1157] : memref<200x8x32x8x128xf32, #tpu.memory_space<hbm>> -> memref<1x1x1x8x128xf32, #tpu.memory_space<hbm>>
      %dma_start3A_1159 = tpu.memref_squeeze %dma_start3A_1158 : memref<1x1x1x8x128xf32, #tpu.memory_space<hbm>> -> memref<8x128xf32, #tpu.memory_space<hbm>>
      %dma_start3A_1160 = arith.constant 40 : i32
      %dma_start3A_1161 = arith.constant 0 : i32
      %dma_start3A_1162 = tpu.memref_slice %arg11[%dma_start3A_1160, %dma_start3A_1161] : memref<128x129xf32, #tpu.memory_space<vmem>> -> memref<8x128xf32, #tpu.memory_space<vmem>>
      tpu.enqueue_dma source(%dma_start3A_1162 : memref<8x128xf32, #tpu.memory_space<vmem>>) target(%dma_start3A_1159 : memref<8x128xf32, #tpu.memory_space<hbm>>) target_semaphore(%arg17 : memref<!tpu.dma_semaphore, #tpu.memory_space<semaphore_mem>>)
      %add3A_1163 = arith.constant 0 : i32
      %add3A_1164 = arith.addi %mul3A_1056, %add3A_1163 : i32
      %dma_start3A_1165 = arith.constant 6 : i32
      %dma_start3A_1166 = arith.constant 48 : i32
      %dma_start3A_1167 = arith.constant 0 : i32
      %dma_start3A_1168 = tpu.memref_slice %arg11[%dma_start3A_1166, %dma_start3A_1167] : memref<128x129xf32, #tpu.memory_space<vmem>> -> memref<8x128xf32, #tpu.memory_space<vmem>>
      %dma_start3A_1169 = arith.constant 0 : i32
      %dma_start3A_1170 = arith.constant 0 : i32
      %dma_start3A_1171 = tpu.memref_slice %arg5[%add3A_1164, %dma_start3A_1165, %add3A, %dma_start3A_1169, %dma_start3A_1170] : memref<200x8x32x8x128xf32, #tpu.memory_space<hbm>> -> memref<1x1x1x8x128xf32, #tpu.memory_space<hbm>>
      %dma_start3A_1172 = tpu.memref_squeeze %dma_start3A_1171 : memref<1x1x1x8x128xf32, #tpu.memory_space<hbm>> -> memref<8x128xf32, #tpu.memory_space<hbm>>
      %dma_start3A_1173 = arith.constant 0 : i32
      %dma_start3A_1174 = arith.constant 0 : i32
      %dma_start3A_1175 = tpu.memref_slice %arg5[%add3A_1164, %dma_start3A_1165, %add3A, %dma_start3A_1173, %dma_start3A_1174] : memref<200x8x32x8x128xf32, #tpu.memory_space<hbm>> -> memref<1x1x1x8x128xf32, #tpu.memory_space<hbm>>
      %dma_start3A_1176 = tpu.memref_squeeze %dma_start3A_1175 : memref<1x1x1x8x128xf32, #tpu.memory_space<hbm>> -> memref<8x128xf32, #tpu.memory_space<hbm>>
      %dma_start3A_1177 = arith.constant 48 : i32
      %dma_start3A_1178 = arith.constant 0 : i32
      %dma_start3A_1179 = tpu.memref_slice %arg11[%dma_start3A_1177, %dma_start3A_1178] : memref<128x129xf32, #tpu.memory_space<vmem>> -> memref<8x128xf32, #tpu.memory_space<vmem>>
      tpu.enqueue_dma source(%dma_start3A_1179 : memref<8x128xf32, #tpu.memory_space<vmem>>) target(%dma_start3A_1176 : memref<8x128xf32, #tpu.memory_space<hbm>>) target_semaphore(%arg17 : memref<!tpu.dma_semaphore, #tpu.memory_space<semaphore_mem>>)
      %add3A_1180 = arith.constant 0 : i32
      %add3A_1181 = arith.addi %mul3A_1056, %add3A_1180 : i32
      %dma_start3A_1182 = arith.constant 7 : i32
      %dma_start3A_1183 = arith.constant 56 : i32
      %dma_start3A_1184 = arith.constant 0 : i32
      %dma_start3A_1185 = tpu.memref_slice %arg11[%dma_start3A_1183, %dma_start3A_1184] : memref<128x129xf32, #tpu.memory_space<vmem>> -> memref<8x128xf32, #tpu.memory_space<vmem>>
      %dma_start3A_1186 = arith.constant 0 : i32
      %dma_start3A_1187 = arith.constant 0 : i32
      %dma_start3A_1188 = tpu.memref_slice %arg5[%add3A_1181, %dma_start3A_1182, %add3A, %dma_start3A_1186, %dma_start3A_1187] : memref<200x8x32x8x128xf32, #tpu.memory_space<hbm>> -> memref<1x1x1x8x128xf32, #tpu.memory_space<hbm>>
      %dma_start3A_1189 = tpu.memref_squeeze %dma_start3A_1188 : memref<1x1x1x8x128xf32, #tpu.memory_space<hbm>> -> memref<8x128xf32, #tpu.memory_space<hbm>>
      %dma_start3A_1190 = arith.constant 0 : i32
      %dma_start3A_1191 = arith.constant 0 : i32
      %dma_start3A_1192 = tpu.memref_slice %arg5[%add3A_1181, %dma_start3A_1182, %add3A, %dma_start3A_1190, %dma_start3A_1191] : memref<200x8x32x8x128xf32, #tpu.memory_space<hbm>> -> memref<1x1x1x8x128xf32, #tpu.memory_space<hbm>>
      %dma_start3A_1193 = tpu.memref_squeeze %dma_start3A_1192 : memref<1x1x1x8x128xf32, #tpu.memory_space<hbm>> -> memref<8x128xf32, #tpu.memory_space<hbm>>
      %dma_start3A_1194 = arith.constant 56 : i32
      %dma_start3A_1195 = arith.constant 0 : i32
      %dma_start3A_1196 = tpu.memref_slice %arg11[%dma_start3A_1194, %dma_start3A_1195] : memref<128x129xf32, #tpu.memory_space<vmem>> -> memref<8x128xf32, #tpu.memory_space<vmem>>
      tpu.enqueue_dma source(%dma_start3A_1196 : memref<8x128xf32, #tpu.memory_space<vmem>>) target(%dma_start3A_1193 : memref<8x128xf32, #tpu.memory_space<hbm>>) target_semaphore(%arg17 : memref<!tpu.dma_semaphore, #tpu.memory_space<semaphore_mem>>)
      %add3A_1197 = arith.constant 2 : i32
      %add3A_1198 = arith.addi %add3A_998, %add3A_1197 : i32
      %lt3A_1199 = arith.constant 100 : i32
      %lt3A_1200 = arith.cmpi slt, %add3A_1198, %lt3A_1199 : i32
      %convert_element_type3A_1201 = arith.extui %lt3A_1200 : i1 to i32
      %cond3A_1202 = arith.constant 0 : i32
      %cond3A_1203 = arith.cmpi ne, %convert_element_type3A_1201, %cond3A_1202 : i32
      scf.if %cond3A_1203 {
        %add3A_1404 = arith.constant 2 : i32
        %add3A_1405 = arith.addi %add3A_998, %add3A_1404 : i32
        %dma_start3A_1406 = arith.constant 0 : i32
        %dma_start3A_1407 = arith.constant 0 : i32
        %dma_start3A_1408 = arith.constant 0 : i32
        %dma_start3A_1409 = tpu.memref_slice %arg9[%dma_start3A_1407, %dma_start3A_1408] : memref<256x64xf32, #tpu.memory_space<vmem>> -> memref<128x64xf32, #tpu.memory_space<vmem>>
        %dma_start3A_1410 = arith.constant 0 : i32
        %dma_start3A_1411 = tpu.memref_slice %arg6[%add3A_1405, %dma_start3A_1406, %dma_start3A_1410] : memref<100x2x128xi32, #tpu.memory_space<vmem>> -> memref<1x1x128xi32, #tpu.memory_space<vmem>>
        %dma_start3A_1412 = tpu.memref_squeeze %dma_start3A_1411 : memref<1x1x128xi32, #tpu.memory_space<vmem>> -> memref<128xi32, #tpu.memory_space<vmem>>
        %dma_start3A_1413 = arith.constant 0 : i32
        %dma_start3A_1414 = arith.constant 0 : i32
        %dma_start3A_1415 = tpu.memref_slice %arg3[%dma_start3A_1413, %dma_start3A_1414] : memref<100000x64xf32, #tpu.memory_space<hbm>> -> memref<100000x64xf32, #tpu.memory_space<hbm>>
        tpu.enqueue_indirect_dma source(%dma_start3A_1415 : memref<100000x64xf32, #tpu.memory_space<hbm>>) target(%dma_start3A_1409 : memref<128x64xf32, #tpu.memory_space<vmem>>) offsets(%dma_start3A_1412 : memref<128xi32, #tpu.memory_space<vmem>>) semaphore(%arg14 : memref<!tpu.dma_semaphore, #tpu.memory_space<semaphore_mem>>)
      } else {
      }
      %dma_wait3A_1204 = arith.constant 0 : i32
      %dma_wait3A_1205 = arith.constant 1 : i32
      %dma_wait3A_1206 = arith.constant 128 : i32
      %dma_wait3A_1207 = arith.constant 0 : i32
      %dma_wait3A_1208 = tpu.memref_slice %arg9[%dma_wait3A_1206, %dma_wait3A_1207] : memref<256x64xf32, #tpu.memory_space<vmem>> -> memref<128x64xf32, #tpu.memory_space<vmem>>
      %dma_wait3A_1209 = arith.constant 0 : i32
      %dma_wait3A_1210 = tpu.memref_slice %arg6[%dma_wait3A_1204, %dma_wait3A_1205, %dma_wait3A_1209] : memref<100x2x128xi32, #tpu.memory_space<vmem>> -> memref<1x1x128xi32, #tpu.memory_space<vmem>>
      %dma_wait3A_1211 = tpu.memref_squeeze %dma_wait3A_1210 : memref<1x1x128xi32, #tpu.memory_space<vmem>> -> memref<128xi32, #tpu.memory_space<vmem>>
      %dma_wait3A_1212 = arith.constant 0 : i32
      %dma_wait3A_1213 = arith.constant 0 : i32
      %dma_wait3A_1214 = tpu.memref_slice %arg3[%dma_wait3A_1212, %dma_wait3A_1213] : memref<100000x64xf32, #tpu.memory_space<hbm>> -> memref<100000x64xf32, #tpu.memory_space<hbm>>
      tpu.wait_indirect_dma semaphore(%arg15 : memref<!tpu.dma_semaphore, #tpu.memory_space<semaphore_mem>>) src(%dma_wait3A_1214 : memref<100000x64xf32, #tpu.memory_space<hbm>>) dst(%dma_wait3A_1208 : memref<128x64xf32, #tpu.memory_space<vmem>>)
      %div3A_1215 = arith.constant 1 : i32
      %div3A_1216 = arith.divsi %add3A_998, %div3A_1215 : i32
      %mul3A_1217 = arith.constant 2 : i32
      %mul3A_1218 = arith.muli %div3A_1216, %mul3A_1217 : i32
      %rem3A_1219 = arith.constant 1 : i32
      %rem3A_1220 = arith.remsi %add3A_998, %rem3A_1219 : i32
      %mul3A_1221 = arith.constant 128 : i32
      %mul3A_1222 = arith.muli %rem3A_1220, %mul3A_1221 : i32
      %add3A_1223 = arith.constant 1 : i32
      %add3A_1224 = arith.addi %mul3A_1218, %add3A_1223 : i32
      %get3A_1225 = arith.index_cast %add3A_1224 : i32 to index
      %get3A_1226 = arith.constant 0 : index
      %get3A_1227 = tpu.vector_load %arg7[%get3A_1225, %get3A_1226] {strides = array<i32>} : memref<200x64xf32, #tpu.memory_space<vmem>>, vector<16xf32>,
      %add3A_1228 = arith.constant 1 : i32
      %add3A_1229 = arith.addi %mul3A_1218, %add3A_1228 : i32
      %get3A_1230 = arith.index_cast %add3A_1229 : i32 to index
      %get3A_1231 = arith.constant 16 : index
      %get3A_1232 = tpu.vector_load %arg7[%get3A_1230, %get3A_1231] {strides = array<i32>} : memref<200x64xf32, #tpu.memory_space<vmem>>, vector<16xf32>,
      %add3A_1233 = arith.constant 1 : i32
      %add3A_1234 = arith.addi %mul3A_1218, %add3A_1233 : i32
      %get3A_1235 = arith.index_cast %add3A_1234 : i32 to index
      %get3A_1236 = arith.constant 32 : index
      %get3A_1237 = tpu.vector_load %arg7[%get3A_1235, %get3A_1236] {strides = array<i32>} : memref<200x64xf32, #tpu.memory_space<vmem>>, vector<16xf32>,
      %add3A_1238 = arith.constant 1 : i32
      %add3A_1239 = arith.addi %mul3A_1218, %add3A_1238 : i32
      %get3A_1240 = arith.index_cast %add3A_1239 : i32 to index
      %get3A_1241 = arith.constant 48 : index
      %get3A_1242 = tpu.vector_load %arg7[%get3A_1240, %get3A_1241] {strides = array<i32>} : memref<200x64xf32, #tpu.memory_space<vmem>>, vector<16xf32>,
      %broadcast_in_dim3A_1243 = arith.constant 0 : i32
      %broadcast_in_dim3A_1244 = vector.broadcast %broadcast_in_dim3A_1243 : i32 to vector<16xi32>
      %broadcast_in_dim3A_1245 = arith.constant 1 : i32
      %broadcast_in_dim3A_1246 = vector.broadcast %broadcast_in_dim3A_1245 : i32 to vector<16xi32>
      %scan3A_1247 = arith.constant 0 : i32
      %scan3A_1248 = arith.constant 64 : i32
      %scan3A_1249 = arith.addi %scan3A_1247, %scan3A_1248 : i32
      %scan3A_1250 = arith.constant 2 : i32
      %scan3A_1251:2 = scf.for %scan3A_1404 = %scan3A_1247 to %scan3A_1249 step %scan3A_1250 iter_args(%scan3A_1405 = %broadcast_in_dim3A_1244, %scan3A_1406 = %broadcast_in_dim3A_1246) -> (vector<16xi32>, vector<16xi32>)  : i32 {
        %mul3A_1407 = arith.constant 2 : i32
        %mul3A_1408 = arith.muli %mul3A_1407, %scan3A_1404 : i32
        %add3A_1409 = arith.constant 128 : i32
        %add3A_1410 = arith.addi %add3A_1409, %mul3A_1408 : i32
        %add3A_1411 = arith.constant 0 : i32
        %add3A_1412 = arith.addi %add3A_1410, %add3A_1411 : i32
        %get3A_1413 = arith.index_cast %add3A_1412 : i32 to index
        %get3A_1414 = arith.constant 0 : index
        %get3A_1415 = tpu.vector_load %arg9[%get3A_1413, %get3A_1414] {strides = array<i32>} : memref<256x64xf32, #tpu.memory_space<vmem>>, vector<16xf32>,
        %add3A_1416 = arith.addf %get3A_1415, %get3A_1227 : vector<16xf32>
        %add3A_1417 = arith.constant 0 : i32
        %add3A_1418 = arith.addi %add3A_1410, %add3A_1417 : i32
        %get3A_1419 = arith.index_cast %add3A_1418 : i32 to index
        %get3A_1420 = arith.constant 16 : index
        %get3A_1421 = tpu.vector_load %arg9[%get3A_1419, %get3A_1420] {strides = array<i32>} : memref<256x64xf32, #tpu.memory_space<vmem>>, vector<16xf32>,
        %add3A_1422 = arith.addf %get3A_1421, %get3A_1232 : vector<16xf32>
        %add3A_1423 = arith.constant 0 : i32
        %add3A_1424 = arith.addi %add3A_1410, %add3A_1423 : i32
        %get3A_1425 = arith.index_cast %add3A_1424 : i32 to index
        %get3A_1426 = arith.constant 32 : index
        %get3A_1427 = tpu.vector_load %arg9[%get3A_1425, %get3A_1426] {strides = array<i32>} : memref<256x64xf32, #tpu.memory_space<vmem>>, vector<16xf32>,
        %add3A_1428 = arith.addf %get3A_1427, %get3A_1237 : vector<16xf32>
        %add3A_1429 = arith.constant 0 : i32
        %add3A_1430 = arith.addi %add3A_1410, %add3A_1429 : i32
        %get3A_1431 = arith.index_cast %add3A_1430 : i32 to index
        %get3A_1432 = arith.constant 48 : index
        %get3A_1433 = tpu.vector_load %arg9[%get3A_1431, %get3A_1432] {strides = array<i32>} : memref<256x64xf32, #tpu.memory_space<vmem>>, vector<16xf32>,
        %add3A_1434 = arith.addf %get3A_1433, %get3A_1242 : vector<16xf32>
        tpu.vector_store_idx %arg11[%add3A_21, %scan3A_1405], %add3A_1416 : memref<128x129xf32, #tpu.memory_space<vmem>>[vector<16xi32>, vector<16xi32>], vector<16xf32>,
        tpu.vector_store_idx %arg11[%add3A_25, %scan3A_1405], %add3A_1422 : memref<128x129xf32, #tpu.memory_space<vmem>>[vector<16xi32>, vector<16xi32>], vector<16xf32>,
        tpu.vector_store_idx %arg11[%add3A_29, %scan3A_1405], %add3A_1428 : memref<128x129xf32, #tpu.memory_space<vmem>>[vector<16xi32>, vector<16xi32>], vector<16xf32>,
        tpu.vector_store_idx %arg11[%add3A_33, %scan3A_1405], %add3A_1434 : memref<128x129xf32, #tpu.memory_space<vmem>>[vector<16xi32>, vector<16xi32>], vector<16xf32>,
        %add3A_1435 = arith.constant 1 : i32
        %add3A_1436 = arith.addi %add3A_1410, %add3A_1435 : i32
        %get3A_1437 = arith.index_cast %add3A_1436 : i32 to index
        %get3A_1438 = arith.constant 0 : index
        %get3A_1439 = tpu.vector_load %arg9[%get3A_1437, %get3A_1438] {strides = array<i32>} : memref<256x64xf32, #tpu.memory_space<vmem>>, vector<16xf32>,
        %add3A_1440 = arith.addf %get3A_1439, %get3A_1227 : vector<16xf32>
        %add3A_1441 = arith.constant 1 : i32
        %add3A_1442 = arith.addi %add3A_1410, %add3A_1441 : i32
        %get3A_1443 = arith.index_cast %add3A_1442 : i32 to index
        %get3A_1444 = arith.constant 16 : index
        %get3A_1445 = tpu.vector_load %arg9[%get3A_1443, %get3A_1444] {strides = array<i32>} : memref<256x64xf32, #tpu.memory_space<vmem>>, vector<16xf32>,
        %add3A_1446 = arith.addf %get3A_1445, %get3A_1232 : vector<16xf32>
        %add3A_1447 = arith.constant 1 : i32
        %add3A_1448 = arith.addi %add3A_1410, %add3A_1447 : i32
        %get3A_1449 = arith.index_cast %add3A_1448 : i32 to index
        %get3A_1450 = arith.constant 32 : index
        %get3A_1451 = tpu.vector_load %arg9[%get3A_1449, %get3A_1450] {strides = array<i32>} : memref<256x64xf32, #tpu.memory_space<vmem>>, vector<16xf32>,
        %add3A_1452 = arith.addf %get3A_1451, %get3A_1237 : vector<16xf32>
        %add3A_1453 = arith.constant 1 : i32
        %add3A_1454 = arith.addi %add3A_1410, %add3A_1453 : i32
        %get3A_1455 = arith.index_cast %add3A_1454 : i32 to index
        %get3A_1456 = arith.constant 48 : index
        %get3A_1457 = tpu.vector_load %arg9[%get3A_1455, %get3A_1456] {strides = array<i32>} : memref<256x64xf32, #tpu.memory_space<vmem>>, vector<16xf32>,
        %add3A_1458 = arith.addf %get3A_1457, %get3A_1242 : vector<16xf32>
        tpu.vector_store_idx %arg11[%add3A_21, %scan3A_1406], %add3A_1440 : memref<128x129xf32, #tpu.memory_space<vmem>>[vector<16xi32>, vector<16xi32>], vector<16xf32>,
        tpu.vector_store_idx %arg11[%add3A_25, %scan3A_1406], %add3A_1446 : memref<128x129xf32, #tpu.memory_space<vmem>>[vector<16xi32>, vector<16xi32>], vector<16xf32>,
        tpu.vector_store_idx %arg11[%add3A_29, %scan3A_1406], %add3A_1452 : memref<128x129xf32, #tpu.memory_space<vmem>>[vector<16xi32>, vector<16xi32>], vector<16xf32>,
        tpu.vector_store_idx %arg11[%add3A_33, %scan3A_1406], %add3A_1458 : memref<128x129xf32, #tpu.memory_space<vmem>>[vector<16xi32>, vector<16xi32>], vector<16xf32>,
        %add3A_1459 = arith.constant 2 : i32
        %add3A_1460 = vector.broadcast %add3A_1459 : i32 to vector<16xi32>
        %add3A_1461 = arith.addi %scan3A_1405, %add3A_1460 : vector<16xi32>
        %add3A_1462 = arith.constant 2 : i32
        %add3A_1463 = vector.broadcast %add3A_1462 : i32 to vector<16xi32>
        %add3A_1464 = arith.addi %scan3A_1406, %add3A_1463 : vector<16xi32>
        %scan3A_1465 = arith.constant 1 : i32
        %scan3A_1466 = arith.addi %scan3A_1404, %scan3A_1465 : i32
        %mul3A_1467 = arith.constant 2 : i32
        %mul3A_1468 = arith.muli %mul3A_1467, %scan3A_1466 : i32
        %add3A_1469 = arith.constant 128 : i32
        %add3A_1470 = arith.addi %add3A_1469, %mul3A_1468 : i32
        %add3A_1471 = arith.constant 0 : i32
        %add3A_1472 = arith.addi %add3A_1470, %add3A_1471 : i32
        %get3A_1473 = arith.index_cast %add3A_1472 : i32 to index
        %get3A_1474 = arith.constant 0 : index
        %get3A_1475 = tpu.vector_load %arg9[%get3A_1473, %get3A_1474] {strides = array<i32>} : memref<256x64xf32, #tpu.memory_space<vmem>>, vector<16xf32>,
        %add3A_1476 = arith.addf %get3A_1475, %get3A_1227 : vector<16xf32>
        %add3A_1477 = arith.constant 0 : i32
        %add3A_1478 = arith.addi %add3A_1470, %add3A_1477 : i32
        %get3A_1479 = arith.index_cast %add3A_1478 : i32 to index
        %get3A_1480 = arith.constant 16 : index
        %get3A_1481 = tpu.vector_load %arg9[%get3A_1479, %get3A_1480] {strides = array<i32>} : memref<256x64xf32, #tpu.memory_space<vmem>>, vector<16xf32>,
        %add3A_1482 = arith.addf %get3A_1481, %get3A_1232 : vector<16xf32>
        %add3A_1483 = arith.constant 0 : i32
        %add3A_1484 = arith.addi %add3A_1470, %add3A_1483 : i32
        %get3A_1485 = arith.index_cast %add3A_1484 : i32 to index
        %get3A_1486 = arith.constant 32 : index
        %get3A_1487 = tpu.vector_load %arg9[%get3A_1485, %get3A_1486] {strides = array<i32>} : memref<256x64xf32, #tpu.memory_space<vmem>>, vector<16xf32>,
        %add3A_1488 = arith.addf %get3A_1487, %get3A_1237 : vector<16xf32>
        %add3A_1489 = arith.constant 0 : i32
        %add3A_1490 = arith.addi %add3A_1470, %add3A_1489 : i32
        %get3A_1491 = arith.index_cast %add3A_1490 : i32 to index
        %get3A_1492 = arith.constant 48 : index
        %get3A_1493 = tpu.vector_load %arg9[%get3A_1491, %get3A_1492] {strides = array<i32>} : memref<256x64xf32, #tpu.memory_space<vmem>>, vector<16xf32>,
        %add3A_1494 = arith.addf %get3A_1493, %get3A_1242 : vector<16xf32>
        tpu.vector_store_idx %arg11[%add3A_21, %add3A_1461], %add3A_1476 : memref<128x129xf32, #tpu.memory_space<vmem>>[vector<16xi32>, vector<16xi32>], vector<16xf32>,
        tpu.vector_store_idx %arg11[%add3A_25, %add3A_1461], %add3A_1482 : memref<128x129xf32, #tpu.memory_space<vmem>>[vector<16xi32>, vector<16xi32>], vector<16xf32>,
        tpu.vector_store_idx %arg11[%add3A_29, %add3A_1461], %add3A_1488 : memref<128x129xf32, #tpu.memory_space<vmem>>[vector<16xi32>, vector<16xi32>], vector<16xf32>,
        tpu.vector_store_idx %arg11[%add3A_33, %add3A_1461], %add3A_1494 : memref<128x129xf32, #tpu.memory_space<vmem>>[vector<16xi32>, vector<16xi32>], vector<16xf32>,
        %add3A_1495 = arith.constant 1 : i32
        %add3A_1496 = arith.addi %add3A_1470, %add3A_1495 : i32
        %get3A_1497 = arith.index_cast %add3A_1496 : i32 to index
        %get3A_1498 = arith.constant 0 : index
        %get3A_1499 = tpu.vector_load %arg9[%get3A_1497, %get3A_1498] {strides = array<i32>} : memref<256x64xf32, #tpu.memory_space<vmem>>, vector<16xf32>,
        %add3A_1500 = arith.addf %get3A_1499, %get3A_1227 : vector<16xf32>
        %add3A_1501 = arith.constant 1 : i32
        %add3A_1502 = arith.addi %add3A_1470, %add3A_1501 : i32
        %get3A_1503 = arith.index_cast %add3A_1502 : i32 to index
        %get3A_1504 = arith.constant 16 : index
        %get3A_1505 = tpu.vector_load %arg9[%get3A_1503, %get3A_1504] {strides = array<i32>} : memref<256x64xf32, #tpu.memory_space<vmem>>, vector<16xf32>,
        %add3A_1506 = arith.addf %get3A_1505, %get3A_1232 : vector<16xf32>
        %add3A_1507 = arith.constant 1 : i32
        %add3A_1508 = arith.addi %add3A_1470, %add3A_1507 : i32
        %get3A_1509 = arith.index_cast %add3A_1508 : i32 to index
        %get3A_1510 = arith.constant 32 : index
        %get3A_1511 = tpu.vector_load %arg9[%get3A_1509, %get3A_1510] {strides = array<i32>} : memref<256x64xf32, #tpu.memory_space<vmem>>, vector<16xf32>,
        %add3A_1512 = arith.addf %get3A_1511, %get3A_1237 : vector<16xf32>
        %add3A_1513 = arith.constant 1 : i32
        %add3A_1514 = arith.addi %add3A_1470, %add3A_1513 : i32
        %get3A_1515 = arith.index_cast %add3A_1514 : i32 to index
        %get3A_1516 = arith.constant 48 : index
        %get3A_1517 = tpu.vector_load %arg9[%get3A_1515, %get3A_1516] {strides = array<i32>} : memref<256x64xf32, #tpu.memory_space<vmem>>, vector<16xf32>,
        %add3A_1518 = arith.addf %get3A_1517, %get3A_1242 : vector<16xf32>
        tpu.vector_store_idx %arg11[%add3A_21, %add3A_1464], %add3A_1500 : memref<128x129xf32, #tpu.memory_space<vmem>>[vector<16xi32>, vector<16xi32>], vector<16xf32>,
        tpu.vector_store_idx %arg11[%add3A_25, %add3A_1464], %add3A_1506 : memref<128x129xf32, #tpu.memory_space<vmem>>[vector<16xi32>, vector<16xi32>], vector<16xf32>,
        tpu.vector_store_idx %arg11[%add3A_29, %add3A_1464], %add3A_1512 : memref<128x129xf32, #tpu.memory_space<vmem>>[vector<16xi32>, vector<16xi32>], vector<16xf32>,
        tpu.vector_store_idx %arg11[%add3A_33, %add3A_1464], %add3A_1518 : memref<128x129xf32, #tpu.memory_space<vmem>>[vector<16xi32>, vector<16xi32>], vector<16xf32>,
        %add3A_1519 = arith.constant 2 : i32
        %add3A_1520 = vector.broadcast %add3A_1519 : i32 to vector<16xi32>
        %add3A_1521 = arith.addi %add3A_1461, %add3A_1520 : vector<16xi32>
        %add3A_1522 = arith.constant 2 : i32
        %add3A_1523 = vector.broadcast %add3A_1522 : i32 to vector<16xi32>
        %add3A_1524 = arith.addi %add3A_1464, %add3A_1523 : vector<16xi32>
        scf.yield %add3A_1521, %add3A_1524 : vector<16xi32>, vector<16xi32>
      }
      %scan3A_1252 = arith.constant 64 : i32
      %div3A_1253 = arith.constant 1 : i32
      %div3A_1254 = arith.divsi %add3A_998, %div3A_1253 : i32
      %mul3A_1255 = arith.constant 2 : i32
      %mul3A_1256 = arith.muli %div3A_1254, %mul3A_1255 : i32
      %rem3A_1257 = arith.constant 1 : i32
      %rem3A_1258 = arith.remsi %add3A_998, %rem3A_1257 : i32
      %mul3A_1259 = arith.constant 128 : i32
      %mul3A_1260 = arith.muli %rem3A_1258, %mul3A_1259 : i32
      %add3A_1261 = arith.constant 1 : i32
      %add3A_1262 = arith.addi %mul3A_1256, %add3A_1261 : i32
      %dma_start3A_1263 = arith.constant 0 : i32
      %dma_start3A_1264 = arith.constant 64 : i32
      %dma_start3A_1265 = arith.constant 0 : i32
      %dma_start3A_1266 = tpu.memref_slice %arg11[%dma_start3A_1264, %dma_start3A_1265] : memref<128x129xf32, #tpu.memory_space<vmem>> -> memref<8x128xf32, #tpu.memory_space<vmem>>
      %dma_start3A_1267 = arith.constant 0 : i32
      %dma_start3A_1268 = arith.constant 0 : i32
      %dma_start3A_1269 = tpu.memref_slice %arg5[%add3A_1262, %dma_start3A_1263, %add3A, %dma_start3A_1267, %dma_start3A_1268] : memref<200x8x32x8x128xf32, #tpu.memory_space<hbm>> -> memref<1x1x1x8x128xf32, #tpu.memory_space<hbm>>
      %dma_start3A_1270 = tpu.memref_squeeze %dma_start3A_1269 : memref<1x1x1x8x128xf32, #tpu.memory_space<hbm>> -> memref<8x128xf32, #tpu.memory_space<hbm>>
      %dma_start3A_1271 = arith.constant 0 : i32
      %dma_start3A_1272 = arith.constant 0 : i32
      %dma_start3A_1273 = tpu.memref_slice %arg5[%add3A_1262, %dma_start3A_1263, %add3A, %dma_start3A_1271, %dma_start3A_1272] : memref<200x8x32x8x128xf32, #tpu.memory_space<hbm>> -> memref<1x1x1x8x128xf32, #tpu.memory_space<hbm>>
      %dma_start3A_1274 = tpu.memref_squeeze %dma_start3A_1273 : memref<1x1x1x8x128xf32, #tpu.memory_space<hbm>> -> memref<8x128xf32, #tpu.memory_space<hbm>>
      %dma_start3A_1275 = arith.constant 64 : i32
      %dma_start3A_1276 = arith.constant 0 : i32
      %dma_start3A_1277 = tpu.memref_slice %arg11[%dma_start3A_1275, %dma_start3A_1276] : memref<128x129xf32, #tpu.memory_space<vmem>> -> memref<8x128xf32, #tpu.memory_space<vmem>>
      tpu.enqueue_dma source(%dma_start3A_1277 : memref<8x128xf32, #tpu.memory_space<vmem>>) target(%dma_start3A_1274 : memref<8x128xf32, #tpu.memory_space<hbm>>) target_semaphore(%arg17 : memref<!tpu.dma_semaphore, #tpu.memory_space<semaphore_mem>>)
      %add3A_1278 = arith.constant 1 : i32
      %add3A_1279 = arith.addi %mul3A_1256, %add3A_1278 : i32
      %dma_start3A_1280 = arith.constant 1 : i32
      %dma_start3A_1281 = arith.constant 72 : i32
      %dma_start3A_1282 = arith.constant 0 : i32
      %dma_start3A_1283 = tpu.memref_slice %arg11[%dma_start3A_1281, %dma_start3A_1282] : memref<128x129xf32, #tpu.memory_space<vmem>> -> memref<8x128xf32, #tpu.memory_space<vmem>>
      %dma_start3A_1284 = arith.constant 0 : i32
      %dma_start3A_1285 = arith.constant 0 : i32
      %dma_start3A_1286 = tpu.memref_slice %arg5[%add3A_1279, %dma_start3A_1280, %add3A, %dma_start3A_1284, %dma_start3A_1285] : memref<200x8x32x8x128xf32, #tpu.memory_space<hbm>> -> memref<1x1x1x8x128xf32, #tpu.memory_space<hbm>>
      %dma_start3A_1287 = tpu.memref_squeeze %dma_start3A_1286 : memref<1x1x1x8x128xf32, #tpu.memory_space<hbm>> -> memref<8x128xf32, #tpu.memory_space<hbm>>
      %dma_start3A_1288 = arith.constant 0 : i32
      %dma_start3A_1289 = arith.constant 0 : i32
      %dma_start3A_1290 = tpu.memref_slice %arg5[%add3A_1279, %dma_start3A_1280, %add3A, %dma_start3A_1288, %dma_start3A_1289] : memref<200x8x32x8x128xf32, #tpu.memory_space<hbm>> -> memref<1x1x1x8x128xf32, #tpu.memory_space<hbm>>
      %dma_start3A_1291 = tpu.memref_squeeze %dma_start3A_1290 : memref<1x1x1x8x128xf32, #tpu.memory_space<hbm>> -> memref<8x128xf32, #tpu.memory_space<hbm>>
      %dma_start3A_1292 = arith.constant 72 : i32
      %dma_start3A_1293 = arith.constant 0 : i32
      %dma_start3A_1294 = tpu.memref_slice %arg11[%dma_start3A_1292, %dma_start3A_1293] : memref<128x129xf32, #tpu.memory_space<vmem>> -> memref<8x128xf32, #tpu.memory_space<vmem>>
      tpu.enqueue_dma source(%dma_start3A_1294 : memref<8x128xf32, #tpu.memory_space<vmem>>) target(%dma_start3A_1291 : memref<8x128xf32, #tpu.memory_space<hbm>>) target_semaphore(%arg17 : memref<!tpu.dma_semaphore, #tpu.memory_space<semaphore_mem>>)
      %add3A_1295 = arith.constant 1 : i32
      %add3A_1296 = arith.addi %mul3A_1256, %add3A_1295 : i32
      %dma_start3A_1297 = arith.constant 2 : i32
      %dma_start3A_1298 = arith.constant 80 : i32
      %dma_start3A_1299 = arith.constant 0 : i32
      %dma_start3A_1300 = tpu.memref_slice %arg11[%dma_start3A_1298, %dma_start3A_1299] : memref<128x129xf32, #tpu.memory_space<vmem>> -> memref<8x128xf32, #tpu.memory_space<vmem>>
      %dma_start3A_1301 = arith.constant 0 : i32
      %dma_start3A_1302 = arith.constant 0 : i32
      %dma_start3A_1303 = tpu.memref_slice %arg5[%add3A_1296, %dma_start3A_1297, %add3A, %dma_start3A_1301, %dma_start3A_1302] : memref<200x8x32x8x128xf32, #tpu.memory_space<hbm>> -> memref<1x1x1x8x128xf32, #tpu.memory_space<hbm>>
      %dma_start3A_1304 = tpu.memref_squeeze %dma_start3A_1303 : memref<1x1x1x8x128xf32, #tpu.memory_space<hbm>> -> memref<8x128xf32, #tpu.memory_space<hbm>>
      %dma_start3A_1305 = arith.constant 0 : i32
      %dma_start3A_1306 = arith.constant 0 : i32
      %dma_start3A_1307 = tpu.memref_slice %arg5[%add3A_1296, %dma_start3A_1297, %add3A, %dma_start3A_1305, %dma_start3A_1306] : memref<200x8x32x8x128xf32, #tpu.memory_space<hbm>> -> memref<1x1x1x8x128xf32, #tpu.memory_space<hbm>>
      %dma_start3A_1308 = tpu.memref_squeeze %dma_start3A_1307 : memref<1x1x1x8x128xf32, #tpu.memory_space<hbm>> -> memref<8x128xf32, #tpu.memory_space<hbm>>
      %dma_start3A_1309 = arith.constant 80 : i32
      %dma_start3A_1310 = arith.constant 0 : i32
      %dma_start3A_1311 = tpu.memref_slice %arg11[%dma_start3A_1309, %dma_start3A_1310] : memref<128x129xf32, #tpu.memory_space<vmem>> -> memref<8x128xf32, #tpu.memory_space<vmem>>
      tpu.enqueue_dma source(%dma_start3A_1311 : memref<8x128xf32, #tpu.memory_space<vmem>>) target(%dma_start3A_1308 : memref<8x128xf32, #tpu.memory_space<hbm>>) target_semaphore(%arg17 : memref<!tpu.dma_semaphore, #tpu.memory_space<semaphore_mem>>)
      %add3A_1312 = arith.constant 1 : i32
      %add3A_1313 = arith.addi %mul3A_1256, %add3A_1312 : i32
      %dma_start3A_1314 = arith.constant 3 : i32
      %dma_start3A_1315 = arith.constant 88 : i32
      %dma_start3A_1316 = arith.constant 0 : i32
      %dma_start3A_1317 = tpu.memref_slice %arg11[%dma_start3A_1315, %dma_start3A_1316] : memref<128x129xf32, #tpu.memory_space<vmem>> -> memref<8x128xf32, #tpu.memory_space<vmem>>
      %dma_start3A_1318 = arith.constant 0 : i32
      %dma_start3A_1319 = arith.constant 0 : i32
      %dma_start3A_1320 = tpu.memref_slice %arg5[%add3A_1313, %dma_start3A_1314, %add3A, %dma_start3A_1318, %dma_start3A_1319] : memref<200x8x32x8x128xf32, #tpu.memory_space<hbm>> -> memref<1x1x1x8x128xf32, #tpu.memory_space<hbm>>
      %dma_start3A_1321 = tpu.memref_squeeze %dma_start3A_1320 : memref<1x1x1x8x128xf32, #tpu.memory_space<hbm>> -> memref<8x128xf32, #tpu.memory_space<hbm>>
      %dma_start3A_1322 = arith.constant 0 : i32
      %dma_start3A_1323 = arith.constant 0 : i32
      %dma_start3A_1324 = tpu.memref_slice %arg5[%add3A_1313, %dma_start3A_1314, %add3A, %dma_start3A_1322, %dma_start3A_1323] : memref<200x8x32x8x128xf32, #tpu.memory_space<hbm>> -> memref<1x1x1x8x128xf32, #tpu.memory_space<hbm>>
      %dma_start3A_1325 = tpu.memref_squeeze %dma_start3A_1324 : memref<1x1x1x8x128xf32, #tpu.memory_space<hbm>> -> memref<8x128xf32, #tpu.memory_space<hbm>>
      %dma_start3A_1326 = arith.constant 88 : i32
      %dma_start3A_1327 = arith.constant 0 : i32
      %dma_start3A_1328 = tpu.memref_slice %arg11[%dma_start3A_1326, %dma_start3A_1327] : memref<128x129xf32, #tpu.memory_space<vmem>> -> memref<8x128xf32, #tpu.memory_space<vmem>>
      tpu.enqueue_dma source(%dma_start3A_1328 : memref<8x128xf32, #tpu.memory_space<vmem>>) target(%dma_start3A_1325 : memref<8x128xf32, #tpu.memory_space<hbm>>) target_semaphore(%arg17 : memref<!tpu.dma_semaphore, #tpu.memory_space<semaphore_mem>>)
      %add3A_1329 = arith.constant 1 : i32
      %add3A_1330 = arith.addi %mul3A_1256, %add3A_1329 : i32
      %dma_start3A_1331 = arith.constant 4 : i32
      %dma_start3A_1332 = arith.constant 96 : i32
      %dma_start3A_1333 = arith.constant 0 : i32
      %dma_start3A_1334 = tpu.memref_slice %arg11[%dma_start3A_1332, %dma_start3A_1333] : memref<128x129xf32, #tpu.memory_space<vmem>> -> memref<8x128xf32, #tpu.memory_space<vmem>>
      %dma_start3A_1335 = arith.constant 0 : i32
      %dma_start3A_1336 = arith.constant 0 : i32
      %dma_start3A_1337 = tpu.memref_slice %arg5[%add3A_1330, %dma_start3A_1331, %add3A, %dma_start3A_1335, %dma_start3A_1336] : memref<200x8x32x8x128xf32, #tpu.memory_space<hbm>> -> memref<1x1x1x8x128xf32, #tpu.memory_space<hbm>>
      %dma_start3A_1338 = tpu.memref_squeeze %dma_start3A_1337 : memref<1x1x1x8x128xf32, #tpu.memory_space<hbm>> -> memref<8x128xf32, #tpu.memory_space<hbm>>
      %dma_start3A_1339 = arith.constant 0 : i32
      %dma_start3A_1340 = arith.constant 0 : i32
      %dma_start3A_1341 = tpu.memref_slice %arg5[%add3A_1330, %dma_start3A_1331, %add3A, %dma_start3A_1339, %dma_start3A_1340] : memref<200x8x32x8x128xf32, #tpu.memory_space<hbm>> -> memref<1x1x1x8x128xf32, #tpu.memory_space<hbm>>
      %dma_start3A_1342 = tpu.memref_squeeze %dma_start3A_1341 : memref<1x1x1x8x128xf32, #tpu.memory_space<hbm>> -> memref<8x128xf32, #tpu.memory_space<hbm>>
      %dma_start3A_1343 = arith.constant 96 : i32
      %dma_start3A_1344 = arith.constant 0 : i32
      %dma_start3A_1345 = tpu.memref_slice %arg11[%dma_start3A_1343, %dma_start3A_1344] : memref<128x129xf32, #tpu.memory_space<vmem>> -> memref<8x128xf32, #tpu.memory_space<vmem>>
      tpu.enqueue_dma source(%dma_start3A_1345 : memref<8x128xf32, #tpu.memory_space<vmem>>) target(%dma_start3A_1342 : memref<8x128xf32, #tpu.memory_space<hbm>>) target_semaphore(%arg17 : memref<!tpu.dma_semaphore, #tpu.memory_space<semaphore_mem>>)
      %add3A_1346 = arith.constant 1 : i32
      %add3A_1347 = arith.addi %mul3A_1256, %add3A_1346 : i32
      %dma_start3A_1348 = arith.constant 5 : i32
      %dma_start3A_1349 = arith.constant 104 : i32
      %dma_start3A_1350 = arith.constant 0 : i32
      %dma_start3A_1351 = tpu.memref_slice %arg11[%dma_start3A_1349, %dma_start3A_1350] : memref<128x129xf32, #tpu.memory_space<vmem>> -> memref<8x128xf32, #tpu.memory_space<vmem>>
      %dma_start3A_1352 = arith.constant 0 : i32
      %dma_start3A_1353 = arith.constant 0 : i32
      %dma_start3A_1354 = tpu.memref_slice %arg5[%add3A_1347, %dma_start3A_1348, %add3A, %dma_start3A_1352, %dma_start3A_1353] : memref<200x8x32x8x128xf32, #tpu.memory_space<hbm>> -> memref<1x1x1x8x128xf32, #tpu.memory_space<hbm>>
      %dma_start3A_1355 = tpu.memref_squeeze %dma_start3A_1354 : memref<1x1x1x8x128xf32, #tpu.memory_space<hbm>> -> memref<8x128xf32, #tpu.memory_space<hbm>>
      %dma_start3A_1356 = arith.constant 0 : i32
      %dma_start3A_1357 = arith.constant 0 : i32
      %dma_start3A_1358 = tpu.memref_slice %arg5[%add3A_1347, %dma_start3A_1348, %add3A, %dma_start3A_1356, %dma_start3A_1357] : memref<200x8x32x8x128xf32, #tpu.memory_space<hbm>> -> memref<1x1x1x8x128xf32, #tpu.memory_space<hbm>>
      %dma_start3A_1359 = tpu.memref_squeeze %dma_start3A_1358 : memref<1x1x1x8x128xf32, #tpu.memory_space<hbm>> -> memref<8x128xf32, #tpu.memory_space<hbm>>
      %dma_start3A_1360 = arith.constant 104 : i32
      %dma_start3A_1361 = arith.constant 0 : i32
      %dma_start3A_1362 = tpu.memref_slice %arg11[%dma_start3A_1360, %dma_start3A_1361] : memref<128x129xf32, #tpu.memory_space<vmem>> -> memref<8x128xf32, #tpu.memory_space<vmem>>
      tpu.enqueue_dma source(%dma_start3A_1362 : memref<8x128xf32, #tpu.memory_space<vmem>>) target(%dma_start3A_1359 : memref<8x128xf32, #tpu.memory_space<hbm>>) target_semaphore(%arg17 : memref<!tpu.dma_semaphore, #tpu.memory_space<semaphore_mem>>)
      %add3A_1363 = arith.constant 1 : i32
      %add3A_1364 = arith.addi %mul3A_1256, %add3A_1363 : i32
      %dma_start3A_1365 = arith.constant 6 : i32
      %dma_start3A_1366 = arith.constant 112 : i32
      %dma_start3A_1367 = arith.constant 0 : i32
      %dma_start3A_1368 = tpu.memref_slice %arg11[%dma_start3A_1366, %dma_start3A_1367] : memref<128x129xf32, #tpu.memory_space<vmem>> -> memref<8x128xf32, #tpu.memory_space<vmem>>
      %dma_start3A_1369 = arith.constant 0 : i32
      %dma_start3A_1370 = arith.constant 0 : i32
      %dma_start3A_1371 = tpu.memref_slice %arg5[%add3A_1364, %dma_start3A_1365, %add3A, %dma_start3A_1369, %dma_start3A_1370] : memref<200x8x32x8x128xf32, #tpu.memory_space<hbm>> -> memref<1x1x1x8x128xf32, #tpu.memory_space<hbm>>
      %dma_start3A_1372 = tpu.memref_squeeze %dma_start3A_1371 : memref<1x1x1x8x128xf32, #tpu.memory_space<hbm>> -> memref<8x128xf32, #tpu.memory_space<hbm>>
      %dma_start3A_1373 = arith.constant 0 : i32
      %dma_start3A_1374 = arith.constant 0 : i32
      %dma_start3A_1375 = tpu.memref_slice %arg5[%add3A_1364, %dma_start3A_1365, %add3A, %dma_start3A_1373, %dma_start3A_1374] : memref<200x8x32x8x128xf32, #tpu.memory_space<hbm>> -> memref<1x1x1x8x128xf32, #tpu.memory_space<hbm>>
      %dma_start3A_1376 = tpu.memref_squeeze %dma_start3A_1375 : memref<1x1x1x8x128xf32, #tpu.memory_space<hbm>> -> memref<8x128xf32, #tpu.memory_space<hbm>>
      %dma_start3A_1377 = arith.constant 112 : i32
      %dma_start3A_1378 = arith.constant 0 : i32
      %dma_start3A_1379 = tpu.memref_slice %arg11[%dma_start3A_1377, %dma_start3A_1378] : memref<128x129xf32, #tpu.memory_space<vmem>> -> memref<8x128xf32, #tpu.memory_space<vmem>>
      tpu.enqueue_dma source(%dma_start3A_1379 : memref<8x128xf32, #tpu.memory_space<vmem>>) target(%dma_start3A_1376 : memref<8x128xf32, #tpu.memory_space<hbm>>) target_semaphore(%arg17 : memref<!tpu.dma_semaphore, #tpu.memory_space<semaphore_mem>>)
      %add3A_1380 = arith.constant 1 : i32
      %add3A_1381 = arith.addi %mul3A_1256, %add3A_1380 : i32
      %dma_start3A_1382 = arith.constant 7 : i32
      %dma_start3A_1383 = arith.constant 120 : i32
      %dma_start3A_1384 = arith.constant 0 : i32
      %dma_start3A_1385 = tpu.memref_slice %arg11[%dma_start3A_1383, %dma_start3A_1384] : memref<128x129xf32, #tpu.memory_space<vmem>> -> memref<8x128xf32, #tpu.memory_space<vmem>>
      %dma_start3A_1386 = arith.constant 0 : i32
      %dma_start3A_1387 = arith.constant 0 : i32
      %dma_start3A_1388 = tpu.memref_slice %arg5[%add3A_1381, %dma_start3A_1382, %add3A, %dma_start3A_1386, %dma_start3A_1387] : memref<200x8x32x8x128xf32, #tpu.memory_space<hbm>> -> memref<1x1x1x8x128xf32, #tpu.memory_space<hbm>>
      %dma_start3A_1389 = tpu.memref_squeeze %dma_start3A_1388 : memref<1x1x1x8x128xf32, #tpu.memory_space<hbm>> -> memref<8x128xf32, #tpu.memory_space<hbm>>
      %dma_start3A_1390 = arith.constant 0 : i32
      %dma_start3A_1391 = arith.constant 0 : i32
      %dma_start3A_1392 = tpu.memref_slice %arg5[%add3A_1381, %dma_start3A_1382, %add3A, %dma_start3A_1390, %dma_start3A_1391] : memref<200x8x32x8x128xf32, #tpu.memory_space<hbm>> -> memref<1x1x1x8x128xf32, #tpu.memory_space<hbm>>
      %dma_start3A_1393 = tpu.memref_squeeze %dma_start3A_1392 : memref<1x1x1x8x128xf32, #tpu.memory_space<hbm>> -> memref<8x128xf32, #tpu.memory_space<hbm>>
      %dma_start3A_1394 = arith.constant 120 : i32
      %dma_start3A_1395 = arith.constant 0 : i32
      %dma_start3A_1396 = tpu.memref_slice %arg11[%dma_start3A_1394, %dma_start3A_1395] : memref<128x129xf32, #tpu.memory_space<vmem>> -> memref<8x128xf32, #tpu.memory_space<vmem>>
      tpu.enqueue_dma source(%dma_start3A_1396 : memref<8x128xf32, #tpu.memory_space<vmem>>) target(%dma_start3A_1393 : memref<8x128xf32, #tpu.memory_space<hbm>>) target_semaphore(%arg17 : memref<!tpu.dma_semaphore, #tpu.memory_space<semaphore_mem>>)
      %add3A_1397 = arith.constant 2 : i32
      %add3A_1398 = arith.addi %add3A_998, %add3A_1397 : i32
      %lt3A_1399 = arith.constant 100 : i32
      %lt3A_1400 = arith.cmpi slt, %add3A_1398, %lt3A_1399 : i32
      %convert_element_type3A_1401 = arith.extui %lt3A_1400 : i1 to i32
      %cond3A_1402 = arith.constant 0 : i32
      %cond3A_1403 = arith.cmpi ne, %convert_element_type3A_1401, %cond3A_1402 : i32
      scf.if %cond3A_1403 {
        %add3A_1404 = arith.constant 2 : i32
        %add3A_1405 = arith.addi %add3A_998, %add3A_1404 : i32
        %dma_start3A_1406 = arith.constant 1 : i32
        %dma_start3A_1407 = arith.constant 128 : i32
        %dma_start3A_1408 = arith.constant 0 : i32
        %dma_start3A_1409 = tpu.memref_slice %arg9[%dma_start3A_1407, %dma_start3A_1408] : memref<256x64xf32, #tpu.memory_space<vmem>> -> memref<128x64xf32, #tpu.memory_space<vmem>>
        %dma_start3A_1410 = arith.constant 0 : i32
        %dma_start3A_1411 = tpu.memref_slice %arg6[%add3A_1405, %dma_start3A_1406, %dma_start3A_1410] : memref<100x2x128xi32, #tpu.memory_space<vmem>> -> memref<1x1x128xi32, #tpu.memory_space<vmem>>
        %dma_start3A_1412 = tpu.memref_squeeze %dma_start3A_1411 : memref<1x1x128xi32, #tpu.memory_space<vmem>> -> memref<128xi32, #tpu.memory_space<vmem>>
        %dma_start3A_1413 = arith.constant 0 : i32
        %dma_start3A_1414 = arith.constant 0 : i32
        %dma_start3A_1415 = tpu.memref_slice %arg3[%dma_start3A_1413, %dma_start3A_1414] : memref<100000x64xf32, #tpu.memory_space<hbm>> -> memref<100000x64xf32, #tpu.memory_space<hbm>>
        tpu.enqueue_indirect_dma source(%dma_start3A_1415 : memref<100000x64xf32, #tpu.memory_space<hbm>>) target(%dma_start3A_1409 : memref<128x64xf32, #tpu.memory_space<vmem>>) offsets(%dma_start3A_1412 : memref<128xi32, #tpu.memory_space<vmem>>) semaphore(%arg15 : memref<!tpu.dma_semaphore, #tpu.memory_space<semaphore_mem>>)
      } else {
      }
    }
    %scan3A_81 = arith.constant 50 : i32
    %dma_wait3A = arith.constant 0 : i32
    %dma_wait3A_82 = arith.constant 0 : i32
    %dma_wait3A_83 = arith.constant 0 : i32
    %dma_wait3A_84 = arith.constant 0 : i32
    %dma_wait3A_85 = tpu.memref_slice %arg10[%dma_wait3A_83, %dma_wait3A_84] : memref<128x129xf32, #tpu.memory_space<vmem>> -> memref<8x128xf32, #tpu.memory_space<vmem>>
    %dma_wait3A_86 = arith.constant 0 : i32
    %dma_wait3A_87 = arith.constant 0 : i32
    %dma_wait3A_88 = tpu.memref_slice %arg5[%dma_wait3A, %dma_wait3A_82, %add3A, %dma_wait3A_86, %dma_wait3A_87] : memref<200x8x32x8x128xf32, #tpu.memory_space<hbm>> -> memref<1x1x1x8x128xf32, #tpu.memory_space<hbm>>
    %dma_wait3A_89 = tpu.memref_squeeze %dma_wait3A_88 : memref<1x1x1x8x128xf32, #tpu.memory_space<hbm>> -> memref<8x128xf32, #tpu.memory_space<hbm>>
    %dma_wait3A_90 = arith.constant 0 : i32
    %dma_wait3A_91 = arith.constant 0 : i32
    %dma_wait3A_92 = tpu.memref_slice %arg5[%dma_wait3A, %dma_wait3A_82, %add3A, %dma_wait3A_90, %dma_wait3A_91] : memref<200x8x32x8x128xf32, #tpu.memory_space<hbm>> -> memref<1x1x1x8x128xf32, #tpu.memory_space<hbm>>
    %dma_wait3A_93 = tpu.memref_squeeze %dma_wait3A_92 : memref<1x1x1x8x128xf32, #tpu.memory_space<hbm>> -> memref<8x128xf32, #tpu.memory_space<hbm>>
    %dma_wait3A_94 = arith.constant 0 : i32
    %dma_wait3A_95 = arith.constant 0 : i32
    %dma_wait3A_96 = tpu.memref_slice %arg10[%dma_wait3A_94, %dma_wait3A_95] : memref<128x129xf32, #tpu.memory_space<vmem>> -> memref<8x128xf32, #tpu.memory_space<vmem>>
    tpu.wait_dma2 semaphore(%arg16 : memref<!tpu.dma_semaphore, #tpu.memory_space<semaphore_mem>>) src(%dma_wait3A_96 : memref<8x128xf32, #tpu.memory_space<vmem>>) dst(%dma_wait3A_93 : memref<8x128xf32, #tpu.memory_space<hbm>>)
    %dma_wait3A_97 = arith.constant 0 : i32
    %dma_wait3A_98 = arith.constant 1 : i32
    %dma_wait3A_99 = arith.constant 8 : i32
    %dma_wait3A_100 = arith.constant 0 : i32
    %dma_wait3A_101 = tpu.memref_slice %arg10[%dma_wait3A_99, %dma_wait3A_100] : memref<128x129xf32, #tpu.memory_space<vmem>> -> memref<8x128xf32, #tpu.memory_space<vmem>>
    %dma_wait3A_102 = arith.constant 0 : i32
    %dma_wait3A_103 = arith.constant 0 : i32
    %dma_wait3A_104 = tpu.memref_slice %arg5[%dma_wait3A_97, %dma_wait3A_98, %add3A, %dma_wait3A_102, %dma_wait3A_103] : memref<200x8x32x8x128xf32, #tpu.memory_space<hbm>> -> memref<1x1x1x8x128xf32, #tpu.memory_space<hbm>>
    %dma_wait3A_105 = tpu.memref_squeeze %dma_wait3A_104 : memref<1x1x1x8x128xf32, #tpu.memory_space<hbm>> -> memref<8x128xf32, #tpu.memory_space<hbm>>
    %dma_wait3A_106 = arith.constant 0 : i32
    %dma_wait3A_107 = arith.constant 0 : i32
    %dma_wait3A_108 = tpu.memref_slice %arg5[%dma_wait3A_97, %dma_wait3A_98, %add3A, %dma_wait3A_106, %dma_wait3A_107] : memref<200x8x32x8x128xf32, #tpu.memory_space<hbm>> -> memref<1x1x1x8x128xf32, #tpu.memory_space<hbm>>
    %dma_wait3A_109 = tpu.memref_squeeze %dma_wait3A_108 : memref<1x1x1x8x128xf32, #tpu.memory_space<hbm>> -> memref<8x128xf32, #tpu.memory_space<hbm>>
    %dma_wait3A_110 = arith.constant 8 : i32
    %dma_wait3A_111 = arith.constant 0 : i32
    %dma_wait3A_112 = tpu.memref_slice %arg10[%dma_wait3A_110, %dma_wait3A_111] : memref<128x129xf32, #tpu.memory_space<vmem>> -> memref<8x128xf32, #tpu.memory_space<vmem>>
    tpu.wait_dma2 semaphore(%arg16 : memref<!tpu.dma_semaphore, #tpu.memory_space<semaphore_mem>>) src(%dma_wait3A_112 : memref<8x128xf32, #tpu.memory_space<vmem>>) dst(%dma_wait3A_109 : memref<8x128xf32, #tpu.memory_space<hbm>>)
    %dma_wait3A_113 = arith.constant 0 : i32
    %dma_wait3A_114 = arith.constant 2 : i32
    %dma_wait3A_115 = arith.constant 16 : i32
    %dma_wait3A_116 = arith.constant 0 : i32
    %dma_wait3A_117 = tpu.memref_slice %arg10[%dma_wait3A_115, %dma_wait3A_116] : memref<128x129xf32, #tpu.memory_space<vmem>> -> memref<8x128xf32, #tpu.memory_space<vmem>>
    %dma_wait3A_118 = arith.constant 0 : i32
    %dma_wait3A_119 = arith.constant 0 : i32
    %dma_wait3A_120 = tpu.memref_slice %arg5[%dma_wait3A_113, %dma_wait3A_114, %add3A, %dma_wait3A_118, %dma_wait3A_119] : memref<200x8x32x8x128xf32, #tpu.memory_space<hbm>> -> memref<1x1x1x8x128xf32, #tpu.memory_space<hbm>>
    %dma_wait3A_121 = tpu.memref_squeeze %dma_wait3A_120 : memref<1x1x1x8x128xf32, #tpu.memory_space<hbm>> -> memref<8x128xf32, #tpu.memory_space<hbm>>
    %dma_wait3A_122 = arith.constant 0 : i32
    %dma_wait3A_123 = arith.constant 0 : i32
    %dma_wait3A_124 = tpu.memref_slice %arg5[%dma_wait3A_113, %dma_wait3A_114, %add3A, %dma_wait3A_122, %dma_wait3A_123] : memref<200x8x32x8x128xf32, #tpu.memory_space<hbm>> -> memref<1x1x1x8x128xf32, #tpu.memory_space<hbm>>
    %dma_wait3A_125 = tpu.memref_squeeze %dma_wait3A_124 : memref<1x1x1x8x128xf32, #tpu.memory_space<hbm>> -> memref<8x128xf32, #tpu.memory_space<hbm>>
    %dma_wait3A_126 = arith.constant 16 : i32
    %dma_wait3A_127 = arith.constant 0 : i32
    %dma_wait3A_128 = tpu.memref_slice %arg10[%dma_wait3A_126, %dma_wait3A_127] : memref<128x129xf32, #tpu.memory_space<vmem>> -> memref<8x128xf32, #tpu.memory_space<vmem>>
    tpu.wait_dma2 semaphore(%arg16 : memref<!tpu.dma_semaphore, #tpu.memory_space<semaphore_mem>>) src(%dma_wait3A_128 : memref<8x128xf32, #tpu.memory_space<vmem>>) dst(%dma_wait3A_125 : memref<8x128xf32, #tpu.memory_space<hbm>>)
    %dma_wait3A_129 = arith.constant 0 : i32
    %dma_wait3A_130 = arith.constant 3 : i32
    %dma_wait3A_131 = arith.constant 24 : i32
    %dma_wait3A_132 = arith.constant 0 : i32
    %dma_wait3A_133 = tpu.memref_slice %arg10[%dma_wait3A_131, %dma_wait3A_132] : memref<128x129xf32, #tpu.memory_space<vmem>> -> memref<8x128xf32, #tpu.memory_space<vmem>>
    %dma_wait3A_134 = arith.constant 0 : i32
    %dma_wait3A_135 = arith.constant 0 : i32
    %dma_wait3A_136 = tpu.memref_slice %arg5[%dma_wait3A_129, %dma_wait3A_130, %add3A, %dma_wait3A_134, %dma_wait3A_135] : memref<200x8x32x8x128xf32, #tpu.memory_space<hbm>> -> memref<1x1x1x8x128xf32, #tpu.memory_space<hbm>>
    %dma_wait3A_137 = tpu.memref_squeeze %dma_wait3A_136 : memref<1x1x1x8x128xf32, #tpu.memory_space<hbm>> -> memref<8x128xf32, #tpu.memory_space<hbm>>
    %dma_wait3A_138 = arith.constant 0 : i32
    %dma_wait3A_139 = arith.constant 0 : i32
    %dma_wait3A_140 = tpu.memref_slice %arg5[%dma_wait3A_129, %dma_wait3A_130, %add3A, %dma_wait3A_138, %dma_wait3A_139] : memref<200x8x32x8x128xf32, #tpu.memory_space<hbm>> -> memref<1x1x1x8x128xf32, #tpu.memory_space<hbm>>
    %dma_wait3A_141 = tpu.memref_squeeze %dma_wait3A_140 : memref<1x1x1x8x128xf32, #tpu.memory_space<hbm>> -> memref<8x128xf32, #tpu.memory_space<hbm>>
    %dma_wait3A_142 = arith.constant 24 : i32
    %dma_wait3A_143 = arith.constant 0 : i32
    %dma_wait3A_144 = tpu.memref_slice %arg10[%dma_wait3A_142, %dma_wait3A_143] : memref<128x129xf32, #tpu.memory_space<vmem>> -> memref<8x128xf32, #tpu.memory_space<vmem>>
    tpu.wait_dma2 semaphore(%arg16 : memref<!tpu.dma_semaphore, #tpu.memory_space<semaphore_mem>>) src(%dma_wait3A_144 : memref<8x128xf32, #tpu.memory_space<vmem>>) dst(%dma_wait3A_141 : memref<8x128xf32, #tpu.memory_space<hbm>>)
    %dma_wait3A_145 = arith.constant 0 : i32
    %dma_wait3A_146 = arith.constant 4 : i32
    %dma_wait3A_147 = arith.constant 32 : i32
    %dma_wait3A_148 = arith.constant 0 : i32
    %dma_wait3A_149 = tpu.memref_slice %arg10[%dma_wait3A_147, %dma_wait3A_148] : memref<128x129xf32, #tpu.memory_space<vmem>> -> memref<8x128xf32, #tpu.memory_space<vmem>>
    %dma_wait3A_150 = arith.constant 0 : i32
    %dma_wait3A_151 = arith.constant 0 : i32
    %dma_wait3A_152 = tpu.memref_slice %arg5[%dma_wait3A_145, %dma_wait3A_146, %add3A, %dma_wait3A_150, %dma_wait3A_151] : memref<200x8x32x8x128xf32, #tpu.memory_space<hbm>> -> memref<1x1x1x8x128xf32, #tpu.memory_space<hbm>>
    %dma_wait3A_153 = tpu.memref_squeeze %dma_wait3A_152 : memref<1x1x1x8x128xf32, #tpu.memory_space<hbm>> -> memref<8x128xf32, #tpu.memory_space<hbm>>
    %dma_wait3A_154 = arith.constant 0 : i32
    %dma_wait3A_155 = arith.constant 0 : i32
    %dma_wait3A_156 = tpu.memref_slice %arg5[%dma_wait3A_145, %dma_wait3A_146, %add3A, %dma_wait3A_154, %dma_wait3A_155] : memref<200x8x32x8x128xf32, #tpu.memory_space<hbm>> -> memref<1x1x1x8x128xf32, #tpu.memory_space<hbm>>
    %dma_wait3A_157 = tpu.memref_squeeze %dma_wait3A_156 : memref<1x1x1x8x128xf32, #tpu.memory_space<hbm>> -> memref<8x128xf32, #tpu.memory_space<hbm>>
    %dma_wait3A_158 = arith.constant 32 : i32
    %dma_wait3A_159 = arith.constant 0 : i32
    %dma_wait3A_160 = tpu.memref_slice %arg10[%dma_wait3A_158, %dma_wait3A_159] : memref<128x129xf32, #tpu.memory_space<vmem>> -> memref<8x128xf32, #tpu.memory_space<vmem>>
    tpu.wait_dma2 semaphore(%arg16 : memref<!tpu.dma_semaphore, #tpu.memory_space<semaphore_mem>>) src(%dma_wait3A_160 : memref<8x128xf32, #tpu.memory_space<vmem>>) dst(%dma_wait3A_157 : memref<8x128xf32, #tpu.memory_space<hbm>>)
    %dma_wait3A_161 = arith.constant 0 : i32
    %dma_wait3A_162 = arith.constant 5 : i32
    %dma_wait3A_163 = arith.constant 40 : i32
    %dma_wait3A_164 = arith.constant 0 : i32
    %dma_wait3A_165 = tpu.memref_slice %arg10[%dma_wait3A_163, %dma_wait3A_164] : memref<128x129xf32, #tpu.memory_space<vmem>> -> memref<8x128xf32, #tpu.memory_space<vmem>>
    %dma_wait3A_166 = arith.constant 0 : i32
    %dma_wait3A_167 = arith.constant 0 : i32
    %dma_wait3A_168 = tpu.memref_slice %arg5[%dma_wait3A_161, %dma_wait3A_162, %add3A, %dma_wait3A_166, %dma_wait3A_167] : memref<200x8x32x8x128xf32, #tpu.memory_space<hbm>> -> memref<1x1x1x8x128xf32, #tpu.memory_space<hbm>>
    %dma_wait3A_169 = tpu.memref_squeeze %dma_wait3A_168 : memref<1x1x1x8x128xf32, #tpu.memory_space<hbm>> -> memref<8x128xf32, #tpu.memory_space<hbm>>
    %dma_wait3A_170 = arith.constant 0 : i32
    %dma_wait3A_171 = arith.constant 0 : i32
    %dma_wait3A_172 = tpu.memref_slice %arg5[%dma_wait3A_161, %dma_wait3A_162, %add3A, %dma_wait3A_170, %dma_wait3A_171] : memref<200x8x32x8x128xf32, #tpu.memory_space<hbm>> -> memref<1x1x1x8x128xf32, #tpu.memory_space<hbm>>
    %dma_wait3A_173 = tpu.memref_squeeze %dma_wait3A_172 : memref<1x1x1x8x128xf32, #tpu.memory_space<hbm>> -> memref<8x128xf32, #tpu.memory_space<hbm>>
    %dma_wait3A_174 = arith.constant 40 : i32
    %dma_wait3A_175 = arith.constant 0 : i32
    %dma_wait3A_176 = tpu.memref_slice %arg10[%dma_wait3A_174, %dma_wait3A_175] : memref<128x129xf32, #tpu.memory_space<vmem>> -> memref<8x128xf32, #tpu.memory_space<vmem>>
    tpu.wait_dma2 semaphore(%arg16 : memref<!tpu.dma_semaphore, #tpu.memory_space<semaphore_mem>>) src(%dma_wait3A_176 : memref<8x128xf32, #tpu.memory_space<vmem>>) dst(%dma_wait3A_173 : memref<8x128xf32, #tpu.memory_space<hbm>>)
    %dma_wait3A_177 = arith.constant 0 : i32
    %dma_wait3A_178 = arith.constant 6 : i32
    %dma_wait3A_179 = arith.constant 48 : i32
    %dma_wait3A_180 = arith.constant 0 : i32
    %dma_wait3A_181 = tpu.memref_slice %arg10[%dma_wait3A_179, %dma_wait3A_180] : memref<128x129xf32, #tpu.memory_space<vmem>> -> memref<8x128xf32, #tpu.memory_space<vmem>>
    %dma_wait3A_182 = arith.constant 0 : i32
    %dma_wait3A_183 = arith.constant 0 : i32
    %dma_wait3A_184 = tpu.memref_slice %arg5[%dma_wait3A_177, %dma_wait3A_178, %add3A, %dma_wait3A_182, %dma_wait3A_183] : memref<200x8x32x8x128xf32, #tpu.memory_space<hbm>> -> memref<1x1x1x8x128xf32, #tpu.memory_space<hbm>>
    %dma_wait3A_185 = tpu.memref_squeeze %dma_wait3A_184 : memref<1x1x1x8x128xf32, #tpu.memory_space<hbm>> -> memref<8x128xf32, #tpu.memory_space<hbm>>
    %dma_wait3A_186 = arith.constant 0 : i32
    %dma_wait3A_187 = arith.constant 0 : i32
    %dma_wait3A_188 = tpu.memref_slice %arg5[%dma_wait3A_177, %dma_wait3A_178, %add3A, %dma_wait3A_186, %dma_wait3A_187] : memref<200x8x32x8x128xf32, #tpu.memory_space<hbm>> -> memref<1x1x1x8x128xf32, #tpu.memory_space<hbm>>
    %dma_wait3A_189 = tpu.memref_squeeze %dma_wait3A_188 : memref<1x1x1x8x128xf32, #tpu.memory_space<hbm>> -> memref<8x128xf32, #tpu.memory_space<hbm>>
    %dma_wait3A_190 = arith.constant 48 : i32
    %dma_wait3A_191 = arith.constant 0 : i32
    %dma_wait3A_192 = tpu.memref_slice %arg10[%dma_wait3A_190, %dma_wait3A_191] : memref<128x129xf32, #tpu.memory_space<vmem>> -> memref<8x128xf32, #tpu.memory_space<vmem>>
    tpu.wait_dma2 semaphore(%arg16 : memref<!tpu.dma_semaphore, #tpu.memory_space<semaphore_mem>>) src(%dma_wait3A_192 : memref<8x128xf32, #tpu.memory_space<vmem>>) dst(%dma_wait3A_189 : memref<8x128xf32, #tpu.memory_space<hbm>>)
    %dma_wait3A_193 = arith.constant 0 : i32
    %dma_wait3A_194 = arith.constant 7 : i32
    %dma_wait3A_195 = arith.constant 56 : i32
    %dma_wait3A_196 = arith.constant 0 : i32
    %dma_wait3A_197 = tpu.memref_slice %arg10[%dma_wait3A_195, %dma_wait3A_196] : memref<128x129xf32, #tpu.memory_space<vmem>> -> memref<8x128xf32, #tpu.memory_space<vmem>>
    %dma_wait3A_198 = arith.constant 0 : i32
    %dma_wait3A_199 = arith.constant 0 : i32
    %dma_wait3A_200 = tpu.memref_slice %arg5[%dma_wait3A_193, %dma_wait3A_194, %add3A, %dma_wait3A_198, %dma_wait3A_199] : memref<200x8x32x8x128xf32, #tpu.memory_space<hbm>> -> memref<1x1x1x8x128xf32, #tpu.memory_space<hbm>>
    %dma_wait3A_201 = tpu.memref_squeeze %dma_wait3A_200 : memref<1x1x1x8x128xf32, #tpu.memory_space<hbm>> -> memref<8x128xf32, #tpu.memory_space<hbm>>
    %dma_wait3A_202 = arith.constant 0 : i32
    %dma_wait3A_203 = arith.constant 0 : i32
    %dma_wait3A_204 = tpu.memref_slice %arg5[%dma_wait3A_193, %dma_wait3A_194, %add3A, %dma_wait3A_202, %dma_wait3A_203] : memref<200x8x32x8x128xf32, #tpu.memory_space<hbm>> -> memref<1x1x1x8x128xf32, #tpu.memory_space<hbm>>
    %dma_wait3A_205 = tpu.memref_squeeze %dma_wait3A_204 : memref<1x1x1x8x128xf32, #tpu.memory_space<hbm>> -> memref<8x128xf32, #tpu.memory_space<hbm>>
    %dma_wait3A_206 = arith.constant 56 : i32
    %dma_wait3A_207 = arith.constant 0 : i32
    %dma_wait3A_208 = tpu.memref_slice %arg10[%dma_wait3A_206, %dma_wait3A_207] : memref<128x129xf32, #tpu.memory_space<vmem>> -> memref<8x128xf32, #tpu.memory_space<vmem>>
    tpu.wait_dma2 semaphore(%arg16 : memref<!tpu.dma_semaphore, #tpu.memory_space<semaphore_mem>>) src(%dma_wait3A_208 : memref<8x128xf32, #tpu.memory_space<vmem>>) dst(%dma_wait3A_205 : memref<8x128xf32, #tpu.memory_space<hbm>>)
    %dma_wait3A_209 = arith.constant 1 : i32
    %dma_wait3A_210 = arith.constant 0 : i32
    %dma_wait3A_211 = arith.constant 64 : i32
    %dma_wait3A_212 = arith.constant 0 : i32
    %dma_wait3A_213 = tpu.memref_slice %arg10[%dma_wait3A_211, %dma_wait3A_212] : memref<128x129xf32, #tpu.memory_space<vmem>> -> memref<8x128xf32, #tpu.memory_space<vmem>>
    %dma_wait3A_214 = arith.constant 0 : i32
    %dma_wait3A_215 = arith.constant 0 : i32
    %dma_wait3A_216 = tpu.memref_slice %arg5[%dma_wait3A_209, %dma_wait3A_210, %add3A, %dma_wait3A_214, %dma_wait3A_215] : memref<200x8x32x8x128xf32, #tpu.memory_space<hbm>> -> memref<1x1x1x8x128xf32, #tpu.memory_space<hbm>>
    %dma_wait3A_217 = tpu.memref_squeeze %dma_wait3A_216 : memref<1x1x1x8x128xf32, #tpu.memory_space<hbm>> -> memref<8x128xf32, #tpu.memory_space<hbm>>
    %dma_wait3A_218 = arith.constant 0 : i32
    %dma_wait3A_219 = arith.constant 0 : i32
    %dma_wait3A_220 = tpu.memref_slice %arg5[%dma_wait3A_209, %dma_wait3A_210, %add3A, %dma_wait3A_218, %dma_wait3A_219] : memref<200x8x32x8x128xf32, #tpu.memory_space<hbm>> -> memref<1x1x1x8x128xf32, #tpu.memory_space<hbm>>
    %dma_wait3A_221 = tpu.memref_squeeze %dma_wait3A_220 : memref<1x1x1x8x128xf32, #tpu.memory_space<hbm>> -> memref<8x128xf32, #tpu.memory_space<hbm>>
    %dma_wait3A_222 = arith.constant 64 : i32
    %dma_wait3A_223 = arith.constant 0 : i32
    %dma_wait3A_224 = tpu.memref_slice %arg10[%dma_wait3A_222, %dma_wait3A_223] : memref<128x129xf32, #tpu.memory_space<vmem>> -> memref<8x128xf32, #tpu.memory_space<vmem>>
    tpu.wait_dma2 semaphore(%arg16 : memref<!tpu.dma_semaphore, #tpu.memory_space<semaphore_mem>>) src(%dma_wait3A_224 : memref<8x128xf32, #tpu.memory_space<vmem>>) dst(%dma_wait3A_221 : memref<8x128xf32, #tpu.memory_space<hbm>>)
    %dma_wait3A_225 = arith.constant 1 : i32
    %dma_wait3A_226 = arith.constant 1 : i32
    %dma_wait3A_227 = arith.constant 72 : i32
    %dma_wait3A_228 = arith.constant 0 : i32
    %dma_wait3A_229 = tpu.memref_slice %arg10[%dma_wait3A_227, %dma_wait3A_228] : memref<128x129xf32, #tpu.memory_space<vmem>> -> memref<8x128xf32, #tpu.memory_space<vmem>>
    %dma_wait3A_230 = arith.constant 0 : i32
    %dma_wait3A_231 = arith.constant 0 : i32
    %dma_wait3A_232 = tpu.memref_slice %arg5[%dma_wait3A_225, %dma_wait3A_226, %add3A, %dma_wait3A_230, %dma_wait3A_231] : memref<200x8x32x8x128xf32, #tpu.memory_space<hbm>> -> memref<1x1x1x8x128xf32, #tpu.memory_space<hbm>>
    %dma_wait3A_233 = tpu.memref_squeeze %dma_wait3A_232 : memref<1x1x1x8x128xf32, #tpu.memory_space<hbm>> -> memref<8x128xf32, #tpu.memory_space<hbm>>
    %dma_wait3A_234 = arith.constant 0 : i32
    %dma_wait3A_235 = arith.constant 0 : i32
    %dma_wait3A_236 = tpu.memref_slice %arg5[%dma_wait3A_225, %dma_wait3A_226, %add3A, %dma_wait3A_234, %dma_wait3A_235] : memref<200x8x32x8x128xf32, #tpu.memory_space<hbm>> -> memref<1x1x1x8x128xf32, #tpu.memory_space<hbm>>
    %dma_wait3A_237 = tpu.memref_squeeze %dma_wait3A_236 : memref<1x1x1x8x128xf32, #tpu.memory_space<hbm>> -> memref<8x128xf32, #tpu.memory_space<hbm>>
    %dma_wait3A_238 = arith.constant 72 : i32
    %dma_wait3A_239 = arith.constant 0 : i32
    %dma_wait3A_240 = tpu.memref_slice %arg10[%dma_wait3A_238, %dma_wait3A_239] : memref<128x129xf32, #tpu.memory_space<vmem>> -> memref<8x128xf32, #tpu.memory_space<vmem>>
    tpu.wait_dma2 semaphore(%arg16 : memref<!tpu.dma_semaphore, #tpu.memory_space<semaphore_mem>>) src(%dma_wait3A_240 : memref<8x128xf32, #tpu.memory_space<vmem>>) dst(%dma_wait3A_237 : memref<8x128xf32, #tpu.memory_space<hbm>>)
    %dma_wait3A_241 = arith.constant 1 : i32
    %dma_wait3A_242 = arith.constant 2 : i32
    %dma_wait3A_243 = arith.constant 80 : i32
    %dma_wait3A_244 = arith.constant 0 : i32
    %dma_wait3A_245 = tpu.memref_slice %arg10[%dma_wait3A_243, %dma_wait3A_244] : memref<128x129xf32, #tpu.memory_space<vmem>> -> memref<8x128xf32, #tpu.memory_space<vmem>>
    %dma_wait3A_246 = arith.constant 0 : i32
    %dma_wait3A_247 = arith.constant 0 : i32
    %dma_wait3A_248 = tpu.memref_slice %arg5[%dma_wait3A_241, %dma_wait3A_242, %add3A, %dma_wait3A_246, %dma_wait3A_247] : memref<200x8x32x8x128xf32, #tpu.memory_space<hbm>> -> memref<1x1x1x8x128xf32, #tpu.memory_space<hbm>>
    %dma_wait3A_249 = tpu.memref_squeeze %dma_wait3A_248 : memref<1x1x1x8x128xf32, #tpu.memory_space<hbm>> -> memref<8x128xf32, #tpu.memory_space<hbm>>
    %dma_wait3A_250 = arith.constant 0 : i32
    %dma_wait3A_251 = arith.constant 0 : i32
    %dma_wait3A_252 = tpu.memref_slice %arg5[%dma_wait3A_241, %dma_wait3A_242, %add3A, %dma_wait3A_250, %dma_wait3A_251] : memref<200x8x32x8x128xf32, #tpu.memory_space<hbm>> -> memref<1x1x1x8x128xf32, #tpu.memory_space<hbm>>
    %dma_wait3A_253 = tpu.memref_squeeze %dma_wait3A_252 : memref<1x1x1x8x128xf32, #tpu.memory_space<hbm>> -> memref<8x128xf32, #tpu.memory_space<hbm>>
    %dma_wait3A_254 = arith.constant 80 : i32
    %dma_wait3A_255 = arith.constant 0 : i32
    %dma_wait3A_256 = tpu.memref_slice %arg10[%dma_wait3A_254, %dma_wait3A_255] : memref<128x129xf32, #tpu.memory_space<vmem>> -> memref<8x128xf32, #tpu.memory_space<vmem>>
    tpu.wait_dma2 semaphore(%arg16 : memref<!tpu.dma_semaphore, #tpu.memory_space<semaphore_mem>>) src(%dma_wait3A_256 : memref<8x128xf32, #tpu.memory_space<vmem>>) dst(%dma_wait3A_253 : memref<8x128xf32, #tpu.memory_space<hbm>>)
    %dma_wait3A_257 = arith.constant 1 : i32
    %dma_wait3A_258 = arith.constant 3 : i32
    %dma_wait3A_259 = arith.constant 88 : i32
    %dma_wait3A_260 = arith.constant 0 : i32
    %dma_wait3A_261 = tpu.memref_slice %arg10[%dma_wait3A_259, %dma_wait3A_260] : memref<128x129xf32, #tpu.memory_space<vmem>> -> memref<8x128xf32, #tpu.memory_space<vmem>>
    %dma_wait3A_262 = arith.constant 0 : i32
    %dma_wait3A_263 = arith.constant 0 : i32
    %dma_wait3A_264 = tpu.memref_slice %arg5[%dma_wait3A_257, %dma_wait3A_258, %add3A, %dma_wait3A_262, %dma_wait3A_263] : memref<200x8x32x8x128xf32, #tpu.memory_space<hbm>> -> memref<1x1x1x8x128xf32, #tpu.memory_space<hbm>>
    %dma_wait3A_265 = tpu.memref_squeeze %dma_wait3A_264 : memref<1x1x1x8x128xf32, #tpu.memory_space<hbm>> -> memref<8x128xf32, #tpu.memory_space<hbm>>
    %dma_wait3A_266 = arith.constant 0 : i32
    %dma_wait3A_267 = arith.constant 0 : i32
    %dma_wait3A_268 = tpu.memref_slice %arg5[%dma_wait3A_257, %dma_wait3A_258, %add3A, %dma_wait3A_266, %dma_wait3A_267] : memref<200x8x32x8x128xf32, #tpu.memory_space<hbm>> -> memref<1x1x1x8x128xf32, #tpu.memory_space<hbm>>
    %dma_wait3A_269 = tpu.memref_squeeze %dma_wait3A_268 : memref<1x1x1x8x128xf32, #tpu.memory_space<hbm>> -> memref<8x128xf32, #tpu.memory_space<hbm>>
    %dma_wait3A_270 = arith.constant 88 : i32
    %dma_wait3A_271 = arith.constant 0 : i32
    %dma_wait3A_272 = tpu.memref_slice %arg10[%dma_wait3A_270, %dma_wait3A_271] : memref<128x129xf32, #tpu.memory_space<vmem>> -> memref<8x128xf32, #tpu.memory_space<vmem>>
    tpu.wait_dma2 semaphore(%arg16 : memref<!tpu.dma_semaphore, #tpu.memory_space<semaphore_mem>>) src(%dma_wait3A_272 : memref<8x128xf32, #tpu.memory_space<vmem>>) dst(%dma_wait3A_269 : memref<8x128xf32, #tpu.memory_space<hbm>>)
    %dma_wait3A_273 = arith.constant 1 : i32
    %dma_wait3A_274 = arith.constant 4 : i32
    %dma_wait3A_275 = arith.constant 96 : i32
    %dma_wait3A_276 = arith.constant 0 : i32
    %dma_wait3A_277 = tpu.memref_slice %arg10[%dma_wait3A_275, %dma_wait3A_276] : memref<128x129xf32, #tpu.memory_space<vmem>> -> memref<8x128xf32, #tpu.memory_space<vmem>>
    %dma_wait3A_278 = arith.constant 0 : i32
    %dma_wait3A_279 = arith.constant 0 : i32
    %dma_wait3A_280 = tpu.memref_slice %arg5[%dma_wait3A_273, %dma_wait3A_274, %add3A, %dma_wait3A_278, %dma_wait3A_279] : memref<200x8x32x8x128xf32, #tpu.memory_space<hbm>> -> memref<1x1x1x8x128xf32, #tpu.memory_space<hbm>>
    %dma_wait3A_281 = tpu.memref_squeeze %dma_wait3A_280 : memref<1x1x1x8x128xf32, #tpu.memory_space<hbm>> -> memref<8x128xf32, #tpu.memory_space<hbm>>
    %dma_wait3A_282 = arith.constant 0 : i32
    %dma_wait3A_283 = arith.constant 0 : i32
    %dma_wait3A_284 = tpu.memref_slice %arg5[%dma_wait3A_273, %dma_wait3A_274, %add3A, %dma_wait3A_282, %dma_wait3A_283] : memref<200x8x32x8x128xf32, #tpu.memory_space<hbm>> -> memref<1x1x1x8x128xf32, #tpu.memory_space<hbm>>
    %dma_wait3A_285 = tpu.memref_squeeze %dma_wait3A_284 : memref<1x1x1x8x128xf32, #tpu.memory_space<hbm>> -> memref<8x128xf32, #tpu.memory_space<hbm>>
    %dma_wait3A_286 = arith.constant 96 : i32
    %dma_wait3A_287 = arith.constant 0 : i32
    %dma_wait3A_288 = tpu.memref_slice %arg10[%dma_wait3A_286, %dma_wait3A_287] : memref<128x129xf32, #tpu.memory_space<vmem>> -> memref<8x128xf32, #tpu.memory_space<vmem>>
    tpu.wait_dma2 semaphore(%arg16 : memref<!tpu.dma_semaphore, #tpu.memory_space<semaphore_mem>>) src(%dma_wait3A_288 : memref<8x128xf32, #tpu.memory_space<vmem>>) dst(%dma_wait3A_285 : memref<8x128xf32, #tpu.memory_space<hbm>>)
    %dma_wait3A_289 = arith.constant 1 : i32
    %dma_wait3A_290 = arith.constant 5 : i32
    %dma_wait3A_291 = arith.constant 104 : i32
    %dma_wait3A_292 = arith.constant 0 : i32
    %dma_wait3A_293 = tpu.memref_slice %arg10[%dma_wait3A_291, %dma_wait3A_292] : memref<128x129xf32, #tpu.memory_space<vmem>> -> memref<8x128xf32, #tpu.memory_space<vmem>>
    %dma_wait3A_294 = arith.constant 0 : i32
    %dma_wait3A_295 = arith.constant 0 : i32
    %dma_wait3A_296 = tpu.memref_slice %arg5[%dma_wait3A_289, %dma_wait3A_290, %add3A, %dma_wait3A_294, %dma_wait3A_295] : memref<200x8x32x8x128xf32, #tpu.memory_space<hbm>> -> memref<1x1x1x8x128xf32, #tpu.memory_space<hbm>>
    %dma_wait3A_297 = tpu.memref_squeeze %dma_wait3A_296 : memref<1x1x1x8x128xf32, #tpu.memory_space<hbm>> -> memref<8x128xf32, #tpu.memory_space<hbm>>
    %dma_wait3A_298 = arith.constant 0 : i32
    %dma_wait3A_299 = arith.constant 0 : i32
    %dma_wait3A_300 = tpu.memref_slice %arg5[%dma_wait3A_289, %dma_wait3A_290, %add3A, %dma_wait3A_298, %dma_wait3A_299] : memref<200x8x32x8x128xf32, #tpu.memory_space<hbm>> -> memref<1x1x1x8x128xf32, #tpu.memory_space<hbm>>
    %dma_wait3A_301 = tpu.memref_squeeze %dma_wait3A_300 : memref<1x1x1x8x128xf32, #tpu.memory_space<hbm>> -> memref<8x128xf32, #tpu.memory_space<hbm>>
    %dma_wait3A_302 = arith.constant 104 : i32
    %dma_wait3A_303 = arith.constant 0 : i32
    %dma_wait3A_304 = tpu.memref_slice %arg10[%dma_wait3A_302, %dma_wait3A_303] : memref<128x129xf32, #tpu.memory_space<vmem>> -> memref<8x128xf32, #tpu.memory_space<vmem>>
    tpu.wait_dma2 semaphore(%arg16 : memref<!tpu.dma_semaphore, #tpu.memory_space<semaphore_mem>>) src(%dma_wait3A_304 : memref<8x128xf32, #tpu.memory_space<vmem>>) dst(%dma_wait3A_301 : memref<8x128xf32, #tpu.memory_space<hbm>>)
    %dma_wait3A_305 = arith.constant 1 : i32
    %dma_wait3A_306 = arith.constant 6 : i32
    %dma_wait3A_307 = arith.constant 112 : i32
    %dma_wait3A_308 = arith.constant 0 : i32
    %dma_wait3A_309 = tpu.memref_slice %arg10[%dma_wait3A_307, %dma_wait3A_308] : memref<128x129xf32, #tpu.memory_space<vmem>> -> memref<8x128xf32, #tpu.memory_space<vmem>>
    %dma_wait3A_310 = arith.constant 0 : i32
    %dma_wait3A_311 = arith.constant 0 : i32
    %dma_wait3A_312 = tpu.memref_slice %arg5[%dma_wait3A_305, %dma_wait3A_306, %add3A, %dma_wait3A_310, %dma_wait3A_311] : memref<200x8x32x8x128xf32, #tpu.memory_space<hbm>> -> memref<1x1x1x8x128xf32, #tpu.memory_space<hbm>>
    %dma_wait3A_313 = tpu.memref_squeeze %dma_wait3A_312 : memref<1x1x1x8x128xf32, #tpu.memory_space<hbm>> -> memref<8x128xf32, #tpu.memory_space<hbm>>
    %dma_wait3A_314 = arith.constant 0 : i32
    %dma_wait3A_315 = arith.constant 0 : i32
    %dma_wait3A_316 = tpu.memref_slice %arg5[%dma_wait3A_305, %dma_wait3A_306, %add3A, %dma_wait3A_314, %dma_wait3A_315] : memref<200x8x32x8x128xf32, #tpu.memory_space<hbm>> -> memref<1x1x1x8x128xf32, #tpu.memory_space<hbm>>
    %dma_wait3A_317 = tpu.memref_squeeze %dma_wait3A_316 : memref<1x1x1x8x128xf32, #tpu.memory_space<hbm>> -> memref<8x128xf32, #tpu.memory_space<hbm>>
    %dma_wait3A_318 = arith.constant 112 : i32
    %dma_wait3A_319 = arith.constant 0 : i32
    %dma_wait3A_320 = tpu.memref_slice %arg10[%dma_wait3A_318, %dma_wait3A_319] : memref<128x129xf32, #tpu.memory_space<vmem>> -> memref<8x128xf32, #tpu.memory_space<vmem>>
    tpu.wait_dma2 semaphore(%arg16 : memref<!tpu.dma_semaphore, #tpu.memory_space<semaphore_mem>>) src(%dma_wait3A_320 : memref<8x128xf32, #tpu.memory_space<vmem>>) dst(%dma_wait3A_317 : memref<8x128xf32, #tpu.memory_space<hbm>>)
    %dma_wait3A_321 = arith.constant 1 : i32
    %dma_wait3A_322 = arith.constant 7 : i32
    %dma_wait3A_323 = arith.constant 120 : i32
    %dma_wait3A_324 = arith.constant 0 : i32
    %dma_wait3A_325 = tpu.memref_slice %arg10[%dma_wait3A_323, %dma_wait3A_324] : memref<128x129xf32, #tpu.memory_space<vmem>> -> memref<8x128xf32, #tpu.memory_space<vmem>>
    %dma_wait3A_326 = arith.constant 0 : i32
    %dma_wait3A_327 = arith.constant 0 : i32
    %dma_wait3A_328 = tpu.memref_slice %arg5[%dma_wait3A_321, %dma_wait3A_322, %add3A, %dma_wait3A_326, %dma_wait3A_327] : memref<200x8x32x8x128xf32, #tpu.memory_space<hbm>> -> memref<1x1x1x8x128xf32, #tpu.memory_space<hbm>>
    %dma_wait3A_329 = tpu.memref_squeeze %dma_wait3A_328 : memref<1x1x1x8x128xf32, #tpu.memory_space<hbm>> -> memref<8x128xf32, #tpu.memory_space<hbm>>
    %dma_wait3A_330 = arith.constant 0 : i32
    %dma_wait3A_331 = arith.constant 0 : i32
    %dma_wait3A_332 = tpu.memref_slice %arg5[%dma_wait3A_321, %dma_wait3A_322, %add3A, %dma_wait3A_330, %dma_wait3A_331] : memref<200x8x32x8x128xf32, #tpu.memory_space<hbm>> -> memref<1x1x1x8x128xf32, #tpu.memory_space<hbm>>
    %dma_wait3A_333 = tpu.memref_squeeze %dma_wait3A_332 : memref<1x1x1x8x128xf32, #tpu.memory_space<hbm>> -> memref<8x128xf32, #tpu.memory_space<hbm>>
    %dma_wait3A_334 = arith.constant 120 : i32
    %dma_wait3A_335 = arith.constant 0 : i32
    %dma_wait3A_336 = tpu.memref_slice %arg10[%dma_wait3A_334, %dma_wait3A_335] : memref<128x129xf32, #tpu.memory_space<vmem>> -> memref<8x128xf32, #tpu.memory_space<vmem>>
    tpu.wait_dma2 semaphore(%arg16 : memref<!tpu.dma_semaphore, #tpu.memory_space<semaphore_mem>>) src(%dma_wait3A_336 : memref<8x128xf32, #tpu.memory_space<vmem>>) dst(%dma_wait3A_333 : memref<8x128xf32, #tpu.memory_space<hbm>>)
    %dma_wait3A_337 = arith.constant 0 : i32
    %dma_wait3A_338 = arith.constant 0 : i32
    %dma_wait3A_339 = arith.constant 0 : i32
    %dma_wait3A_340 = arith.constant 0 : i32
    %dma_wait3A_341 = tpu.memref_slice %arg11[%dma_wait3A_339, %dma_wait3A_340] : memref<128x129xf32, #tpu.memory_space<vmem>> -> memref<8x128xf32, #tpu.memory_space<vmem>>
    %dma_wait3A_342 = arith.constant 0 : i32
    %dma_wait3A_343 = arith.constant 0 : i32
    %dma_wait3A_344 = tpu.memref_slice %arg5[%dma_wait3A_337, %dma_wait3A_338, %add3A, %dma_wait3A_342, %dma_wait3A_343] : memref<200x8x32x8x128xf32, #tpu.memory_space<hbm>> -> memref<1x1x1x8x128xf32, #tpu.memory_space<hbm>>
    %dma_wait3A_345 = tpu.memref_squeeze %dma_wait3A_344 : memref<1x1x1x8x128xf32, #tpu.memory_space<hbm>> -> memref<8x128xf32, #tpu.memory_space<hbm>>
    %dma_wait3A_346 = arith.constant 0 : i32
    %dma_wait3A_347 = arith.constant 0 : i32
    %dma_wait3A_348 = tpu.memref_slice %arg5[%dma_wait3A_337, %dma_wait3A_338, %add3A, %dma_wait3A_346, %dma_wait3A_347] : memref<200x8x32x8x128xf32, #tpu.memory_space<hbm>> -> memref<1x1x1x8x128xf32, #tpu.memory_space<hbm>>
    %dma_wait3A_349 = tpu.memref_squeeze %dma_wait3A_348 : memref<1x1x1x8x128xf32, #tpu.memory_space<hbm>> -> memref<8x128xf32, #tpu.memory_space<hbm>>
    %dma_wait3A_350 = arith.constant 0 : i32
    %dma_wait3A_351 = arith.constant 0 : i32
    %dma_wait3A_352 = tpu.memref_slice %arg11[%dma_wait3A_350, %dma_wait3A_351] : memref<128x129xf32, #tpu.memory_space<vmem>> -> memref<8x128xf32, #tpu.memory_space<vmem>>
    tpu.wait_dma2 semaphore(%arg17 : memref<!tpu.dma_semaphore, #tpu.memory_space<semaphore_mem>>) src(%dma_wait3A_352 : memref<8x128xf32, #tpu.memory_space<vmem>>) dst(%dma_wait3A_349 : memref<8x128xf32, #tpu.memory_space<hbm>>)
    %dma_wait3A_353 = arith.constant 0 : i32
    %dma_wait3A_354 = arith.constant 1 : i32
    %dma_wait3A_355 = arith.constant 8 : i32
    %dma_wait3A_356 = arith.constant 0 : i32
    %dma_wait3A_357 = tpu.memref_slice %arg11[%dma_wait3A_355, %dma_wait3A_356] : memref<128x129xf32, #tpu.memory_space<vmem>> -> memref<8x128xf32, #tpu.memory_space<vmem>>
    %dma_wait3A_358 = arith.constant 0 : i32
    %dma_wait3A_359 = arith.constant 0 : i32
    %dma_wait3A_360 = tpu.memref_slice %arg5[%dma_wait3A_353, %dma_wait3A_354, %add3A, %dma_wait3A_358, %dma_wait3A_359] : memref<200x8x32x8x128xf32, #tpu.memory_space<hbm>> -> memref<1x1x1x8x128xf32, #tpu.memory_space<hbm>>
    %dma_wait3A_361 = tpu.memref_squeeze %dma_wait3A_360 : memref<1x1x1x8x128xf32, #tpu.memory_space<hbm>> -> memref<8x128xf32, #tpu.memory_space<hbm>>
    %dma_wait3A_362 = arith.constant 0 : i32
    %dma_wait3A_363 = arith.constant 0 : i32
    %dma_wait3A_364 = tpu.memref_slice %arg5[%dma_wait3A_353, %dma_wait3A_354, %add3A, %dma_wait3A_362, %dma_wait3A_363] : memref<200x8x32x8x128xf32, #tpu.memory_space<hbm>> -> memref<1x1x1x8x128xf32, #tpu.memory_space<hbm>>
    %dma_wait3A_365 = tpu.memref_squeeze %dma_wait3A_364 : memref<1x1x1x8x128xf32, #tpu.memory_space<hbm>> -> memref<8x128xf32, #tpu.memory_space<hbm>>
    %dma_wait3A_366 = arith.constant 8 : i32
    %dma_wait3A_367 = arith.constant 0 : i32
    %dma_wait3A_368 = tpu.memref_slice %arg11[%dma_wait3A_366, %dma_wait3A_367] : memref<128x129xf32, #tpu.memory_space<vmem>> -> memref<8x128xf32, #tpu.memory_space<vmem>>
    tpu.wait_dma2 semaphore(%arg17 : memref<!tpu.dma_semaphore, #tpu.memory_space<semaphore_mem>>) src(%dma_wait3A_368 : memref<8x128xf32, #tpu.memory_space<vmem>>) dst(%dma_wait3A_365 : memref<8x128xf32, #tpu.memory_space<hbm>>)
    %dma_wait3A_369 = arith.constant 0 : i32
    %dma_wait3A_370 = arith.constant 2 : i32
    %dma_wait3A_371 = arith.constant 16 : i32
    %dma_wait3A_372 = arith.constant 0 : i32
    %dma_wait3A_373 = tpu.memref_slice %arg11[%dma_wait3A_371, %dma_wait3A_372] : memref<128x129xf32, #tpu.memory_space<vmem>> -> memref<8x128xf32, #tpu.memory_space<vmem>>
    %dma_wait3A_374 = arith.constant 0 : i32
    %dma_wait3A_375 = arith.constant 0 : i32
    %dma_wait3A_376 = tpu.memref_slice %arg5[%dma_wait3A_369, %dma_wait3A_370, %add3A, %dma_wait3A_374, %dma_wait3A_375] : memref<200x8x32x8x128xf32, #tpu.memory_space<hbm>> -> memref<1x1x1x8x128xf32, #tpu.memory_space<hbm>>
    %dma_wait3A_377 = tpu.memref_squeeze %dma_wait3A_376 : memref<1x1x1x8x128xf32, #tpu.memory_space<hbm>> -> memref<8x128xf32, #tpu.memory_space<hbm>>
    %dma_wait3A_378 = arith.constant 0 : i32
    %dma_wait3A_379 = arith.constant 0 : i32
    %dma_wait3A_380 = tpu.memref_slice %arg5[%dma_wait3A_369, %dma_wait3A_370, %add3A, %dma_wait3A_378, %dma_wait3A_379] : memref<200x8x32x8x128xf32, #tpu.memory_space<hbm>> -> memref<1x1x1x8x128xf32, #tpu.memory_space<hbm>>
    %dma_wait3A_381 = tpu.memref_squeeze %dma_wait3A_380 : memref<1x1x1x8x128xf32, #tpu.memory_space<hbm>> -> memref<8x128xf32, #tpu.memory_space<hbm>>
    %dma_wait3A_382 = arith.constant 16 : i32
    %dma_wait3A_383 = arith.constant 0 : i32
    %dma_wait3A_384 = tpu.memref_slice %arg11[%dma_wait3A_382, %dma_wait3A_383] : memref<128x129xf32, #tpu.memory_space<vmem>> -> memref<8x128xf32, #tpu.memory_space<vmem>>
    tpu.wait_dma2 semaphore(%arg17 : memref<!tpu.dma_semaphore, #tpu.memory_space<semaphore_mem>>) src(%dma_wait3A_384 : memref<8x128xf32, #tpu.memory_space<vmem>>) dst(%dma_wait3A_381 : memref<8x128xf32, #tpu.memory_space<hbm>>)
    %dma_wait3A_385 = arith.constant 0 : i32
    %dma_wait3A_386 = arith.constant 3 : i32
    %dma_wait3A_387 = arith.constant 24 : i32
    %dma_wait3A_388 = arith.constant 0 : i32
    %dma_wait3A_389 = tpu.memref_slice %arg11[%dma_wait3A_387, %dma_wait3A_388] : memref<128x129xf32, #tpu.memory_space<vmem>> -> memref<8x128xf32, #tpu.memory_space<vmem>>
    %dma_wait3A_390 = arith.constant 0 : i32
    %dma_wait3A_391 = arith.constant 0 : i32
    %dma_wait3A_392 = tpu.memref_slice %arg5[%dma_wait3A_385, %dma_wait3A_386, %add3A, %dma_wait3A_390, %dma_wait3A_391] : memref<200x8x32x8x128xf32, #tpu.memory_space<hbm>> -> memref<1x1x1x8x128xf32, #tpu.memory_space<hbm>>
    %dma_wait3A_393 = tpu.memref_squeeze %dma_wait3A_392 : memref<1x1x1x8x128xf32, #tpu.memory_space<hbm>> -> memref<8x128xf32, #tpu.memory_space<hbm>>
    %dma_wait3A_394 = arith.constant 0 : i32
    %dma_wait3A_395 = arith.constant 0 : i32
    %dma_wait3A_396 = tpu.memref_slice %arg5[%dma_wait3A_385, %dma_wait3A_386, %add3A, %dma_wait3A_394, %dma_wait3A_395] : memref<200x8x32x8x128xf32, #tpu.memory_space<hbm>> -> memref<1x1x1x8x128xf32, #tpu.memory_space<hbm>>
    %dma_wait3A_397 = tpu.memref_squeeze %dma_wait3A_396 : memref<1x1x1x8x128xf32, #tpu.memory_space<hbm>> -> memref<8x128xf32, #tpu.memory_space<hbm>>
    %dma_wait3A_398 = arith.constant 24 : i32
    %dma_wait3A_399 = arith.constant 0 : i32
    %dma_wait3A_400 = tpu.memref_slice %arg11[%dma_wait3A_398, %dma_wait3A_399] : memref<128x129xf32, #tpu.memory_space<vmem>> -> memref<8x128xf32, #tpu.memory_space<vmem>>
    tpu.wait_dma2 semaphore(%arg17 : memref<!tpu.dma_semaphore, #tpu.memory_space<semaphore_mem>>) src(%dma_wait3A_400 : memref<8x128xf32, #tpu.memory_space<vmem>>) dst(%dma_wait3A_397 : memref<8x128xf32, #tpu.memory_space<hbm>>)
    %dma_wait3A_401 = arith.constant 0 : i32
    %dma_wait3A_402 = arith.constant 4 : i32
    %dma_wait3A_403 = arith.constant 32 : i32
    %dma_wait3A_404 = arith.constant 0 : i32
    %dma_wait3A_405 = tpu.memref_slice %arg11[%dma_wait3A_403, %dma_wait3A_404] : memref<128x129xf32, #tpu.memory_space<vmem>> -> memref<8x128xf32, #tpu.memory_space<vmem>>
    %dma_wait3A_406 = arith.constant 0 : i32
    %dma_wait3A_407 = arith.constant 0 : i32
    %dma_wait3A_408 = tpu.memref_slice %arg5[%dma_wait3A_401, %dma_wait3A_402, %add3A, %dma_wait3A_406, %dma_wait3A_407] : memref<200x8x32x8x128xf32, #tpu.memory_space<hbm>> -> memref<1x1x1x8x128xf32, #tpu.memory_space<hbm>>
    %dma_wait3A_409 = tpu.memref_squeeze %dma_wait3A_408 : memref<1x1x1x8x128xf32, #tpu.memory_space<hbm>> -> memref<8x128xf32, #tpu.memory_space<hbm>>
    %dma_wait3A_410 = arith.constant 0 : i32
    %dma_wait3A_411 = arith.constant 0 : i32
    %dma_wait3A_412 = tpu.memref_slice %arg5[%dma_wait3A_401, %dma_wait3A_402, %add3A, %dma_wait3A_410, %dma_wait3A_411] : memref<200x8x32x8x128xf32, #tpu.memory_space<hbm>> -> memref<1x1x1x8x128xf32, #tpu.memory_space<hbm>>
    %dma_wait3A_413 = tpu.memref_squeeze %dma_wait3A_412 : memref<1x1x1x8x128xf32, #tpu.memory_space<hbm>> -> memref<8x128xf32, #tpu.memory_space<hbm>>
    %dma_wait3A_414 = arith.constant 32 : i32
    %dma_wait3A_415 = arith.constant 0 : i32
    %dma_wait3A_416 = tpu.memref_slice %arg11[%dma_wait3A_414, %dma_wait3A_415] : memref<128x129xf32, #tpu.memory_space<vmem>> -> memref<8x128xf32, #tpu.memory_space<vmem>>
    tpu.wait_dma2 semaphore(%arg17 : memref<!tpu.dma_semaphore, #tpu.memory_space<semaphore_mem>>) src(%dma_wait3A_416 : memref<8x128xf32, #tpu.memory_space<vmem>>) dst(%dma_wait3A_413 : memref<8x128xf32, #tpu.memory_space<hbm>>)
    %dma_wait3A_417 = arith.constant 0 : i32
    %dma_wait3A_418 = arith.constant 5 : i32
    %dma_wait3A_419 = arith.constant 40 : i32
    %dma_wait3A_420 = arith.constant 0 : i32
    %dma_wait3A_421 = tpu.memref_slice %arg11[%dma_wait3A_419, %dma_wait3A_420] : memref<128x129xf32, #tpu.memory_space<vmem>> -> memref<8x128xf32, #tpu.memory_space<vmem>>
    %dma_wait3A_422 = arith.constant 0 : i32
    %dma_wait3A_423 = arith.constant 0 : i32
    %dma_wait3A_424 = tpu.memref_slice %arg5[%dma_wait3A_417, %dma_wait3A_418, %add3A, %dma_wait3A_422, %dma_wait3A_423] : memref<200x8x32x8x128xf32, #tpu.memory_space<hbm>> -> memref<1x1x1x8x128xf32, #tpu.memory_space<hbm>>
    %dma_wait3A_425 = tpu.memref_squeeze %dma_wait3A_424 : memref<1x1x1x8x128xf32, #tpu.memory_space<hbm>> -> memref<8x128xf32, #tpu.memory_space<hbm>>
    %dma_wait3A_426 = arith.constant 0 : i32
    %dma_wait3A_427 = arith.constant 0 : i32
    %dma_wait3A_428 = tpu.memref_slice %arg5[%dma_wait3A_417, %dma_wait3A_418, %add3A, %dma_wait3A_426, %dma_wait3A_427] : memref<200x8x32x8x128xf32, #tpu.memory_space<hbm>> -> memref<1x1x1x8x128xf32, #tpu.memory_space<hbm>>
    %dma_wait3A_429 = tpu.memref_squeeze %dma_wait3A_428 : memref<1x1x1x8x128xf32, #tpu.memory_space<hbm>> -> memref<8x128xf32, #tpu.memory_space<hbm>>
    %dma_wait3A_430 = arith.constant 40 : i32
    %dma_wait3A_431 = arith.constant 0 : i32
    %dma_wait3A_432 = tpu.memref_slice %arg11[%dma_wait3A_430, %dma_wait3A_431] : memref<128x129xf32, #tpu.memory_space<vmem>> -> memref<8x128xf32, #tpu.memory_space<vmem>>
    tpu.wait_dma2 semaphore(%arg17 : memref<!tpu.dma_semaphore, #tpu.memory_space<semaphore_mem>>) src(%dma_wait3A_432 : memref<8x128xf32, #tpu.memory_space<vmem>>) dst(%dma_wait3A_429 : memref<8x128xf32, #tpu.memory_space<hbm>>)
    %dma_wait3A_433 = arith.constant 0 : i32
    %dma_wait3A_434 = arith.constant 6 : i32
    %dma_wait3A_435 = arith.constant 48 : i32
    %dma_wait3A_436 = arith.constant 0 : i32
    %dma_wait3A_437 = tpu.memref_slice %arg11[%dma_wait3A_435, %dma_wait3A_436] : memref<128x129xf32, #tpu.memory_space<vmem>> -> memref<8x128xf32, #tpu.memory_space<vmem>>
    %dma_wait3A_438 = arith.constant 0 : i32
    %dma_wait3A_439 = arith.constant 0 : i32
    %dma_wait3A_440 = tpu.memref_slice %arg5[%dma_wait3A_433, %dma_wait3A_434, %add3A, %dma_wait3A_438, %dma_wait3A_439] : memref<200x8x32x8x128xf32, #tpu.memory_space<hbm>> -> memref<1x1x1x8x128xf32, #tpu.memory_space<hbm>>
    %dma_wait3A_441 = tpu.memref_squeeze %dma_wait3A_440 : memref<1x1x1x8x128xf32, #tpu.memory_space<hbm>> -> memref<8x128xf32, #tpu.memory_space<hbm>>
    %dma_wait3A_442 = arith.constant 0 : i32
    %dma_wait3A_443 = arith.constant 0 : i32
    %dma_wait3A_444 = tpu.memref_slice %arg5[%dma_wait3A_433, %dma_wait3A_434, %add3A, %dma_wait3A_442, %dma_wait3A_443] : memref<200x8x32x8x128xf32, #tpu.memory_space<hbm>> -> memref<1x1x1x8x128xf32, #tpu.memory_space<hbm>>
    %dma_wait3A_445 = tpu.memref_squeeze %dma_wait3A_444 : memref<1x1x1x8x128xf32, #tpu.memory_space<hbm>> -> memref<8x128xf32, #tpu.memory_space<hbm>>
    %dma_wait3A_446 = arith.constant 48 : i32
    %dma_wait3A_447 = arith.constant 0 : i32
    %dma_wait3A_448 = tpu.memref_slice %arg11[%dma_wait3A_446, %dma_wait3A_447] : memref<128x129xf32, #tpu.memory_space<vmem>> -> memref<8x128xf32, #tpu.memory_space<vmem>>
    tpu.wait_dma2 semaphore(%arg17 : memref<!tpu.dma_semaphore, #tpu.memory_space<semaphore_mem>>) src(%dma_wait3A_448 : memref<8x128xf32, #tpu.memory_space<vmem>>) dst(%dma_wait3A_445 : memref<8x128xf32, #tpu.memory_space<hbm>>)
    %dma_wait3A_449 = arith.constant 0 : i32
    %dma_wait3A_450 = arith.constant 7 : i32
    %dma_wait3A_451 = arith.constant 56 : i32
    %dma_wait3A_452 = arith.constant 0 : i32
    %dma_wait3A_453 = tpu.memref_slice %arg11[%dma_wait3A_451, %dma_wait3A_452] : memref<128x129xf32, #tpu.memory_space<vmem>> -> memref<8x128xf32, #tpu.memory_space<vmem>>
    %dma_wait3A_454 = arith.constant 0 : i32
    %dma_wait3A_455 = arith.constant 0 : i32
    %dma_wait3A_456 = tpu.memref_slice %arg5[%dma_wait3A_449, %dma_wait3A_450, %add3A, %dma_wait3A_454, %dma_wait3A_455] : memref<200x8x32x8x128xf32, #tpu.memory_space<hbm>> -> memref<1x1x1x8x128xf32, #tpu.memory_space<hbm>>
    %dma_wait3A_457 = tpu.memref_squeeze %dma_wait3A_456 : memref<1x1x1x8x128xf32, #tpu.memory_space<hbm>> -> memref<8x128xf32, #tpu.memory_space<hbm>>
    %dma_wait3A_458 = arith.constant 0 : i32
    %dma_wait3A_459 = arith.constant 0 : i32
    %dma_wait3A_460 = tpu.memref_slice %arg5[%dma_wait3A_449, %dma_wait3A_450, %add3A, %dma_wait3A_458, %dma_wait3A_459] : memref<200x8x32x8x128xf32, #tpu.memory_space<hbm>> -> memref<1x1x1x8x128xf32, #tpu.memory_space<hbm>>
    %dma_wait3A_461 = tpu.memref_squeeze %dma_wait3A_460 : memref<1x1x1x8x128xf32, #tpu.memory_space<hbm>> -> memref<8x128xf32, #tpu.memory_space<hbm>>
    %dma_wait3A_462 = arith.constant 56 : i32
    %dma_wait3A_463 = arith.constant 0 : i32
    %dma_wait3A_464 = tpu.memref_slice %arg11[%dma_wait3A_462, %dma_wait3A_463] : memref<128x129xf32, #tpu.memory_space<vmem>> -> memref<8x128xf32, #tpu.memory_space<vmem>>
    tpu.wait_dma2 semaphore(%arg17 : memref<!tpu.dma_semaphore, #tpu.memory_space<semaphore_mem>>) src(%dma_wait3A_464 : memref<8x128xf32, #tpu.memory_space<vmem>>) dst(%dma_wait3A_461 : memref<8x128xf32, #tpu.memory_space<hbm>>)
    %dma_wait3A_465 = arith.constant 1 : i32
    %dma_wait3A_466 = arith.constant 0 : i32
    %dma_wait3A_467 = arith.constant 64 : i32
    %dma_wait3A_468 = arith.constant 0 : i32
    %dma_wait3A_469 = tpu.memref_slice %arg11[%dma_wait3A_467, %dma_wait3A_468] : memref<128x129xf32, #tpu.memory_space<vmem>> -> memref<8x128xf32, #tpu.memory_space<vmem>>
    %dma_wait3A_470 = arith.constant 0 : i32
    %dma_wait3A_471 = arith.constant 0 : i32
    %dma_wait3A_472 = tpu.memref_slice %arg5[%dma_wait3A_465, %dma_wait3A_466, %add3A, %dma_wait3A_470, %dma_wait3A_471] : memref<200x8x32x8x128xf32, #tpu.memory_space<hbm>> -> memref<1x1x1x8x128xf32, #tpu.memory_space<hbm>>
    %dma_wait3A_473 = tpu.memref_squeeze %dma_wait3A_472 : memref<1x1x1x8x128xf32, #tpu.memory_space<hbm>> -> memref<8x128xf32, #tpu.memory_space<hbm>>
    %dma_wait3A_474 = arith.constant 0 : i32
    %dma_wait3A_475 = arith.constant 0 : i32
    %dma_wait3A_476 = tpu.memref_slice %arg5[%dma_wait3A_465, %dma_wait3A_466, %add3A, %dma_wait3A_474, %dma_wait3A_475] : memref<200x8x32x8x128xf32, #tpu.memory_space<hbm>> -> memref<1x1x1x8x128xf32, #tpu.memory_space<hbm>>
    %dma_wait3A_477 = tpu.memref_squeeze %dma_wait3A_476 : memref<1x1x1x8x128xf32, #tpu.memory_space<hbm>> -> memref<8x128xf32, #tpu.memory_space<hbm>>
    %dma_wait3A_478 = arith.constant 64 : i32
    %dma_wait3A_479 = arith.constant 0 : i32
    %dma_wait3A_480 = tpu.memref_slice %arg11[%dma_wait3A_478, %dma_wait3A_479] : memref<128x129xf32, #tpu.memory_space<vmem>> -> memref<8x128xf32, #tpu.memory_space<vmem>>
    tpu.wait_dma2 semaphore(%arg17 : memref<!tpu.dma_semaphore, #tpu.memory_space<semaphore_mem>>) src(%dma_wait3A_480 : memref<8x128xf32, #tpu.memory_space<vmem>>) dst(%dma_wait3A_477 : memref<8x128xf32, #tpu.memory_space<hbm>>)
    %dma_wait3A_481 = arith.constant 1 : i32
    %dma_wait3A_482 = arith.constant 1 : i32
    %dma_wait3A_483 = arith.constant 72 : i32
    %dma_wait3A_484 = arith.constant 0 : i32
    %dma_wait3A_485 = tpu.memref_slice %arg11[%dma_wait3A_483, %dma_wait3A_484] : memref<128x129xf32, #tpu.memory_space<vmem>> -> memref<8x128xf32, #tpu.memory_space<vmem>>
    %dma_wait3A_486 = arith.constant 0 : i32
    %dma_wait3A_487 = arith.constant 0 : i32
    %dma_wait3A_488 = tpu.memref_slice %arg5[%dma_wait3A_481, %dma_wait3A_482, %add3A, %dma_wait3A_486, %dma_wait3A_487] : memref<200x8x32x8x128xf32, #tpu.memory_space<hbm>> -> memref<1x1x1x8x128xf32, #tpu.memory_space<hbm>>
    %dma_wait3A_489 = tpu.memref_squeeze %dma_wait3A_488 : memref<1x1x1x8x128xf32, #tpu.memory_space<hbm>> -> memref<8x128xf32, #tpu.memory_space<hbm>>
    %dma_wait3A_490 = arith.constant 0 : i32
    %dma_wait3A_491 = arith.constant 0 : i32
    %dma_wait3A_492 = tpu.memref_slice %arg5[%dma_wait3A_481, %dma_wait3A_482, %add3A, %dma_wait3A_490, %dma_wait3A_491] : memref<200x8x32x8x128xf32, #tpu.memory_space<hbm>> -> memref<1x1x1x8x128xf32, #tpu.memory_space<hbm>>
    %dma_wait3A_493 = tpu.memref_squeeze %dma_wait3A_492 : memref<1x1x1x8x128xf32, #tpu.memory_space<hbm>> -> memref<8x128xf32, #tpu.memory_space<hbm>>
    %dma_wait3A_494 = arith.constant 72 : i32
    %dma_wait3A_495 = arith.constant 0 : i32
    %dma_wait3A_496 = tpu.memref_slice %arg11[%dma_wait3A_494, %dma_wait3A_495] : memref<128x129xf32, #tpu.memory_space<vmem>> -> memref<8x128xf32, #tpu.memory_space<vmem>>
    tpu.wait_dma2 semaphore(%arg17 : memref<!tpu.dma_semaphore, #tpu.memory_space<semaphore_mem>>) src(%dma_wait3A_496 : memref<8x128xf32, #tpu.memory_space<vmem>>) dst(%dma_wait3A_493 : memref<8x128xf32, #tpu.memory_space<hbm>>)
    %dma_wait3A_497 = arith.constant 1 : i32
    %dma_wait3A_498 = arith.constant 2 : i32
    %dma_wait3A_499 = arith.constant 80 : i32
    %dma_wait3A_500 = arith.constant 0 : i32
    %dma_wait3A_501 = tpu.memref_slice %arg11[%dma_wait3A_499, %dma_wait3A_500] : memref<128x129xf32, #tpu.memory_space<vmem>> -> memref<8x128xf32, #tpu.memory_space<vmem>>
    %dma_wait3A_502 = arith.constant 0 : i32
    %dma_wait3A_503 = arith.constant 0 : i32
    %dma_wait3A_504 = tpu.memref_slice %arg5[%dma_wait3A_497, %dma_wait3A_498, %add3A, %dma_wait3A_502, %dma_wait3A_503] : memref<200x8x32x8x128xf32, #tpu.memory_space<hbm>> -> memref<1x1x1x8x128xf32, #tpu.memory_space<hbm>>
    %dma_wait3A_505 = tpu.memref_squeeze %dma_wait3A_504 : memref<1x1x1x8x128xf32, #tpu.memory_space<hbm>> -> memref<8x128xf32, #tpu.memory_space<hbm>>
    %dma_wait3A_506 = arith.constant 0 : i32
    %dma_wait3A_507 = arith.constant 0 : i32
    %dma_wait3A_508 = tpu.memref_slice %arg5[%dma_wait3A_497, %dma_wait3A_498, %add3A, %dma_wait3A_506, %dma_wait3A_507] : memref<200x8x32x8x128xf32, #tpu.memory_space<hbm>> -> memref<1x1x1x8x128xf32, #tpu.memory_space<hbm>>
    %dma_wait3A_509 = tpu.memref_squeeze %dma_wait3A_508 : memref<1x1x1x8x128xf32, #tpu.memory_space<hbm>> -> memref<8x128xf32, #tpu.memory_space<hbm>>
    %dma_wait3A_510 = arith.constant 80 : i32
    %dma_wait3A_511 = arith.constant 0 : i32
    %dma_wait3A_512 = tpu.memref_slice %arg11[%dma_wait3A_510, %dma_wait3A_511] : memref<128x129xf32, #tpu.memory_space<vmem>> -> memref<8x128xf32, #tpu.memory_space<vmem>>
    tpu.wait_dma2 semaphore(%arg17 : memref<!tpu.dma_semaphore, #tpu.memory_space<semaphore_mem>>) src(%dma_wait3A_512 : memref<8x128xf32, #tpu.memory_space<vmem>>) dst(%dma_wait3A_509 : memref<8x128xf32, #tpu.memory_space<hbm>>)
    %dma_wait3A_513 = arith.constant 1 : i32
    %dma_wait3A_514 = arith.constant 3 : i32
    %dma_wait3A_515 = arith.constant 88 : i32
    %dma_wait3A_516 = arith.constant 0 : i32
    %dma_wait3A_517 = tpu.memref_slice %arg11[%dma_wait3A_515, %dma_wait3A_516] : memref<128x129xf32, #tpu.memory_space<vmem>> -> memref<8x128xf32, #tpu.memory_space<vmem>>
    %dma_wait3A_518 = arith.constant 0 : i32
    %dma_wait3A_519 = arith.constant 0 : i32
    %dma_wait3A_520 = tpu.memref_slice %arg5[%dma_wait3A_513, %dma_wait3A_514, %add3A, %dma_wait3A_518, %dma_wait3A_519] : memref<200x8x32x8x128xf32, #tpu.memory_space<hbm>> -> memref<1x1x1x8x128xf32, #tpu.memory_space<hbm>>
    %dma_wait3A_521 = tpu.memref_squeeze %dma_wait3A_520 : memref<1x1x1x8x128xf32, #tpu.memory_space<hbm>> -> memref<8x128xf32, #tpu.memory_space<hbm>>
    %dma_wait3A_522 = arith.constant 0 : i32
    %dma_wait3A_523 = arith.constant 0 : i32
    %dma_wait3A_524 = tpu.memref_slice %arg5[%dma_wait3A_513, %dma_wait3A_514, %add3A, %dma_wait3A_522, %dma_wait3A_523] : memref<200x8x32x8x128xf32, #tpu.memory_space<hbm>> -> memref<1x1x1x8x128xf32, #tpu.memory_space<hbm>>
    %dma_wait3A_525 = tpu.memref_squeeze %dma_wait3A_524 : memref<1x1x1x8x128xf32, #tpu.memory_space<hbm>> -> memref<8x128xf32, #tpu.memory_space<hbm>>
    %dma_wait3A_526 = arith.constant 88 : i32
    %dma_wait3A_527 = arith.constant 0 : i32
    %dma_wait3A_528 = tpu.memref_slice %arg11[%dma_wait3A_526, %dma_wait3A_527] : memref<128x129xf32, #tpu.memory_space<vmem>> -> memref<8x128xf32, #tpu.memory_space<vmem>>
    tpu.wait_dma2 semaphore(%arg17 : memref<!tpu.dma_semaphore, #tpu.memory_space<semaphore_mem>>) src(%dma_wait3A_528 : memref<8x128xf32, #tpu.memory_space<vmem>>) dst(%dma_wait3A_525 : memref<8x128xf32, #tpu.memory_space<hbm>>)
    %dma_wait3A_529 = arith.constant 1 : i32
    %dma_wait3A_530 = arith.constant 4 : i32
    %dma_wait3A_531 = arith.constant 96 : i32
    %dma_wait3A_532 = arith.constant 0 : i32
    %dma_wait3A_533 = tpu.memref_slice %arg11[%dma_wait3A_531, %dma_wait3A_532] : memref<128x129xf32, #tpu.memory_space<vmem>> -> memref<8x128xf32, #tpu.memory_space<vmem>>
    %dma_wait3A_534 = arith.constant 0 : i32
    %dma_wait3A_535 = arith.constant 0 : i32
    %dma_wait3A_536 = tpu.memref_slice %arg5[%dma_wait3A_529, %dma_wait3A_530, %add3A, %dma_wait3A_534, %dma_wait3A_535] : memref<200x8x32x8x128xf32, #tpu.memory_space<hbm>> -> memref<1x1x1x8x128xf32, #tpu.memory_space<hbm>>
    %dma_wait3A_537 = tpu.memref_squeeze %dma_wait3A_536 : memref<1x1x1x8x128xf32, #tpu.memory_space<hbm>> -> memref<8x128xf32, #tpu.memory_space<hbm>>
    %dma_wait3A_538 = arith.constant 0 : i32
    %dma_wait3A_539 = arith.constant 0 : i32
    %dma_wait3A_540 = tpu.memref_slice %arg5[%dma_wait3A_529, %dma_wait3A_530, %add3A, %dma_wait3A_538, %dma_wait3A_539] : memref<200x8x32x8x128xf32, #tpu.memory_space<hbm>> -> memref<1x1x1x8x128xf32, #tpu.memory_space<hbm>>
    %dma_wait3A_541 = tpu.memref_squeeze %dma_wait3A_540 : memref<1x1x1x8x128xf32, #tpu.memory_space<hbm>> -> memref<8x128xf32, #tpu.memory_space<hbm>>
    %dma_wait3A_542 = arith.constant 96 : i32
    %dma_wait3A_543 = arith.constant 0 : i32
    %dma_wait3A_544 = tpu.memref_slice %arg11[%dma_wait3A_542, %dma_wait3A_543] : memref<128x129xf32, #tpu.memory_space<vmem>> -> memref<8x128xf32, #tpu.memory_space<vmem>>
    tpu.wait_dma2 semaphore(%arg17 : memref<!tpu.dma_semaphore, #tpu.memory_space<semaphore_mem>>) src(%dma_wait3A_544 : memref<8x128xf32, #tpu.memory_space<vmem>>) dst(%dma_wait3A_541 : memref<8x128xf32, #tpu.memory_space<hbm>>)
    %dma_wait3A_545 = arith.constant 1 : i32
    %dma_wait3A_546 = arith.constant 5 : i32
    %dma_wait3A_547 = arith.constant 104 : i32
    %dma_wait3A_548 = arith.constant 0 : i32
    %dma_wait3A_549 = tpu.memref_slice %arg11[%dma_wait3A_547, %dma_wait3A_548] : memref<128x129xf32, #tpu.memory_space<vmem>> -> memref<8x128xf32, #tpu.memory_space<vmem>>
    %dma_wait3A_550 = arith.constant 0 : i32
    %dma_wait3A_551 = arith.constant 0 : i32
    %dma_wait3A_552 = tpu.memref_slice %arg5[%dma_wait3A_545, %dma_wait3A_546, %add3A, %dma_wait3A_550, %dma_wait3A_551] : memref<200x8x32x8x128xf32, #tpu.memory_space<hbm>> -> memref<1x1x1x8x128xf32, #tpu.memory_space<hbm>>
    %dma_wait3A_553 = tpu.memref_squeeze %dma_wait3A_552 : memref<1x1x1x8x128xf32, #tpu.memory_space<hbm>> -> memref<8x128xf32, #tpu.memory_space<hbm>>
    %dma_wait3A_554 = arith.constant 0 : i32
    %dma_wait3A_555 = arith.constant 0 : i32
    %dma_wait3A_556 = tpu.memref_slice %arg5[%dma_wait3A_545, %dma_wait3A_546, %add3A, %dma_wait3A_554, %dma_wait3A_555] : memref<200x8x32x8x128xf32, #tpu.memory_space<hbm>> -> memref<1x1x1x8x128xf32, #tpu.memory_space<hbm>>
    %dma_wait3A_557 = tpu.memref_squeeze %dma_wait3A_556 : memref<1x1x1x8x128xf32, #tpu.memory_space<hbm>> -> memref<8x128xf32, #tpu.memory_space<hbm>>
    %dma_wait3A_558 = arith.constant 104 : i32
    %dma_wait3A_559 = arith.constant 0 : i32
    %dma_wait3A_560 = tpu.memref_slice %arg11[%dma_wait3A_558, %dma_wait3A_559] : memref<128x129xf32, #tpu.memory_space<vmem>> -> memref<8x128xf32, #tpu.memory_space<vmem>>
    tpu.wait_dma2 semaphore(%arg17 : memref<!tpu.dma_semaphore, #tpu.memory_space<semaphore_mem>>) src(%dma_wait3A_560 : memref<8x128xf32, #tpu.memory_space<vmem>>) dst(%dma_wait3A_557 : memref<8x128xf32, #tpu.memory_space<hbm>>)
    %dma_wait3A_561 = arith.constant 1 : i32
    %dma_wait3A_562 = arith.constant 6 : i32
    %dma_wait3A_563 = arith.constant 112 : i32
    %dma_wait3A_564 = arith.constant 0 : i32
    %dma_wait3A_565 = tpu.memref_slice %arg11[%dma_wait3A_563, %dma_wait3A_564] : memref<128x129xf32, #tpu.memory_space<vmem>> -> memref<8x128xf32, #tpu.memory_space<vmem>>
    %dma_wait3A_566 = arith.constant 0 : i32
    %dma_wait3A_567 = arith.constant 0 : i32
    %dma_wait3A_568 = tpu.memref_slice %arg5[%dma_wait3A_561, %dma_wait3A_562, %add3A, %dma_wait3A_566, %dma_wait3A_567] : memref<200x8x32x8x128xf32, #tpu.memory_space<hbm>> -> memref<1x1x1x8x128xf32, #tpu.memory_space<hbm>>
    %dma_wait3A_569 = tpu.memref_squeeze %dma_wait3A_568 : memref<1x1x1x8x128xf32, #tpu.memory_space<hbm>> -> memref<8x128xf32, #tpu.memory_space<hbm>>
    %dma_wait3A_570 = arith.constant 0 : i32
    %dma_wait3A_571 = arith.constant 0 : i32
    %dma_wait3A_572 = tpu.memref_slice %arg5[%dma_wait3A_561, %dma_wait3A_562, %add3A, %dma_wait3A_570, %dma_wait3A_571] : memref<200x8x32x8x128xf32, #tpu.memory_space<hbm>> -> memref<1x1x1x8x128xf32, #tpu.memory_space<hbm>>
    %dma_wait3A_573 = tpu.memref_squeeze %dma_wait3A_572 : memref<1x1x1x8x128xf32, #tpu.memory_space<hbm>> -> memref<8x128xf32, #tpu.memory_space<hbm>>
    %dma_wait3A_574 = arith.constant 112 : i32
    %dma_wait3A_575 = arith.constant 0 : i32
    %dma_wait3A_576 = tpu.memref_slice %arg11[%dma_wait3A_574, %dma_wait3A_575] : memref<128x129xf32, #tpu.memory_space<vmem>> -> memref<8x128xf32, #tpu.memory_space<vmem>>
    tpu.wait_dma2 semaphore(%arg17 : memref<!tpu.dma_semaphore, #tpu.memory_space<semaphore_mem>>) src(%dma_wait3A_576 : memref<8x128xf32, #tpu.memory_space<vmem>>) dst(%dma_wait3A_573 : memref<8x128xf32, #tpu.memory_space<hbm>>)
    %dma_wait3A_577 = arith.constant 1 : i32
    %dma_wait3A_578 = arith.constant 7 : i32
    %dma_wait3A_579 = arith.constant 120 : i32
    %dma_wait3A_580 = arith.constant 0 : i32
    %dma_wait3A_581 = tpu.memref_slice %arg11[%dma_wait3A_579, %dma_wait3A_580] : memref<128x129xf32, #tpu.memory_space<vmem>> -> memref<8x128xf32, #tpu.memory_space<vmem>>
    %dma_wait3A_582 = arith.constant 0 : i32
    %dma_wait3A_583 = arith.constant 0 : i32
    %dma_wait3A_584 = tpu.memref_slice %arg5[%dma_wait3A_577, %dma_wait3A_578, %add3A, %dma_wait3A_582, %dma_wait3A_583] : memref<200x8x32x8x128xf32, #tpu.memory_space<hbm>> -> memref<1x1x1x8x128xf32, #tpu.memory_space<hbm>>
    %dma_wait3A_585 = tpu.memref_squeeze %dma_wait3A_584 : memref<1x1x1x8x128xf32, #tpu.memory_space<hbm>> -> memref<8x128xf32, #tpu.memory_space<hbm>>
    %dma_wait3A_586 = arith.constant 0 : i32
    %dma_wait3A_587 = arith.constant 0 : i32
    %dma_wait3A_588 = tpu.memref_slice %arg5[%dma_wait3A_577, %dma_wait3A_578, %add3A, %dma_wait3A_586, %dma_wait3A_587] : memref<200x8x32x8x128xf32, #tpu.memory_space<hbm>> -> memref<1x1x1x8x128xf32, #tpu.memory_space<hbm>>
    %dma_wait3A_589 = tpu.memref_squeeze %dma_wait3A_588 : memref<1x1x1x8x128xf32, #tpu.memory_space<hbm>> -> memref<8x128xf32, #tpu.memory_space<hbm>>
    %dma_wait3A_590 = arith.constant 120 : i32
    %dma_wait3A_591 = arith.constant 0 : i32
    %dma_wait3A_592 = tpu.memref_slice %arg11[%dma_wait3A_590, %dma_wait3A_591] : memref<128x129xf32, #tpu.memory_space<vmem>> -> memref<8x128xf32, #tpu.memory_space<vmem>>
    tpu.wait_dma2 semaphore(%arg17 : memref<!tpu.dma_semaphore, #tpu.memory_space<semaphore_mem>>) src(%dma_wait3A_592 : memref<8x128xf32, #tpu.memory_space<vmem>>) dst(%dma_wait3A_589 : memref<8x128xf32, #tpu.memory_space<hbm>>)
    return
  }
}

module attributes {stable_mosaic.version = 14 : i64} {
  func.func @_bias_body(%arg0: memref<200x64xf32, #tpu.memory_space<vmem>>, %arg1: memref<4x64xf32, #tpu.memory_space<vmem>>, %arg2: memref<16x64xf32, #tpu.memory_space<vmem>>, %arg3: memref<200x64xf32, #tpu.memory_space<vmem>>) attributes {dimension_semantics = [], scalar_prefetch = 0 : i64, scratch_operands = 0 : i64, tpu.core_type = #tpu.core_type<tc>} {
    %get3A = arith.constant 0 : index
    %get3A_0 = arith.constant 0 : index
    %get3A_1 = vector.load %arg1[%get3A, %get3A_0] : memref<4x64xf32, #tpu.memory_space<vmem>>, vector<4x64xf32>
    %tile3A = tpu.concatenate %get3A_1, %get3A_1, %get3A_1, %get3A_1, %get3A_1, %get3A_1, %get3A_1, %get3A_1, %get3A_1, %get3A_1, %get3A_1, %get3A_1, %get3A_1, %get3A_1, %get3A_1, %get3A_1, %get3A_1, %get3A_1, %get3A_1, %get3A_1, %get3A_1, %get3A_1, %get3A_1, %get3A_1, %get3A_1, %get3A_1, %get3A_1, %get3A_1, %get3A_1, %get3A_1, %get3A_1, %get3A_1, %get3A_1, %get3A_1, %get3A_1, %get3A_1, %get3A_1, %get3A_1, %get3A_1, %get3A_1, %get3A_1, %get3A_1, %get3A_1, %get3A_1, %get3A_1, %get3A_1, %get3A_1, %get3A_1, %get3A_1, %get3A_1 in 0 : vector<4x64xf32>, vector<4x64xf32>, vector<4x64xf32>, vector<4x64xf32>, vector<4x64xf32>, vector<4x64xf32>, vector<4x64xf32>, vector<4x64xf32>, vector<4x64xf32>, vector<4x64xf32>, vector<4x64xf32>, vector<4x64xf32>, vector<4x64xf32>, vector<4x64xf32>, vector<4x64xf32>, vector<4x64xf32>, vector<4x64xf32>, vector<4x64xf32>, vector<4x64xf32>, vector<4x64xf32>, vector<4x64xf32>, vector<4x64xf32>, vector<4x64xf32>, vector<4x64xf32>, vector<4x64xf32>, vector<4x64xf32>, vector<4x64xf32>, vector<4x64xf32>, vector<4x64xf32>, vector<4x64xf32>, vector<4x64xf32>, vector<4x64xf32>, vector<4x64xf32>, vector<4x64xf32>, vector<4x64xf32>, vector<4x64xf32>, vector<4x64xf32>, vector<4x64xf32>, vector<4x64xf32>, vector<4x64xf32>, vector<4x64xf32>, vector<4x64xf32>, vector<4x64xf32>, vector<4x64xf32>, vector<4x64xf32>, vector<4x64xf32>, vector<4x64xf32>, vector<4x64xf32>, vector<4x64xf32>, vector<4x64xf32> -> vector<200x64xf32>
    %get3A_2 = arith.constant 0 : index
    %get3A_3 = arith.constant 0 : index
    %get3A_4 = vector.load %arg2[%get3A_2, %get3A_3] : memref<16x64xf32, #tpu.memory_space<vmem>>, vector<16x64xf32>
    %tile3A_5 = tpu.concatenate %get3A_4, %get3A_4, %get3A_4, %get3A_4, %get3A_4, %get3A_4, %get3A_4, %get3A_4, %get3A_4, %get3A_4, %get3A_4, %get3A_4, %get3A_4 in 0 : vector<16x64xf32>, vector<16x64xf32>, vector<16x64xf32>, vector<16x64xf32>, vector<16x64xf32>, vector<16x64xf32>, vector<16x64xf32>, vector<16x64xf32>, vector<16x64xf32>, vector<16x64xf32>, vector<16x64xf32>, vector<16x64xf32>, vector<16x64xf32> -> vector<208x64xf32>
    %slice3A = vector.extract_strided_slice %tile3A_5 {offsets = [0, 0], sizes = [200, 64], strides = [1, 1]} : vector<208x64xf32> to vector<200x64xf32>
    %get3A_6 = arith.constant 0 : index
    %get3A_7 = arith.constant 0 : index
    %get3A_8 = vector.load %arg0[%get3A_6, %get3A_7] : memref<200x64xf32, #tpu.memory_space<vmem>>, vector<200x64xf32>
    %add3A = arith.addf %get3A_8, %tile3A : vector<200x64xf32>
    %add3A_9 = arith.addf %add3A, %slice3A : vector<200x64xf32>
    %swap3A = arith.constant 0 : index
    %swap3A_10 = arith.constant 0 : index
    %swap3A_11 = vector.load %arg3[%swap3A, %swap3A_10] : memref<200x64xf32, #tpu.memory_space<vmem>>, vector<200x64xf32>
    tpu.vector_store %arg3[%swap3A, %swap3A_10], %add3A_9 {strides = array<i32>} : memref<200x64xf32, #tpu.memory_space<vmem>>, vector<200x64xf32>,
    return
  }
}

</mosaic_0001>

<sc_bundles>
// kernel: rhythm_embed_sc.3.cloned.1.call-start
scs
__scs_entry_jumppad:
0x0: {  	(pc) =	sbr.rel $0x88, $3  }
0x1: {  	(tag) =	ssettag $0x0;
	lr =	simm.s32 $0x1  }
0x2: {  	[smem:$0x3F9D] =	sst lr;
	_ =	strace $0xD0000000  }
0x3: {  	_ = 	snop  }
0x4: {  	_ = 	snop  }
0x5: {  	_ = 	snop  }
0x6: {  	_ = 	snop  }
0x7: {  	_ = 	snop  }
__scs_overlays_trampoline_lowered:
0x8: {  	[smem:$0x3FAC] =	sst s0  }
0x9: {  	[smem:$0x3FAD] =	sst s1  }
0xa: {  	[smem:$0x3FAE] =	sst s2  }
0xb: {  	[smem:$0x3FAF] =	sst s3  }
0xc: {  	[smem:$0x3FB0] =	sst s4  }
0xd: {  	[smem:$0x3FB1] =	sst s5  }
0xe: {  	[smem:$0x3FB2] =	sst s6  }
0xf: {  	[smem:$0x3FB3] =	sst s7  }
0x10: {  	[smem:$0x3FB4] =	sst s8  }
0x11: {  	[smem:$0x3FB5] =	sst s9;
	s0 =	simm.s32 @!p0 $0x0  }
0x12: {  	s1 =	sld [smem:$0x3F9B];
	s0 =	simm.s32 @p0 $0x1  }
0x13: {  	[smem:$0x3FB6] =	sst s0;
	s0 =	simm.s32 @!p1 $0x0  }
0x14: {  	s2 =	sld [smem:$0x3F9A];
	s0 =	simm.s32 @p1 $0x1  }
0x15: {  	[smem:$0x3FB7] =	sst s0;
	s0 =	simm.s32 @!p2 $0x0  }
0x16: {  	s3 =	sld [smem:$0x3FDB];
	s0 =	simm.s32 @p2 $0x1  }
0x17: {  	s4 =	simm.s32 $0x1BF5;
	[smem:$0x3FB9] =	sst s0  }
0x18: {  	s0 =	sld [smem:$0x3F9C];
	_ =	swait.ge [sflag:s4], $0x0  }
0x19: {  	s7 =	sld [smem:$0x3F9D]  }
0x1a: {  	s8 =	sadd.s32 $0xFFFFE003, lr  }
0x1b: {  	s9 =	sadd.s32 $0xFFFFFEF7, lr;
	s5 =	simm.s32 $0xFFFFFFFF;
	p2 =	slt.u32 s8, $0xFFFFF086  }
0x1c: {  	p1 =	slt.u32 s9, $0xF7A;
	s5 =	simm.s32 @!p2 $0x0  }
0x1d: {  	s5 =	simm.s32 @p1 $0x1;
	p0 =	seq.s32 s7, s2  }
0x1e: {  	s7 =	smul.u32 @!p0 $0xF7A, s2;
	p2 =	seq.s32 @!p0 s5, $0x0  }
0x1f: {  	s9 =	smul.u32 $0xF7A, s1;
	s8 =	simm.s32 @!p0 $0x1BF5;
	p2 =	por !p2, p0  }
0x20: {  	[sflag:s8] =	ssyncset.s32 @!p0 $0xFFFFF086;
	s6 =	sadd.s32 @!p0 s3, s7;
	s7 =	simm.s32 @!p0 $0x108  }
0x21: {  	s3 =	sadd.s32 s3, s9;
	s6 =	sadd.s32 @!p0 $0x88, s6;
	s7 =	simm.s32 @p2 $0x1082  }
0x22: {  	[simem:s7], [sflag:s8] =	dma.local @!p0 [hbm:s6], $0xF7A  }
0x23: {  	s9 =	sor.u32 $0xD0000000, s2;
	s6 =	simm.s32 $0x108;
	_ =	swait.ge @!p0 [sflag:s8], $0x0  }
0x24: {  	s3 =	sadd.s32 $0x88, s3;
	s6 =	simm.s32 @!p1 $0x1082;
	[sflag:s4] =	ssyncset.s32 $0xFFFFF086  }
0x25: {  	[simem:s6], [sflag:s4] =	dma.local [hbm:s3], $0xF7A  }
0x26: {  	[smem:$0x3F9D] =	sst s1;
	(tag) =	ssettag s2;
	_ =	strace s9  }
0x27: {  	s1 =	sld [smem:$0x3FAD]  }
0x28: {  	s2 =	sld [smem:$0x3FAE]  }
0x29: {  	s4 =	sld [smem:$0x3FB0]  }
0x2a: {  	p0 =	seq.s32 s5, $0x0;
	s5 =	sld [smem:$0x3FB1]  }
0x2b: {  	s6 =	sld [smem:$0x3FB2]  }
0x2c: {  	s7 =	sld [smem:$0x3FB3]  }
0x2d: {  	s3 =	simm.s32 $0x108;
	s8 =	sld [smem:$0x3FB4]  }
0x2e: {  	s3 =	simm.s32 @!p0 $0x1082;
	s9 =	sld [smem:$0x3FB5]  }
0x2f: {  	lr =	sadd.s32 s0, s3;
	s0 =	sld [smem:$0x3FAC]  }
0x30: {  	s3 =	sld [smem:$0x3FAF]  }
0x31: {  	[smem:$0x3FB8] =	sst s10  }
0x32: {  	s10 =	sld [smem:$0x3FB6];
	_ =	sdelay $0x3  }
0x33: {  	p0 =	seq.s32 s10, $0x1;
	s10 =	sld [smem:$0x3FB8];
	_ =	sdelay $0x3  }
0x34: {  	[smem:$0x3FB8] =	sst s10  }
0x35: {  	s10 =	sld [smem:$0x3FB7];
	_ =	sdelay $0x3  }
0x36: {  	p1 =	seq.s32 s10, $0x1;
	s10 =	sld [smem:$0x3FB8];
	_ =	sdelay $0x3  }
0x37: {  	[smem:$0x3FB8] =	sst s10  }
0x38: {  	s10 =	sld [smem:$0x3FB9]  }
0x39: {  	_ = 	snop;
	(pc) =	sbr.ind lr, $3  }
0x3a: {  	_ = 	snop  }
0x3b: {  	_ = 	snop  }
0x3c: {  	p2 =	seq.s32 s10, $0x1;
	s10 =	sld [smem:$0x3FB8]  }
0x3d: {  	_ =	shalt  }
0x3e: {  	_ =	shalt  }
0x3f: {  	_ =	shalt  }
0x40: {  	_ =	shalt  }
0x41: {  	_ =	shalt  }
0x42: {  	_ =	shalt  }
0x43: {  	_ =	shalt  }
0x44: {  	_ =	shalt  }
0x45: {  	_ =	shalt  }
0x46: {  	_ =	shalt  }
0x47: {  	_ =	shalt  }
0x48: {  	_ =	shalt  }
0x49: {  	_ =	shalt  }
0x4a: {  	_ =	shalt  }
0x4b: {  	_ =	shalt  }
0x4c: {  	_ =	shalt  }
0x4d: {  	_ =	shalt  }
0x4e: {  	_ =	shalt  }
0x4f: {  	_ =	shalt  }
0x50: {  	_ =	shalt  }
0x51: {  	_ =	shalt  }
0x52: {  	_ =	shalt  }
0x53: {  	_ =	shalt  }
0x54: {  	_ =	shalt  }
0x55: {  	_ =	shalt  }
0x56: {  	_ =	shalt  }
0x57: {  	_ =	shalt  }
0x58: {  	_ =	shalt  }
0x59: {  	_ =	shalt  }
0x5a: {  	_ =	shalt  }
0x5b: {  	_ =	shalt  }
0x5c: {  	_ =	shalt  }
0x5d: {  	_ =	shalt  }
0x5e: {  	_ =	shalt  }
0x5f: {  	_ =	shalt  }
0x60: {  	_ =	shalt  }
0x61: {  	_ =	shalt  }
0x62: {  	_ =	shalt  }
0x63: {  	_ =	shalt  }
0x64: {  	_ =	shalt  }
0x65: {  	_ =	shalt  }
0x66: {  	_ =	shalt  }
0x67: {  	_ =	shalt  }
0x68: {  	_ =	shalt  }
0x69: {  	_ =	shalt  }
0x6a: {  	_ =	shalt  }
0x6b: {  	_ =	shalt  }
0x6c: {  	_ =	shalt  }
0x6d: {  	_ =	shalt  }
0x6e: {  	_ =	shalt  }
0x6f: {  	_ =	shalt  }
0x70: {  	_ =	shalt  }
0x71: {  	_ =	shalt  }
0x72: {  	_ =	shalt  }
0x73: {  	_ =	shalt  }
0x74: {  	_ =	shalt  }
0x75: {  	_ =	shalt  }
0x76: {  	_ =	shalt  }
0x77: {  	_ =	shalt  }
0x78: {  	_ =	shalt  }
0x79: {  	_ =	shalt  }
0x7a: {  	_ =	shalt  }
0x7b: {  	_ =	shalt  }
0x7c: {  	_ =	shalt  }
0x7d: {  	_ =	shalt  }
0x7e: {  	_ =	shalt  }
0x7f: {  	_ =	shalt  }
0x80: {  	_ =	shalt  }
0x81: {  	_ =	shalt  }
0x82: {  	_ =	shalt  }
0x83: {  	_ =	shalt  }
0x84: {  	_ =	shalt  }
0x85: {  	_ =	shalt  }
0x86: {  	_ =	shalt  }
0x87: {  	_ =	shalt  }
.Lfunc_end0:
.L_simem_size_0:
called_computation_lowered:
.L_overlay_start_0:
0x88: {  	s2 =	sld [smem:$0x3FD9]  }
0x89: {  	s3 =	sld [smem:$0x3FFE];
	_ =	sdelay $0x1  }
0x8a: {  	s1 =	srdreg.scid  }
0x8b: {  	s0 =	sand.u32 $0x1, s1  }
0x8c: {  	s17 =	sshll.u32 s0, $0xA;
	s2 =	sadd.s32 s3, s2  }
0x8d: {  	s2 =	sadd.s32 s2, s17  }
0x8e: {  	[smem:$0x3FC4] =	sst s2  }
0x8f: {  	_ = 	snop  }
0x90: {  	s2 =	sld [smem:$0x3FC9]  }
0x91: {  	s18 =	sld [smem:$0x3FD0];
	(tm) =	ssettm $0x1  }
0x92: {  	s4 =	sld [smem:$0x3FFB];
	_ =	sdelay $0x3  }
0x93: {  	_ =	strace s4  }
0x94: {  	s4 =	sld [smem:$0x3FFC];
	_ =	sdelay $0x3  }
0x95: {  	_ =	strace s4  }
0x96: {  	s4 =	sld [smem:$0x3FFD];
	_ =	sdelay $0x3  }
0x97: {  	_ =	strace s4  }
0x98: {  	_ =	strace $0x8FFFFFFF  }
0x99: {  	s19 =	sld [smem:$0x3FDB];
	_ =	sdelay $0x1  }
0x9a: {  	s5 =	simm.s32 $_scs_section_size  }
0x9b: {  	s6 =	simm.s32 $_size__tile_overlayer_lowered;
	s7 =	simm.s32 $_tile_overlayer_lowered  }
0x9c: {  	s22 =	simm.s32 $0x1BFF;
	s21 =	sshll.u32 s7, $0x1;
	s4 =	sadd.s32 s5, s19  }
0x9d: {  	s8 =	simm.s32 $0x0;
	s20 =	sshll.u32 s6, $0x1;
	s6 =	sadd.s32 s21, s4  }
0x9e: {  	[timem:s8], [sflag:s22] =	dma.local [hbm:s6], s20  }
0x9f: {  	_ =	swait.ge [sflag:s22], s20  }
0xa0: {  	s5 =	ssub.s32 $0x0, s20;
	[sflag:s22] =	ssyncset.done $0x0  }
0xa1: {  	[sflag:s22] =	ssyncadd.s32 s5;
	_ =	sdelay $0x1  }
0xa2: {  	s23 =	simm.s32 $0x1B8B  }
0xa3: {  	_ =	swait.ge [sflag:s23], $0x1  }
0xa4: {  	[sflag:s23] =	ssyncset.done $0x0  }
0xa5: {  	s25 =	simm.s32 $0x1B8E;
	s24 =	sld [smem:$0x3FFE];
	[sflag:s23] =	ssyncadd.s32 $0xFFFFFFFF  }
0xa6: {  	s26 =	simm.s32 $execute0_lowered;
	[smem:$0x3FD2] =	sst s25  }
0xa7: {  	s6 =	sshll.u32 s26, $0x1;
	_ =	strace $0x80000046;
	[dreg:$0x1] =	wrdreg $0xFFFFFFFF  }
0xa8: {  	s28 =	simm.s32 $_size_execute0_lowered;
	s4 =	sadd.s32 s4, s6;
	[dreg:$0x0] =	wrdreg $0x0  }
0xa9: {  	s6 =	sshll.u32 s28, $0x1;
	[dreg:$0x2] =	wrdreg s4  }
0xaa: {  	[dreg:$0x3] =	wrdreg s6  }
0xab: {  	[dreg:$0x4] =	wrdreg $0xC0  }
0xac: {  	_ =	task [dreg:s8], $0x5FFFF  }
0xad: {  	[dreg:$0x1] =	wrdreg $0xFFFFFFFF  }
0xae: {  	[dreg:$0x0] =	wrdreg $0x60  }
0xaf: {  	[dreg:$0x2] =	wrdreg s2  }
0xb0: {  	[dreg:$0x3] =	wrdreg s24  }
0xb1: {  	[dreg:$0x4] =	wrdreg s18  }
0xb2: {  	[dreg:$0x5] =	wrdreg $0x9  }
0xb3: {  	_ =	task.clear_ibuf [dreg:s8], $0x6FFFF;
	_ =	strace $0x90000046  }
0xb4: {  	s29 =	simm.s32 $0x9;
	_ =	strace $0x80000048  }
0xb5: {  	_ =	swait.ge [sflag:s29], $0x1  }
0xb6: {  	[sflag:s29] =	ssyncadd.s32 $0xFFFFFFFF  }
0xb7: {  	_ =	strace $0x90000048  }
0xb8: {  	_ =	sfence  }
0xb9: {  	s30 =	sld [smem:$0x0];
	_ =	sdelay $0x2  }
0xba: {  	s31 =	sshll.u32 s1, $0xD;
	s1 =	sshrl.u32 s1, $0x2  }
0xbb: {  	s3 =	sand.u32 $0x4000, s31;
	s1 =	sadd.s32 s1, s30  }
0xbc: {  	s0 =	sor.u32 s3, s0;
	s1 =	sshll.u32 s1, $0x11  }
0xbd: {  	s0 =	sor.u32 s1, s0  }
0xbe: {  	s0 =	sadd.s32 $0x8F2B, s0  }
0xbf: {  	[sflag:s0] =	ssyncadd.remote.s32 $0x1  }
0xc0: {  	_ =	sfence.sel $0xFFFF  }
0xc1: {  	[dreg:$0x0] =	wrdreg $0xFFFFFFFF;
	(pc) =	sbr.abs _section_cstart, $3  }
0xc2: {  	[dreg:$0x1] =	wrdreg $0xFFFFFFFF  }
0xc3: {  	_ =	task.clear_ibuf [dreg:s8], $0x2FFFF;
	_ =	strace $0x9FFFFFFF  }
0xc4: {  	(tm) =	ssettm $0x7FFFFFFF  }
0xc5: {  	_ =	shalt  }
tec
execute0_lowered:
.L_overlay_start_1:
0x0: {  	(tag) =	ssettag $0x1  }
0x1: {  	s0 =	rddreg [dreg:$0x0]  }
0x2: {  	s1 =	rddreg [dreg:$0x1]  }
0x3: {  	s2 =	rddreg [dreg:$0x2]  }
0x4: {  	s4 =	srdreg.scid;
	s5 =	stileid.u32  }
0x5: {  	s3 =	simm.s32 $0x0;
	s18 =	simm.s32 $0x80;
	s25 =	simm.s32 $0x1  }
0x6: {  	s15 =	simm.s32 $0x3;
	s16 =	simm.s32 $0x6;
	s20 =	simm.s32 $0x15A00  }
0x7: {  	s23 =	simm.s32 $0x4;
	s24 =	simm.s32 $0x19C68;
	s28 =	simm.s32 $0x19CF0  }
0x8: {  	s29 =	simm.s32 $0x19D78;
	s30 =	simm.s32 $0x5;
	s4 =	sand.u32 $0x1, s4  }
0x9: {  	s5 =	sshll.u32 s5, $0x1;
	[smem:$0x7FF] =	sst s3;
	s9 =	sadd.s32 $0x2000, s2  }
0xa: {  	v0 =	vlaneseq.u32;
	s10 =	sadd.s32 $0x3000, s2;
	s11 =	sadd.s32 $0x4000, s2;
	s12 =	sadd.s32 $0x5000, s2  }
0xb: {  	s13 =	sadd.s32 $0x6000, s2;
	s14 =	sadd.s32 $0x7000, s2;
	v0 =	vmul.u32 $0x88, v0;
	s5 =	sor.u32 s4, s5  }
0xc: {  	s6 =	ssub.s32 $0x2, s4;
	_ =	strace $0x80000047;
	s8 =	smul.u32 $0xC80, s5  }
.Ltmp0:
0xd: {  	s4 =	sadd.s32 $0x1200, s1;
	s1 =	sadd.s32 $0xA00, s1;
	v1 =	vadd.s32 $0x880, v0;
	v2 =	vadd.s32 $0x1100, v0;
	v3 =	vadd.s32 $0x1980, v0;
	(pc) =	sbr.rel .LBB2_1-.Ltmp0, $4  }
0xe: {  	s7 =	sshrl.u32 s6, $0x1;
	[dreg:$0x4] =	wrdreg s1;
	v4 =	vor.u32 $0x2, v0;
	v5 =	vadd.s32 $0x882, v0;
	v6 =	vadd.s32 $0x1102, v0;
	s1 =	simm.s32 $0x0  }
0xf: {  	v7 =	vadd.s32 $0x1982, v0;
	v8 =	vadd.s32 $0x2200, v0;
	v9 =	vadd.s32 $0x2A80, v0;
	s26 =	ssub.s32 s6, s7;
	s7 =	sshll.u32 s5, $0xA;
	s0 =	sadd.s32 s0, s8  }
0x10: {  	v10 =	vadd.s32 $0x3300, v0;
	v11 =	vadd.s32 $0x3B80, v0;
	v12 =	vadd.s32 $0x2202, v0;
	s6 =	simm.s32 $0x2;
	s31 =	smax.u32 s26, $0x1;
	[dreg:$0x5] =	wrdreg s0  }
0x11: {  	v13 =	vadd.s32 $0x2A82, v0;
	v14 =	vadd.s32 $0x3302, v0;
	v15 =	vadd.s32 $0x3B82, v0;
	s8 =	sadd.s32 $0x1000, s2;
	s26 =	simm.s32 $0x11600;
	[dreg:$0x6] =	wrdreg s31  }
.LBB2_16:
0x12: {  	_ =	swait.ge [sflag:s30], $0x400  }
0x13: {  	[sflag:s30] =	ssyncset.done $0x0  }
0x14: {  	[sflag:s30] =	ssyncadd.s32 $0xFFFFFC00  }
0x15: {  	_ =	swait.ge [sflag:s30], $0x400  }
0x16: {  	[sflag:s30] =	ssyncset.done $0x0  }
0x17: {  	[sflag:s30] =	ssyncadd.s32 $0xFFFFFC00  }
0x18: {  	_ =	swait.ge [sflag:s30], $0x400  }
0x19: {  	[sflag:s30] =	ssyncset.done $0x0  }
0x1a: {  	[sflag:s30] =	ssyncadd.s32 $0xFFFFFC00  }
0x1b: {  	_ =	swait.ge [sflag:s30], $0x400  }
0x1c: {  	[sflag:s30] =	ssyncset.done $0x0  }
0x1d: {  	[sflag:s30] =	ssyncadd.s32 $0xFFFFFC00  }
0x1e: {  	_ =	swait.ge [sflag:s30], $0x400  }
0x1f: {  	[sflag:s30] =	ssyncset.done $0x0  }
0x20: {  	[sflag:s30] =	ssyncadd.s32 $0xFFFFFC00  }
0x21: {  	_ =	swait.ge [sflag:s30], $0x400  }
0x22: {  	[sflag:s30] =	ssyncset.done $0x0  }
0x23: {  	[sflag:s30] =	ssyncadd.s32 $0xFFFFFC00  }
0x24: {  	_ =	swait.ge [sflag:s30], $0x400  }
0x25: {  	[sflag:s30] =	ssyncset.done $0x0  }
0x26: {  	[sflag:s30] =	ssyncadd.s32 $0xFFFFFC00  }
0x27: {  	_ =	swait.ge [sflag:s30], $0x400  }
0x28: {  	[sflag:s30] =	ssyncset.done $0x0  }
0x29: {  	[sflag:s30] =	ssyncadd.s32 $0xFFFFFC00  }
0x2a: {  	_ =	swait.ge [sflag:s30], $0x400  }
0x2b: {  	[sflag:s30] =	ssyncset.done $0x0  }
0x2c: {  	[sflag:s30] =	ssyncadd.s32 $0xFFFFFC00  }
0x2d: {  	_ =	swait.ge [sflag:s30], $0x400  }
0x2e: {  	[sflag:s30] =	ssyncset.done $0x0  }
0x2f: {  	[sflag:s30] =	ssyncadd.s32 $0xFFFFFC00  }
0x30: {  	_ =	swait.ge [sflag:s30], $0x400  }
0x31: {  	[sflag:s30] =	ssyncset.done $0x0  }
0x32: {  	[sflag:s30] =	ssyncadd.s32 $0xFFFFFC00  }
0x33: {  	_ =	swait.ge [sflag:s30], $0x400  }
0x34: {  	[sflag:s30] =	ssyncset.done $0x0  }
0x35: {  	[sflag:s30] =	ssyncadd.s32 $0xFFFFFC00  }
0x36: {  	_ =	swait.ge [sflag:s30], $0x400  }
0x37: {  	[sflag:s30] =	ssyncset.done $0x0  }
0x38: {  	[sflag:s30] =	ssyncadd.s32 $0xFFFFFC00  }
0x39: {  	_ =	swait.ge [sflag:s30], $0x400  }
0x3a: {  	[sflag:s30] =	ssyncset.done $0x0  }
0x3b: {  	[sflag:s30] =	ssyncadd.s32 $0xFFFFFC00  }
0x3c: {  	_ =	swait.ge [sflag:s30], $0x400  }
0x3d: {  	[sflag:s30] =	ssyncset.done $0x0  }
0x3e: {  	[sflag:s30] =	ssyncadd.s32 $0xFFFFFC00  }
0x3f: {  	_ =	swait.ge [sflag:s30], $0x400  }
0x40: {  	[sflag:s30] =	ssyncset.done $0x0  }
0x41: {  	[sflag:s30] =	ssyncadd.s32 $0xFFFFFC00  }
0x42: {  	_ =	swait.ge [sflag:s16], $0x400  }
0x43: {  	[sflag:s16] =	ssyncset.done $0x0  }
0x44: {  	[sflag:s16] =	ssyncadd.s32 $0xFFFFFC00  }
0x45: {  	_ =	swait.ge [sflag:s16], $0x400  }
0x46: {  	[sflag:s16] =	ssyncset.done $0x0  }
0x47: {  	[sflag:s16] =	ssyncadd.s32 $0xFFFFFC00  }
0x48: {  	_ =	swait.ge [sflag:s16], $0x400  }
0x49: {  	[sflag:s16] =	ssyncset.done $0x0  }
0x4a: {  	[sflag:s16] =	ssyncadd.s32 $0xFFFFFC00  }
0x4b: {  	_ =	swait.ge [sflag:s16], $0x400  }
0x4c: {  	[sflag:s16] =	ssyncset.done $0x0  }
0x4d: {  	[sflag:s16] =	ssyncadd.s32 $0xFFFFFC00  }
0x4e: {  	_ =	swait.ge [sflag:s16], $0x400  }
0x4f: {  	[sflag:s16] =	ssyncset.done $0x0  }
0x50: {  	[sflag:s16] =	ssyncadd.s32 $0xFFFFFC00  }
0x51: {  	_ =	swait.ge [sflag:s16], $0x400  }
0x52: {  	[sflag:s16] =	ssyncset.done $0x0  }
0x53: {  	[sflag:s16] =	ssyncadd.s32 $0xFFFFFC00  }
0x54: {  	_ =	swait.ge [sflag:s16], $0x400  }
0x55: {  	[sflag:s16] =	ssyncset.done $0x0  }
0x56: {  	[sflag:s16] =	ssyncadd.s32 $0xFFFFFC00  }
0x57: {  	_ =	swait.ge [sflag:s16], $0x400  }
0x58: {  	[sflag:s16] =	ssyncset.done $0x0  }
0x59: {  	[sflag:s16] =	ssyncadd.s32 $0xFFFFFC00  }
0x5a: {  	_ =	swait.ge [sflag:s16], $0x400  }
0x5b: {  	[sflag:s16] =	ssyncset.done $0x0  }
0x5c: {  	[sflag:s16] =	ssyncadd.s32 $0xFFFFFC00  }
0x5d: {  	_ =	swait.ge [sflag:s16], $0x400  }
0x5e: {  	[sflag:s16] =	ssyncset.done $0x0  }
0x5f: {  	[sflag:s16] =	ssyncadd.s32 $0xFFFFFC00  }
0x60: {  	_ =	swait.ge [sflag:s16], $0x400  }
0x61: {  	[sflag:s16] =	ssyncset.done $0x0  }
0x62: {  	[sflag:s16] =	ssyncadd.s32 $0xFFFFFC00  }
0x63: {  	_ =	swait.ge [sflag:s16], $0x400  }
0x64: {  	[sflag:s16] =	ssyncset.done $0x0  }
0x65: {  	[sflag:s16] =	ssyncadd.s32 $0xFFFFFC00  }
0x66: {  	_ =	swait.ge [sflag:s16], $0x400  }
0x67: {  	[sflag:s16] =	ssyncset.done $0x0  }
0x68: {  	[sflag:s16] =	ssyncadd.s32 $0xFFFFFC00  }
0x69: {  	_ =	swait.ge [sflag:s16], $0x400  }
0x6a: {  	[sflag:s16] =	ssyncset.done $0x0  }
0x6b: {  	[sflag:s16] =	ssyncadd.s32 $0xFFFFFC00  }
0x6c: {  	_ =	swait.ge [sflag:s16], $0x400  }
0x6d: {  	[sflag:s16] =	ssyncset.done $0x0  }
0x6e: {  	[sflag:s16] =	ssyncadd.s32 $0xFFFFFC00  }
0x6f: {  	_ =	swait.ge [sflag:s16], $0x400  }
0x70: {  	s1 =	rddreg [dreg:$0x7]  }
0x71: {  	s0 =	rddreg [dreg:$0x6];
	s1 =	sadd.s32 $0x1, s1  }
0x72: {  	p0 =	sne.s32 s1, s0  }
.Ltmp1:
0x73: {  	_ = 	snop;
	(pc) =	sbr.rel @!p0 .LBB2_17-.Ltmp1, $3  }
0x74: {  	_ =	sdelay $0x1  }
0x75: {  	[sflag:s16] =	ssyncset.done $0x0  }
0x76: {  	[sflag:s16] =	ssyncadd.s32 $0xFFFFFC00  }
.LBB2_1:
0x77: {  	[dreg:$0x7] =	wrdreg s1  }
0x78: {  	s0 =	rddreg [dreg:$0x5];
	s21 =	simm.s32 $0x7  }
0x79: {  	[tilespmem:s3], [sflag:$0x7] =	stream.linear.gather [hbm4b:s0+s3], $0x6400, $0x38;
	[tilespmem:$0x19E00] =	vst v63  }
0x7a: {  	_ =	swait.ge [sflag:s21], $0x6400  }
0x7b: {  	[sflag:s21] =	ssyncset.done $0x0  }
0x7c: {  	s17 =	simm.s32 $0x6400;
	s22 =	rddreg [dreg:$0x4];
	[sflag:s21] =	ssyncadd.s32 $0xFFFF9C00  }
0x7d: {  	[tilespmem:s17], [sflag:$0x7] =	stream.linear.gather [hbm4b:s22+s3], $0x3200, $0x38;
	[tilespmem:$0x19E00] =	vst v63  }
0x7e: {  	_ =	swait.ge [sflag:s21], $0x3200  }
0x7f: {  	[sflag:s21] =	ssyncset.done $0x0  }
0x80: {  	s1 =	simm.s32 $0x9600;
	[sflag:s21] =	ssyncadd.s32 $0xFFFFCE00  }
0x81: {  	[tilespmem:s1], [sflag:$0x1] =	stream.indirect.gather [hbm4b:s4+s18], $0x40, s3, s18, $0xb8;
	[tilespmem:$0x19E00] =	vst v63  }
0x82: {  	s5 =	simm.s32 $0xB600  }
0x83: {  	[tilespmem:s5], [sflag:$0x2] =	stream.indirect.gather [hbm4b:s4+s18], $0x40, s18, s18, $0xb8;
	[tilespmem:$0x19E00] =	vst v63  }
0x84: {  	s19 =	simm.s32 $0xD600;
	s17 =	simm.s32 $0x100  }
0x85: {  	[tilespmem:s19], [sflag:$0x3] =	stream.indirect.gather [hbm4b:s4+s18], $0x40, s17, s18, $0xb8;
	[tilespmem:$0x19E00] =	vst v63  }
0x86: {  	s31 =	simm.s32 $0x0;
	s22 =	simm.s32 $0xF600;
	s21 =	simm.s32 $0x180  }
0x87: {  	[tilespmem:s22], [sflag:$0x4] =	stream.indirect.gather [hbm4b:s4+s18], $0x40, s21, s18, $0xb8;
	[tilespmem:$0x19E00] =	vst v63  }
.LBB2_2:
0x88: {  	_ =	swait.ge [sflag:s25], $0x2000  }
0x89: {  	p1 =	seq.s32 s31, $0x0;
	[sflag:s25] =	ssyncset.done $0x0  }
0x8a: {  	s0 =	simm.s32 @!p1 $0x5;
	[sflag:s25] =	ssyncadd.s32 $0xFFFFE000  }
0x8b: {  	_ =	swait.ge @!p1 [sflag:s0], $0x400  }
0x8c: {  	[sflag:s0] =	ssyncset.done @!p1 $0x0  }
0x8d: {  	[sflag:s0] =	ssyncadd.s32 @!p1 $0xFFFFFC00  }
0x8e: {  	_ =	swait.ge @!p1 [sflag:s0], $0x400  }
0x8f: {  	[sflag:s0] =	ssyncset.done @!p1 $0x0  }
0x90: {  	[sflag:s0] =	ssyncadd.s32 @!p1 $0xFFFFFC00  }
0x91: {  	_ =	swait.ge @!p1 [sflag:s0], $0x400  }
0x92: {  	[sflag:s0] =	ssyncset.done @!p1 $0x0  }
0x93: {  	[sflag:s0] =	ssyncadd.s32 @!p1 $0xFFFFFC00  }
0x94: {  	_ =	swait.ge @!p1 [sflag:s0], $0x400  }
0x95: {  	[sflag:s0] =	ssyncset.done @!p1 $0x0  }
0x96: {  	[sflag:s0] =	ssyncadd.s32 @!p1 $0xFFFFFC00  }
0x97: {  	_ =	swait.ge @!p1 [sflag:s0], $0x400  }
0x98: {  	[sflag:s0] =	ssyncset.done @!p1 $0x0  }
0x99: {  	[sflag:s0] =	ssyncadd.s32 @!p1 $0xFFFFFC00  }
0x9a: {  	_ =	swait.ge @!p1 [sflag:s0], $0x400  }
0x9b: {  	[sflag:s0] =	ssyncset.done @!p1 $0x0  }
0x9c: {  	[sflag:s0] =	ssyncadd.s32 @!p1 $0xFFFFFC00  }
0x9d: {  	_ =	swait.ge @!p1 [sflag:s0], $0x400  }
0x9e: {  	[sflag:s0] =	ssyncset.done @!p1 $0x0  }
0x9f: {  	[sflag:s0] =	ssyncadd.s32 @!p1 $0xFFFFFC00  }
0xa0: {  	_ =	swait.ge @!p1 [sflag:s0], $0x400  }
0xa1: {  	[sflag:s0] =	ssyncset.done @!p1 $0x0  }
0xa2: {  	[sflag:s0] =	ssyncadd.s32 @!p1 $0xFFFFFC00  }
0xa3: {  	_ =	swait.ge @!p1 [sflag:s0], $0x400  }
0xa4: {  	[sflag:s0] =	ssyncset.done @!p1 $0x0  }
0xa5: {  	[sflag:s0] =	ssyncadd.s32 @!p1 $0xFFFFFC00  }
0xa6: {  	_ =	swait.ge @!p1 [sflag:s0], $0x400  }
0xa7: {  	[sflag:s0] =	ssyncset.done @!p1 $0x0  }
0xa8: {  	[sflag:s0] =	ssyncadd.s32 @!p1 $0xFFFFFC00  }
0xa9: {  	_ =	swait.ge @!p1 [sflag:s0], $0x400  }
0xaa: {  	[sflag:s0] =	ssyncset.done @!p1 $0x0  }
0xab: {  	[sflag:s0] =	ssyncadd.s32 @!p1 $0xFFFFFC00  }
0xac: {  	_ =	swait.ge @!p1 [sflag:s0], $0x400  }
0xad: {  	[sflag:s0] =	ssyncset.done @!p1 $0x0  }
0xae: {  	[sflag:s0] =	ssyncadd.s32 @!p1 $0xFFFFFC00  }
0xaf: {  	_ =	swait.ge @!p1 [sflag:s0], $0x400  }
0xb0: {  	[sflag:s0] =	ssyncset.done @!p1 $0x0  }
0xb1: {  	[sflag:s0] =	ssyncadd.s32 @!p1 $0xFFFFFC00  }
0xb2: {  	_ =	swait.ge @!p1 [sflag:s0], $0x400  }
0xb3: {  	[sflag:s0] =	ssyncset.done @!p1 $0x0  }
0xb4: {  	[sflag:s0] =	ssyncadd.s32 @!p1 $0xFFFFFC00  }
0xb5: {  	_ =	swait.ge @!p1 [sflag:s0], $0x400  }
0xb6: {  	[sflag:s0] =	ssyncset.done @!p1 $0x0  }
0xb7: {  	[sflag:s0] =	ssyncadd.s32 @!p1 $0xFFFFFC00  }
0xb8: {  	_ =	swait.ge @!p1 [sflag:s0], $0x400  }
0xb9: {  	s1 =	sshll.u32 s31, $0x8;
	[sflag:s0] =	ssyncset.done @!p1 $0x0  }
0xba: {  	s22 =	sand.u32 $0x3FFFFF00, s1;
	[sflag:s0] =	ssyncadd.s32 @!p1 $0xFFFFFC00  }
0xbb: {  	v16 =	vld [tilespmem:s22+$0x6400]  }
0xbc: {  	v17 =	vld [tilespmem:s22+$0x6410]  }
0xbd: {  	v18 =	vld [tilespmem:s22+$0x6420]  }
0xbe: {  	v20 =	vimm.s32 $0x0;
	s1 =	simm.s32 $0x9680;
	v19 =	vld [tilespmem:s22+$0x6430]  }
0xbf: {  	v22 =	vand.u32 $0xFFFFFFF8, v20;
	v21 =	vld [tilespmem:s1+$0xFFFFFF80]  }
0xc0: {  	v24 =	vand.u32 $0x4, v20;
	v25 =	vadd.s32 v0, v22;
	v23 =	vld [tilespmem:s1+$0xFFFFFF90]  }
0xc1: {  	v26 =	vadd.s32 v1, v22;
	v28 =	vor.u32 v24, v25;
	v27 =	vld [tilespmem:s1+$0xFFFFFFA0]  }
0xc2: {  	v29 =	vadd.s32 v2, v22;
	v31 =	vor.u32 v24, v26;
	v30 =	vld [tilespmem:s1+$0xFFFFFFB0]  }
0xc3: {  	v22 =	vadd.s32 v3, v22;
	v32 =	vor.u32 v24, v29  }
0xc4: {  	v33 =	vor.u32 v24, v22;
	v21 =	vadd.f32 v21, v16  }
0xc5: {  	v23 =	vadd.f32 v23, v17  }
0xc6: {  	v27 =	vadd.f32 v27, v18;
	[tilespmem:v28+s26+$0x0] =	vst.idx.msk $0xffff, v21  }
0xc7: {  	v21 =	vadd.f32 v30, v19;
	[tilespmem:v31+s26+$0x0] =	vst.idx.msk $0xffff, v23  }
0xc8: {  	[tilespmem:v32+s26+$0x0] =	vst.idx.msk $0xffff, v27  }
0xc9: {  	[tilespmem:v33+s26+$0x0] =	vst.idx.msk $0xffff, v21  }
0xca: {  	v23 =	vld [tilespmem:s1+$0xFFFFFFC0]  }
0xcb: {  	v21 =	vimm.s32 $0x1;
	v27 =	vld [tilespmem:s1+$0xFFFFFFD0]  }
0xcc: {  	v28 =	vld [tilespmem:s1+$0xFFFFFFE0];
	v56 =	vadd.s32 v0, v21  }
0xcd: {  	v31 =	vld [tilespmem:s1+$0xFFFFFFF0];
	v57 =	vadd.s32 v1, v21  }
0xce: {  	v58 =	vadd.s32 v2, v21  }
0xcf: {  	v34 =	vadd.s32 v3, v21;
	v23 =	vadd.f32 v23, v16  }
0xd0: {  	v27 =	vadd.f32 v27, v17  }
0xd1: {  	v28 =	vadd.f32 v28, v18;
	[tilespmem:v56+s26+$0x0] =	vst.idx.msk $0xffff, v23  }
0xd2: {  	v23 =	vadd.f32 v31, v19;
	[tilespmem:v57+s26+$0x0] =	vst.idx.msk $0xffff, v27  }
0xd3: {  	[tilespmem:v58+s26+$0x0] =	vst.idx.msk $0xffff, v28  }
0xd4: {  	[tilespmem:v34+s26+$0x0] =	vst.idx.msk $0xffff, v23  }
0xd5: {  	v23 =	vld [tilespmem:s1+$0x0]  }
0xd6: {  	v24 =	vor.u32 $0x2, v24;
	v27 =	vld [tilespmem:s1+$0x10]  }
0xd7: {  	v25 =	vor.u32 v24, v25;
	v28 =	vld [tilespmem:s1+$0x20]  }
0xd8: {  	v26 =	vor.u32 v24, v26;
	v30 =	vld [tilespmem:s1+$0x30]  }
0xd9: {  	v29 =	vor.u32 v24, v29  }
0xda: {  	v22 =	vor.u32 v24, v22;
	v23 =	vadd.f32 v23, v16  }
0xdb: {  	v59 =	vadd.f32 v27, v17  }
0xdc: {  	v60 =	vadd.f32 v28, v18;
	[tilespmem:v25+s26+$0x0] =	vst.idx.msk $0xffff, v23  }
0xdd: {  	v23 =	vadd.f32 v30, v19;
	[tilespmem:v26+s26+$0x0] =	vst.idx.msk $0xffff, v59  }
0xde: {  	[tilespmem:v29+s26+$0x0] =	vst.idx.msk $0xffff, v60  }
0xdf: {  	[tilespmem:v22+s26+$0x0] =	vst.idx.msk $0xffff, v23  }
0xe0: {  	v22 =	vld [tilespmem:s1+$0x40];
	_ =	sdelay $0x1  }
0xe1: {  	v61 =	vadd.s32 v4, v21  }
0xe2: {  	v23 =	vld [tilespmem:s1+$0x50]  }
0xe3: {  	v24 =	vld [tilespmem:s1+$0x60]  }
0xe4: {  	v62 =	vadd.s32 v5, v21;
	v27 =	vld [tilespmem:s1+$0x70];
	v22 =	vadd.f32 v22, v16  }
0xe5: {  	v63 =	vadd.s32 v6, v21  }
0xe6: {  	[tilespmem:v61+s26+$0x0] =	vst.idx.msk $0xffff, v22;
	v22 =	vadd.s32 v7, v21  }
0xe7: {  	v23 =	vadd.f32 v23, v17  }
0xe8: {  	v24 =	vadd.f32 v24, v18  }
0xe9: {  	[tilespmem:v62+s26+$0x0] =	vst.idx.msk $0xffff, v23;
	v23 =	vadd.f32 v27, v19  }
0xea: {  	s17 =	simm.s32 $0x0;
	s0 =	sshll.u32 s31, $0x1;
	[tilespmem:v63+s26+$0x0] =	vst.idx.msk $0xffff, v24  }
.LBB2_3:
0xeb: {  	s17 =	sadd.s32 $0x2, s17;
	[tilespmem:v22+s26+$0x0] =	vst.idx.msk $0xffff, v23;
	v20 =	vadd.s32 $0x4, v20;
	v21 =	vadd.s32 $0x4, v21;
	s1 =	sadd.s32 $0x100, s1  }
0xec: {  	v22 =	vld [tilespmem:s1+$0xFFFFFF80];
	v23 =	vand.u32 $0xFFFFFFF8, v20;
	p0 =	slt.u32 s17, $0x3E  }
0xed: {  	v25 =	vand.u32 $0x4, v20;
	v24 =	vld [tilespmem:s1+$0xFFFFFF90];
	v26 =	vadd.s32 v0, v23;
	v27 =	vadd.s32 v1, v23  }
0xee: {  	v30 =	vadd.s32 v2, v23;
	v23 =	vadd.s32 v3, v23;
	v28 =	vld [tilespmem:s1+$0xFFFFFFA0];
	v29 =	vor.u32 v25, v26  }
0xef: {  	v32 =	vor.u32 v25, v27;
	v33 =	vor.u32 v25, v30;
	v34 =	vor.u32 v25, v23;
	v31 =	vld [tilespmem:s1+$0xFFFFFFB0]  }
0xf0: {  	v25 =	vor.u32 $0x2, v25  }
0xf1: {  	v26 =	vor.u32 v25, v26;
	v27 =	vor.u32 v25, v27;
	v22 =	vadd.f32 v22, v16  }
0xf2: {  	v30 =	vor.u32 v25, v30;
	v23 =	vor.u32 v25, v23;
	v24 =	vadd.f32 v24, v17  }
0xf3: {  	v25 =	vadd.f32 v28, v18;
	[tilespmem:v29+s26+$0x0] =	vst.idx.msk $0xffff, v22  }
0xf4: {  	v22 =	vadd.f32 v31, v19;
	[tilespmem:v32+s26+$0x0] =	vst.idx.msk $0xffff, v24  }
0xf5: {  	[tilespmem:v33+s26+$0x0] =	vst.idx.msk $0xffff, v25  }
0xf6: {  	[tilespmem:v34+s26+$0x0] =	vst.idx.msk $0xffff, v22  }
0xf7: {  	v22 =	vld [tilespmem:s1+$0xFFFFFFC0]  }
0xf8: {  	v24 =	vld [tilespmem:s1+$0xFFFFFFD0]  }
0xf9: {  	v28 =	vadd.s32 v0, v21;
	v25 =	vld [tilespmem:s1+$0xFFFFFFE0]  }
0xfa: {  	v31 =	vadd.s32 v1, v21;
	v29 =	vld [tilespmem:s1+$0xFFFFFFF0]  }
0xfb: {  	v32 =	vadd.s32 v2, v21  }
0xfc: {  	v33 =	vadd.s32 v3, v21;
	v22 =	vadd.f32 v22, v16  }
0xfd: {  	v24 =	vadd.f32 v24, v17  }
0xfe: {  	v25 =	vadd.f32 v25, v18;
	[tilespmem:v28+s26+$0x0] =	vst.idx.msk $0xffff, v22  }
0xff: {  	v22 =	vadd.f32 v29, v19;
	[tilespmem:v31+s26+$0x0] =	vst.idx.msk $0xffff, v24  }
0x100: {  	[tilespmem:v32+s26+$0x0] =	vst.idx.msk $0xffff, v25  }
0x101: {  	[tilespmem:v33+s26+$0x0] =	vst.idx.msk $0xffff, v22  }
0x102: {  	v22 =	vld [tilespmem:s1+$0x0]  }
0x103: {  	v24 =	vld [tilespmem:s1+$0x10]  }
0x104: {  	v25 =	vld [tilespmem:s1+$0x20]  }
0x105: {  	v28 =	vld [tilespmem:s1+$0x30];
	_ =	sdelay $0x1  }
0x106: {  	v22 =	vadd.f32 v22, v16  }
0x107: {  	v24 =	vadd.f32 v24, v17  }
0x108: {  	v25 =	vadd.f32 v25, v18;
	[tilespmem:v26+s26+$0x0] =	vst.idx.msk $0xffff, v22  }
0x109: {  	v22 =	vadd.f32 v28, v19;
	[tilespmem:v27+s26+$0x0] =	vst.idx.msk $0xffff, v24  }
0x10a: {  	[tilespmem:v30+s26+$0x0] =	vst.idx.msk $0xffff, v25  }
0x10b: {  	[tilespmem:v23+s26+$0x0] =	vst.idx.msk $0xffff, v22  }
0x10c: {  	v22 =	vld [tilespmem:s1+$0x40]  }
0x10d: {  	v23 =	vld [tilespmem:s1+$0x50]  }
0x10e: {  	v25 =	vadd.s32 v4, v21;
	v24 =	vld [tilespmem:s1+$0x60]  }
0x10f: {  	v27 =	vadd.s32 v5, v21;
	v26 =	vld [tilespmem:s1+$0x70]  }
0x110: {  	v28 =	vadd.s32 v6, v21  }
.Ltmp2:
0x111: {  	v29 =	vadd.f32 v22, v16;
	v22 =	vadd.s32 v7, v21;
	(pc) =	sbr.rel @p0 .LBB2_3-.Ltmp2, $4  }
0x112: {  	v30 =	vadd.f32 v23, v17  }
0x113: {  	v24 =	vadd.f32 v24, v18;
	[tilespmem:v25+s26+$0x0] =	vst.idx.msk $0xffff, v29  }
0x114: {  	v23 =	vadd.f32 v26, v19;
	[tilespmem:v27+s26+$0x0] =	vst.idx.msk $0xffff, v30  }
0x115: {  	[tilespmem:v28+s26+$0x0] =	vst.idx.msk $0xffff, v24  }
0x116: {  	_ = 	snop  }
0x117: {  	s1 =	sshll.u32 s31, $0x14  }
0x118: {  	s1 =	sor.u32 s7, s1  }
0x119: {  	s1 =	sshrl.u32 s1, $0x3  }
0x11a: {  	[tilespmem:v22+s26+$0x0] =	vst.idx.msk $0xffff, v23;
	s17 =	sadd.s32 s2, s1  }
0x11b: {  	[hbm4b:s17+s3] =	stream.linear.scatter [tilespmem:s26], [sflag:$0x5], $0x80, $0x38;
	[tilespmem:$0x19E00] =	vst v63  }
0x11c: {  	s21 =	simm.s32 $0x11688;
	s19 =	sadd.s32 $0x10, s17  }
0x11d: {  	[hbm4b:s19+s3] =	stream.linear.scatter [tilespmem:s21], [sflag:$0x5], $0x80, $0x38;
	[tilespmem:$0x19E00] =	vst v63  }
0x11e: {  	s5 =	simm.s32 $0x11710;
	s22 =	sadd.s32 $0x20, s17  }
0x11f: {  	[hbm4b:s22+s3] =	stream.linear.scatter [tilespmem:s5], [sflag:$0x5], $0x80, $0x38;
	[tilespmem:$0x19E00] =	vst v63  }
0x120: {  	s22 =	sadd.s32 $0x30, s17;
	s5 =	simm.s32 $0x11798  }
0x121: {  	[hbm4b:s22+s3] =	stream.linear.scatter [tilespmem:s5], [sflag:$0x5], $0x80, $0x38;
	[tilespmem:$0x19E00] =	vst v63  }
0x122: {  	s22 =	sadd.s32 $0x40, s17;
	s5 =	simm.s32 $0x11820  }
0x123: {  	[hbm4b:s22+s3] =	stream.linear.scatter [tilespmem:s5], [sflag:$0x5], $0x80, $0x38;
	[tilespmem:$0x19E00] =	vst v63  }
0x124: {  	s22 =	sadd.s32 $0x50, s17;
	s5 =	simm.s32 $0x118A8  }
0x125: {  	[hbm4b:s22+s3] =	stream.linear.scatter [tilespmem:s5], [sflag:$0x5], $0x80, $0x38;
	[tilespmem:$0x19E00] =	vst v63  }
0x126: {  	s21 =	sadd.s32 $0x60, s17;
	s22 =	simm.s32 $0x11930  }
0x127: {  	[hbm4b:s21+s3] =	stream.linear.scatter [tilespmem:s22], [sflag:$0x5], $0x80, $0x38;
	[tilespmem:$0x19E00] =	vst v63  }
0x128: {  	s17 =	sadd.s32 $0x70, s17;
	s5 =	simm.s32 $0x119B8  }
0x129: {  	[hbm4b:s17+s3] =	stream.linear.scatter [tilespmem:s5], [sflag:$0x5], $0x80, $0x38;
	[tilespmem:$0x19E00] =	vst v63  }
0x12a: {  	s21 =	simm.s32 $0x11A40;
	s17 =	sadd.s32 s1, s8  }
0x12b: {  	[hbm4b:s17+s3] =	stream.linear.scatter [tilespmem:s21], [sflag:$0x5], $0x80, $0x38;
	[tilespmem:$0x19E00] =	vst v63  }
0x12c: {  	s5 =	simm.s32 $0x11AC8;
	s22 =	sadd.s32 $0x10, s17  }
0x12d: {  	[hbm4b:s22+s3] =	stream.linear.scatter [tilespmem:s5], [sflag:$0x5], $0x80, $0x38;
	[tilespmem:$0x19E00] =	vst v63  }
0x12e: {  	s22 =	sadd.s32 $0x20, s17;
	s5 =	simm.s32 $0x11B50  }
0x12f: {  	[hbm4b:s22+s3] =	stream.linear.scatter [tilespmem:s5], [sflag:$0x5], $0x80, $0x38;
	[tilespmem:$0x19E00] =	vst v63  }
0x130: {  	s22 =	sadd.s32 $0x30, s17;
	s5 =	simm.s32 $0x11BD8  }
0x131: {  	[hbm4b:s22+s3] =	stream.linear.scatter [tilespmem:s5], [sflag:$0x5], $0x80, $0x38;
	[tilespmem:$0x19E00] =	vst v63  }
0x132: {  	s22 =	sadd.s32 $0x40, s17;
	s5 =	simm.s32 $0x11C60  }
0x133: {  	[hbm4b:s22+s3] =	stream.linear.scatter [tilespmem:s5], [sflag:$0x5], $0x80, $0x38;
	[tilespmem:$0x19E00] =	vst v63  }
0x134: {  	s22 =	sadd.s32 $0x50, s17;
	s5 =	simm.s32 $0x11CE8  }
0x135: {  	[hbm4b:s22+s3] =	stream.linear.scatter [tilespmem:s5], [sflag:$0x5], $0x80, $0x38;
	[tilespmem:$0x19E00] =	vst v63  }
0x136: {  	s21 =	sadd.s32 $0x60, s17;
	s22 =	simm.s32 $0x11D70  }
0x137: {  	[hbm4b:s21+s3] =	stream.linear.scatter [tilespmem:s22], [sflag:$0x5], $0x80, $0x38;
	[tilespmem:$0x19E00] =	vst v63  }
0x138: {  	s17 =	sadd.s32 $0x70, s17;
	s5 =	simm.s32 $0x11DF8  }
0x139: {  	[hbm4b:s17+s3] =	stream.linear.scatter [tilespmem:s5], [sflag:$0x5], $0x80, $0x38;
	[tilespmem:$0x19E00] =	vst v63  }
0x13a: {  	s21 =	simm.s32 $0x11E80;
	s17 =	sadd.s32 s1, s9  }
0x13b: {  	[hbm4b:s17+s3] =	stream.linear.scatter [tilespmem:s21], [sflag:$0x5], $0x80, $0x38;
	[tilespmem:$0x19E00] =	vst v63  }
0x13c: {  	s5 =	simm.s32 $0x11F08;
	s22 =	sadd.s32 $0x10, s17  }
0x13d: {  	[hbm4b:s22+s3] =	stream.linear.scatter [tilespmem:s5], [sflag:$0x5], $0x80, $0x38;
	[tilespmem:$0x19E00] =	vst v63  }
0x13e: {  	s22 =	sadd.s32 $0x20, s17;
	s5 =	simm.s32 $0x11F90  }
0x13f: {  	[hbm4b:s22+s3] =	stream.linear.scatter [tilespmem:s5], [sflag:$0x5], $0x80, $0x38;
	[tilespmem:$0x19E00] =	vst v63  }
0x140: {  	s22 =	sadd.s32 $0x30, s17;
	s5 =	simm.s32 $0x12018  }
0x141: {  	[hbm4b:s22+s3] =	stream.linear.scatter [tilespmem:s5], [sflag:$0x5], $0x80, $0x38;
	[tilespmem:$0x19E00] =	vst v63  }
0x142: {  	s22 =	sadd.s32 $0x40, s17;
	s5 =	simm.s32 $0x120A0  }
0x143: {  	[hbm4b:s22+s3] =	stream.linear.scatter [tilespmem:s5], [sflag:$0x5], $0x80, $0x38;
	[tilespmem:$0x19E00] =	vst v63  }
0x144: {  	s22 =	sadd.s32 $0x50, s17;
	s5 =	simm.s32 $0x12128  }
0x145: {  	[hbm4b:s22+s3] =	stream.linear.scatter [tilespmem:s5], [sflag:$0x5], $0x80, $0x38;
	[tilespmem:$0x19E00] =	vst v63  }
0x146: {  	s21 =	sadd.s32 $0x60, s17;
	s22 =	simm.s32 $0x121B0  }
0x147: {  	[hbm4b:s21+s3] =	stream.linear.scatter [tilespmem:s22], [sflag:$0x5], $0x80, $0x38;
	[tilespmem:$0x19E00] =	vst v63  }
0x148: {  	s17 =	sadd.s32 $0x70, s17;
	s5 =	simm.s32 $0x12238  }
0x149: {  	[hbm4b:s17+s3] =	stream.linear.scatter [tilespmem:s5], [sflag:$0x5], $0x80, $0x38;
	[tilespmem:$0x19E00] =	vst v63  }
0x14a: {  	s21 =	simm.s32 $0x122C0;
	s17 =	sadd.s32 s1, s10  }
0x14b: {  	[hbm4b:s17+s3] =	stream.linear.scatter [tilespmem:s21], [sflag:$0x5], $0x80, $0x38;
	[tilespmem:$0x19E00] =	vst v63  }
0x14c: {  	s5 =	simm.s32 $0x12348;
	s22 =	sadd.s32 $0x10, s17  }
0x14d: {  	[hbm4b:s22+s3] =	stream.linear.scatter [tilespmem:s5], [sflag:$0x5], $0x80, $0x38;
	[tilespmem:$0x19E00] =	vst v63  }
0x14e: {  	s22 =	sadd.s32 $0x20, s17;
	s5 =	simm.s32 $0x123D0  }
0x14f: {  	[hbm4b:s22+s3] =	stream.linear.scatter [tilespmem:s5], [sflag:$0x5], $0x80, $0x38;
	[tilespmem:$0x19E00] =	vst v63  }
0x150: {  	s22 =	sadd.s32 $0x30, s17;
	s5 =	simm.s32 $0x12458  }
0x151: {  	[hbm4b:s22+s3] =	stream.linear.scatter [tilespmem:s5], [sflag:$0x5], $0x80, $0x38;
	[tilespmem:$0x19E00] =	vst v63  }
0x152: {  	s22 =	sadd.s32 $0x40, s17;
	s5 =	simm.s32 $0x124E0  }
0x153: {  	[hbm4b:s22+s3] =	stream.linear.scatter [tilespmem:s5], [sflag:$0x5], $0x80, $0x38;
	[tilespmem:$0x19E00] =	vst v63  }
0x154: {  	s22 =	sadd.s32 $0x50, s17;
	s5 =	simm.s32 $0x12568  }
0x155: {  	[hbm4b:s22+s3] =	stream.linear.scatter [tilespmem:s5], [sflag:$0x5], $0x80, $0x38;
	[tilespmem:$0x19E00] =	vst v63  }
0x156: {  	s21 =	sadd.s32 $0x60, s17;
	s22 =	simm.s32 $0x125F0  }
0x157: {  	[hbm4b:s21+s3] =	stream.linear.scatter [tilespmem:s22], [sflag:$0x5], $0x80, $0x38;
	[tilespmem:$0x19E00] =	vst v63  }
0x158: {  	s17 =	sadd.s32 $0x70, s17;
	s5 =	simm.s32 $0x12678  }
0x159: {  	[hbm4b:s17+s3] =	stream.linear.scatter [tilespmem:s5], [sflag:$0x5], $0x80, $0x38;
	[tilespmem:$0x19E00] =	vst v63  }
0x15a: {  	s21 =	simm.s32 $0x12700;
	s17 =	sadd.s32 s1, s11  }
0x15b: {  	[hbm4b:s17+s3] =	stream.linear.scatter [tilespmem:s21], [sflag:$0x5], $0x80, $0x38;
	[tilespmem:$0x19E00] =	vst v63  }
0x15c: {  	s5 =	simm.s32 $0x12788;
	s22 =	sadd.s32 $0x10, s17  }
0x15d: {  	[hbm4b:s22+s3] =	stream.linear.scatter [tilespmem:s5], [sflag:$0x5], $0x80, $0x38;
	[tilespmem:$0x19E00] =	vst v63  }
0x15e: {  	s22 =	sadd.s32 $0x20, s17;
	s5 =	simm.s32 $0x12810  }
0x15f: {  	[hbm4b:s22+s3] =	stream.linear.scatter [tilespmem:s5], [sflag:$0x5], $0x80, $0x38;
	[tilespmem:$0x19E00] =	vst v63  }
0x160: {  	s22 =	sadd.s32 $0x30, s17;
	s5 =	simm.s32 $0x12898  }
0x161: {  	[hbm4b:s22+s3] =	stream.linear.scatter [tilespmem:s5], [sflag:$0x5], $0x80, $0x38;
	[tilespmem:$0x19E00] =	vst v63  }
0x162: {  	s22 =	sadd.s32 $0x40, s17;
	s5 =	simm.s32 $0x12920  }
0x163: {  	[hbm4b:s22+s3] =	stream.linear.scatter [tilespmem:s5], [sflag:$0x5], $0x80, $0x38;
	[tilespmem:$0x19E00] =	vst v63  }
0x164: {  	s22 =	sadd.s32 $0x50, s17;
	s5 =	simm.s32 $0x129A8  }
0x165: {  	[hbm4b:s22+s3] =	stream.linear.scatter [tilespmem:s5], [sflag:$0x5], $0x80, $0x38;
	[tilespmem:$0x19E00] =	vst v63  }
0x166: {  	s21 =	sadd.s32 $0x60, s17;
	s22 =	simm.s32 $0x12A30  }
0x167: {  	[hbm4b:s21+s3] =	stream.linear.scatter [tilespmem:s22], [sflag:$0x5], $0x80, $0x38;
	[tilespmem:$0x19E00] =	vst v63  }
0x168: {  	s17 =	sadd.s32 $0x70, s17;
	s5 =	simm.s32 $0x12AB8  }
0x169: {  	[hbm4b:s17+s3] =	stream.linear.scatter [tilespmem:s5], [sflag:$0x5], $0x80, $0x38;
	[tilespmem:$0x19E00] =	vst v63  }
0x16a: {  	s21 =	simm.s32 $0x12B40;
	s17 =	sadd.s32 s1, s12  }
0x16b: {  	[hbm4b:s17+s3] =	stream.linear.scatter [tilespmem:s21], [sflag:$0x5], $0x80, $0x38;
	[tilespmem:$0x19E00] =	vst v63  }
0x16c: {  	s5 =	simm.s32 $0x12BC8;
	s22 =	sadd.s32 $0x10, s17  }
0x16d: {  	[hbm4b:s22+s3] =	stream.linear.scatter [tilespmem:s5], [sflag:$0x5], $0x80, $0x38;
	[tilespmem:$0x19E00] =	vst v63  }
0x16e: {  	s22 =	sadd.s32 $0x20, s17;
	s5 =	simm.s32 $0x12C50  }
0x16f: {  	[hbm4b:s22+s3] =	stream.linear.scatter [tilespmem:s5], [sflag:$0x5], $0x80, $0x38;
	[tilespmem:$0x19E00] =	vst v63  }
0x170: {  	s22 =	sadd.s32 $0x30, s17;
	s5 =	simm.s32 $0x12CD8  }
0x171: {  	[hbm4b:s22+s3] =	stream.linear.scatter [tilespmem:s5], [sflag:$0x5], $0x80, $0x38;
	[tilespmem:$0x19E00] =	vst v63  }
0x172: {  	s22 =	sadd.s32 $0x40, s17;
	s5 =	simm.s32 $0x12D60  }
0x173: {  	[hbm4b:s22+s3] =	stream.linear.scatter [tilespmem:s5], [sflag:$0x5], $0x80, $0x38;
	[tilespmem:$0x19E00] =	vst v63  }
0x174: {  	s22 =	sadd.s32 $0x50, s17;
	s5 =	simm.s32 $0x12DE8  }
0x175: {  	[hbm4b:s22+s3] =	stream.linear.scatter [tilespmem:s5], [sflag:$0x5], $0x80, $0x38;
	[tilespmem:$0x19E00] =	vst v63  }
0x176: {  	s21 =	sadd.s32 $0x60, s17;
	s22 =	simm.s32 $0x12E70  }
0x177: {  	[hbm4b:s21+s3] =	stream.linear.scatter [tilespmem:s22], [sflag:$0x5], $0x80, $0x38;
	[tilespmem:$0x19E00] =	vst v63  }
0x178: {  	s17 =	sadd.s32 $0x70, s17;
	s5 =	simm.s32 $0x12EF8  }
0x179: {  	[hbm4b:s17+s3] =	stream.linear.scatter [tilespmem:s5], [sflag:$0x5], $0x80, $0x38;
	[tilespmem:$0x19E00] =	vst v63  }
0x17a: {  	s21 =	simm.s32 $0x12F80;
	s17 =	sadd.s32 s1, s13  }
0x17b: {  	[hbm4b:s17+s3] =	stream.linear.scatter [tilespmem:s21], [sflag:$0x5], $0x80, $0x38;
	[tilespmem:$0x19E00] =	vst v63  }
0x17c: {  	s5 =	simm.s32 $0x13008;
	s22 =	sadd.s32 $0x10, s17  }
0x17d: {  	[hbm4b:s22+s3] =	stream.linear.scatter [tilespmem:s5], [sflag:$0x5], $0x80, $0x38;
	[tilespmem:$0x19E00] =	vst v63  }
0x17e: {  	s22 =	sadd.s32 $0x20, s17;
	s5 =	simm.s32 $0x13090  }
0x17f: {  	[hbm4b:s22+s3] =	stream.linear.scatter [tilespmem:s5], [sflag:$0x5], $0x80, $0x38;
	[tilespmem:$0x19E00] =	vst v63  }
0x180: {  	s22 =	sadd.s32 $0x30, s17;
	s5 =	simm.s32 $0x13118  }
0x181: {  	[hbm4b:s22+s3] =	stream.linear.scatter [tilespmem:s5], [sflag:$0x5], $0x80, $0x38;
	[tilespmem:$0x19E00] =	vst v63  }
0x182: {  	s22 =	sadd.s32 $0x40, s17;
	s5 =	simm.s32 $0x131A0  }
0x183: {  	[hbm4b:s22+s3] =	stream.linear.scatter [tilespmem:s5], [sflag:$0x5], $0x80, $0x38;
	[tilespmem:$0x19E00] =	vst v63  }
0x184: {  	s22 =	sadd.s32 $0x50, s17;
	s5 =	simm.s32 $0x13228  }
0x185: {  	[hbm4b:s22+s3] =	stream.linear.scatter [tilespmem:s5], [sflag:$0x5], $0x80, $0x38;
	[tilespmem:$0x19E00] =	vst v63  }
0x186: {  	s22 =	sadd.s32 $0x60, s17;
	s5 =	simm.s32 $0x132B0  }
0x187: {  	[hbm4b:s22+s3] =	stream.linear.scatter [tilespmem:s5], [sflag:$0x5], $0x80, $0x38;
	[tilespmem:$0x19E00] =	vst v63  }
0x188: {  	s17 =	sadd.s32 $0x70, s17;
	s22 =	simm.s32 $0x13338  }
0x189: {  	[hbm4b:s17+s3] =	stream.linear.scatter [tilespmem:s22], [sflag:$0x5], $0x80, $0x38;
	[tilespmem:$0x19E00] =	vst v63  }
0x18a: {  	s1 =	sadd.s32 s1, s14;
	s5 =	simm.s32 $0x133C0  }
0x18b: {  	[hbm4b:s1+s3] =	stream.linear.scatter [tilespmem:s5], [sflag:$0x5], $0x80, $0x38;
	[tilespmem:$0x19E00] =	vst v63  }
0x18c: {  	s19 =	sadd.s32 $0x10, s1;
	s21 =	simm.s32 $0x13448  }
0x18d: {  	[hbm4b:s19+s3] =	stream.linear.scatter [tilespmem:s21], [sflag:$0x5], $0x80, $0x38;
	[tilespmem:$0x19E00] =	vst v63  }
0x18e: {  	s22 =	sadd.s32 $0x20, s1;
	s5 =	simm.s32 $0x134D0  }
0x18f: {  	[hbm4b:s22+s3] =	stream.linear.scatter [tilespmem:s5], [sflag:$0x5], $0x80, $0x38;
	[tilespmem:$0x19E00] =	vst v63  }
0x190: {  	s19 =	sadd.s32 $0x30, s1;
	s21 =	simm.s32 $0x13558  }
0x191: {  	[hbm4b:s19+s3] =	stream.linear.scatter [tilespmem:s21], [sflag:$0x5], $0x80, $0x38;
	[tilespmem:$0x19E00] =	vst v63  }
0x192: {  	p0 =	seq.s32 s31, $0x31;
	s22 =	sadd.s32 $0x40, s1;
	s5 =	simm.s32 $0x135E0  }
0x193: {  	[hbm4b:s22+s3] =	stream.linear.scatter [tilespmem:s5], [sflag:$0x5], $0x80, $0x38;
	[tilespmem:$0x19E00] =	vst v63  }
0x194: {  	s17 =	sadd.s32 $0x2, s0;
	s19 =	sadd.s32 $0x50, s1;
	s21 =	simm.s32 $0x13668  }
0x195: {  	[hbm4b:s19+s3] =	stream.linear.scatter [tilespmem:s21], [sflag:$0x5], $0x80, $0x38;
	[tilespmem:$0x19E00] =	vst v63  }
0x196: {  	s22 =	sadd.s32 $0x60, s1;
	s5 =	simm.s32 $0x136F0;
	s19 =	sshll.u32 @!p0 s17, $0x8  }
0x197: {  	[hbm4b:s22+s3] =	stream.linear.scatter [tilespmem:s5], [sflag:$0x5], $0x80, $0x38;
	[tilespmem:$0x19E00] =	vst v63  }
0x198: {  	s1 =	sadd.s32 $0x70, s1;
	s21 =	simm.s32 $0x13778;
	s19 =	sand.u32 @!p0 $0x3FFFFF00, s19  }
0x199: {  	[hbm4b:s1+s3] =	stream.linear.scatter [tilespmem:s21], [sflag:$0x5], $0x80, $0x38;
	[tilespmem:$0x19E00] =	vst v63  }
0x19a: {  	s22 =	simm.s32 @!p0 $0x9600;
	s1 =	sshll.u32 s31, $0x2;
	s21 =	simm.s32 @!p0 $0x80  }
0x19b: {  	[tilespmem:s22], [sflag:$0x1] =	stream.indirect.gather @!p0 [hbm4b:s4+s21], $0x40, s19, s21, $0xb8;
	[tilespmem:$0x19E00] =	vst v63  }
0x19c: {  	s19 =	sor.u32 $0x1, s1;
	_ =	swait.ge [sflag:s6], $0x2000  }
0x19d: {  	s22 =	sshll.u32 s19, $0x6;
	[sflag:s6] =	ssyncset.done $0x0  }
0x19e: {  	s21 =	sand.u32 $0x3FFFFFC0, s22;
	[sflag:s6] =	ssyncadd.s32 $0xFFFFE000  }
0x19f: {  	v16 =	vld [tilespmem:s21+$0x6400]  }
0x1a0: {  	v17 =	vld [tilespmem:s21+$0x6410]  }
0x1a1: {  	v18 =	vld [tilespmem:s21+$0x6420]  }
0x1a2: {  	v20 =	vimm.s32 $0x0;
	v19 =	vld [tilespmem:s21+$0x6430];
	s21 =	simm.s32 $0xB6F0  }
0x1a3: {  	v22 =	vand.u32 $0xFFFFFFF8, v20;
	v21 =	vld [tilespmem:s21+$0xFFFFFF10]  }
0x1a4: {  	v24 =	vand.u32 $0x4, v20;
	v25 =	vadd.s32 v8, v22;
	v23 =	vld [tilespmem:s21+$0xFFFFFF20]  }
0x1a5: {  	v26 =	vadd.s32 v9, v22;
	v28 =	vor.u32 v24, v25;
	v27 =	vld [tilespmem:s21+$0xFFFFFF30]  }
0x1a6: {  	v29 =	vadd.s32 v10, v22;
	v31 =	vor.u32 v24, v26;
	v30 =	vld [tilespmem:s21+$0xFFFFFF40]  }
0x1a7: {  	v22 =	vadd.s32 v11, v22;
	v32 =	vor.u32 v24, v29  }
0x1a8: {  	v33 =	vor.u32 v24, v22;
	v21 =	vadd.f32 v21, v16  }
0x1a9: {  	v23 =	vadd.f32 v23, v17  }
0x1aa: {  	v27 =	vadd.f32 v27, v18;
	[tilespmem:v28+s26+$0x0] =	vst.idx.msk $0xffff, v21  }
0x1ab: {  	v21 =	vadd.f32 v30, v19;
	[tilespmem:v31+s26+$0x0] =	vst.idx.msk $0xffff, v23  }
0x1ac: {  	[tilespmem:v32+s26+$0x0] =	vst.idx.msk $0xffff, v27  }
0x1ad: {  	[tilespmem:v33+s26+$0x0] =	vst.idx.msk $0xffff, v21  }
0x1ae: {  	v23 =	vld [tilespmem:s21+$0xFFFFFF50]  }
0x1af: {  	v21 =	vimm.s32 $0x1;
	v27 =	vld [tilespmem:s21+$0xFFFFFF60]  }
0x1b0: {  	v28 =	vld [tilespmem:s21+$0xFFFFFF70];
	v56 =	vadd.s32 v8, v21  }
0x1b1: {  	v31 =	vld [tilespmem:s21+$0xFFFFFF80];
	v57 =	vadd.s32 v9, v21  }
0x1b2: {  	v58 =	vadd.s32 v10, v21  }
0x1b3: {  	v34 =	vadd.s32 v11, v21;
	v23 =	vadd.f32 v23, v16  }
0x1b4: {  	v27 =	vadd.f32 v27, v17  }
0x1b5: {  	v28 =	vadd.f32 v28, v18;
	[tilespmem:v56+s26+$0x0] =	vst.idx.msk $0xffff, v23  }
0x1b6: {  	v23 =	vadd.f32 v31, v19;
	[tilespmem:v57+s26+$0x0] =	vst.idx.msk $0xffff, v27  }
0x1b7: {  	[tilespmem:v58+s26+$0x0] =	vst.idx.msk $0xffff, v28  }
0x1b8: {  	[tilespmem:v34+s26+$0x0] =	vst.idx.msk $0xffff, v23  }
0x1b9: {  	v23 =	vld [tilespmem:s21+$0xFFFFFF90]  }
0x1ba: {  	v24 =	vor.u32 $0x2, v24;
	v27 =	vld [tilespmem:s21+$0xFFFFFFA0]  }
0x1bb: {  	v25 =	vor.u32 v24, v25;
	v28 =	vld [tilespmem:s21+$0xFFFFFFB0]  }
0x1bc: {  	v26 =	vor.u32 v24, v26;
	v30 =	vld [tilespmem:s21+$0xFFFFFFC0]  }
0x1bd: {  	v29 =	vor.u32 v24, v29  }
0x1be: {  	v22 =	vor.u32 v24, v22;
	v23 =	vadd.f32 v23, v16  }
0x1bf: {  	v59 =	vadd.f32 v27, v17  }
0x1c0: {  	v60 =	vadd.f32 v28, v18;
	[tilespmem:v25+s26+$0x0] =	vst.idx.msk $0xffff, v23  }
0x1c1: {  	v23 =	vadd.f32 v30, v19;
	[tilespmem:v26+s26+$0x0] =	vst.idx.msk $0xffff, v59  }
0x1c2: {  	[tilespmem:v29+s26+$0x0] =	vst.idx.msk $0xffff, v60  }
0x1c3: {  	[tilespmem:v22+s26+$0x0] =	vst.idx.msk $0xffff, v23  }
0x1c4: {  	v22 =	vld [tilespmem:s21+$0xFFFFFFD0];
	_ =	sdelay $0x1  }
0x1c5: {  	v61 =	vadd.s32 v12, v21  }
0x1c6: {  	v23 =	vld [tilespmem:s21+$0xFFFFFFE0]  }
0x1c7: {  	v24 =	vld [tilespmem:s21+$0xFFFFFFF0]  }
0x1c8: {  	v62 =	vadd.s32 v13, v21;
	v27 =	vld [tilespmem:s21+$0x0];
	v22 =	vadd.f32 v22, v16  }
0x1c9: {  	v63 =	vadd.s32 v14, v21  }
0x1ca: {  	[tilespmem:v61+s26+$0x0] =	vst.idx.msk $0xffff, v22;
	v22 =	vadd.s32 v15, v21  }
0x1cb: {  	v23 =	vadd.f32 v23, v17  }
0x1cc: {  	v24 =	vadd.f32 v24, v18  }
0x1cd: {  	[tilespmem:v62+s26+$0x0] =	vst.idx.msk $0xffff, v23;
	v23 =	vadd.f32 v27, v19  }
0x1ce: {  	s22 =	simm.s32 $0x0;
	[tilespmem:v63+s26+$0x0] =	vst.idx.msk $0xffff, v24  }
.LBB2_5:
0x1cf: {  	s22 =	sadd.s32 $0x2, s22;
	[tilespmem:v22+s26+$0x0] =	vst.idx.msk $0xffff, v23;
	v20 =	vadd.s32 $0x4, v20;
	v21 =	vadd.s32 $0x4, v21;
	s21 =	sadd.s32 $0x100, s21  }
0x1d0: {  	v22 =	vld [tilespmem:s21+$0xFFFFFF10];
	v23 =	vand.u32 $0xFFFFFFF8, v20;
	p2 =	slt.u32 s22, $0x3E  }
0x1d1: {  	v25 =	vand.u32 $0x4, v20;
	v24 =	vld [tilespmem:s21+$0xFFFFFF20];
	v26 =	vadd.s32 v8, v23;
	v27 =	vadd.s32 v9, v23  }
0x1d2: {  	v30 =	vadd.s32 v10, v23;
	v23 =	vadd.s32 v11, v23;
	v28 =	vld [tilespmem:s21+$0xFFFFFF30];
	v29 =	vor.u32 v25, v26  }
0x1d3: {  	v32 =	vor.u32 v25, v27;
	v33 =	vor.u32 v25, v30;
	v34 =	vor.u32 v25, v23;
	v31 =	vld [tilespmem:s21+$0xFFFFFF40]  }
0x1d4: {  	v25 =	vor.u32 $0x2, v25  }
0x1d5: {  	v26 =	vor.u32 v25, v26;
	v27 =	vor.u32 v25, v27;
	v22 =	vadd.f32 v22, v16  }
0x1d6: {  	v30 =	vor.u32 v25, v30;
	v23 =	vor.u32 v25, v23;
	v24 =	vadd.f32 v24, v17  }
0x1d7: {  	v25 =	vadd.f32 v28, v18;
	[tilespmem:v29+s26+$0x0] =	vst.idx.msk $0xffff, v22  }
0x1d8: {  	v22 =	vadd.f32 v31, v19;
	[tilespmem:v32+s26+$0x0] =	vst.idx.msk $0xffff, v24  }
0x1d9: {  	[tilespmem:v33+s26+$0x0] =	vst.idx.msk $0xffff, v25  }
0x1da: {  	[tilespmem:v34+s26+$0x0] =	vst.idx.msk $0xffff, v22  }
0x1db: {  	v22 =	vld [tilespmem:s21+$0xFFFFFF50]  }
0x1dc: {  	v24 =	vld [tilespmem:s21+$0xFFFFFF60]  }
0x1dd: {  	v28 =	vadd.s32 v8, v21;
	v25 =	vld [tilespmem:s21+$0xFFFFFF70]  }
0x1de: {  	v31 =	vadd.s32 v9, v21;
	v29 =	vld [tilespmem:s21+$0xFFFFFF80]  }
0x1df: {  	v32 =	vadd.s32 v10, v21  }
0x1e0: {  	v33 =	vadd.s32 v11, v21;
	v22 =	vadd.f32 v22, v16  }
0x1e1: {  	v24 =	vadd.f32 v24, v17  }
0x1e2: {  	v25 =	vadd.f32 v25, v18;
	[tilespmem:v28+s26+$0x0] =	vst.idx.msk $0xffff, v22  }
0x1e3: {  	v22 =	vadd.f32 v29, v19;
	[tilespmem:v31+s26+$0x0] =	vst.idx.msk $0xffff, v24  }
0x1e4: {  	[tilespmem:v32+s26+$0x0] =	vst.idx.msk $0xffff, v25  }
0x1e5: {  	[tilespmem:v33+s26+$0x0] =	vst.idx.msk $0xffff, v22  }
0x1e6: {  	v22 =	vld [tilespmem:s21+$0xFFFFFF90]  }
0x1e7: {  	v24 =	vld [tilespmem:s21+$0xFFFFFFA0]  }
0x1e8: {  	v25 =	vld [tilespmem:s21+$0xFFFFFFB0]  }
0x1e9: {  	v28 =	vld [tilespmem:s21+$0xFFFFFFC0];
	_ =	sdelay $0x1  }
0x1ea: {  	v22 =	vadd.f32 v22, v16  }
0x1eb: {  	v24 =	vadd.f32 v24, v17  }
0x1ec: {  	v25 =	vadd.f32 v25, v18;
	[tilespmem:v26+s26+$0x0] =	vst.idx.msk $0xffff, v22  }
0x1ed: {  	v22 =	vadd.f32 v28, v19;
	[tilespmem:v27+s26+$0x0] =	vst.idx.msk $0xffff, v24  }
0x1ee: {  	[tilespmem:v30+s26+$0x0] =	vst.idx.msk $0xffff, v25  }
0x1ef: {  	[tilespmem:v23+s26+$0x0] =	vst.idx.msk $0xffff, v22  }
0x1f0: {  	v22 =	vld [tilespmem:s21+$0xFFFFFFD0]  }
0x1f1: {  	v23 =	vld [tilespmem:s21+$0xFFFFFFE0]  }
0x1f2: {  	v25 =	vadd.s32 v12, v21;
	v24 =	vld [tilespmem:s21+$0xFFFFFFF0]  }
0x1f3: {  	v27 =	vadd.s32 v13, v21;
	v26 =	vld [tilespmem:s21+$0x0]  }
0x1f4: {  	v28 =	vadd.s32 v14, v21  }
.Ltmp3:
0x1f5: {  	v29 =	vadd.f32 v22, v16;
	v22 =	vadd.s32 v15, v21;
	(pc) =	sbr.rel @p2 .LBB2_5-.Ltmp3, $4  }
0x1f6: {  	v30 =	vadd.f32 v23, v17  }
0x1f7: {  	v24 =	vadd.f32 v24, v18;
	[tilespmem:v25+s26+$0x0] =	vst.idx.msk $0xffff, v29  }
0x1f8: {  	v23 =	vadd.f32 v26, v19;
	[tilespmem:v27+s26+$0x0] =	vst.idx.msk $0xffff, v30  }
0x1f9: {  	[tilespmem:v28+s26+$0x0] =	vst.idx.msk $0xffff, v24  }
0x1fa: {  	_ = 	snop  }
0x1fb: {  	s19 =	sshll.u32 s19, $0x12  }
0x1fc: {  	s19 =	sor.u32 s7, s19  }
0x1fd: {  	s19 =	sshrl.u32 s19, $0x3  }
0x1fe: {  	[tilespmem:v22+s26+$0x0] =	vst.idx.msk $0xffff, v23;
	s22 =	simm.s32 $0x13800;
	s21 =	sadd.s32 s2, s19  }
0x1ff: {  	[hbm4b:s21+s3] =	stream.linear.scatter [tilespmem:s22], [sflag:$0x5], $0x80, $0x38;
	[tilespmem:$0x19E00] =	vst v63  }
0x200: {  	s5 =	simm.s32 $0x13888;
	s22 =	sadd.s32 $0x10, s21  }
0x201: {  	[hbm4b:s22+s3] =	stream.linear.scatter [tilespmem:s5], [sflag:$0x5], $0x80, $0x38;
	[tilespmem:$0x19E00] =	vst v63  }
0x202: {  	s22 =	sadd.s32 $0x20, s21;
	s5 =	simm.s32 $0x13910  }
0x203: {  	[hbm4b:s22+s3] =	stream.linear.scatter [tilespmem:s5], [sflag:$0x5], $0x80, $0x38;
	[tilespmem:$0x19E00] =	vst v63  }
0x204: {  	s22 =	sadd.s32 $0x30, s21;
	s5 =	simm.s32 $0x13998  }
0x205: {  	[hbm4b:s22+s3] =	stream.linear.scatter [tilespmem:s5], [sflag:$0x5], $0x80, $0x38;
	[tilespmem:$0x19E00] =	vst v63  }
0x206: {  	s22 =	sadd.s32 $0x40, s21;
	s5 =	simm.s32 $0x13A20  }
0x207: {  	[hbm4b:s22+s3] =	stream.linear.scatter [tilespmem:s5], [sflag:$0x5], $0x80, $0x38;
	[tilespmem:$0x19E00] =	vst v63  }
0x208: {  	s22 =	sadd.s32 $0x50, s21;
	s5 =	simm.s32 $0x13AA8  }
0x209: {  	[hbm4b:s22+s3] =	stream.linear.scatter [tilespmem:s5], [sflag:$0x5], $0x80, $0x38;
	[tilespmem:$0x19E00] =	vst v63  }
0x20a: {  	s22 =	sadd.s32 $0x60, s21;
	s5 =	simm.s32 $0x13B30  }
0x20b: {  	[hbm4b:s22+s3] =	stream.linear.scatter [tilespmem:s5], [sflag:$0x5], $0x80, $0x38;
	[tilespmem:$0x19E00] =	vst v63  }
0x20c: {  	s21 =	sadd.s32 $0x70, s21;
	s22 =	simm.s32 $0x13BB8  }
0x20d: {  	[hbm4b:s21+s3] =	stream.linear.scatter [tilespmem:s22], [sflag:$0x5], $0x80, $0x38;
	[tilespmem:$0x19E00] =	vst v63  }
0x20e: {  	s21 =	sadd.s32 s19, s8;
	s22 =	simm.s32 $0x13C40  }
0x20f: {  	[hbm4b:s21+s3] =	stream.linear.scatter [tilespmem:s22], [sflag:$0x5], $0x80, $0x38;
	[tilespmem:$0x19E00] =	vst v63  }
0x210: {  	s5 =	simm.s32 $0x13CC8;
	s22 =	sadd.s32 $0x10, s21  }
0x211: {  	[hbm4b:s22+s3] =	stream.linear.scatter [tilespmem:s5], [sflag:$0x5], $0x80, $0x38;
	[tilespmem:$0x19E00] =	vst v63  }
0x212: {  	s22 =	sadd.s32 $0x20, s21;
	s5 =	simm.s32 $0x13D50  }
0x213: {  	[hbm4b:s22+s3] =	stream.linear.scatter [tilespmem:s5], [sflag:$0x5], $0x80, $0x38;
	[tilespmem:$0x19E00] =	vst v63  }
0x214: {  	s22 =	sadd.s32 $0x30, s21;
	s5 =	simm.s32 $0x13DD8  }
0x215: {  	[hbm4b:s22+s3] =	stream.linear.scatter [tilespmem:s5], [sflag:$0x5], $0x80, $0x38;
	[tilespmem:$0x19E00] =	vst v63  }
0x216: {  	s22 =	sadd.s32 $0x40, s21;
	s5 =	simm.s32 $0x13E60  }
0x217: {  	[hbm4b:s22+s3] =	stream.linear.scatter [tilespmem:s5], [sflag:$0x5], $0x80, $0x38;
	[tilespmem:$0x19E00] =	vst v63  }
0x218: {  	s22 =	sadd.s32 $0x50, s21;
	s5 =	simm.s32 $0x13EE8  }
0x219: {  	[hbm4b:s22+s3] =	stream.linear.scatter [tilespmem:s5], [sflag:$0x5], $0x80, $0x38;
	[tilespmem:$0x19E00] =	vst v63  }
0x21a: {  	s22 =	sadd.s32 $0x60, s21;
	s5 =	simm.s32 $0x13F70  }
0x21b: {  	[hbm4b:s22+s3] =	stream.linear.scatter [tilespmem:s5], [sflag:$0x5], $0x80, $0x38;
	[tilespmem:$0x19E00] =	vst v63  }
0x21c: {  	s21 =	sadd.s32 $0x70, s21;
	s22 =	simm.s32 $0x13FF8  }
0x21d: {  	[hbm4b:s21+s3] =	stream.linear.scatter [tilespmem:s22], [sflag:$0x5], $0x80, $0x38;
	[tilespmem:$0x19E00] =	vst v63  }
0x21e: {  	s21 =	sadd.s32 s19, s9;
	s22 =	simm.s32 $0x14080  }
0x21f: {  	[hbm4b:s21+s3] =	stream.linear.scatter [tilespmem:s22], [sflag:$0x5], $0x80, $0x38;
	[tilespmem:$0x19E00] =	vst v63  }
0x220: {  	s5 =	simm.s32 $0x14108;
	s22 =	sadd.s32 $0x10, s21  }
0x221: {  	[hbm4b:s22+s3] =	stream.linear.scatter [tilespmem:s5], [sflag:$0x5], $0x80, $0x38;
	[tilespmem:$0x19E00] =	vst v63  }
0x222: {  	s22 =	sadd.s32 $0x20, s21;
	s5 =	simm.s32 $0x14190  }
0x223: {  	[hbm4b:s22+s3] =	stream.linear.scatter [tilespmem:s5], [sflag:$0x5], $0x80, $0x38;
	[tilespmem:$0x19E00] =	vst v63  }
0x224: {  	s22 =	sadd.s32 $0x30, s21;
	s5 =	simm.s32 $0x14218  }
0x225: {  	[hbm4b:s22+s3] =	stream.linear.scatter [tilespmem:s5], [sflag:$0x5], $0x80, $0x38;
	[tilespmem:$0x19E00] =	vst v63  }
0x226: {  	s22 =	sadd.s32 $0x40, s21;
	s5 =	simm.s32 $0x142A0  }
0x227: {  	[hbm4b:s22+s3] =	stream.linear.scatter [tilespmem:s5], [sflag:$0x5], $0x80, $0x38;
	[tilespmem:$0x19E00] =	vst v63  }
0x228: {  	s22 =	sadd.s32 $0x50, s21;
	s5 =	simm.s32 $0x14328  }
0x229: {  	[hbm4b:s22+s3] =	stream.linear.scatter [tilespmem:s5], [sflag:$0x5], $0x80, $0x38;
	[tilespmem:$0x19E00] =	vst v63  }
0x22a: {  	s22 =	sadd.s32 $0x60, s21;
	s5 =	simm.s32 $0x143B0  }
0x22b: {  	[hbm4b:s22+s3] =	stream.linear.scatter [tilespmem:s5], [sflag:$0x5], $0x80, $0x38;
	[tilespmem:$0x19E00] =	vst v63  }
0x22c: {  	s21 =	sadd.s32 $0x70, s21;
	s22 =	simm.s32 $0x14438  }
0x22d: {  	[hbm4b:s21+s3] =	stream.linear.scatter [tilespmem:s22], [sflag:$0x5], $0x80, $0x38;
	[tilespmem:$0x19E00] =	vst v63  }
0x22e: {  	s21 =	sadd.s32 s19, s10;
	s22 =	simm.s32 $0x144C0  }
0x22f: {  	[hbm4b:s21+s3] =	stream.linear.scatter [tilespmem:s22], [sflag:$0x5], $0x80, $0x38;
	[tilespmem:$0x19E00] =	vst v63  }
0x230: {  	s5 =	simm.s32 $0x14548;
	s22 =	sadd.s32 $0x10, s21  }
0x231: {  	[hbm4b:s22+s3] =	stream.linear.scatter [tilespmem:s5], [sflag:$0x5], $0x80, $0x38;
	[tilespmem:$0x19E00] =	vst v63  }
0x232: {  	s22 =	sadd.s32 $0x20, s21;
	s5 =	simm.s32 $0x145D0  }
0x233: {  	[hbm4b:s22+s3] =	stream.linear.scatter [tilespmem:s5], [sflag:$0x5], $0x80, $0x38;
	[tilespmem:$0x19E00] =	vst v63  }
0x234: {  	s22 =	sadd.s32 $0x30, s21;
	s5 =	simm.s32 $0x14658  }
0x235: {  	[hbm4b:s22+s3] =	stream.linear.scatter [tilespmem:s5], [sflag:$0x5], $0x80, $0x38;
	[tilespmem:$0x19E00] =	vst v63  }
0x236: {  	s22 =	sadd.s32 $0x40, s21;
	s5 =	simm.s32 $0x146E0  }
0x237: {  	[hbm4b:s22+s3] =	stream.linear.scatter [tilespmem:s5], [sflag:$0x5], $0x80, $0x38;
	[tilespmem:$0x19E00] =	vst v63  }
0x238: {  	s22 =	sadd.s32 $0x50, s21;
	s5 =	simm.s32 $0x14768  }
0x239: {  	[hbm4b:s22+s3] =	stream.linear.scatter [tilespmem:s5], [sflag:$0x5], $0x80, $0x38;
	[tilespmem:$0x19E00] =	vst v63  }
0x23a: {  	s22 =	sadd.s32 $0x60, s21;
	s5 =	simm.s32 $0x147F0  }
0x23b: {  	[hbm4b:s22+s3] =	stream.linear.scatter [tilespmem:s5], [sflag:$0x5], $0x80, $0x38;
	[tilespmem:$0x19E00] =	vst v63  }
0x23c: {  	s21 =	sadd.s32 $0x70, s21;
	s22 =	simm.s32 $0x14878  }
0x23d: {  	[hbm4b:s21+s3] =	stream.linear.scatter [tilespmem:s22], [sflag:$0x5], $0x80, $0x38;
	[tilespmem:$0x19E00] =	vst v63  }
0x23e: {  	s21 =	sadd.s32 s19, s11;
	s22 =	simm.s32 $0x14900  }
0x23f: {  	[hbm4b:s21+s3] =	stream.linear.scatter [tilespmem:s22], [sflag:$0x5], $0x80, $0x38;
	[tilespmem:$0x19E00] =	vst v63  }
0x240: {  	s5 =	simm.s32 $0x14988;
	s22 =	sadd.s32 $0x10, s21  }
0x241: {  	[hbm4b:s22+s3] =	stream.linear.scatter [tilespmem:s5], [sflag:$0x5], $0x80, $0x38;
	[tilespmem:$0x19E00] =	vst v63  }
0x242: {  	s22 =	sadd.s32 $0x20, s21;
	s5 =	simm.s32 $0x14A10  }
0x243: {  	[hbm4b:s22+s3] =	stream.linear.scatter [tilespmem:s5], [sflag:$0x5], $0x80, $0x38;
	[tilespmem:$0x19E00] =	vst v63  }
0x244: {  	s22 =	sadd.s32 $0x30, s21;
	s5 =	simm.s32 $0x14A98  }
0x245: {  	[hbm4b:s22+s3] =	stream.linear.scatter [tilespmem:s5], [sflag:$0x5], $0x80, $0x38;
	[tilespmem:$0x19E00] =	vst v63  }
0x246: {  	s22 =	sadd.s32 $0x40, s21;
	s5 =	simm.s32 $0x14B20  }
0x247: {  	[hbm4b:s22+s3] =	stream.linear.scatter [tilespmem:s5], [sflag:$0x5], $0x80, $0x38;
	[tilespmem:$0x19E00] =	vst v63  }
0x248: {  	s22 =	sadd.s32 $0x50, s21;
	s5 =	simm.s32 $0x14BA8  }
0x249: {  	[hbm4b:s22+s3] =	stream.linear.scatter [tilespmem:s5], [sflag:$0x5], $0x80, $0x38;
	[tilespmem:$0x19E00] =	vst v63  }
0x24a: {  	s22 =	sadd.s32 $0x60, s21;
	s5 =	simm.s32 $0x14C30  }
0x24b: {  	[hbm4b:s22+s3] =	stream.linear.scatter [tilespmem:s5], [sflag:$0x5], $0x80, $0x38;
	[tilespmem:$0x19E00] =	vst v63  }
0x24c: {  	s21 =	sadd.s32 $0x70, s21;
	s22 =	simm.s32 $0x14CB8  }
0x24d: {  	[hbm4b:s21+s3] =	stream.linear.scatter [tilespmem:s22], [sflag:$0x5], $0x80, $0x38;
	[tilespmem:$0x19E00] =	vst v63  }
0x24e: {  	s21 =	sadd.s32 s19, s12;
	s22 =	simm.s32 $0x14D40  }
0x24f: {  	[hbm4b:s21+s3] =	stream.linear.scatter [tilespmem:s22], [sflag:$0x5], $0x80, $0x38;
	[tilespmem:$0x19E00] =	vst v63  }
0x250: {  	s5 =	simm.s32 $0x14DC8;
	s22 =	sadd.s32 $0x10, s21  }
0x251: {  	[hbm4b:s22+s3] =	stream.linear.scatter [tilespmem:s5], [sflag:$0x5], $0x80, $0x38;
	[tilespmem:$0x19E00] =	vst v63  }
0x252: {  	s22 =	sadd.s32 $0x20, s21;
	s5 =	simm.s32 $0x14E50  }
0x253: {  	[hbm4b:s22+s3] =	stream.linear.scatter [tilespmem:s5], [sflag:$0x5], $0x80, $0x38;
	[tilespmem:$0x19E00] =	vst v63  }
0x254: {  	s22 =	sadd.s32 $0x30, s21;
	s5 =	simm.s32 $0x14ED8  }
0x255: {  	[hbm4b:s22+s3] =	stream.linear.scatter [tilespmem:s5], [sflag:$0x5], $0x80, $0x38;
	[tilespmem:$0x19E00] =	vst v63  }
0x256: {  	s22 =	sadd.s32 $0x40, s21;
	s5 =	simm.s32 $0x14F60  }
0x257: {  	[hbm4b:s22+s3] =	stream.linear.scatter [tilespmem:s5], [sflag:$0x5], $0x80, $0x38;
	[tilespmem:$0x19E00] =	vst v63  }
0x258: {  	s22 =	sadd.s32 $0x50, s21;
	s5 =	simm.s32 $0x14FE8  }
0x259: {  	[hbm4b:s22+s3] =	stream.linear.scatter [tilespmem:s5], [sflag:$0x5], $0x80, $0x38;
	[tilespmem:$0x19E00] =	vst v63  }
0x25a: {  	s22 =	sadd.s32 $0x60, s21;
	s5 =	simm.s32 $0x15070  }
0x25b: {  	[hbm4b:s22+s3] =	stream.linear.scatter [tilespmem:s5], [sflag:$0x5], $0x80, $0x38;
	[tilespmem:$0x19E00] =	vst v63  }
0x25c: {  	s21 =	sadd.s32 $0x70, s21;
	s22 =	simm.s32 $0x150F8  }
0x25d: {  	[hbm4b:s21+s3] =	stream.linear.scatter [tilespmem:s22], [sflag:$0x5], $0x80, $0x38;
	[tilespmem:$0x19E00] =	vst v63  }
0x25e: {  	s21 =	sadd.s32 s19, s13;
	s22 =	simm.s32 $0x15180  }
0x25f: {  	[hbm4b:s21+s3] =	stream.linear.scatter [tilespmem:s22], [sflag:$0x5], $0x80, $0x38;
	[tilespmem:$0x19E00] =	vst v63  }
0x260: {  	s5 =	simm.s32 $0x15208;
	s22 =	sadd.s32 $0x10, s21  }
0x261: {  	[hbm4b:s22+s3] =	stream.linear.scatter [tilespmem:s5], [sflag:$0x5], $0x80, $0x38;
	[tilespmem:$0x19E00] =	vst v63  }
0x262: {  	s22 =	sadd.s32 $0x20, s21;
	s5 =	simm.s32 $0x15290  }
0x263: {  	[hbm4b:s22+s3] =	stream.linear.scatter [tilespmem:s5], [sflag:$0x5], $0x80, $0x38;
	[tilespmem:$0x19E00] =	vst v63  }
0x264: {  	s22 =	sadd.s32 $0x30, s21;
	s5 =	simm.s32 $0x15318  }
0x265: {  	[hbm4b:s22+s3] =	stream.linear.scatter [tilespmem:s5], [sflag:$0x5], $0x80, $0x38;
	[tilespmem:$0x19E00] =	vst v63  }
0x266: {  	s22 =	sadd.s32 $0x40, s21;
	s5 =	simm.s32 $0x153A0  }
0x267: {  	[hbm4b:s22+s3] =	stream.linear.scatter [tilespmem:s5], [sflag:$0x5], $0x80, $0x38;
	[tilespmem:$0x19E00] =	vst v63  }
0x268: {  	s22 =	sadd.s32 $0x50, s21;
	s5 =	simm.s32 $0x15428  }
0x269: {  	[hbm4b:s22+s3] =	stream.linear.scatter [tilespmem:s5], [sflag:$0x5], $0x80, $0x38;
	[tilespmem:$0x19E00] =	vst v63  }
0x26a: {  	s22 =	sadd.s32 $0x60, s21;
	s5 =	simm.s32 $0x154B0  }
0x26b: {  	[hbm4b:s22+s3] =	stream.linear.scatter [tilespmem:s5], [sflag:$0x5], $0x80, $0x38;
	[tilespmem:$0x19E00] =	vst v63  }
0x26c: {  	s21 =	sadd.s32 $0x70, s21;
	s22 =	simm.s32 $0x15538  }
0x26d: {  	[hbm4b:s21+s3] =	stream.linear.scatter [tilespmem:s22], [sflag:$0x5], $0x80, $0x38;
	[tilespmem:$0x19E00] =	vst v63  }
0x26e: {  	s19 =	sadd.s32 s19, s14;
	s22 =	simm.s32 $0x155C0  }
0x26f: {  	[hbm4b:s19+s3] =	stream.linear.scatter [tilespmem:s22], [sflag:$0x5], $0x80, $0x38;
	[tilespmem:$0x19E00] =	vst v63  }
0x270: {  	s5 =	sadd.s32 $0x10, s19;
	s22 =	simm.s32 $0x15648  }
0x271: {  	[hbm4b:s5+s3] =	stream.linear.scatter [tilespmem:s22], [sflag:$0x5], $0x80, $0x38;
	[tilespmem:$0x19E00] =	vst v63  }
0x272: {  	s5 =	sadd.s32 $0x20, s19;
	s22 =	simm.s32 $0x156D0  }
0x273: {  	[hbm4b:s5+s3] =	stream.linear.scatter [tilespmem:s22], [sflag:$0x5], $0x80, $0x38;
	[tilespmem:$0x19E00] =	vst v63  }
0x274: {  	s5 =	sadd.s32 $0x30, s19;
	s22 =	simm.s32 $0x15758  }
0x275: {  	[hbm4b:s5+s3] =	stream.linear.scatter [tilespmem:s22], [sflag:$0x5], $0x80, $0x38;
	[tilespmem:$0x19E00] =	vst v63  }
0x276: {  	s5 =	sadd.s32 $0x40, s19;
	s22 =	simm.s32 $0x157E0  }
0x277: {  	[hbm4b:s5+s3] =	stream.linear.scatter [tilespmem:s22], [sflag:$0x5], $0x80, $0x38;
	[tilespmem:$0x19E00] =	vst v63  }
0x278: {  	p2 =	sne.s32 s31, $0x31;
	s5 =	sadd.s32 $0x50, s19;
	s22 =	simm.s32 $0x15868  }
0x279: {  	[hbm4b:s5+s3] =	stream.linear.scatter [tilespmem:s22], [sflag:$0x5], $0x80, $0x38;
	[tilespmem:$0x19E00] =	vst v63  }
.Ltmp4:
0x27a: {  	_ = 	snop;
	(pc) =	sbr.rel @p2 .LBB2_8-.Ltmp4, $4  }
0x27b: {  	s5 =	sadd.s32 $0x60, s19;
	s22 =	simm.s32 $0x158F0  }
0x27c: {  	[hbm4b:s5+s3] =	stream.linear.scatter [tilespmem:s22], [sflag:$0x5], $0x80, $0x38;
	[tilespmem:$0x19E00] =	vst v63  }
0x27d: {  	s19 =	sadd.s32 $0x70, s19;
	s22 =	simm.s32 $0x15978  }
0x27e: {  	[hbm4b:s19+s3] =	stream.linear.scatter [tilespmem:s22], [sflag:$0x5], $0x80, $0x38;
	[tilespmem:$0x19E00] =	vst v63  }
.Ltmp5:
0x27f: {  	(pc) =	sbr.rel .LBB2_9-.Ltmp5, $4  }
0x280: {  	_ = 	snop  }
0x281: {  	_ =	swait.ge [sflag:s15], $0x2000  }
0x282: {  	[sflag:s15] =	ssyncset.done $0x0  }
0x283: {  	[sflag:s15] =	ssyncadd.s32 $0xFFFFE000  }
.LBB2_8:
0x284: {  	s17 =	sshll.u32 s17, $0x8  }
0x285: {  	s17 =	sand.u32 $0x3FFFFF00, s17  }
.Ltmp6:
0x286: {  	s19 =	simm.s32 $0xB600;
	s17 =	sor.u32 $0x80, s17;
	(pc) =	sbr.rel @p1 .LBB2_10-.Ltmp6, $4  }
0x287: {  	[tilespmem:s19], [sflag:$0x2] =	stream.indirect.gather [hbm4b:s4+s18], $0x40, s17, s18, $0xb8;
	[tilespmem:$0x19E00] =	vst v63  }
0x288: {  	_ =	swait.ge [sflag:s15], $0x2000  }
0x289: {  	[sflag:s15] =	ssyncset.done $0x0  }
0x28a: {  	[sflag:s15] =	ssyncadd.s32 $0xFFFFE000  }
.LBB2_9:
0x28b: {  	_ =	swait.ge [sflag:s16], $0x400  }
0x28c: {  	[sflag:s16] =	ssyncset.done $0x0  }
0x28d: {  	[sflag:s16] =	ssyncadd.s32 $0xFFFFFC00  }
0x28e: {  	_ =	swait.ge [sflag:s16], $0x400  }
0x28f: {  	[sflag:s16] =	ssyncset.done $0x0  }
0x290: {  	[sflag:s16] =	ssyncadd.s32 $0xFFFFFC00  }
0x291: {  	_ =	swait.ge [sflag:s16], $0x400  }
0x292: {  	[sflag:s16] =	ssyncset.done $0x0  }
0x293: {  	[sflag:s16] =	ssyncadd.s32 $0xFFFFFC00  }
0x294: {  	_ =	swait.ge [sflag:s16], $0x400  }
0x295: {  	[sflag:s16] =	ssyncset.done $0x0  }
0x296: {  	[sflag:s16] =	ssyncadd.s32 $0xFFFFFC00  }
0x297: {  	_ =	swait.ge [sflag:s16], $0x400  }
0x298: {  	[sflag:s16] =	ssyncset.done $0x0  }
0x299: {  	[sflag:s16] =	ssyncadd.s32 $0xFFFFFC00  }
0x29a: {  	_ =	swait.ge [sflag:s16], $0x400  }
0x29b: {  	[sflag:s16] =	ssyncset.done $0x0  }
0x29c: {  	[sflag:s16] =	ssyncadd.s32 $0xFFFFFC00  }
0x29d: {  	_ =	swait.ge [sflag:s16], $0x400  }
0x29e: {  	[sflag:s16] =	ssyncset.done $0x0  }
0x29f: {  	[sflag:s16] =	ssyncadd.s32 $0xFFFFFC00  }
0x2a0: {  	_ =	swait.ge [sflag:s16], $0x400  }
0x2a1: {  	[sflag:s16] =	ssyncset.done $0x0  }
0x2a2: {  	[sflag:s16] =	ssyncadd.s32 $0xFFFFFC00  }
0x2a3: {  	_ =	swait.ge [sflag:s16], $0x400  }
0x2a4: {  	[sflag:s16] =	ssyncset.done $0x0  }
0x2a5: {  	[sflag:s16] =	ssyncadd.s32 $0xFFFFFC00  }
0x2a6: {  	_ =	swait.ge [sflag:s16], $0x400  }
0x2a7: {  	[sflag:s16] =	ssyncset.done $0x0  }
0x2a8: {  	[sflag:s16] =	ssyncadd.s32 $0xFFFFFC00  }
0x2a9: {  	_ =	swait.ge [sflag:s16], $0x400  }
0x2aa: {  	[sflag:s16] =	ssyncset.done $0x0  }
0x2ab: {  	[sflag:s16] =	ssyncadd.s32 $0xFFFFFC00  }
0x2ac: {  	_ =	swait.ge [sflag:s16], $0x400  }
0x2ad: {  	[sflag:s16] =	ssyncset.done $0x0  }
0x2ae: {  	[sflag:s16] =	ssyncadd.s32 $0xFFFFFC00  }
0x2af: {  	_ =	swait.ge [sflag:s16], $0x400  }
0x2b0: {  	[sflag:s16] =	ssyncset.done $0x0  }
0x2b1: {  	[sflag:s16] =	ssyncadd.s32 $0xFFFFFC00  }
0x2b2: {  	_ =	swait.ge [sflag:s16], $0x400  }
0x2b3: {  	[sflag:s16] =	ssyncset.done $0x0  }
0x2b4: {  	[sflag:s16] =	ssyncadd.s32 $0xFFFFFC00  }
0x2b5: {  	_ =	swait.ge [sflag:s16], $0x400  }
0x2b6: {  	[sflag:s16] =	ssyncset.done $0x0  }
0x2b7: {  	[sflag:s16] =	ssyncadd.s32 $0xFFFFFC00  }
0x2b8: {  	_ =	swait.ge [sflag:s16], $0x400  }
0x2b9: {  	[sflag:s16] =	ssyncset.done $0x0  }
0x2ba: {  	[sflag:s16] =	ssyncadd.s32 $0xFFFFFC00  }
.LBB2_10:
0x2bb: {  	s17 =	sor.u32 $0x2, s1  }
0x2bc: {  	s19 =	sshll.u32 s17, $0x6  }
0x2bd: {  	s19 =	sand.u32 $0x3FFFFFC0, s19  }
0x2be: {  	v16 =	vld [tilespmem:s19+$0x6400]  }
0x2bf: {  	v17 =	vld [tilespmem:s19+$0x6410]  }
0x2c0: {  	v18 =	vld [tilespmem:s19+$0x6420]  }
0x2c1: {  	v20 =	vimm.s32 $0x0;
	v19 =	vld [tilespmem:s19+$0x6430];
	s19 =	simm.s32 $0xD680  }
0x2c2: {  	v22 =	vand.u32 $0xFFFFFFF8, v20;
	v21 =	vld [tilespmem:s19+$0xFFFFFF80]  }
0x2c3: {  	v24 =	vand.u32 $0x4, v20;
	v25 =	vadd.s32 v0, v22;
	v23 =	vld [tilespmem:s19+$0xFFFFFF90]  }
0x2c4: {  	v26 =	vadd.s32 v1, v22;
	v28 =	vor.u32 v24, v25;
	v27 =	vld [tilespmem:s19+$0xFFFFFFA0]  }
0x2c5: {  	v29 =	vadd.s32 v2, v22;
	v31 =	vor.u32 v24, v26;
	v30 =	vld [tilespmem:s19+$0xFFFFFFB0]  }
0x2c6: {  	v22 =	vadd.s32 v3, v22;
	v32 =	vor.u32 v24, v29  }
0x2c7: {  	v33 =	vor.u32 v24, v22;
	v21 =	vadd.f32 v21, v16  }
0x2c8: {  	v23 =	vadd.f32 v23, v17  }
0x2c9: {  	v27 =	vadd.f32 v27, v18;
	[tilespmem:v28+s20+$0x0] =	vst.idx.msk $0xffff, v21  }
0x2ca: {  	v21 =	vadd.f32 v30, v19;
	[tilespmem:v31+s20+$0x0] =	vst.idx.msk $0xffff, v23  }
0x2cb: {  	[tilespmem:v32+s20+$0x0] =	vst.idx.msk $0xffff, v27  }
0x2cc: {  	[tilespmem:v33+s20+$0x0] =	vst.idx.msk $0xffff, v21  }
0x2cd: {  	v23 =	vld [tilespmem:s19+$0xFFFFFFC0]  }
0x2ce: {  	v21 =	vimm.s32 $0x1;
	v27 =	vld [tilespmem:s19+$0xFFFFFFD0]  }
0x2cf: {  	v28 =	vld [tilespmem:s19+$0xFFFFFFE0];
	v56 =	vadd.s32 v0, v21  }
0x2d0: {  	v31 =	vld [tilespmem:s19+$0xFFFFFFF0];
	v57 =	vadd.s32 v1, v21  }
0x2d1: {  	v58 =	vadd.s32 v2, v21  }
0x2d2: {  	v34 =	vadd.s32 v3, v21;
	v23 =	vadd.f32 v23, v16  }
0x2d3: {  	v27 =	vadd.f32 v27, v17  }
0x2d4: {  	v28 =	vadd.f32 v28, v18;
	[tilespmem:v56+s20+$0x0] =	vst.idx.msk $0xffff, v23  }
0x2d5: {  	v23 =	vadd.f32 v31, v19;
	[tilespmem:v57+s20+$0x0] =	vst.idx.msk $0xffff, v27  }
0x2d6: {  	[tilespmem:v58+s20+$0x0] =	vst.idx.msk $0xffff, v28  }
0x2d7: {  	[tilespmem:v34+s20+$0x0] =	vst.idx.msk $0xffff, v23  }
0x2d8: {  	v23 =	vld [tilespmem:s19+$0x0]  }
0x2d9: {  	v24 =	vor.u32 $0x2, v24;
	v27 =	vld [tilespmem:s19+$0x10]  }
0x2da: {  	v25 =	vor.u32 v24, v25;
	v28 =	vld [tilespmem:s19+$0x20]  }
0x2db: {  	v26 =	vor.u32 v24, v26;
	v30 =	vld [tilespmem:s19+$0x30]  }
0x2dc: {  	v29 =	vor.u32 v24, v29  }
0x2dd: {  	v22 =	vor.u32 v24, v22;
	v23 =	vadd.f32 v23, v16  }
0x2de: {  	v59 =	vadd.f32 v27, v17  }
0x2df: {  	v60 =	vadd.f32 v28, v18;
	[tilespmem:v25+s20+$0x0] =	vst.idx.msk $0xffff, v23  }
0x2e0: {  	v23 =	vadd.f32 v30, v19;
	[tilespmem:v26+s20+$0x0] =	vst.idx.msk $0xffff, v59  }
0x2e1: {  	[tilespmem:v29+s20+$0x0] =	vst.idx.msk $0xffff, v60  }
0x2e2: {  	[tilespmem:v22+s20+$0x0] =	vst.idx.msk $0xffff, v23  }
0x2e3: {  	v22 =	vld [tilespmem:s19+$0x40];
	_ =	sdelay $0x1  }
0x2e4: {  	v61 =	vadd.s32 v4, v21  }
0x2e5: {  	v23 =	vld [tilespmem:s19+$0x50]  }
0x2e6: {  	v24 =	vld [tilespmem:s19+$0x60]  }
0x2e7: {  	v62 =	vadd.s32 v5, v21;
	v27 =	vld [tilespmem:s19+$0x70];
	v22 =	vadd.f32 v22, v16  }
0x2e8: {  	v63 =	vadd.s32 v6, v21  }
0x2e9: {  	[tilespmem:v61+s20+$0x0] =	vst.idx.msk $0xffff, v22;
	v22 =	vadd.s32 v7, v21  }
0x2ea: {  	v23 =	vadd.f32 v23, v17  }
0x2eb: {  	v24 =	vadd.f32 v24, v18  }
0x2ec: {  	[tilespmem:v62+s20+$0x0] =	vst.idx.msk $0xffff, v23;
	v23 =	vadd.f32 v27, v19  }
0x2ed: {  	s21 =	simm.s32 $0x0;
	[tilespmem:v63+s20+$0x0] =	vst.idx.msk $0xffff, v24  }
.LBB2_11:
0x2ee: {  	s21 =	sadd.s32 $0x2, s21;
	[tilespmem:v22+s20+$0x0] =	vst.idx.msk $0xffff, v23;
	v20 =	vadd.s32 $0x4, v20;
	v21 =	vadd.s32 $0x4, v21;
	s19 =	sadd.s32 $0x100, s19  }
0x2ef: {  	v22 =	vld [tilespmem:s19+$0xFFFFFF80];
	v23 =	vand.u32 $0xFFFFFFF8, v20;
	p1 =	slt.u32 s21, $0x3E  }
0x2f0: {  	v25 =	vand.u32 $0x4, v20;
	v24 =	vld [tilespmem:s19+$0xFFFFFF90];
	v26 =	vadd.s32 v0, v23;
	v27 =	vadd.s32 v1, v23  }
0x2f1: {  	v30 =	vadd.s32 v2, v23;
	v23 =	vadd.s32 v3, v23;
	v28 =	vld [tilespmem:s19+$0xFFFFFFA0];
	v29 =	vor.u32 v25, v26  }
0x2f2: {  	v32 =	vor.u32 v25, v27;
	v33 =	vor.u32 v25, v30;
	v34 =	vor.u32 v25, v23;
	v31 =	vld [tilespmem:s19+$0xFFFFFFB0]  }
0x2f3: {  	v25 =	vor.u32 $0x2, v25  }
0x2f4: {  	v26 =	vor.u32 v25, v26;
	v27 =	vor.u32 v25, v27;
	v22 =	vadd.f32 v22, v16  }
0x2f5: {  	v30 =	vor.u32 v25, v30;
	v23 =	vor.u32 v25, v23;
	v24 =	vadd.f32 v24, v17  }
0x2f6: {  	v25 =	vadd.f32 v28, v18;
	[tilespmem:v29+s20+$0x0] =	vst.idx.msk $0xffff, v22  }
0x2f7: {  	v22 =	vadd.f32 v31, v19;
	[tilespmem:v32+s20+$0x0] =	vst.idx.msk $0xffff, v24  }
0x2f8: {  	[tilespmem:v33+s20+$0x0] =	vst.idx.msk $0xffff, v25  }
0x2f9: {  	[tilespmem:v34+s20+$0x0] =	vst.idx.msk $0xffff, v22  }
0x2fa: {  	v22 =	vld [tilespmem:s19+$0xFFFFFFC0]  }
0x2fb: {  	v24 =	vld [tilespmem:s19+$0xFFFFFFD0]  }
0x2fc: {  	v28 =	vadd.s32 v0, v21;
	v25 =	vld [tilespmem:s19+$0xFFFFFFE0]  }
0x2fd: {  	v31 =	vadd.s32 v1, v21;
	v29 =	vld [tilespmem:s19+$0xFFFFFFF0]  }
0x2fe: {  	v32 =	vadd.s32 v2, v21  }
0x2ff: {  	v33 =	vadd.s32 v3, v21;
	v22 =	vadd.f32 v22, v16  }
0x300: {  	v24 =	vadd.f32 v24, v17  }
0x301: {  	v25 =	vadd.f32 v25, v18;
	[tilespmem:v28+s20+$0x0] =	vst.idx.msk $0xffff, v22  }
0x302: {  	v22 =	vadd.f32 v29, v19;
	[tilespmem:v31+s20+$0x0] =	vst.idx.msk $0xffff, v24  }
0x303: {  	[tilespmem:v32+s20+$0x0] =	vst.idx.msk $0xffff, v25  }
0x304: {  	[tilespmem:v33+s20+$0x0] =	vst.idx.msk $0xffff, v22  }
0x305: {  	v22 =	vld [tilespmem:s19+$0x0]  }
0x306: {  	v24 =	vld [tilespmem:s19+$0x10]  }
0x307: {  	v25 =	vld [tilespmem:s19+$0x20]  }
0x308: {  	v28 =	vld [tilespmem:s19+$0x30];
	_ =	sdelay $0x1  }
0x309: {  	v22 =	vadd.f32 v22, v16  }
0x30a: {  	v24 =	vadd.f32 v24, v17  }
0x30b: {  	v25 =	vadd.f32 v25, v18;
	[tilespmem:v26+s20+$0x0] =	vst.idx.msk $0xffff, v22  }
0x30c: {  	v22 =	vadd.f32 v28, v19;
	[tilespmem:v27+s20+$0x0] =	vst.idx.msk $0xffff, v24  }
0x30d: {  	[tilespmem:v30+s20+$0x0] =	vst.idx.msk $0xffff, v25  }
0x30e: {  	[tilespmem:v23+s20+$0x0] =	vst.idx.msk $0xffff, v22  }
0x30f: {  	v22 =	vld [tilespmem:s19+$0x40]  }
0x310: {  	v23 =	vld [tilespmem:s19+$0x50]  }
0x311: {  	v25 =	vadd.s32 v4, v21;
	v24 =	vld [tilespmem:s19+$0x60]  }
0x312: {  	v27 =	vadd.s32 v5, v21;
	v26 =	vld [tilespmem:s19+$0x70]  }
0x313: {  	v28 =	vadd.s32 v6, v21  }
.Ltmp7:
0x314: {  	v29 =	vadd.f32 v22, v16;
	v22 =	vadd.s32 v7, v21;
	(pc) =	sbr.rel @p1 .LBB2_11-.Ltmp7, $4  }
0x315: {  	v30 =	vadd.f32 v23, v17  }
0x316: {  	v24 =	vadd.f32 v24, v18;
	[tilespmem:v25+s20+$0x0] =	vst.idx.msk $0xffff, v29  }
0x317: {  	v23 =	vadd.f32 v26, v19;
	[tilespmem:v27+s20+$0x0] =	vst.idx.msk $0xffff, v30  }
0x318: {  	[tilespmem:v28+s20+$0x0] =	vst.idx.msk $0xffff, v24  }
0x319: {  	_ = 	snop  }
0x31a: {  	s17 =	sshll.u32 s17, $0x12  }
0x31b: {  	s17 =	sor.u32 s7, s17  }
0x31c: {  	s17 =	sshrl.u32 s17, $0x3  }
0x31d: {  	[tilespmem:v22+s20+$0x0] =	vst.idx.msk $0xffff, v23;
	s19 =	sadd.s32 s2, s17  }
0x31e: {  	[hbm4b:s19+s3] =	stream.linear.scatter [tilespmem:s20], [sflag:$0x6], $0x80, $0x38;
	[tilespmem:$0x19E00] =	vst v63  }
0x31f: {  	s5 =	simm.s32 $0x15A88;
	s21 =	sadd.s32 $0x10, s19  }
0x320: {  	[hbm4b:s21+s3] =	stream.linear.scatter [tilespmem:s5], [sflag:$0x6], $0x80, $0x38;
	[tilespmem:$0x19E00] =	vst v63  }
0x321: {  	s22 =	simm.s32 $0x15B10;
	s5 =	sadd.s32 $0x20, s19  }
0x322: {  	[hbm4b:s5+s3] =	stream.linear.scatter [tilespmem:s22], [sflag:$0x6], $0x80, $0x38;
	[tilespmem:$0x19E00] =	vst v63  }
0x323: {  	s5 =	sadd.s32 $0x30, s19;
	s22 =	simm.s32 $0x15B98  }
0x324: {  	[hbm4b:s5+s3] =	stream.linear.scatter [tilespmem:s22], [sflag:$0x6], $0x80, $0x38;
	[tilespmem:$0x19E00] =	vst v63  }
0x325: {  	s5 =	sadd.s32 $0x40, s19;
	s22 =	simm.s32 $0x15C20  }
0x326: {  	[hbm4b:s5+s3] =	stream.linear.scatter [tilespmem:s22], [sflag:$0x6], $0x80, $0x38;
	[tilespmem:$0x19E00] =	vst v63  }
0x327: {  	s5 =	sadd.s32 $0x50, s19;
	s22 =	simm.s32 $0x15CA8  }
0x328: {  	[hbm4b:s5+s3] =	stream.linear.scatter [tilespmem:s22], [sflag:$0x6], $0x80, $0x38;
	[tilespmem:$0x19E00] =	vst v63  }
0x329: {  	s5 =	sadd.s32 $0x60, s19;
	s22 =	simm.s32 $0x15D30  }
0x32a: {  	[hbm4b:s5+s3] =	stream.linear.scatter [tilespmem:s22], [sflag:$0x6], $0x80, $0x38;
	[tilespmem:$0x19E00] =	vst v63  }
0x32b: {  	s21 =	simm.s32 $0x15DB8;
	s19 =	sadd.s32 $0x70, s19  }
0x32c: {  	[hbm4b:s19+s3] =	stream.linear.scatter [tilespmem:s21], [sflag:$0x6], $0x80, $0x38;
	[tilespmem:$0x19E00] =	vst v63  }
0x32d: {  	s22 =	simm.s32 $0x15E40;
	s19 =	sadd.s32 s17, s8  }
0x32e: {  	[hbm4b:s19+s3] =	stream.linear.scatter [tilespmem:s22], [sflag:$0x6], $0x80, $0x38;
	[tilespmem:$0x19E00] =	vst v63  }
0x32f: {  	s5 =	sadd.s32 $0x10, s19;
	s22 =	simm.s32 $0x15EC8  }
0x330: {  	[hbm4b:s5+s3] =	stream.linear.scatter [tilespmem:s22], [sflag:$0x6], $0x80, $0x38;
	[tilespmem:$0x19E00] =	vst v63  }
0x331: {  	s5 =	sadd.s32 $0x20, s19;
	s22 =	simm.s32 $0x15F50  }
0x332: {  	[hbm4b:s5+s3] =	stream.linear.scatter [tilespmem:s22], [sflag:$0x6], $0x80, $0x38;
	[tilespmem:$0x19E00] =	vst v63  }
0x333: {  	s5 =	sadd.s32 $0x30, s19;
	s22 =	simm.s32 $0x15FD8  }
0x334: {  	[hbm4b:s5+s3] =	stream.linear.scatter [tilespmem:s22], [sflag:$0x6], $0x80, $0x38;
	[tilespmem:$0x19E00] =	vst v63  }
0x335: {  	s5 =	sadd.s32 $0x40, s19;
	s22 =	simm.s32 $0x16060  }
0x336: {  	[hbm4b:s5+s3] =	stream.linear.scatter [tilespmem:s22], [sflag:$0x6], $0x80, $0x38;
	[tilespmem:$0x19E00] =	vst v63  }
0x337: {  	s5 =	sadd.s32 $0x50, s19;
	s22 =	simm.s32 $0x160E8  }
0x338: {  	[hbm4b:s5+s3] =	stream.linear.scatter [tilespmem:s22], [sflag:$0x6], $0x80, $0x38;
	[tilespmem:$0x19E00] =	vst v63  }
0x339: {  	s5 =	sadd.s32 $0x60, s19;
	s22 =	simm.s32 $0x16170  }
0x33a: {  	[hbm4b:s5+s3] =	stream.linear.scatter [tilespmem:s22], [sflag:$0x6], $0x80, $0x38;
	[tilespmem:$0x19E00] =	vst v63  }
0x33b: {  	s21 =	simm.s32 $0x161F8;
	s19 =	sadd.s32 $0x70, s19  }
0x33c: {  	[hbm4b:s19+s3] =	stream.linear.scatter [tilespmem:s21], [sflag:$0x6], $0x80, $0x38;
	[tilespmem:$0x19E00] =	vst v63  }
0x33d: {  	s22 =	simm.s32 $0x16280;
	s19 =	sadd.s32 s17, s9  }
0x33e: {  	[hbm4b:s19+s3] =	stream.linear.scatter [tilespmem:s22], [sflag:$0x6], $0x80, $0x38;
	[tilespmem:$0x19E00] =	vst v63  }
0x33f: {  	s5 =	sadd.s32 $0x10, s19;
	s22 =	simm.s32 $0x16308  }
0x340: {  	[hbm4b:s5+s3] =	stream.linear.scatter [tilespmem:s22], [sflag:$0x6], $0x80, $0x38;
	[tilespmem:$0x19E00] =	vst v63  }
0x341: {  	s5 =	sadd.s32 $0x20, s19;
	s22 =	simm.s32 $0x16390  }
0x342: {  	[hbm4b:s5+s3] =	stream.linear.scatter [tilespmem:s22], [sflag:$0x6], $0x80, $0x38;
	[tilespmem:$0x19E00] =	vst v63  }
0x343: {  	s5 =	sadd.s32 $0x30, s19;
	s22 =	simm.s32 $0x16418  }
0x344: {  	[hbm4b:s5+s3] =	stream.linear.scatter [tilespmem:s22], [sflag:$0x6], $0x80, $0x38;
	[tilespmem:$0x19E00] =	vst v63  }
0x345: {  	s5 =	sadd.s32 $0x40, s19;
	s22 =	simm.s32 $0x164A0  }
0x346: {  	[hbm4b:s5+s3] =	stream.linear.scatter [tilespmem:s22], [sflag:$0x6], $0x80, $0x38;
	[tilespmem:$0x19E00] =	vst v63  }
0x347: {  	s5 =	sadd.s32 $0x50, s19;
	s22 =	simm.s32 $0x16528  }
0x348: {  	[hbm4b:s5+s3] =	stream.linear.scatter [tilespmem:s22], [sflag:$0x6], $0x80, $0x38;
	[tilespmem:$0x19E00] =	vst v63  }
0x349: {  	s5 =	sadd.s32 $0x60, s19;
	s22 =	simm.s32 $0x165B0  }
0x34a: {  	[hbm4b:s5+s3] =	stream.linear.scatter [tilespmem:s22], [sflag:$0x6], $0x80, $0x38;
	[tilespmem:$0x19E00] =	vst v63  }
0x34b: {  	s21 =	simm.s32 $0x16638;
	s19 =	sadd.s32 $0x70, s19  }
0x34c: {  	[hbm4b:s19+s3] =	stream.linear.scatter [tilespmem:s21], [sflag:$0x6], $0x80, $0x38;
	[tilespmem:$0x19E00] =	vst v63  }
0x34d: {  	s22 =	simm.s32 $0x166C0;
	s19 =	sadd.s32 s17, s10  }
0x34e: {  	[hbm4b:s19+s3] =	stream.linear.scatter [tilespmem:s22], [sflag:$0x6], $0x80, $0x38;
	[tilespmem:$0x19E00] =	vst v63  }
0x34f: {  	s5 =	sadd.s32 $0x10, s19;
	s22 =	simm.s32 $0x16748  }
0x350: {  	[hbm4b:s5+s3] =	stream.linear.scatter [tilespmem:s22], [sflag:$0x6], $0x80, $0x38;
	[tilespmem:$0x19E00] =	vst v63  }
0x351: {  	s5 =	sadd.s32 $0x20, s19;
	s22 =	simm.s32 $0x167D0  }
0x352: {  	[hbm4b:s5+s3] =	stream.linear.scatter [tilespmem:s22], [sflag:$0x6], $0x80, $0x38;
	[tilespmem:$0x19E00] =	vst v63  }
0x353: {  	s5 =	sadd.s32 $0x30, s19;
	s22 =	simm.s32 $0x16858  }
0x354: {  	[hbm4b:s5+s3] =	stream.linear.scatter [tilespmem:s22], [sflag:$0x6], $0x80, $0x38;
	[tilespmem:$0x19E00] =	vst v63  }
0x355: {  	s5 =	sadd.s32 $0x40, s19;
	s22 =	simm.s32 $0x168E0  }
0x356: {  	[hbm4b:s5+s3] =	stream.linear.scatter [tilespmem:s22], [sflag:$0x6], $0x80, $0x38;
	[tilespmem:$0x19E00] =	vst v63  }
0x357: {  	s5 =	sadd.s32 $0x50, s19;
	s22 =	simm.s32 $0x16968  }
0x358: {  	[hbm4b:s5+s3] =	stream.linear.scatter [tilespmem:s22], [sflag:$0x6], $0x80, $0x38;
	[tilespmem:$0x19E00] =	vst v63  }
0x359: {  	s5 =	sadd.s32 $0x60, s19;
	s22 =	simm.s32 $0x169F0  }
0x35a: {  	[hbm4b:s5+s3] =	stream.linear.scatter [tilespmem:s22], [sflag:$0x6], $0x80, $0x38;
	[tilespmem:$0x19E00] =	vst v63  }
0x35b: {  	s21 =	simm.s32 $0x16A78;
	s19 =	sadd.s32 $0x70, s19  }
0x35c: {  	[hbm4b:s19+s3] =	stream.linear.scatter [tilespmem:s21], [sflag:$0x6], $0x80, $0x38;
	[tilespmem:$0x19E00] =	vst v63  }
0x35d: {  	s22 =	simm.s32 $0x16B00;
	s19 =	sadd.s32 s17, s11  }
0x35e: {  	[hbm4b:s19+s3] =	stream.linear.scatter [tilespmem:s22], [sflag:$0x6], $0x80, $0x38;
	[tilespmem:$0x19E00] =	vst v63  }
0x35f: {  	s5 =	sadd.s32 $0x10, s19;
	s22 =	simm.s32 $0x16B88  }
0x360: {  	[hbm4b:s5+s3] =	stream.linear.scatter [tilespmem:s22], [sflag:$0x6], $0x80, $0x38;
	[tilespmem:$0x19E00] =	vst v63  }
0x361: {  	s5 =	sadd.s32 $0x20, s19;
	s22 =	simm.s32 $0x16C10  }
0x362: {  	[hbm4b:s5+s3] =	stream.linear.scatter [tilespmem:s22], [sflag:$0x6], $0x80, $0x38;
	[tilespmem:$0x19E00] =	vst v63  }
0x363: {  	s5 =	sadd.s32 $0x30, s19;
	s22 =	simm.s32 $0x16C98  }
0x364: {  	[hbm4b:s5+s3] =	stream.linear.scatter [tilespmem:s22], [sflag:$0x6], $0x80, $0x38;
	[tilespmem:$0x19E00] =	vst v63  }
0x365: {  	s5 =	sadd.s32 $0x40, s19;
	s22 =	simm.s32 $0x16D20  }
0x366: {  	[hbm4b:s5+s3] =	stream.linear.scatter [tilespmem:s22], [sflag:$0x6], $0x80, $0x38;
	[tilespmem:$0x19E00] =	vst v63  }
0x367: {  	s5 =	sadd.s32 $0x50, s19;
	s22 =	simm.s32 $0x16DA8  }
0x368: {  	[hbm4b:s5+s3] =	stream.linear.scatter [tilespmem:s22], [sflag:$0x6], $0x80, $0x38;
	[tilespmem:$0x19E00] =	vst v63  }
0x369: {  	s5 =	sadd.s32 $0x60, s19;
	s22 =	simm.s32 $0x16E30  }
0x36a: {  	[hbm4b:s5+s3] =	stream.linear.scatter [tilespmem:s22], [sflag:$0x6], $0x80, $0x38;
	[tilespmem:$0x19E00] =	vst v63  }
0x36b: {  	s21 =	simm.s32 $0x16EB8;
	s19 =	sadd.s32 $0x70, s19  }
0x36c: {  	[hbm4b:s19+s3] =	stream.linear.scatter [tilespmem:s21], [sflag:$0x6], $0x80, $0x38;
	[tilespmem:$0x19E00] =	vst v63  }
0x36d: {  	s22 =	simm.s32 $0x16F40;
	s19 =	sadd.s32 s17, s12  }
0x36e: {  	[hbm4b:s19+s3] =	stream.linear.scatter [tilespmem:s22], [sflag:$0x6], $0x80, $0x38;
	[tilespmem:$0x19E00] =	vst v63  }
0x36f: {  	s5 =	sadd.s32 $0x10, s19;
	s22 =	simm.s32 $0x16FC8  }
0x370: {  	[hbm4b:s5+s3] =	stream.linear.scatter [tilespmem:s22], [sflag:$0x6], $0x80, $0x38;
	[tilespmem:$0x19E00] =	vst v63  }
0x371: {  	s5 =	sadd.s32 $0x20, s19;
	s22 =	simm.s32 $0x17050  }
0x372: {  	[hbm4b:s5+s3] =	stream.linear.scatter [tilespmem:s22], [sflag:$0x6], $0x80, $0x38;
	[tilespmem:$0x19E00] =	vst v63  }
0x373: {  	s5 =	sadd.s32 $0x30, s19;
	s22 =	simm.s32 $0x170D8  }
0x374: {  	[hbm4b:s5+s3] =	stream.linear.scatter [tilespmem:s22], [sflag:$0x6], $0x80, $0x38;
	[tilespmem:$0x19E00] =	vst v63  }
0x375: {  	s5 =	sadd.s32 $0x40, s19;
	s22 =	simm.s32 $0x17160  }
0x376: {  	[hbm4b:s5+s3] =	stream.linear.scatter [tilespmem:s22], [sflag:$0x6], $0x80, $0x38;
	[tilespmem:$0x19E00] =	vst v63  }
0x377: {  	s5 =	sadd.s32 $0x50, s19;
	s22 =	simm.s32 $0x171E8  }
0x378: {  	[hbm4b:s5+s3] =	stream.linear.scatter [tilespmem:s22], [sflag:$0x6], $0x80, $0x38;
	[tilespmem:$0x19E00] =	vst v63  }
0x379: {  	s5 =	sadd.s32 $0x60, s19;
	s22 =	simm.s32 $0x17270  }
0x37a: {  	[hbm4b:s5+s3] =	stream.linear.scatter [tilespmem:s22], [sflag:$0x6], $0x80, $0x38;
	[tilespmem:$0x19E00] =	vst v63  }
0x37b: {  	s21 =	simm.s32 $0x172F8;
	s19 =	sadd.s32 $0x70, s19  }
0x37c: {  	[hbm4b:s19+s3] =	stream.linear.scatter [tilespmem:s21], [sflag:$0x6], $0x80, $0x38;
	[tilespmem:$0x19E00] =	vst v63  }
0x37d: {  	s22 =	simm.s32 $0x17380;
	s19 =	sadd.s32 s17, s13  }
0x37e: {  	[hbm4b:s19+s3] =	stream.linear.scatter [tilespmem:s22], [sflag:$0x6], $0x80, $0x38;
	[tilespmem:$0x19E00] =	vst v63  }
0x37f: {  	s5 =	sadd.s32 $0x10, s19;
	s22 =	simm.s32 $0x17408  }
0x380: {  	[hbm4b:s5+s3] =	stream.linear.scatter [tilespmem:s22], [sflag:$0x6], $0x80, $0x38;
	[tilespmem:$0x19E00] =	vst v63  }
0x381: {  	s5 =	sadd.s32 $0x20, s19;
	s22 =	simm.s32 $0x17490  }
0x382: {  	[hbm4b:s5+s3] =	stream.linear.scatter [tilespmem:s22], [sflag:$0x6], $0x80, $0x38;
	[tilespmem:$0x19E00] =	vst v63  }
0x383: {  	s5 =	sadd.s32 $0x30, s19;
	s22 =	simm.s32 $0x17518  }
0x384: {  	[hbm4b:s5+s3] =	stream.linear.scatter [tilespmem:s22], [sflag:$0x6], $0x80, $0x38;
	[tilespmem:$0x19E00] =	vst v63  }
0x385: {  	s5 =	sadd.s32 $0x40, s19;
	s22 =	simm.s32 $0x175A0  }
0x386: {  	[hbm4b:s5+s3] =	stream.linear.scatter [tilespmem:s22], [sflag:$0x6], $0x80, $0x38;
	[tilespmem:$0x19E00] =	vst v63  }
0x387: {  	s5 =	sadd.s32 $0x50, s19;
	s22 =	simm.s32 $0x17628  }
0x388: {  	[hbm4b:s5+s3] =	stream.linear.scatter [tilespmem:s22], [sflag:$0x6], $0x80, $0x38;
	[tilespmem:$0x19E00] =	vst v63  }
0x389: {  	s5 =	sadd.s32 $0x60, s19;
	s22 =	simm.s32 $0x176B0  }
0x38a: {  	[hbm4b:s5+s3] =	stream.linear.scatter [tilespmem:s22], [sflag:$0x6], $0x80, $0x38;
	[tilespmem:$0x19E00] =	vst v63  }
0x38b: {  	s19 =	sadd.s32 $0x70, s19;
	s22 =	simm.s32 $0x17738  }
0x38c: {  	[hbm4b:s19+s3] =	stream.linear.scatter [tilespmem:s22], [sflag:$0x6], $0x80, $0x38;
	[tilespmem:$0x19E00] =	vst v63  }
0x38d: {  	s17 =	sadd.s32 s17, s14;
	s19 =	simm.s32 $0x177C0  }
0x38e: {  	[hbm4b:s17+s3] =	stream.linear.scatter [tilespmem:s19], [sflag:$0x6], $0x80, $0x38;
	[tilespmem:$0x19E00] =	vst v63  }
0x38f: {  	s21 =	sadd.s32 $0x10, s17;
	s22 =	simm.s32 $0x17848  }
0x390: {  	[hbm4b:s21+s3] =	stream.linear.scatter [tilespmem:s22], [sflag:$0x6], $0x80, $0x38;
	[tilespmem:$0x19E00] =	vst v63  }
0x391: {  	s21 =	sadd.s32 $0x20, s17;
	s22 =	simm.s32 $0x178D0  }
0x392: {  	[hbm4b:s21+s3] =	stream.linear.scatter [tilespmem:s22], [sflag:$0x6], $0x80, $0x38;
	[tilespmem:$0x19E00] =	vst v63  }
0x393: {  	s21 =	sadd.s32 $0x30, s17;
	s22 =	simm.s32 $0x17958  }
0x394: {  	[hbm4b:s21+s3] =	stream.linear.scatter [tilespmem:s22], [sflag:$0x6], $0x80, $0x38;
	[tilespmem:$0x19E00] =	vst v63  }
0x395: {  	s21 =	sadd.s32 $0x40, s17;
	s22 =	simm.s32 $0x179E0  }
0x396: {  	[hbm4b:s21+s3] =	stream.linear.scatter [tilespmem:s22], [sflag:$0x6], $0x80, $0x38;
	[tilespmem:$0x19E00] =	vst v63  }
0x397: {  	s21 =	sadd.s32 $0x50, s17;
	s22 =	simm.s32 $0x17A68  }
0x398: {  	[hbm4b:s21+s3] =	stream.linear.scatter [tilespmem:s22], [sflag:$0x6], $0x80, $0x38;
	[tilespmem:$0x19E00] =	vst v63  }
0x399: {  	s21 =	sadd.s32 $0x60, s17;
	s22 =	simm.s32 $0x17AF0  }
0x39a: {  	[hbm4b:s21+s3] =	stream.linear.scatter [tilespmem:s22], [sflag:$0x6], $0x80, $0x38;
	[tilespmem:$0x19E00] =	vst v63  }
0x39b: {  	s0 =	sadd.s32 $0x3, s0;
	s17 =	sadd.s32 $0x70, s17;
	s21 =	simm.s32 $0x17B78  }
0x39c: {  	[hbm4b:s17+s3] =	stream.linear.scatter [tilespmem:s21], [sflag:$0x6], $0x80, $0x38;
	[tilespmem:$0x19E00] =	vst v63  }
0x39d: {  	s17 =	sshll.u32 @!p0 s0, $0x8  }
0x39e: {  	s19 =	simm.s32 @!p0 $0x80;
	s21 =	simm.s32 @!p0 $0xD600;
	s17 =	sand.u32 @!p0 $0x3FFFFF00, s17  }
0x39f: {  	[tilespmem:s21], [sflag:$0x3] =	stream.indirect.gather @!p0 [hbm4b:s4+s19], $0x40, s17, s19, $0xb8;
	[tilespmem:$0x19E00] =	vst v63  }
0x3a0: {  	s1 =	sor.u32 $0x3, s1;
	_ =	swait.ge [sflag:s23], $0x2000  }
0x3a1: {  	s22 =	sshll.u32 s1, $0x6;
	[sflag:s23] =	ssyncset.done $0x0  }
0x3a2: {  	s17 =	sand.u32 $0x3FFFFFC0, s22;
	[sflag:s23] =	ssyncadd.s32 $0xFFFFE000  }
0x3a3: {  	v16 =	vld [tilespmem:s17+$0x6400]  }
0x3a4: {  	v17 =	vld [tilespmem:s17+$0x6410]  }
0x3a5: {  	v18 =	vld [tilespmem:s17+$0x6420]  }
0x3a6: {  	v20 =	vimm.s32 $0x0;
	v19 =	vld [tilespmem:s17+$0x6430];
	s17 =	simm.s32 $0xF6F0  }
0x3a7: {  	v22 =	vand.u32 $0xFFFFFFF8, v20;
	v21 =	vld [tilespmem:s17+$0xFFFFFF10]  }
0x3a8: {  	v24 =	vand.u32 $0x4, v20;
	v25 =	vadd.s32 v8, v22;
	v23 =	vld [tilespmem:s17+$0xFFFFFF20]  }
0x3a9: {  	v26 =	vadd.s32 v9, v22;
	v28 =	vor.u32 v24, v25;
	v27 =	vld [tilespmem:s17+$0xFFFFFF30]  }
0x3aa: {  	v29 =	vadd.s32 v10, v22;
	v31 =	vor.u32 v24, v26;
	v30 =	vld [tilespmem:s17+$0xFFFFFF40]  }
0x3ab: {  	v22 =	vadd.s32 v11, v22;
	v32 =	vor.u32 v24, v29  }
0x3ac: {  	v33 =	vor.u32 v24, v22;
	v21 =	vadd.f32 v21, v16  }
0x3ad: {  	v23 =	vadd.f32 v23, v17  }
0x3ae: {  	v27 =	vadd.f32 v27, v18;
	[tilespmem:v28+s20+$0x0] =	vst.idx.msk $0xffff, v21  }
0x3af: {  	v21 =	vadd.f32 v30, v19;
	[tilespmem:v31+s20+$0x0] =	vst.idx.msk $0xffff, v23  }
0x3b0: {  	[tilespmem:v32+s20+$0x0] =	vst.idx.msk $0xffff, v27  }
0x3b1: {  	[tilespmem:v33+s20+$0x0] =	vst.idx.msk $0xffff, v21  }
0x3b2: {  	v23 =	vld [tilespmem:s17+$0xFFFFFF50]  }
0x3b3: {  	v21 =	vimm.s32 $0x1;
	v27 =	vld [tilespmem:s17+$0xFFFFFF60]  }
0x3b4: {  	v28 =	vld [tilespmem:s17+$0xFFFFFF70];
	v56 =	vadd.s32 v8, v21  }
0x3b5: {  	v31 =	vld [tilespmem:s17+$0xFFFFFF80];
	v57 =	vadd.s32 v9, v21  }
0x3b6: {  	v58 =	vadd.s32 v10, v21  }
0x3b7: {  	v34 =	vadd.s32 v11, v21;
	v23 =	vadd.f32 v23, v16  }
0x3b8: {  	v27 =	vadd.f32 v27, v17  }
0x3b9: {  	v28 =	vadd.f32 v28, v18;
	[tilespmem:v56+s20+$0x0] =	vst.idx.msk $0xffff, v23  }
0x3ba: {  	v23 =	vadd.f32 v31, v19;
	[tilespmem:v57+s20+$0x0] =	vst.idx.msk $0xffff, v27  }
0x3bb: {  	[tilespmem:v58+s20+$0x0] =	vst.idx.msk $0xffff, v28  }
0x3bc: {  	[tilespmem:v34+s20+$0x0] =	vst.idx.msk $0xffff, v23  }
0x3bd: {  	v23 =	vld [tilespmem:s17+$0xFFFFFF90]  }
0x3be: {  	v24 =	vor.u32 $0x2, v24;
	v27 =	vld [tilespmem:s17+$0xFFFFFFA0]  }
0x3bf: {  	v25 =	vor.u32 v24, v25;
	v28 =	vld [tilespmem:s17+$0xFFFFFFB0]  }
0x3c0: {  	v26 =	vor.u32 v24, v26;
	v30 =	vld [tilespmem:s17+$0xFFFFFFC0]  }
0x3c1: {  	v29 =	vor.u32 v24, v29  }
0x3c2: {  	v22 =	vor.u32 v24, v22;
	v23 =	vadd.f32 v23, v16  }
0x3c3: {  	v59 =	vadd.f32 v27, v17  }
0x3c4: {  	v60 =	vadd.f32 v28, v18;
	[tilespmem:v25+s20+$0x0] =	vst.idx.msk $0xffff, v23  }
0x3c5: {  	v23 =	vadd.f32 v30, v19;
	[tilespmem:v26+s20+$0x0] =	vst.idx.msk $0xffff, v59  }
0x3c6: {  	[tilespmem:v29+s20+$0x0] =	vst.idx.msk $0xffff, v60  }
0x3c7: {  	[tilespmem:v22+s20+$0x0] =	vst.idx.msk $0xffff, v23  }
0x3c8: {  	v22 =	vld [tilespmem:s17+$0xFFFFFFD0];
	_ =	sdelay $0x1  }
0x3c9: {  	v61 =	vadd.s32 v12, v21  }
0x3ca: {  	v23 =	vld [tilespmem:s17+$0xFFFFFFE0]  }
0x3cb: {  	v24 =	vld [tilespmem:s17+$0xFFFFFFF0]  }
0x3cc: {  	v62 =	vadd.s32 v13, v21;
	v27 =	vld [tilespmem:s17+$0x0];
	v22 =	vadd.f32 v22, v16  }
0x3cd: {  	v63 =	vadd.s32 v14, v21  }
0x3ce: {  	[tilespmem:v61+s20+$0x0] =	vst.idx.msk $0xffff, v22;
	v22 =	vadd.s32 v15, v21  }
0x3cf: {  	v23 =	vadd.f32 v23, v17  }
0x3d0: {  	v24 =	vadd.f32 v24, v18  }
0x3d1: {  	[tilespmem:v62+s20+$0x0] =	vst.idx.msk $0xffff, v23;
	v23 =	vadd.f32 v27, v19  }
0x3d2: {  	s19 =	simm.s32 $0x0;
	[tilespmem:v63+s20+$0x0] =	vst.idx.msk $0xffff, v24  }
.LBB2_13:
0x3d3: {  	s19 =	sadd.s32 $0x2, s19;
	[tilespmem:v22+s20+$0x0] =	vst.idx.msk $0xffff, v23;
	v20 =	vadd.s32 $0x4, v20;
	v21 =	vadd.s32 $0x4, v21;
	s17 =	sadd.s32 $0x100, s17  }
0x3d4: {  	v22 =	vld [tilespmem:s17+$0xFFFFFF10];
	v23 =	vand.u32 $0xFFFFFFF8, v20;
	p1 =	slt.u32 s19, $0x3E  }
0x3d5: {  	v25 =	vand.u32 $0x4, v20;
	v24 =	vld [tilespmem:s17+$0xFFFFFF20];
	v26 =	vadd.s32 v8, v23;
	v27 =	vadd.s32 v9, v23  }
0x3d6: {  	v30 =	vadd.s32 v10, v23;
	v23 =	vadd.s32 v11, v23;
	v28 =	vld [tilespmem:s17+$0xFFFFFF30];
	v29 =	vor.u32 v25, v26  }
0x3d7: {  	v32 =	vor.u32 v25, v27;
	v33 =	vor.u32 v25, v30;
	v34 =	vor.u32 v25, v23;
	v31 =	vld [tilespmem:s17+$0xFFFFFF40]  }
0x3d8: {  	v25 =	vor.u32 $0x2, v25  }
0x3d9: {  	v26 =	vor.u32 v25, v26;
	v27 =	vor.u32 v25, v27;
	v22 =	vadd.f32 v22, v16  }
0x3da: {  	v30 =	vor.u32 v25, v30;
	v23 =	vor.u32 v25, v23;
	v24 =	vadd.f32 v24, v17  }
0x3db: {  	v25 =	vadd.f32 v28, v18;
	[tilespmem:v29+s20+$0x0] =	vst.idx.msk $0xffff, v22  }
0x3dc: {  	v22 =	vadd.f32 v31, v19;
	[tilespmem:v32+s20+$0x0] =	vst.idx.msk $0xffff, v24  }
0x3dd: {  	[tilespmem:v33+s20+$0x0] =	vst.idx.msk $0xffff, v25  }
0x3de: {  	[tilespmem:v34+s20+$0x0] =	vst.idx.msk $0xffff, v22  }
0x3df: {  	v22 =	vld [tilespmem:s17+$0xFFFFFF50]  }
0x3e0: {  	v24 =	vld [tilespmem:s17+$0xFFFFFF60]  }
0x3e1: {  	v28 =	vadd.s32 v8, v21;
	v25 =	vld [tilespmem:s17+$0xFFFFFF70]  }
0x3e2: {  	v31 =	vadd.s32 v9, v21;
	v29 =	vld [tilespmem:s17+$0xFFFFFF80]  }
0x3e3: {  	v32 =	vadd.s32 v10, v21  }
0x3e4: {  	v33 =	vadd.s32 v11, v21;
	v22 =	vadd.f32 v22, v16  }
0x3e5: {  	v24 =	vadd.f32 v24, v17  }
0x3e6: {  	v25 =	vadd.f32 v25, v18;
	[tilespmem:v28+s20+$0x0] =	vst.idx.msk $0xffff, v22  }
0x3e7: {  	v22 =	vadd.f32 v29, v19;
	[tilespmem:v31+s20+$0x0] =	vst.idx.msk $0xffff, v24  }
0x3e8: {  	[tilespmem:v32+s20+$0x0] =	vst.idx.msk $0xffff, v25  }
0x3e9: {  	[tilespmem:v33+s20+$0x0] =	vst.idx.msk $0xffff, v22  }
0x3ea: {  	v22 =	vld [tilespmem:s17+$0xFFFFFF90]  }
0x3eb: {  	v24 =	vld [tilespmem:s17+$0xFFFFFFA0]  }
0x3ec: {  	v25 =	vld [tilespmem:s17+$0xFFFFFFB0]  }
0x3ed: {  	v28 =	vld [tilespmem:s17+$0xFFFFFFC0];
	_ =	sdelay $0x1  }
0x3ee: {  	v22 =	vadd.f32 v22, v16  }
0x3ef: {  	v24 =	vadd.f32 v24, v17  }
0x3f0: {  	v25 =	vadd.f32 v25, v18;
	[tilespmem:v26+s20+$0x0] =	vst.idx.msk $0xffff, v22  }
0x3f1: {  	v22 =	vadd.f32 v28, v19;
	[tilespmem:v27+s20+$0x0] =	vst.idx.msk $0xffff, v24  }
0x3f2: {  	[tilespmem:v30+s20+$0x0] =	vst.idx.msk $0xffff, v25  }
0x3f3: {  	[tilespmem:v23+s20+$0x0] =	vst.idx.msk $0xffff, v22  }
0x3f4: {  	v22 =	vld [tilespmem:s17+$0xFFFFFFD0]  }
0x3f5: {  	v23 =	vld [tilespmem:s17+$0xFFFFFFE0]  }
0x3f6: {  	v25 =	vadd.s32 v12, v21;
	v24 =	vld [tilespmem:s17+$0xFFFFFFF0]  }
0x3f7: {  	v27 =	vadd.s32 v13, v21;
	v26 =	vld [tilespmem:s17+$0x0]  }
0x3f8: {  	v28 =	vadd.s32 v14, v21  }
.Ltmp8:
0x3f9: {  	v29 =	vadd.f32 v22, v16;
	v22 =	vadd.s32 v15, v21;
	(pc) =	sbr.rel @p1 .LBB2_13-.Ltmp8, $4  }
0x3fa: {  	v30 =	vadd.f32 v23, v17  }
0x3fb: {  	v24 =	vadd.f32 v24, v18;
	[tilespmem:v25+s20+$0x0] =	vst.idx.msk $0xffff, v29  }
0x3fc: {  	v23 =	vadd.f32 v26, v19;
	[tilespmem:v27+s20+$0x0] =	vst.idx.msk $0xffff, v30  }
0x3fd: {  	[tilespmem:v28+s20+$0x0] =	vst.idx.msk $0xffff, v24  }
0x3fe: {  	_ = 	snop  }
0x3ff: {  	s1 =	sshll.u32 s1, $0x12  }
0x400: {  	s1 =	sor.u32 s7, s1  }
0x401: {  	s1 =	sshrl.u32 s1, $0x3  }
0x402: {  	[tilespmem:v22+s20+$0x0] =	vst.idx.msk $0xffff, v23;
	s5 =	simm.s32 $0x17C00;
	s17 =	sadd.s32 s2, s1  }
0x403: {  	[hbm4b:s17+s3] =	stream.linear.scatter [tilespmem:s5], [sflag:$0x6], $0x80, $0x38;
	[tilespmem:$0x19E00] =	vst v63  }
0x404: {  	s22 =	simm.s32 $0x17C88;
	s19 =	sadd.s32 $0x10, s17  }
0x405: {  	[hbm4b:s19+s3] =	stream.linear.scatter [tilespmem:s22], [sflag:$0x6], $0x80, $0x38;
	[tilespmem:$0x19E00] =	vst v63  }
0x406: {  	s21 =	sadd.s32 $0x20, s17;
	s22 =	simm.s32 $0x17D10  }
0x407: {  	[hbm4b:s21+s3] =	stream.linear.scatter [tilespmem:s22], [sflag:$0x6], $0x80, $0x38;
	[tilespmem:$0x19E00] =	vst v63  }
0x408: {  	s21 =	sadd.s32 $0x30, s17;
	s22 =	simm.s32 $0x17D98  }
0x409: {  	[hbm4b:s21+s3] =	stream.linear.scatter [tilespmem:s22], [sflag:$0x6], $0x80, $0x38;
	[tilespmem:$0x19E00] =	vst v63  }
0x40a: {  	s21 =	sadd.s32 $0x40, s17;
	s22 =	simm.s32 $0x17E20  }
0x40b: {  	[hbm4b:s21+s3] =	stream.linear.scatter [tilespmem:s22], [sflag:$0x6], $0x80, $0x38;
	[tilespmem:$0x19E00] =	vst v63  }
0x40c: {  	s21 =	sadd.s32 $0x50, s17;
	s22 =	simm.s32 $0x17EA8  }
0x40d: {  	[hbm4b:s21+s3] =	stream.linear.scatter [tilespmem:s22], [sflag:$0x6], $0x80, $0x38;
	[tilespmem:$0x19E00] =	vst v63  }
0x40e: {  	s5 =	sadd.s32 $0x60, s17;
	s21 =	simm.s32 $0x17F30  }
0x40f: {  	[hbm4b:s5+s3] =	stream.linear.scatter [tilespmem:s21], [sflag:$0x6], $0x80, $0x38;
	[tilespmem:$0x19E00] =	vst v63  }
0x410: {  	s17 =	sadd.s32 $0x70, s17;
	s22 =	simm.s32 $0x17FB8  }
0x411: {  	[hbm4b:s17+s3] =	stream.linear.scatter [tilespmem:s22], [sflag:$0x6], $0x80, $0x38;
	[tilespmem:$0x19E00] =	vst v63  }
0x412: {  	s19 =	simm.s32 $0x18040;
	s17 =	sadd.s32 s1, s8  }
0x413: {  	[hbm4b:s17+s3] =	stream.linear.scatter [tilespmem:s19], [sflag:$0x6], $0x80, $0x38;
	[tilespmem:$0x19E00] =	vst v63  }
0x414: {  	s22 =	simm.s32 $0x180C8;
	s21 =	sadd.s32 $0x10, s17  }
0x415: {  	[hbm4b:s21+s3] =	stream.linear.scatter [tilespmem:s22], [sflag:$0x6], $0x80, $0x38;
	[tilespmem:$0x19E00] =	vst v63  }
0x416: {  	s21 =	sadd.s32 $0x20, s17;
	s22 =	simm.s32 $0x18150  }
0x417: {  	[hbm4b:s21+s3] =	stream.linear.scatter [tilespmem:s22], [sflag:$0x6], $0x80, $0x38;
	[tilespmem:$0x19E00] =	vst v63  }
0x418: {  	s21 =	sadd.s32 $0x30, s17;
	s22 =	simm.s32 $0x181D8  }
0x419: {  	[hbm4b:s21+s3] =	stream.linear.scatter [tilespmem:s22], [sflag:$0x6], $0x80, $0x38;
	[tilespmem:$0x19E00] =	vst v63  }
0x41a: {  	s21 =	sadd.s32 $0x40, s17;
	s22 =	simm.s32 $0x18260  }
0x41b: {  	[hbm4b:s21+s3] =	stream.linear.scatter [tilespmem:s22], [sflag:$0x6], $0x80, $0x38;
	[tilespmem:$0x19E00] =	vst v63  }
0x41c: {  	s21 =	sadd.s32 $0x50, s17;
	s22 =	simm.s32 $0x182E8  }
0x41d: {  	[hbm4b:s21+s3] =	stream.linear.scatter [tilespmem:s22], [sflag:$0x6], $0x80, $0x38;
	[tilespmem:$0x19E00] =	vst v63  }
0x41e: {  	s5 =	sadd.s32 $0x60, s17;
	s21 =	simm.s32 $0x18370  }
0x41f: {  	[hbm4b:s5+s3] =	stream.linear.scatter [tilespmem:s21], [sflag:$0x6], $0x80, $0x38;
	[tilespmem:$0x19E00] =	vst v63  }
0x420: {  	s17 =	sadd.s32 $0x70, s17;
	s22 =	simm.s32 $0x183F8  }
0x421: {  	[hbm4b:s17+s3] =	stream.linear.scatter [tilespmem:s22], [sflag:$0x6], $0x80, $0x38;
	[tilespmem:$0x19E00] =	vst v63  }
0x422: {  	s19 =	simm.s32 $0x18480;
	s17 =	sadd.s32 s1, s9  }
0x423: {  	[hbm4b:s17+s3] =	stream.linear.scatter [tilespmem:s19], [sflag:$0x6], $0x80, $0x38;
	[tilespmem:$0x19E00] =	vst v63  }
0x424: {  	s22 =	simm.s32 $0x18508;
	s21 =	sadd.s32 $0x10, s17  }
0x425: {  	[hbm4b:s21+s3] =	stream.linear.scatter [tilespmem:s22], [sflag:$0x6], $0x80, $0x38;
	[tilespmem:$0x19E00] =	vst v63  }
0x426: {  	s21 =	sadd.s32 $0x20, s17;
	s22 =	simm.s32 $0x18590  }
0x427: {  	[hbm4b:s21+s3] =	stream.linear.scatter [tilespmem:s22], [sflag:$0x6], $0x80, $0x38;
	[tilespmem:$0x19E00] =	vst v63  }
0x428: {  	s21 =	sadd.s32 $0x30, s17;
	s22 =	simm.s32 $0x18618  }
0x429: {  	[hbm4b:s21+s3] =	stream.linear.scatter [tilespmem:s22], [sflag:$0x6], $0x80, $0x38;
	[tilespmem:$0x19E00] =	vst v63  }
0x42a: {  	s21 =	sadd.s32 $0x40, s17;
	s22 =	simm.s32 $0x186A0  }
0x42b: {  	[hbm4b:s21+s3] =	stream.linear.scatter [tilespmem:s22], [sflag:$0x6], $0x80, $0x38;
	[tilespmem:$0x19E00] =	vst v63  }
0x42c: {  	s21 =	sadd.s32 $0x50, s17;
	s22 =	simm.s32 $0x18728  }
0x42d: {  	[hbm4b:s21+s3] =	stream.linear.scatter [tilespmem:s22], [sflag:$0x6], $0x80, $0x38;
	[tilespmem:$0x19E00] =	vst v63  }
0x42e: {  	s5 =	sadd.s32 $0x60, s17;
	s21 =	simm.s32 $0x187B0  }
0x42f: {  	[hbm4b:s5+s3] =	stream.linear.scatter [tilespmem:s21], [sflag:$0x6], $0x80, $0x38;
	[tilespmem:$0x19E00] =	vst v63  }
0x430: {  	s17 =	sadd.s32 $0x70, s17;
	s22 =	simm.s32 $0x18838  }
0x431: {  	[hbm4b:s17+s3] =	stream.linear.scatter [tilespmem:s22], [sflag:$0x6], $0x80, $0x38;
	[tilespmem:$0x19E00] =	vst v63  }
0x432: {  	s19 =	simm.s32 $0x188C0;
	s17 =	sadd.s32 s1, s10  }
0x433: {  	[hbm4b:s17+s3] =	stream.linear.scatter [tilespmem:s19], [sflag:$0x6], $0x80, $0x38;
	[tilespmem:$0x19E00] =	vst v63  }
0x434: {  	s22 =	simm.s32 $0x18948;
	s21 =	sadd.s32 $0x10, s17  }
0x435: {  	[hbm4b:s21+s3] =	stream.linear.scatter [tilespmem:s22], [sflag:$0x6], $0x80, $0x38;
	[tilespmem:$0x19E00] =	vst v63  }
0x436: {  	s21 =	sadd.s32 $0x20, s17;
	s22 =	simm.s32 $0x189D0  }
0x437: {  	[hbm4b:s21+s3] =	stream.linear.scatter [tilespmem:s22], [sflag:$0x6], $0x80, $0x38;
	[tilespmem:$0x19E00] =	vst v63  }
0x438: {  	s21 =	sadd.s32 $0x30, s17;
	s22 =	simm.s32 $0x18A58  }
0x439: {  	[hbm4b:s21+s3] =	stream.linear.scatter [tilespmem:s22], [sflag:$0x6], $0x80, $0x38;
	[tilespmem:$0x19E00] =	vst v63  }
0x43a: {  	s21 =	sadd.s32 $0x40, s17;
	s22 =	simm.s32 $0x18AE0  }
0x43b: {  	[hbm4b:s21+s3] =	stream.linear.scatter [tilespmem:s22], [sflag:$0x6], $0x80, $0x38;
	[tilespmem:$0x19E00] =	vst v63  }
0x43c: {  	s21 =	sadd.s32 $0x50, s17;
	s22 =	simm.s32 $0x18B68  }
0x43d: {  	[hbm4b:s21+s3] =	stream.linear.scatter [tilespmem:s22], [sflag:$0x6], $0x80, $0x38;
	[tilespmem:$0x19E00] =	vst v63  }
0x43e: {  	s5 =	sadd.s32 $0x60, s17;
	s21 =	simm.s32 $0x18BF0  }
0x43f: {  	[hbm4b:s5+s3] =	stream.linear.scatter [tilespmem:s21], [sflag:$0x6], $0x80, $0x38;
	[tilespmem:$0x19E00] =	vst v63  }
0x440: {  	s17 =	sadd.s32 $0x70, s17;
	s22 =	simm.s32 $0x18C78  }
0x441: {  	[hbm4b:s17+s3] =	stream.linear.scatter [tilespmem:s22], [sflag:$0x6], $0x80, $0x38;
	[tilespmem:$0x19E00] =	vst v63  }
0x442: {  	s19 =	simm.s32 $0x18D00;
	s17 =	sadd.s32 s1, s11  }
0x443: {  	[hbm4b:s17+s3] =	stream.linear.scatter [tilespmem:s19], [sflag:$0x6], $0x80, $0x38;
	[tilespmem:$0x19E00] =	vst v63  }
0x444: {  	s22 =	simm.s32 $0x18D88;
	s21 =	sadd.s32 $0x10, s17  }
0x445: {  	[hbm4b:s21+s3] =	stream.linear.scatter [tilespmem:s22], [sflag:$0x6], $0x80, $0x38;
	[tilespmem:$0x19E00] =	vst v63  }
0x446: {  	s21 =	sadd.s32 $0x20, s17;
	s22 =	simm.s32 $0x18E10  }
0x447: {  	[hbm4b:s21+s3] =	stream.linear.scatter [tilespmem:s22], [sflag:$0x6], $0x80, $0x38;
	[tilespmem:$0x19E00] =	vst v63  }
0x448: {  	s21 =	sadd.s32 $0x30, s17;
	s22 =	simm.s32 $0x18E98  }
0x449: {  	[hbm4b:s21+s3] =	stream.linear.scatter [tilespmem:s22], [sflag:$0x6], $0x80, $0x38;
	[tilespmem:$0x19E00] =	vst v63  }
0x44a: {  	s21 =	sadd.s32 $0x40, s17;
	s22 =	simm.s32 $0x18F20  }
0x44b: {  	[hbm4b:s21+s3] =	stream.linear.scatter [tilespmem:s22], [sflag:$0x6], $0x80, $0x38;
	[tilespmem:$0x19E00] =	vst v63  }
0x44c: {  	s21 =	sadd.s32 $0x50, s17;
	s22 =	simm.s32 $0x18FA8  }
0x44d: {  	[hbm4b:s21+s3] =	stream.linear.scatter [tilespmem:s22], [sflag:$0x6], $0x80, $0x38;
	[tilespmem:$0x19E00] =	vst v63  }
0x44e: {  	s5 =	sadd.s32 $0x60, s17;
	s21 =	simm.s32 $0x19030  }
0x44f: {  	[hbm4b:s5+s3] =	stream.linear.scatter [tilespmem:s21], [sflag:$0x6], $0x80, $0x38;
	[tilespmem:$0x19E00] =	vst v63  }
0x450: {  	s17 =	sadd.s32 $0x70, s17;
	s22 =	simm.s32 $0x190B8  }
0x451: {  	[hbm4b:s17+s3] =	stream.linear.scatter [tilespmem:s22], [sflag:$0x6], $0x80, $0x38;
	[tilespmem:$0x19E00] =	vst v63  }
0x452: {  	s19 =	simm.s32 $0x19140;
	s17 =	sadd.s32 s1, s12  }
0x453: {  	[hbm4b:s17+s3] =	stream.linear.scatter [tilespmem:s19], [sflag:$0x6], $0x80, $0x38;
	[tilespmem:$0x19E00] =	vst v63  }
0x454: {  	s22 =	simm.s32 $0x191C8;
	s21 =	sadd.s32 $0x10, s17  }
0x455: {  	[hbm4b:s21+s3] =	stream.linear.scatter [tilespmem:s22], [sflag:$0x6], $0x80, $0x38;
	[tilespmem:$0x19E00] =	vst v63  }
0x456: {  	s21 =	sadd.s32 $0x20, s17;
	s22 =	simm.s32 $0x19250  }
0x457: {  	[hbm4b:s21+s3] =	stream.linear.scatter [tilespmem:s22], [sflag:$0x6], $0x80, $0x38;
	[tilespmem:$0x19E00] =	vst v63  }
0x458: {  	s21 =	sadd.s32 $0x30, s17;
	s22 =	simm.s32 $0x192D8  }
0x459: {  	[hbm4b:s21+s3] =	stream.linear.scatter [tilespmem:s22], [sflag:$0x6], $0x80, $0x38;
	[tilespmem:$0x19E00] =	vst v63  }
0x45a: {  	s21 =	sadd.s32 $0x40, s17;
	s22 =	simm.s32 $0x19360  }
0x45b: {  	[hbm4b:s21+s3] =	stream.linear.scatter [tilespmem:s22], [sflag:$0x6], $0x80, $0x38;
	[tilespmem:$0x19E00] =	vst v63  }
0x45c: {  	s21 =	sadd.s32 $0x50, s17;
	s22 =	simm.s32 $0x193E8  }
0x45d: {  	[hbm4b:s21+s3] =	stream.linear.scatter [tilespmem:s22], [sflag:$0x6], $0x80, $0x38;
	[tilespmem:$0x19E00] =	vst v63  }
0x45e: {  	s5 =	sadd.s32 $0x60, s17;
	s21 =	simm.s32 $0x19470  }
0x45f: {  	[hbm4b:s5+s3] =	stream.linear.scatter [tilespmem:s21], [sflag:$0x6], $0x80, $0x38;
	[tilespmem:$0x19E00] =	vst v63  }
0x460: {  	s17 =	sadd.s32 $0x70, s17;
	s22 =	simm.s32 $0x194F8  }
0x461: {  	[hbm4b:s17+s3] =	stream.linear.scatter [tilespmem:s22], [sflag:$0x6], $0x80, $0x38;
	[tilespmem:$0x19E00] =	vst v63  }
0x462: {  	s19 =	simm.s32 $0x19580;
	s17 =	sadd.s32 s1, s13  }
0x463: {  	[hbm4b:s17+s3] =	stream.linear.scatter [tilespmem:s19], [sflag:$0x6], $0x80, $0x38;
	[tilespmem:$0x19E00] =	vst v63  }
0x464: {  	s22 =	simm.s32 $0x19608;
	s21 =	sadd.s32 $0x10, s17  }
0x465: {  	[hbm4b:s21+s3] =	stream.linear.scatter [tilespmem:s22], [sflag:$0x6], $0x80, $0x38;
	[tilespmem:$0x19E00] =	vst v63  }
0x466: {  	s21 =	sadd.s32 $0x20, s17;
	s22 =	simm.s32 $0x19690  }
0x467: {  	[hbm4b:s21+s3] =	stream.linear.scatter [tilespmem:s22], [sflag:$0x6], $0x80, $0x38;
	[tilespmem:$0x19E00] =	vst v63  }
0x468: {  	s21 =	sadd.s32 $0x30, s17;
	s22 =	simm.s32 $0x19718  }
0x469: {  	[hbm4b:s21+s3] =	stream.linear.scatter [tilespmem:s22], [sflag:$0x6], $0x80, $0x38;
	[tilespmem:$0x19E00] =	vst v63  }
0x46a: {  	s21 =	sadd.s32 $0x40, s17;
	s22 =	simm.s32 $0x197A0  }
0x46b: {  	[hbm4b:s21+s3] =	stream.linear.scatter [tilespmem:s22], [sflag:$0x6], $0x80, $0x38;
	[tilespmem:$0x19E00] =	vst v63  }
0x46c: {  	s21 =	sadd.s32 $0x50, s17;
	s22 =	simm.s32 $0x19828  }
0x46d: {  	[hbm4b:s21+s3] =	stream.linear.scatter [tilespmem:s22], [sflag:$0x6], $0x80, $0x38;
	[tilespmem:$0x19E00] =	vst v63  }
0x46e: {  	s5 =	sadd.s32 $0x60, s17;
	s21 =	simm.s32 $0x198B0  }
0x46f: {  	[hbm4b:s5+s3] =	stream.linear.scatter [tilespmem:s21], [sflag:$0x6], $0x80, $0x38;
	[tilespmem:$0x19E00] =	vst v63  }
0x470: {  	s17 =	sadd.s32 $0x70, s17;
	s22 =	simm.s32 $0x19938  }
0x471: {  	[hbm4b:s17+s3] =	stream.linear.scatter [tilespmem:s22], [sflag:$0x6], $0x80, $0x38;
	[tilespmem:$0x19E00] =	vst v63  }
0x472: {  	s1 =	sadd.s32 s1, s14;
	s19 =	simm.s32 $0x199C0  }
0x473: {  	[hbm4b:s1+s3] =	stream.linear.scatter [tilespmem:s19], [sflag:$0x6], $0x80, $0x38;
	[tilespmem:$0x19E00] =	vst v63  }
0x474: {  	s21 =	sadd.s32 $0x10, s1;
	s22 =	simm.s32 $0x19A48  }
0x475: {  	[hbm4b:s21+s3] =	stream.linear.scatter [tilespmem:s22], [sflag:$0x6], $0x80, $0x38;
	[tilespmem:$0x19E00] =	vst v63  }
0x476: {  	s5 =	sadd.s32 $0x20, s1;
	s19 =	simm.s32 $0x19AD0  }
0x477: {  	[hbm4b:s5+s3] =	stream.linear.scatter [tilespmem:s19], [sflag:$0x6], $0x80, $0x38;
	[tilespmem:$0x19E00] =	vst v63  }
0x478: {  	s21 =	sadd.s32 $0x30, s1;
	s22 =	simm.s32 $0x19B58  }
0x479: {  	[hbm4b:s21+s3] =	stream.linear.scatter [tilespmem:s22], [sflag:$0x6], $0x80, $0x38;
	[tilespmem:$0x19E00] =	vst v63  }
0x47a: {  	s5 =	sadd.s32 $0x40, s1;
	s19 =	simm.s32 $0x19BE0  }
0x47b: {  	[hbm4b:s5+s3] =	stream.linear.scatter [tilespmem:s19], [sflag:$0x6], $0x80, $0x38;
	[tilespmem:$0x19E00] =	vst v63  }
0x47c: {  	s21 =	sadd.s32 $0x50, s1  }
0x47d: {  	[hbm4b:s21+s3] =	stream.linear.scatter [tilespmem:s24], [sflag:$0x6], $0x80, $0x38;
	[tilespmem:$0x19E00] =	vst v63  }
.Ltmp9:
0x47e: {  	_ = 	snop;
	(pc) =	sbr.rel @p0 .LBB2_16-.Ltmp9, $4  }
0x47f: {  	s22 =	sadd.s32 $0x60, s1  }
0x480: {  	[hbm4b:s22+s3] =	stream.linear.scatter [tilespmem:s28], [sflag:$0x6], $0x80, $0x38;
	[tilespmem:$0x19E00] =	vst v63  }
0x481: {  	s1 =	sadd.s32 $0x70, s1  }
0x482: {  	[hbm4b:s1+s3] =	stream.linear.scatter [tilespmem:s29], [sflag:$0x6], $0x80, $0x38;
	[tilespmem:$0x19E00] =	vst v63  }
.Ltmp10:
0x483: {  	(pc) =	sbr.rel .LBB2_2-.Ltmp10, $4  }
0x484: {  	s0 =	sshll.u32 s0, $0x8  }
0x485: {  	s0 =	sand.u32 $0x3FFFFF00, s0  }
0x486: {  	s1 =	simm.s32 $0xF600;
	s31 =	sadd.s32 $0x1, s31;
	s0 =	sor.u32 $0x80, s0  }
0x487: {  	[tilespmem:s1], [sflag:$0x4] =	stream.indirect.gather [hbm4b:s4+s18], $0x40, s0, s18, $0xb8;
	[tilespmem:$0x19E00] =	vst v63  }
.LBB2_17:
0x488: {  	_ =	sfence.sel $0x180000  }
0x489: {  	[bflag:$0x0] =	sbarrier.arrive $0xFFFF  }
0x48a: {  	_ =	strace $0x90000047  }
0x48b: {  	s0 =	stileid.u32;
	[bflag:$0x2] =	sbarrier.arrive $0xFFFF  }
0x48c: {  	p0 =	sne.s32 s0, $0x0;
	s0 =	rddreg [dreg:$0x3]  }
0x48d: {  	s0 =	sadd.s32 @!p0 $0x100000, s0  }
0x48e: {  	[sflag:s0] =	ssyncadd.tile.s32 @!p0 $0x1;
	_ =	shalt  }
.Lfunc_end2:
_tile_overlayer_lowered:
.L_overlay_start_2:
0x48f: {  	(tag) =	ssettag $0x2  }
0x490: {  	s0 =	rddreg [dreg:$0x0];
	s2 =	stileid.u32  }
0x491: {  	s1 =	rddreg [dreg:$0x1];
	p0 =	sne.s32 s2, $0x0  }
0x492: {  	s3 =	rddreg [dreg:$0x2];
	[bflag:$0x3] =	sbarrier.arrive $0xFFFF;
	s2 =	simm.s32 @!p0 $0x1C07  }
0x493: {  	[timem:s3], [sflag:s2] =	dma.local @!p0 [hbm:s0], s1  }
0x494: {  	s0 =	simm.s32 @!p0 $0x7  }
0x495: {  	_ =	swait.ge @!p0 [sflag:s0], s1  }
0x496: {  	s1 =	ssub.s32 @!p0 $0x0, s1;
	[sflag:s0] =	ssyncset.done @!p0 $0x0  }
0x497: {  	[sflag:s0] =	ssyncadd.s32 @!p0 s1  }
0x498: {  	[bflag:$0x3] =	sbarrier.arrive $0xFFFF  }
0x499: {  	_ =	shalt  }

</sc_bundles>
